<compile_context>
chip_gen: v7x
topology: tpu7x:2x2x1
jax: 0.10.2.dev20260603
libtpu: 0.0.44.dev20260713+nightly
codegen_flags: <defaults>
</compile_context>

<pallas_src>
import functools

import jax
import jax.numpy as jnp
from jax import lax
from jax.experimental import pallas as pl
from jax.experimental.pallas import tpu as pltpu
from jax.experimental.pallas import tpu_sc as plsc

N = 320000
H = 128
G = 10000
NW = 32
C = N // NW
B = 384
ROWW = 272
NG = C // 16


def _rsqrt_s(s):
    x = jnp.maximum(s, 1e-30)
    i = lax.bitcast_convert_type(x, jnp.int32)
    i = jnp.int32(0x5F3759DF) - (i >> 1)
    y = lax.bitcast_convert_type(i, jnp.float32)
    hx = x * 0.5
    for _ in range(2):
        y = y * (1.5 - hx * y * y)
    return jnp.minimum(y, 1e8)


def _sc_body(emb_hbm, idx_hbm, acc_hbm,
             idx_v, prev8_v, bounds_v, ext_v, rows_v, stage_a, stage_b,
             sem_a, sem_b, sem_ra, sem_rb, blk_s):
    wid = lax.axis_index("s") * 2 + lax.axis_index("c")
    w0 = pl.multiple_of(wid * C, 8)

    pltpu.sync_copy(idx_hbm.at[pl.ds(w0, C)], idx_v.at[pl.ds(8, C)])
    pltpu.sync_copy(idx_hbm.at[pl.ds(pl.multiple_of(jnp.maximum(w0 - 8, 0), 8), 8)],
                    prev8_v.at[pl.ds(0, 8)])
    prev = jnp.where(wid > 0, prev8_v[...][7], jnp.int32(-1))
    head = idx_v[pl.ds(0, 16)]
    lane = lax.iota(jnp.int32, 16)
    idx_v[pl.ds(0, 16)] = jnp.where(lane == 7, prev, head)

    def bscan(g, off):
        v = idx_v[pl.ds(8 + 16 * g, 16)]
        pv = idx_v[pl.ds(7 + 16 * g, 16)]
        msk = v != pv
        pos = lax.iota(jnp.int32, 16) + (w0 + 16 * g)
        mi = msk.astype(jnp.int32)
        excl = plsc.cumsum(mi) - mi
        dest = jnp.where(msk, off + excl, jnp.int32(C + 8))
        plsc.store_scatter(bounds_v, [dest], pos)
        cnt = jnp.max(plsc.all_reduce_population_count(msk))
        return off + cnt

    nseg = lax.fori_loop(0, NG, bscan, jnp.int32(0))

    last_id = idx_v[pl.ds(7 + C, 16)][0]

    def ecma_cond(st):
        m, t = st
        return jnp.logical_and(t < 0, m < N)

    def ecma_body(st):
        m, _ = st
        m_eff = pl.multiple_of(jnp.minimum(m, N - 16), 8)
        pltpu.sync_copy(idx_hbm.at[pl.ds(m_eff, 16)], ext_v)
        msk = ext_v[...] != last_id
        has = jnp.max(plsc.all_reduce_population_count(msk)) > 0
        ffs = jnp.max(plsc.all_reduce_ffs(msk))
        t_new = jnp.where(has, m_eff + ffs, jnp.int32(-1))
        return m + 16, t_new

    _, t_end = lax.while_loop(ecma_cond, ecma_body,
                              (w0 + jnp.int32(C), jnp.int32(-1)))
    t_end = jnp.where(t_end < 0, jnp.int32(N), t_end)
    bounds_v[pl.ds(nseg, 16)] = jnp.full((16,), t_end, jnp.int32)
    blk_s[0] = jnp.int32(-1)
    blk_s[1] = jnp.int32(0)

    zero16 = jnp.zeros((16,), jnp.float32)
    zaccs = (zero16,) * 16

    def flush(fc, sid, count, accs):
        def emit(stage, sem):
            @pl.when(fc >= 2)
            def _():
                pltpu.make_async_copy(stage, acc_hbm.at[sid], sem).wait()

            for jj in range(8):
                stage[pl.ds(16 * jj, 16)] = accs[jj]
                stage[pl.ds(128 + 16 * jj, 16)] = accs[8 + jj]
            stage[pl.ds(256, 16)] = jnp.full((16,), count.astype(jnp.float32))
            pltpu.make_async_copy(stage, acc_hbm.at[sid], sem).start()

        @pl.when((fc & 1) == 0)
        def _():
            emit(stage_a, sem_a)

        @pl.when((fc & 1) == 1)
        def _():
            emit(stage_b, sem_b)

    def make_row_accum(base):
        def row_accum(r, accs):
            q = r - base
            vals = [rows_v[q, pl.ds(16 * j, 16)] for j in range(8)]
            sq01 = vals[0] * vals[0] + vals[1] * vals[1]
            sq23 = vals[2] * vals[2] + vals[3] * vals[3]
            sq45 = vals[4] * vals[4] + vals[5] * vals[5]
            sq67 = vals[6] * vals[6] + vals[7] * vals[7]
            sq = (sq01 + sq23) + (sq45 + sq67)
            scale = jnp.full((16,), _rsqrt_s(jnp.sum(sq)), jnp.float32)
            new = [accs[j] + vals[j] for j in range(8)]
            new += [accs[8 + j] + vals[j] * scale for j in range(8)]
            return tuple(new)
        return row_accum

    bnd0 = bounds_v[pl.ds(0, 16)][0]
    k0 = (bnd0 - w0) // 16
    t_eff = jnp.where(nseg > 0, t_end, w0)

    def _issue_blk(b):
        p = jnp.minimum(w0 + b * B, N - B)

        @pl.when((b & 1) == 0)
        def _():
            pltpu.make_async_copy(emb_hbm.at[pl.ds(p, B)],
                                  rows_v.at[pl.ds(0, B)], sem_ra).start()

        @pl.when((b & 1) == 1)
        def _():
            pltpu.make_async_copy(emb_hbm.at[pl.ds(p, B)],
                                  rows_v.at[pl.ds(B, B)], sem_rb).start()

    def _wait_blk(b):
        p = jnp.minimum(w0 + b * B, N - B)

        @pl.when((b & 1) == 0)
        def _():
            pltpu.make_async_copy(emb_hbm.at[pl.ds(p, B)],
                                  rows_v.at[pl.ds(0, B)], sem_ra).wait()

        @pl.when((b & 1) == 1)
        def _():
            pltpu.make_async_copy(emb_hbm.at[pl.ds(p, B)],
                                  rows_v.at[pl.ds(B, B)], sem_rb).wait()

    b0 = (16 * k0) // B

    @pl.when(nseg > 0)
    def _():
        _issue_blk(b0)

    def g_cond(st):
        k = st[0]
        return w0 + 16 * k < t_eff

    def g_body(st):
        k, jb, nextb, ostart, ovalid, fc, accs = st
        gs = w0 + 16 * k
        ge = jnp.minimum(gs + 16, t_eff)
        blk = (16 * k) // B

        @pl.when(blk != blk_s[0])
        def _():
            p = jnp.minimum(w0 + blk * B, N - B)
            _issue_blk(blk + 1)
            _wait_blk(blk)
            blk_s[0] = blk
            blk_s[1] = p - (blk & 1) * B

        base = blk_s[1]
        row_accum = make_row_accum(base)
        fast = jnp.logical_and(nextb >= gs + 16, ge == gs + 16)

        def fast_fn(jb, nextb, ostart, ovalid, fc, accs):
            q0 = gs - base
            new_s = list(accs[:8])
            new_n = list(accs[8:])
            for u in range(16):
                vals = [rows_v[q0 + u, pl.ds(16 * j, 16)] for j in range(8)]
                sq01 = vals[0] * vals[0] + vals[1] * vals[1]
                sq23 = vals[2] * vals[2] + vals[3] * vals[3]
                sq45 = vals[4] * vals[4] + vals[5] * vals[5]
                sq67 = vals[6] * vals[6] + vals[7] * vals[7]
                sq = (sq01 + sq23) + (sq45 + sq67)
                scale = jnp.full((16,), _rsqrt_s(jnp.sum(sq)), jnp.float32)
                for j in range(8):
                    new_s[j] = new_s[j] + vals[j]
                    new_n[j] = new_n[j] + vals[j] * scale
            return jb, nextb, ostart, ovalid, fc, tuple(new_s + new_n)

        def slow_fn(jb, nextb, ostart, ovalid, fc, accs):
            def s_cond(st):
                return st[2] < ge

            def s_body(st):
                cur, jb, nextb, ostart, ovalid, fc, accs = st
                lo = jnp.where(ovalid > 0, cur, nextb)
                accs = lax.fori_loop(lo, nextb, row_accum, accs)

                @pl.when(ovalid > 0)
                def _():
                    sid = idx_v[pl.ds(8 + ostart - w0, 16)][0]
                    flush(fc, sid, nextb - ostart, accs)

                fc = fc + jnp.where(ovalid > 0, 1, 0)
                ostart = nextb
                jb = jb + 1
                nextb2 = bounds_v[pl.ds(jb, 16)][0]
                return nextb, jb, nextb2, ostart, jnp.int32(1), fc, zaccs

            cur, jb, nextb, ostart, ovalid, fc, accs = lax.while_loop(
                s_cond, s_body, (gs, jb, nextb, ostart, ovalid, fc, accs))
            lo = jnp.where(ovalid > 0, jnp.maximum(cur, gs), ge)
            accs = lax.fori_loop(lo, ge, row_accum, accs)
            return jb, nextb, ostart, ovalid, fc, accs

        jb, nextb, ostart, ovalid, fc, accs = lax.cond(
            fast, fast_fn, slow_fn, jb, nextb, ostart, ovalid, fc, accs)
        return (k + 1, jb, nextb, ostart, ovalid, fc, accs)

    st = lax.while_loop(
        g_cond, g_body,
        (k0, jnp.int32(0), bnd0, jnp.int32(0), jnp.int32(0), jnp.int32(0),
         zaccs))
    _, _, _, ostart, ovalid, fc, accs = st

    @pl.when(ovalid > 0)
    def _():
        sid = idx_v[pl.ds(8 + ostart - w0, 16)][0]
        flush(fc, sid, t_end - ostart, accs)

    fc = fc + jnp.where(ovalid > 0, 1, 0)

    @pl.when(nseg > 0)
    def _():
        _wait_blk(blk_s[0] + 1)

    @pl.when(fc >= 1)
    def _():
        pltpu.make_async_copy(stage_a, acc_hbm.at[0], sem_a).wait()

    @pl.when(fc >= 2)
    def _():
        pltpu.make_async_copy(stage_b, acc_hbm.at[0], sem_b).wait()


_sc_segsum = functools.partial(
    pl.kernel,
    out_type=jax.ShapeDtypeStruct((G, ROWW), jnp.float32),
    mesh=plsc.VectorSubcoreMesh(core_axis_name="c", subcore_axis_name="s",
                                num_cores=2, num_subcores=16),
    compiler_params=pltpu.CompilerParams(needs_layout_passes=False),
    scratch_types=[
        pltpu.VMEM((C + 32,), jnp.int32),
        pltpu.VMEM((16,), jnp.int32),
        pltpu.VMEM((C + 16,), jnp.int32),
        pltpu.VMEM((16,), jnp.int32),
        pltpu.VMEM((2 * B, H), jnp.float32),
        pltpu.VMEM((ROWW,), jnp.float32),
        pltpu.VMEM((ROWW,), jnp.float32),
        pltpu.SemaphoreType.DMA,
        pltpu.SemaphoreType.DMA,
        pltpu.SemaphoreType.DMA,
        pltpu.SemaphoreType.DMA,
        pltpu.SMEM((2,), jnp.int32),
    ],
)(_sc_body)


def _tc_finish_body(acc_ref, avg_ref, mdis_ref):
    sums = acc_ref[:, 0:128]
    nsums = acc_ref[:, 128:256]
    cnt = acc_ref[:, 256:257]
    means = sums / cnt
    mn = jnp.sqrt(jnp.sum(means * means, axis=1, keepdims=True))
    rowdot = jnp.sum(means * nsums, axis=1, keepdims=True)
    cos_total = jnp.sum(rowdot / jnp.maximum(mn, 1e-8))
    ntot = jnp.sum(cnt)
    avg_ref[...] = jnp.reshape((ntot - cos_total) / (ntot + 1e-9), (1, 1))
    mhat = means / jnp.maximum(mn, 1e-12)
    s_vec = jnp.sum(mhat, axis=0, keepdims=True)
    s2 = jnp.sum(s_vec * s_vec)
    tdiag = jnp.sum(mhat * mhat)
    mdis_ref[...] = jnp.reshape((s2 - tdiag) / (G * G - G + 1e-9), (1, 1))


def kernel(embeddings, flatten_idx):
    acc = _sc_segsum(embeddings, flatten_idx)
    avg, mdis = pl.pallas_call(
        _tc_finish_body,
        out_shape=[
            jax.ShapeDtypeStruct((1, 1), jnp.float32),
            jax.ShapeDtypeStruct((1, 1), jnp.float32),
        ],
    )(acc)
    counts = acc[:, 256]
    return (avg[0, 0], mdis[0, 0], counts)

# --- scband reference (transcript-rebuilt; emitter-appended) ---
"""Pipeline reference for scband-mean-similarity-loss-8358006358072 (READ-ONLY COPY).

The authoritative reference and input builder live on the scoring server;
editing this copy changes nothing except your own understanding.
"""

import jax, jax.numpy as jnp
import numpy as np

N = 320000
H = 128
NUM_IDS = 10000


def setup_inputs(seed: int = 0) -> dict:
    key = jax.random.key(seed)
    k1, k2 = jax.random.split(key)
    embeddings = jax.random.normal(k1, (N, H), dtype=jnp.float32)
    flatten_idx = jnp.sort(jax.random.randint(k2, (N,), 0, NUM_IDS, dtype=jnp.int32))
    return {"embeddings": embeddings, "flatten_idx": flatten_idx}


def reference(embeddings, flatten_idx):
    h = embeddings.shape[1]
    valid = flatten_idx != -1
    valid_entry = valid.astype(jnp.float32)
    # unique ids; ids are drawn from [0, NUM_IDS) so none equal -1
    unique_ids = jnp.unique(flatten_idx, size=NUM_IDS)
    n = int(unique_ids.shape[0])
    # map each entry to its segment index within unique_ids
    seg = jnp.searchsorted(unique_ids, flatten_idx)
    seg = jnp.where(valid, seg, 0)
    contrib = embeddings * valid_entry[:, None]
    embeddings_sum = jax.ops.segment_sum(contrib, seg, num_segments=n)
    counts = jax.ops.segment_sum(valid_entry, seg, num_segments=n)
    embeddings_mean = embeddings_sum / counts[:, None]
    # expand means back to per-entry rows; invalid (-1) entries stay zero
    expanded = jnp.where(valid[:, None], embeddings_mean[seg], jnp.zeros_like(embeddings))
    # cosine similarity (torch F.cosine_similarity, eps=1e-8)
    num = (embeddings * expanded).sum(axis=1)
    na = jnp.sqrt((embeddings * embeddings).sum(axis=1))
    nb = jnp.sqrt((expanded * expanded).sum(axis=1))
    cos = num / (jnp.maximum(na, 1e-8) * jnp.maximum(nb, 1e-8))
    cos_distance = 1.0 - cos
    avg_dis = (cos_distance * valid_entry).sum() / (valid_entry.sum() + 1e-9)
    # mean_reg: off-diagonal mean cosine similarity between segment means
    norms = jnp.sqrt((embeddings_mean * embeddings_mean).sum(axis=1, keepdims=True))
    means_norm = embeddings_mean / jnp.maximum(norms, 1e-12)
    cs = means_norm @ means_norm.T
    off_sum = cs.sum() - jnp.trace(cs)
    mean_dis = off_sum / (n ** 2 - n + 1e-9)
    return (avg_dis, mean_dis, counts)

if __name__ == "__main__":
    import jax
    _d = setup_inputs()
    print(jax.jit(kernel)(*tuple(_d.values())))

</pallas_src>

<mosaic_0001>
#map = affine_map<(d0, d1) -> (0, 0)>
#map1 = affine_map<(d0, d1) -> (0)>
module attributes {stable_mosaic.version = 14 : i64} {
  func.func @_sc_body(%arg0: i32, %arg1: i32, %arg2: memref<320000x128xf32, #tpu.memory_space<hbm>>, %arg3: memref<320000xi32, #tpu.memory_space<hbm>>, %arg4: memref<10000x272xf32, #tpu.memory_space<hbm>>, %arg5: memref<10032xi32, #tpu.memory_space<vmem>>, %arg6: memref<16xi32, #tpu.memory_space<vmem>>, %arg7: memref<10016xi32, #tpu.memory_space<vmem>>, %arg8: memref<16xi32, #tpu.memory_space<vmem>>, %arg9: memref<768x128xf32, #tpu.memory_space<vmem>>, %arg10: memref<272xf32, #tpu.memory_space<vmem>>, %arg11: memref<272xf32, #tpu.memory_space<vmem>>, %arg12: memref<!tpu.dma_semaphore, #tpu.memory_space<semaphore_mem>>, %arg13: memref<!tpu.dma_semaphore, #tpu.memory_space<semaphore_mem>>, %arg14: memref<!tpu.dma_semaphore, #tpu.memory_space<semaphore_mem>>, %arg15: memref<!tpu.dma_semaphore, #tpu.memory_space<semaphore_mem>>, %arg16: memref<2xi32, #tpu.memory_space<smem>>) attributes {dimension_semantics = [#tpu.dimension_semantics<core_parallel>, #tpu.dimension_semantics<subcore_parallel>], iteration_bounds = array<i64: 2, 16>, scalar_prefetch = 0 : i64, scratch_operands = 12 : i64, tpu.core_type = #tpu.core_type<sc_vector_subcore>, window_params = [{transform_indices = #map}, {transform_indices = #map1}, {transform_indices = #map}]} {
    %mul3A = arith.constant 2 : i32
    %mul3A_0 = arith.muli %arg1, %mul3A : i32
    %add3A = arith.addi %mul3A_0, %arg0 : i32
    %mul3A_1 = arith.constant 10000 : i32
    %mul3A_2 = arith.muli %add3A, %mul3A_1 : i32
    %multiple_of3A = tpu.assume_multiple %mul3A_2, 8 : i32
    "tpu.region"() ({
      %run_scoped3A = tpu.sem_alloc : memref<!tpu.dma_semaphore, #tpu.memory_space<semaphore_mem>>
      %dma_start3A = arith.constant 8 : i32
      %dma_start3A_129 = tpu.memref_slice %arg5[%dma_start3A] : memref<10032xi32, #tpu.memory_space<vmem>> -> memref<10000xi32, #tpu.memory_space<vmem>>
      %dma_start3A_130 = tpu.memref_slice %arg3[%multiple_of3A] : memref<320000xi32, #tpu.memory_space<hbm>> -> memref<10000xi32, #tpu.memory_space<hbm>>
      %dma_start3A_131 = arith.constant 8 : i32
      %dma_start3A_132 = tpu.memref_slice %arg5[%dma_start3A_131] : memref<10032xi32, #tpu.memory_space<vmem>> -> memref<10000xi32, #tpu.memory_space<vmem>>
      %dma_start3A_133 = tpu.memref_slice %arg3[%multiple_of3A] : memref<320000xi32, #tpu.memory_space<hbm>> -> memref<10000xi32, #tpu.memory_space<hbm>>
      tpu.enqueue_dma source(%dma_start3A_133 : memref<10000xi32, #tpu.memory_space<hbm>>) target(%dma_start3A_132 : memref<10000xi32, #tpu.memory_space<vmem>>) target_semaphore(%run_scoped3A : memref<!tpu.dma_semaphore, #tpu.memory_space<semaphore_mem>>)
      %dma_wait3A = arith.constant 8 : i32
      %dma_wait3A_134 = tpu.memref_slice %arg5[%dma_wait3A] : memref<10032xi32, #tpu.memory_space<vmem>> -> memref<10000xi32, #tpu.memory_space<vmem>>
      %dma_wait3A_135 = tpu.memref_slice %arg3[%multiple_of3A] : memref<320000xi32, #tpu.memory_space<hbm>> -> memref<10000xi32, #tpu.memory_space<hbm>>
      %dma_wait3A_136 = arith.constant 8 : i32
      %dma_wait3A_137 = tpu.memref_slice %arg5[%dma_wait3A_136] : memref<10032xi32, #tpu.memory_space<vmem>> -> memref<10000xi32, #tpu.memory_space<vmem>>
      %dma_wait3A_138 = tpu.memref_slice %arg3[%multiple_of3A] : memref<320000xi32, #tpu.memory_space<hbm>> -> memref<10000xi32, #tpu.memory_space<hbm>>
      tpu.wait_dma2 semaphore(%run_scoped3A : memref<!tpu.dma_semaphore, #tpu.memory_space<semaphore_mem>>) src(%dma_wait3A_138 : memref<10000xi32, #tpu.memory_space<hbm>>) dst(%dma_wait3A_137 : memref<10000xi32, #tpu.memory_space<vmem>>)
      tpu.yield
    }) : () -> ()
    %sub3A = arith.constant 8 : i32
    %sub3A_3 = arith.subi %multiple_of3A, %sub3A : i32
    %max3A = arith.constant 0 : i32
    %max3A_4 = arith.maxsi %sub3A_3, %max3A : i32
    %multiple_of3A_5 = tpu.assume_multiple %max3A_4, 8 : i32
    "tpu.region"() ({
      %run_scoped3A = tpu.sem_alloc : memref<!tpu.dma_semaphore, #tpu.memory_space<semaphore_mem>>
      %dma_start3A = arith.constant 0 : i32
      %dma_start3A_129 = tpu.memref_slice %arg6[%dma_start3A] : memref<16xi32, #tpu.memory_space<vmem>> -> memref<8xi32, #tpu.memory_space<vmem>>
      %dma_start3A_130 = tpu.memref_slice %arg3[%multiple_of3A_5] : memref<320000xi32, #tpu.memory_space<hbm>> -> memref<8xi32, #tpu.memory_space<hbm>>
      %dma_start3A_131 = arith.constant 0 : i32
      %dma_start3A_132 = tpu.memref_slice %arg6[%dma_start3A_131] : memref<16xi32, #tpu.memory_space<vmem>> -> memref<8xi32, #tpu.memory_space<vmem>>
      %dma_start3A_133 = tpu.memref_slice %arg3[%multiple_of3A_5] : memref<320000xi32, #tpu.memory_space<hbm>> -> memref<8xi32, #tpu.memory_space<hbm>>
      tpu.enqueue_dma source(%dma_start3A_133 : memref<8xi32, #tpu.memory_space<hbm>>) target(%dma_start3A_132 : memref<8xi32, #tpu.memory_space<vmem>>) target_semaphore(%run_scoped3A : memref<!tpu.dma_semaphore, #tpu.memory_space<semaphore_mem>>)
      %dma_wait3A = arith.constant 0 : i32
      %dma_wait3A_134 = tpu.memref_slice %arg6[%dma_wait3A] : memref<16xi32, #tpu.memory_space<vmem>> -> memref<8xi32, #tpu.memory_space<vmem>>
      %dma_wait3A_135 = tpu.memref_slice %arg3[%multiple_of3A_5] : memref<320000xi32, #tpu.memory_space<hbm>> -> memref<8xi32, #tpu.memory_space<hbm>>
      %dma_wait3A_136 = arith.constant 0 : i32
      %dma_wait3A_137 = tpu.memref_slice %arg6[%dma_wait3A_136] : memref<16xi32, #tpu.memory_space<vmem>> -> memref<8xi32, #tpu.memory_space<vmem>>
      %dma_wait3A_138 = tpu.memref_slice %arg3[%multiple_of3A_5] : memref<320000xi32, #tpu.memory_space<hbm>> -> memref<8xi32, #tpu.memory_space<hbm>>
      tpu.wait_dma2 semaphore(%run_scoped3A : memref<!tpu.dma_semaphore, #tpu.memory_space<semaphore_mem>>) src(%dma_wait3A_138 : memref<8xi32, #tpu.memory_space<hbm>>) dst(%dma_wait3A_137 : memref<8xi32, #tpu.memory_space<vmem>>)
      tpu.yield
    }) : () -> ()
    %gt3A = arith.constant 0 : i32
    %gt3A_6 = arith.cmpi sgt, %add3A, %gt3A : i32
    %get3A = arith.constant 0 : index
    %get3A_7 = tpu.vector_load %arg6[%get3A] {strides = array<i32>} : memref<16xi32, #tpu.memory_space<vmem>>, vector<16xi32>,
    %slice3A = vector.extract_strided_slice %get3A_7 {offsets = [7], sizes = [1], strides = [1]} : vector<16xi32> to vector<1xi32>
    %squeeze3A = vector.extract %slice3A[0] : i32 from vector<1xi32>
    %jit3A = arith.constant -1 : i32
    %select_n3A = arith.select %gt3A_6, %squeeze3A, %jit3A : i32
    %get3A_8 = arith.constant 0 : index
    %get3A_9 = tpu.vector_load %arg5[%get3A_8] {strides = array<i32>} : memref<10032xi32, #tpu.memory_space<vmem>>, vector<16xi32>,
    %iota3A = tpu.iota {dimensions = array<i32: 0>} : vector<16xi32>
    %eq3A = arith.constant 7 : i32
    %eq3A_10 = vector.broadcast %eq3A : i32 to vector<16xi32>
    %eq3A_11 = arith.cmpi eq, %iota3A, %eq3A_10 : vector<16xi32>
    %broadcast_in_dim3A = vector.broadcast %select_n3A : i32 to vector<16xi32>
    %select_n3A_12 = arith.select %eq3A_11, %broadcast_in_dim3A, %get3A_9 : vector<16xi1>, vector<16xi32>
    %swap3A = arith.constant 0 : index
    %swap3A_13 = tpu.vector_load %arg5[%swap3A] {strides = array<i32>} : memref<10032xi32, #tpu.memory_space<vmem>>, vector<16xi32>,
    tpu.vector_store %arg5[%swap3A], %select_n3A_12 {strides = array<i32>} : memref<10032xi32, #tpu.memory_space<vmem>>, vector<16xi32>,
    %scan3A = arith.constant 0 : i32
    %scan3A_14 = arith.constant 0 : i32
    %scan3A_15 = arith.constant 625 : i32
    %scan3A_16 = arith.addi %scan3A_14, %scan3A_15 : i32
    %scan3A_17 = arith.constant 1 : i32
    %scan3A_18 = scf.for %scan3A_129 = %scan3A_14 to %scan3A_16 step %scan3A_17 iter_args(%scan3A_130 = %scan3A) -> (i32)  : i32 {
      %mul3A_131 = arith.constant 16 : i32
      %mul3A_132 = arith.muli %mul3A_131, %scan3A_129 : i32
      %add3A_133 = arith.constant 8 : i32
      %add3A_134 = arith.addi %add3A_133, %mul3A_132 : i32
      %get3A_135 = arith.index_cast %add3A_134 : i32 to index
      %get3A_136 = tpu.vector_load %arg5[%get3A_135] {strides = array<i32>} : memref<10032xi32, #tpu.memory_space<vmem>>, vector<16xi32>,
      %mul3A_137 = arith.constant 16 : i32
      %mul3A_138 = arith.muli %mul3A_137, %scan3A_129 : i32
      %add3A_139 = arith.constant 7 : i32
      %add3A_140 = arith.addi %add3A_139, %mul3A_138 : i32
      %get3A_141 = arith.index_cast %add3A_140 : i32 to index
      %get3A_142 = tpu.vector_load %arg5[%get3A_141] {strides = array<i32>} : memref<10032xi32, #tpu.memory_space<vmem>>, vector<16xi32>,
      %ne3A_143 = arith.cmpi ne, %get3A_136, %get3A_142 : vector<16xi32>
      %iota3A_144 = tpu.iota {dimensions = array<i32: 0>} : vector<16xi32>
      %mul3A_145 = arith.constant 16 : i32
      %mul3A_146 = arith.muli %mul3A_145, %scan3A_129 : i32
      %add3A_147 = arith.addi %multiple_of3A, %mul3A_146 : i32
      %add3A_148 = vector.broadcast %add3A_147 : i32 to vector<16xi32>
      %add3A_149 = arith.addi %iota3A_144, %add3A_148 : vector<16xi32>
      %convert_element_type3A_150 = arith.extui %ne3A_143 : vector<16xi1> to vector<16xi32>
      %broadcast_in_dim3A_151 = arith.constant true
      %broadcast_in_dim3A_152 = vector.broadcast %broadcast_in_dim3A_151 : i1 to vector<16xi1>
      %masked_cumsum3A = tpu.scan <sum>, %convert_element_type3A_150 masked %broadcast_in_dim3A_152 : vector<16xi32>, vector<16xi1> -> vector<16xi32>
      %sub3A_153 = arith.subi %masked_cumsum3A, %convert_element_type3A_150 : vector<16xi32>
      %add3A_154 = vector.broadcast %scan3A_130 : i32 to vector<16xi32>
      %add3A_155 = arith.addi %add3A_154, %sub3A_153 : vector<16xi32>
      %jit3A_156 = arith.constant 10008 : i32
      %broadcast_in_dim3A_157 = vector.broadcast %jit3A_156 : i32 to vector<16xi32>
      %select_n3A_158 = arith.select %ne3A_143, %add3A_155, %broadcast_in_dim3A_157 : vector<16xi1>, vector<16xi32>
      tpu.vector_store_idx %arg7[%select_n3A_158], %add3A_149 : memref<10016xi32, #tpu.memory_space<vmem>>[vector<16xi32>], vector<16xi32>,
      %all_reduce_population_count3A = tpu.all_reduce %ne3A_143 {dim = 0 : i64, kind = #tpu.reduction_kind<sum>} : vector<16xi1> -> vector<16xi32>
      %reduce_max3A = arith.constant true
      %reduce_max3A_159 = vector.broadcast %reduce_max3A : i1 to vector<16xi1>
      %reduce_max3A_160 = arith.constant -2147483648 : i32
      %reduce_max3A_161 = vector.broadcast %reduce_max3A_160 : i32 to vector<16xi32>
      %reduce_max3A_162 = arith.xori %all_reduce_population_count3A, %reduce_max3A_161 : vector<16xi32>
      %reduce_max3A_163 = tpu.scan <max>, %reduce_max3A_162 masked %reduce_max3A_159 : vector<16xi32>, vector<16xi1> -> vector<16xi32>
      %reduce_max3A_164 = arith.xori %reduce_max3A_163, %reduce_max3A_161 : vector<16xi32>
      %reduce_max3A_165 = vector.extract %reduce_max3A_164[15] : i32 from vector<16xi32>
      %add3A_166 = arith.addi %scan3A_130, %reduce_max3A_165 : i32
      scf.yield %add3A_166 : i32
    }
    %scan3A_19 = arith.constant 625 : i32
    %get3A_20 = arith.constant 10007 : index
    %get3A_21 = tpu.vector_load %arg5[%get3A_20] {strides = array<i32>} : memref<10032xi32, #tpu.memory_space<vmem>>, vector<16xi32>,
    %slice3A_22 = vector.extract_strided_slice %get3A_21 {offsets = [0], sizes = [1], strides = [1]} : vector<16xi32> to vector<1xi32>
    %squeeze3A_23 = vector.extract %slice3A_22[0] : i32 from vector<1xi32>
    %add3A_24 = arith.constant 10000 : i32
    %add3A_25 = arith.addi %multiple_of3A, %add3A_24 : i32
    %while3A = arith.constant -1 : i32
    %while3A_26:2 = scf.while (%while3A_129 = %add3A_25, %while3A_130 = %while3A) : (i32, i32) -> (i32, i32) {
      %lt3A_131 = arith.constant 0 : i32
      %lt3A_132 = arith.cmpi slt, %while3A_130, %lt3A_131 : i32
      %lt3A_133 = arith.constant 320000 : i32
      %lt3A_134 = arith.cmpi slt, %while3A_129, %lt3A_133 : i32
      %and3A_135 = arith.andi %lt3A_132, %lt3A_134 : i1
      scf.condition(%and3A_135) %while3A_129, %while3A_130 : i32, i32
    } do {
    ^bb0(%while3A_129: i32, %while3A_130: i32):
      %min3A = arith.constant 319984 : i32
      %min3A_131 = arith.minsi %while3A_129, %min3A : i32
      %multiple_of3A_132 = tpu.assume_multiple %min3A_131, 8 : i32
      "tpu.region"() ({
        %run_scoped3A = tpu.sem_alloc : memref<!tpu.dma_semaphore, #tpu.memory_space<semaphore_mem>>
        %dma_start3A = tpu.memref_slice %arg3[%multiple_of3A_132] : memref<320000xi32, #tpu.memory_space<hbm>> -> memref<16xi32, #tpu.memory_space<hbm>>
        %dma_start3A_159 = tpu.memref_slice %arg3[%multiple_of3A_132] : memref<320000xi32, #tpu.memory_space<hbm>> -> memref<16xi32, #tpu.memory_space<hbm>>
        tpu.enqueue_dma source(%dma_start3A_159 : memref<16xi32, #tpu.memory_space<hbm>>) target(%arg8 : memref<16xi32, #tpu.memory_space<vmem>>) target_semaphore(%run_scoped3A : memref<!tpu.dma_semaphore, #tpu.memory_space<semaphore_mem>>)
        %dma_wait3A = tpu.memref_slice %arg3[%multiple_of3A_132] : memref<320000xi32, #tpu.memory_space<hbm>> -> memref<16xi32, #tpu.memory_space<hbm>>
        %dma_wait3A_160 = tpu.memref_slice %arg3[%multiple_of3A_132] : memref<320000xi32, #tpu.memory_space<hbm>> -> memref<16xi32, #tpu.memory_space<hbm>>
        tpu.wait_dma2 semaphore(%run_scoped3A : memref<!tpu.dma_semaphore, #tpu.memory_space<semaphore_mem>>) src(%dma_wait3A_160 : memref<16xi32, #tpu.memory_space<hbm>>) dst(%arg8 : memref<16xi32, #tpu.memory_space<vmem>>)
        tpu.yield
      }) : () -> ()
      %get3A_133 = arith.constant 0 : index
      %get3A_134 = tpu.vector_load %arg8[%get3A_133] {strides = array<i32>} : memref<16xi32, #tpu.memory_space<vmem>>, vector<16xi32>,
      %ne3A_135 = vector.broadcast %squeeze3A_23 : i32 to vector<16xi32>
      %ne3A_136 = arith.cmpi ne, %get3A_134, %ne3A_135 : vector<16xi32>
      %all_reduce_population_count3A = tpu.all_reduce %ne3A_136 {dim = 0 : i64, kind = #tpu.reduction_kind<sum>} : vector<16xi1> -> vector<16xi32>
      %reduce_max3A = arith.constant true
      %reduce_max3A_137 = vector.broadcast %reduce_max3A : i1 to vector<16xi1>
      %reduce_max3A_138 = arith.constant -2147483648 : i32
      %reduce_max3A_139 = vector.broadcast %reduce_max3A_138 : i32 to vector<16xi32>
      %reduce_max3A_140 = arith.xori %all_reduce_population_count3A, %reduce_max3A_139 : vector<16xi32>
      %reduce_max3A_141 = tpu.scan <max>, %reduce_max3A_140 masked %reduce_max3A_137 : vector<16xi32>, vector<16xi1> -> vector<16xi32>
      %reduce_max3A_142 = arith.xori %reduce_max3A_141, %reduce_max3A_139 : vector<16xi32>
      %reduce_max3A_143 = vector.extract %reduce_max3A_142[15] : i32 from vector<16xi32>
      %gt3A_144 = arith.constant 0 : i32
      %gt3A_145 = arith.cmpi sgt, %reduce_max3A_143, %gt3A_144 : i32
      %all_reduce_ffs3A = tpu.all_reduce %ne3A_136 {dim = 0 : i64, kind = #tpu.reduction_kind<find_first_set>} : vector<16xi1> -> vector<16xi32>
      %reduce_max3A_146 = arith.constant true
      %reduce_max3A_147 = vector.broadcast %reduce_max3A_146 : i1 to vector<16xi1>
      %reduce_max3A_148 = arith.constant -2147483648 : i32
      %reduce_max3A_149 = vector.broadcast %reduce_max3A_148 : i32 to vector<16xi32>
      %reduce_max3A_150 = arith.xori %all_reduce_ffs3A, %reduce_max3A_149 : vector<16xi32>
      %reduce_max3A_151 = tpu.scan <max>, %reduce_max3A_150 masked %reduce_max3A_147 : vector<16xi32>, vector<16xi1> -> vector<16xi32>
      %reduce_max3A_152 = arith.xori %reduce_max3A_151, %reduce_max3A_149 : vector<16xi32>
      %reduce_max3A_153 = vector.extract %reduce_max3A_152[15] : i32 from vector<16xi32>
      %add3A_154 = arith.addi %multiple_of3A_132, %reduce_max3A_153 : i32
      %jit3A_155 = arith.constant -1 : i32
      %select_n3A_156 = arith.select %gt3A_145, %add3A_154, %jit3A_155 : i32
      %add3A_157 = arith.constant 16 : i32
      %add3A_158 = arith.addi %while3A_129, %add3A_157 : i32
      scf.yield %add3A_158, %select_n3A_156 : i32, i32
    }
    %lt3A = arith.constant 0 : i32
    %lt3A_27 = arith.cmpi slt, %while3A_26#1, %lt3A : i32
    %jit3A_28 = arith.constant 320000 : i32
    %select_n3A_29 = arith.select %lt3A_27, %jit3A_28, %while3A_26#1 : i32
    %broadcast_in_dim3A_30 = vector.broadcast %select_n3A_29 : i32 to vector<16xi32>
    %swap3A_31 = arith.index_cast %scan3A_18 : i32 to index
    %swap3A_32 = tpu.vector_load %arg7[%swap3A_31] {strides = array<i32>} : memref<10016xi32, #tpu.memory_space<vmem>>, vector<16xi32>,
    tpu.vector_store %arg7[%swap3A_31], %broadcast_in_dim3A_30 {strides = array<i32>} : memref<10016xi32, #tpu.memory_space<vmem>>, vector<16xi32>,
    %swap3A_33 = arith.constant -1 : i32
    %swap3A_34 = arith.constant 0 : i32
    %swap3A_35 = arith.index_cast %swap3A_34 : i32 to index
    %swap3A_36 = memref.load %arg16[%swap3A_35] : memref<2xi32, #tpu.memory_space<smem>>
    memref.store %swap3A_33, %arg16[%swap3A_35] : memref<2xi32, #tpu.memory_space<smem>>
    %swap3A_37 = arith.constant 0 : i32
    %swap3A_38 = arith.constant 1 : i32
    %swap3A_39 = arith.index_cast %swap3A_38 : i32 to index
    %swap3A_40 = memref.load %arg16[%swap3A_39] : memref<2xi32, #tpu.memory_space<smem>>
    memref.store %swap3A_37, %arg16[%swap3A_39] : memref<2xi32, #tpu.memory_space<smem>>
    %broadcast_in_dim3A_41 = arith.constant 0.000000e+00 : f32
    %broadcast_in_dim3A_42 = vector.broadcast %broadcast_in_dim3A_41 : f32 to vector<16xf32>
    %get3A_43 = arith.constant 0 : index
    %get3A_44 = tpu.vector_load %arg7[%get3A_43] {strides = array<i32>} : memref<10016xi32, #tpu.memory_space<vmem>>, vector<16xi32>,
    %slice3A_45 = vector.extract_strided_slice %get3A_44 {offsets = [0], sizes = [1], strides = [1]} : vector<16xi32> to vector<1xi32>
    %squeeze3A_46 = vector.extract %slice3A_45[0] : i32 from vector<1xi32>
    %sub3A_47 = arith.subi %squeeze3A_46, %multiple_of3A : i32
    %jit3A_48 = arith.constant 16 : i32
    %div3A = arith.divsi %sub3A_47, %jit3A_48 : i32
    %sign3A = arith.constant 0 : i32
    %sign3A_49 = arith.cmpi sgt, %sub3A_47, %sign3A : i32
    %sign3A_50 = arith.extui %sign3A_49 : i1 to i32
    %sign3A_51 = arith.constant 0 : i32
    %sign3A_52 = arith.cmpi slt, %sub3A_47, %sign3A_51 : i32
    %sign3A_53 = arith.extui %sign3A_52 : i1 to i32
    %sign3A_54 = arith.subi %sign3A_50, %sign3A_53 : i32
    %sign3A_55 = arith.constant 0 : i32
    %sign3A_56 = arith.cmpi sgt, %jit3A_48, %sign3A_55 : i32
    %sign3A_57 = arith.extui %sign3A_56 : i1 to i32
    %sign3A_58 = arith.constant 0 : i32
    %sign3A_59 = arith.cmpi slt, %jit3A_48, %sign3A_58 : i32
    %sign3A_60 = arith.extui %sign3A_59 : i1 to i32
    %sign3A_61 = arith.subi %sign3A_57, %sign3A_60 : i32
    %ne3A = arith.cmpi ne, %sign3A_54, %sign3A_61 : i32
    %rem3A = arith.remsi %sub3A_47, %jit3A_48 : i32
    %ne3A_62 = arith.constant 0 : i32
    %ne3A_63 = arith.cmpi ne, %rem3A, %ne3A_62 : i32
    %and3A = arith.andi %ne3A, %ne3A_63 : i1
    %sub3A_64 = arith.constant 1 : i32
    %sub3A_65 = arith.subi %div3A, %sub3A_64 : i32
    %select_n3A_66 = arith.select %and3A, %sub3A_65, %div3A : i32
    %gt3A_67 = arith.constant 0 : i32
    %gt3A_68 = arith.cmpi sgt, %scan3A_18, %gt3A_67 : i32
    %select_n3A_69 = arith.select %gt3A_68, %select_n3A_29, %multiple_of3A : i32
    %mul3A_70 = arith.constant 16 : i32
    %mul3A_71 = arith.muli %mul3A_70, %select_n3A_66 : i32
    %jit3A_72 = arith.constant 384 : i32
    %div3A_73 = arith.divsi %mul3A_71, %jit3A_72 : i32
    %sign3A_74 = arith.constant 0 : i32
    %sign3A_75 = arith.cmpi sgt, %mul3A_71, %sign3A_74 : i32
    %sign3A_76 = arith.extui %sign3A_75 : i1 to i32
    %sign3A_77 = arith.constant 0 : i32
    %sign3A_78 = arith.cmpi slt, %mul3A_71, %sign3A_77 : i32
    %sign3A_79 = arith.extui %sign3A_78 : i1 to i32
    %sign3A_80 = arith.subi %sign3A_76, %sign3A_79 : i32
    %sign3A_81 = arith.constant 0 : i32
    %sign3A_82 = arith.cmpi sgt, %jit3A_72, %sign3A_81 : i32
    %sign3A_83 = arith.extui %sign3A_82 : i1 to i32
    %sign3A_84 = arith.constant 0 : i32
    %sign3A_85 = arith.cmpi slt, %jit3A_72, %sign3A_84 : i32
    %sign3A_86 = arith.extui %sign3A_85 : i1 to i32
    %sign3A_87 = arith.subi %sign3A_83, %sign3A_86 : i32
    %ne3A_88 = arith.cmpi ne, %sign3A_80, %sign3A_87 : i32
    %rem3A_89 = arith.remsi %mul3A_71, %jit3A_72 : i32
    %ne3A_90 = arith.constant 0 : i32
    %ne3A_91 = arith.cmpi ne, %rem3A_89, %ne3A_90 : i32
    %and3A_92 = arith.andi %ne3A_88, %ne3A_91 : i1
    %sub3A_93 = arith.constant 1 : i32
    %sub3A_94 = arith.subi %div3A_73, %sub3A_93 : i32
    %select_n3A_95 = arith.select %and3A_92, %sub3A_94, %div3A_73 : i32
    %gt3A_96 = arith.constant 0 : i32
    %gt3A_97 = arith.cmpi sgt, %scan3A_18, %gt3A_96 : i32
    %convert_element_type3A = arith.extui %gt3A_97 : i1 to i32
    %cond3A = arith.constant 0 : i32
    %cond3A_98 = arith.cmpi ne, %convert_element_type3A, %cond3A : i32
    scf.if %cond3A_98 {
      %mul3A_129 = arith.constant 384 : i32
      %mul3A_130 = arith.muli %select_n3A_95, %mul3A_129 : i32
      %add3A_131 = arith.addi %multiple_of3A, %mul3A_130 : i32
      %min3A = arith.constant 319616 : i32
      %min3A_132 = arith.minsi %add3A_131, %min3A : i32
      %and3A_133 = arith.constant 1 : i32
      %and3A_134 = arith.andi %select_n3A_95, %and3A_133 : i32
      %eq3A_135 = arith.constant 0 : i32
      %eq3A_136 = arith.cmpi eq, %and3A_134, %eq3A_135 : i32
      %convert_element_type3A_137 = arith.extui %eq3A_136 : i1 to i32
      %cond3A_138 = arith.constant 0 : i32
      %cond3A_139 = arith.cmpi ne, %convert_element_type3A_137, %cond3A_138 : i32
      scf.if %cond3A_139 {
        %dma_start3A = arith.constant 0 : i32
        %dma_start3A_147 = arith.constant 0 : i32
        %dma_start3A_148 = tpu.memref_slice %arg9[%dma_start3A, %dma_start3A_147] : memref<768x128xf32, #tpu.memory_space<vmem>> -> memref<384x128xf32, #tpu.memory_space<vmem>>
        %dma_start3A_149 = arith.constant 0 : i32
        %dma_start3A_150 = tpu.memref_slice %arg2[%min3A_132, %dma_start3A_149] : memref<320000x128xf32, #tpu.memory_space<hbm>> -> memref<384x128xf32, #tpu.memory_space<hbm>>
        %dma_start3A_151 = arith.constant 0 : i32
        %dma_start3A_152 = arith.constant 0 : i32
        %dma_start3A_153 = tpu.memref_slice %arg9[%dma_start3A_151, %dma_start3A_152] : memref<768x128xf32, #tpu.memory_space<vmem>> -> memref<384x128xf32, #tpu.memory_space<vmem>>
        %dma_start3A_154 = arith.constant 0 : i32
        %dma_start3A_155 = tpu.memref_slice %arg2[%min3A_132, %dma_start3A_154] : memref<320000x128xf32, #tpu.memory_space<hbm>> -> memref<384x128xf32, #tpu.memory_space<hbm>>
        tpu.enqueue_dma source(%dma_start3A_155 : memref<384x128xf32, #tpu.memory_space<hbm>>) target(%dma_start3A_153 : memref<384x128xf32, #tpu.memory_space<vmem>>) target_semaphore(%arg14 : memref<!tpu.dma_semaphore, #tpu.memory_space<semaphore_mem>>)
      } else {
      }
      %and3A_140 = arith.constant 1 : i32
      %and3A_141 = arith.andi %select_n3A_95, %and3A_140 : i32
      %eq3A_142 = arith.constant 1 : i32
      %eq3A_143 = arith.cmpi eq, %and3A_141, %eq3A_142 : i32
      %convert_element_type3A_144 = arith.extui %eq3A_143 : i1 to i32
      %cond3A_145 = arith.constant 0 : i32
      %cond3A_146 = arith.cmpi ne, %convert_element_type3A_144, %cond3A_145 : i32
      scf.if %cond3A_146 {
        %dma_start3A = arith.constant 384 : i32
        %dma_start3A_147 = arith.constant 0 : i32
        %dma_start3A_148 = tpu.memref_slice %arg9[%dma_start3A, %dma_start3A_147] : memref<768x128xf32, #tpu.memory_space<vmem>> -> memref<384x128xf32, #tpu.memory_space<vmem>>
        %dma_start3A_149 = arith.constant 0 : i32
        %dma_start3A_150 = tpu.memref_slice %arg2[%min3A_132, %dma_start3A_149] : memref<320000x128xf32, #tpu.memory_space<hbm>> -> memref<384x128xf32, #tpu.memory_space<hbm>>
        %dma_start3A_151 = arith.constant 384 : i32
        %dma_start3A_152 = arith.constant 0 : i32
        %dma_start3A_153 = tpu.memref_slice %arg9[%dma_start3A_151, %dma_start3A_152] : memref<768x128xf32, #tpu.memory_space<vmem>> -> memref<384x128xf32, #tpu.memory_space<vmem>>
        %dma_start3A_154 = arith.constant 0 : i32
        %dma_start3A_155 = tpu.memref_slice %arg2[%min3A_132, %dma_start3A_154] : memref<320000x128xf32, #tpu.memory_space<hbm>> -> memref<384x128xf32, #tpu.memory_space<hbm>>
        tpu.enqueue_dma source(%dma_start3A_155 : memref<384x128xf32, #tpu.memory_space<hbm>>) target(%dma_start3A_153 : memref<384x128xf32, #tpu.memory_space<vmem>>) target_semaphore(%arg15 : memref<!tpu.dma_semaphore, #tpu.memory_space<semaphore_mem>>)
      } else {
      }
    } else {
    }
    %while3A_99 = arith.constant 0 : i32
    %while3A_100 = arith.constant 0 : i32
    %while3A_101 = arith.constant 0 : i32
    %while3A_102 = arith.constant 0 : i32
    %while3A_103:22 = scf.while (%while3A_129 = %select_n3A_66, %while3A_130 = %while3A_99, %while3A_131 = %squeeze3A_46, %while3A_132 = %while3A_100, %while3A_133 = %while3A_101, %while3A_134 = %while3A_102, %while3A_135 = %broadcast_in_dim3A_42, %while3A_136 = %broadcast_in_dim3A_42, %while3A_137 = %broadcast_in_dim3A_42, %while3A_138 = %broadcast_in_dim3A_42, %while3A_139 = %broadcast_in_dim3A_42, %while3A_140 = %broadcast_in_dim3A_42, %while3A_141 = %broadcast_in_dim3A_42, %while3A_142 = %broadcast_in_dim3A_42, %while3A_143 = %broadcast_in_dim3A_42, %while3A_144 = %broadcast_in_dim3A_42, %while3A_145 = %broadcast_in_dim3A_42, %while3A_146 = %broadcast_in_dim3A_42, %while3A_147 = %broadcast_in_dim3A_42, %while3A_148 = %broadcast_in_dim3A_42, %while3A_149 = %broadcast_in_dim3A_42, %while3A_150 = %broadcast_in_dim3A_42) : (i32, i32, i32, i32, i32, i32, vector<16xf32>, vector<16xf32>, vector<16xf32>, vector<16xf32>, vector<16xf32>, vector<16xf32>, vector<16xf32>, vector<16xf32>, vector<16xf32>, vector<16xf32>, vector<16xf32>, vector<16xf32>, vector<16xf32>, vector<16xf32>, vector<16xf32>, vector<16xf32>) -> (i32, i32, i32, i32, i32, i32, vector<16xf32>, vector<16xf32>, vector<16xf32>, vector<16xf32>, vector<16xf32>, vector<16xf32>, vector<16xf32>, vector<16xf32>, vector<16xf32>, vector<16xf32>, vector<16xf32>, vector<16xf32>, vector<16xf32>, vector<16xf32>, vector<16xf32>, vector<16xf32>) {
      %mul3A_151 = arith.constant 16 : i32
      %mul3A_152 = arith.muli %mul3A_151, %while3A_129 : i32
      %add3A_153 = arith.addi %multiple_of3A, %mul3A_152 : i32
      %lt3A_154 = arith.cmpi slt, %add3A_153, %select_n3A_69 : i32
      scf.condition(%lt3A_154) %while3A_129, %while3A_130, %while3A_131, %while3A_132, %while3A_133, %while3A_134, %while3A_135, %while3A_136, %while3A_137, %while3A_138, %while3A_139, %while3A_140, %while3A_141, %while3A_142, %while3A_143, %while3A_144, %while3A_145, %while3A_146, %while3A_147, %while3A_148, %while3A_149, %while3A_150 : i32, i32, i32, i32, i32, i32, vector<16xf32>, vector<16xf32>, vector<16xf32>, vector<16xf32>, vector<16xf32>, vector<16xf32>, vector<16xf32>, vector<16xf32>, vector<16xf32>, vector<16xf32>, vector<16xf32>, vector<16xf32>, vector<16xf32>, vector<16xf32>, vector<16xf32>, vector<16xf32>
    } do {
    ^bb0(%while3A_129: i32, %while3A_130: i32, %while3A_131: i32, %while3A_132: i32, %while3A_133: i32, %while3A_134: i32, %while3A_135: vector<16xf32>, %while3A_136: vector<16xf32>, %while3A_137: vector<16xf32>, %while3A_138: vector<16xf32>, %while3A_139: vector<16xf32>, %while3A_140: vector<16xf32>, %while3A_141: vector<16xf32>, %while3A_142: vector<16xf32>, %while3A_143: vector<16xf32>, %while3A_144: vector<16xf32>, %while3A_145: vector<16xf32>, %while3A_146: vector<16xf32>, %while3A_147: vector<16xf32>, %while3A_148: vector<16xf32>, %while3A_149: vector<16xf32>, %while3A_150: vector<16xf32>):
      %mul3A_151 = arith.constant 16 : i32
      %mul3A_152 = arith.muli %mul3A_151, %while3A_129 : i32
      %add3A_153 = arith.addi %multiple_of3A, %mul3A_152 : i32
      %add3A_154 = arith.constant 16 : i32
      %add3A_155 = arith.addi %add3A_153, %add3A_154 : i32
      %min3A = arith.minsi %add3A_155, %select_n3A_69 : i32
      %mul3A_156 = arith.constant 16 : i32
      %mul3A_157 = arith.muli %mul3A_156, %while3A_129 : i32
      %jit3A_158 = arith.constant 384 : i32
      %div3A_159 = arith.divsi %mul3A_157, %jit3A_158 : i32
      %sign3A_160 = arith.constant 0 : i32
      %sign3A_161 = arith.cmpi sgt, %mul3A_157, %sign3A_160 : i32
      %sign3A_162 = arith.extui %sign3A_161 : i1 to i32
      %sign3A_163 = arith.constant 0 : i32
      %sign3A_164 = arith.cmpi slt, %mul3A_157, %sign3A_163 : i32
      %sign3A_165 = arith.extui %sign3A_164 : i1 to i32
      %sign3A_166 = arith.subi %sign3A_162, %sign3A_165 : i32
      %sign3A_167 = arith.constant 0 : i32
      %sign3A_168 = arith.cmpi sgt, %jit3A_158, %sign3A_167 : i32
      %sign3A_169 = arith.extui %sign3A_168 : i1 to i32
      %sign3A_170 = arith.constant 0 : i32
      %sign3A_171 = arith.cmpi slt, %jit3A_158, %sign3A_170 : i32
      %sign3A_172 = arith.extui %sign3A_171 : i1 to i32
      %sign3A_173 = arith.subi %sign3A_169, %sign3A_172 : i32
      %ne3A_174 = arith.cmpi ne, %sign3A_166, %sign3A_173 : i32
      %rem3A_175 = arith.remsi %mul3A_157, %jit3A_158 : i32
      %ne3A_176 = arith.constant 0 : i32
      %ne3A_177 = arith.cmpi ne, %rem3A_175, %ne3A_176 : i32
      %and3A_178 = arith.andi %ne3A_174, %ne3A_177 : i1
      %sub3A_179 = arith.constant 1 : i32
      %sub3A_180 = arith.subi %div3A_159, %sub3A_179 : i32
      %select_n3A_181 = arith.select %and3A_178, %sub3A_180, %div3A_159 : i32
      %get3A_182 = arith.constant 0 : i32
      %get3A_183 = arith.index_cast %get3A_182 : i32 to index
      %get3A_184 = memref.load %arg16[%get3A_183] : memref<2xi32, #tpu.memory_space<smem>>
      %ne3A_185 = arith.cmpi ne, %select_n3A_181, %get3A_184 : i32
      %convert_element_type3A_186 = arith.extui %ne3A_185 : i1 to i32
      %cond3A_187 = arith.constant 0 : i32
      %cond3A_188 = arith.cmpi ne, %convert_element_type3A_186, %cond3A_187 : i32
      scf.if %cond3A_188 {
        %mul3A_205 = arith.constant 384 : i32
        %mul3A_206 = arith.muli %select_n3A_181, %mul3A_205 : i32
        %add3A_207 = arith.addi %multiple_of3A, %mul3A_206 : i32
        %min3A_208 = arith.constant 319616 : i32
        %min3A_209 = arith.minsi %add3A_207, %min3A_208 : i32
        %add3A_210 = arith.constant 1 : i32
        %add3A_211 = arith.addi %select_n3A_181, %add3A_210 : i32
        %mul3A_212 = arith.constant 384 : i32
        %mul3A_213 = arith.muli %add3A_211, %mul3A_212 : i32
        %add3A_214 = arith.addi %multiple_of3A, %mul3A_213 : i32
        %min3A_215 = arith.constant 319616 : i32
        %min3A_216 = arith.minsi %add3A_214, %min3A_215 : i32
        %and3A_217 = arith.constant 1 : i32
        %and3A_218 = arith.andi %add3A_211, %and3A_217 : i32
        %eq3A_219 = arith.constant 0 : i32
        %eq3A_220 = arith.cmpi eq, %and3A_218, %eq3A_219 : i32
        %convert_element_type3A_221 = arith.extui %eq3A_220 : i1 to i32
        %cond3A_222 = arith.constant 0 : i32
        %cond3A_223 = arith.cmpi ne, %convert_element_type3A_221, %cond3A_222 : i32
        scf.if %cond3A_223 {
          %dma_start3A = arith.constant 0 : i32
          %dma_start3A_261 = arith.constant 0 : i32
          %dma_start3A_262 = tpu.memref_slice %arg9[%dma_start3A, %dma_start3A_261] : memref<768x128xf32, #tpu.memory_space<vmem>> -> memref<384x128xf32, #tpu.memory_space<vmem>>
          %dma_start3A_263 = arith.constant 0 : i32
          %dma_start3A_264 = tpu.memref_slice %arg2[%min3A_216, %dma_start3A_263] : memref<320000x128xf32, #tpu.memory_space<hbm>> -> memref<384x128xf32, #tpu.memory_space<hbm>>
          %dma_start3A_265 = arith.constant 0 : i32
          %dma_start3A_266 = arith.constant 0 : i32
          %dma_start3A_267 = tpu.memref_slice %arg9[%dma_start3A_265, %dma_start3A_266] : memref<768x128xf32, #tpu.memory_space<vmem>> -> memref<384x128xf32, #tpu.memory_space<vmem>>
          %dma_start3A_268 = arith.constant 0 : i32
          %dma_start3A_269 = tpu.memref_slice %arg2[%min3A_216, %dma_start3A_268] : memref<320000x128xf32, #tpu.memory_space<hbm>> -> memref<384x128xf32, #tpu.memory_space<hbm>>
          tpu.enqueue_dma source(%dma_start3A_269 : memref<384x128xf32, #tpu.memory_space<hbm>>) target(%dma_start3A_267 : memref<384x128xf32, #tpu.memory_space<vmem>>) target_semaphore(%arg14 : memref<!tpu.dma_semaphore, #tpu.memory_space<semaphore_mem>>)
        } else {
        }
        %and3A_224 = arith.constant 1 : i32
        %and3A_225 = arith.andi %add3A_211, %and3A_224 : i32
        %eq3A_226 = arith.constant 1 : i32
        %eq3A_227 = arith.cmpi eq, %and3A_225, %eq3A_226 : i32
        %convert_element_type3A_228 = arith.extui %eq3A_227 : i1 to i32
        %cond3A_229 = arith.constant 0 : i32
        %cond3A_230 = arith.cmpi ne, %convert_element_type3A_228, %cond3A_229 : i32
        scf.if %cond3A_230 {
          %dma_start3A = arith.constant 384 : i32
          %dma_start3A_261 = arith.constant 0 : i32
          %dma_start3A_262 = tpu.memref_slice %arg9[%dma_start3A, %dma_start3A_261] : memref<768x128xf32, #tpu.memory_space<vmem>> -> memref<384x128xf32, #tpu.memory_space<vmem>>
          %dma_start3A_263 = arith.constant 0 : i32
          %dma_start3A_264 = tpu.memref_slice %arg2[%min3A_216, %dma_start3A_263] : memref<320000x128xf32, #tpu.memory_space<hbm>> -> memref<384x128xf32, #tpu.memory_space<hbm>>
          %dma_start3A_265 = arith.constant 384 : i32
          %dma_start3A_266 = arith.constant 0 : i32
          %dma_start3A_267 = tpu.memref_slice %arg9[%dma_start3A_265, %dma_start3A_266] : memref<768x128xf32, #tpu.memory_space<vmem>> -> memref<384x128xf32, #tpu.memory_space<vmem>>
          %dma_start3A_268 = arith.constant 0 : i32
          %dma_start3A_269 = tpu.memref_slice %arg2[%min3A_216, %dma_start3A_268] : memref<320000x128xf32, #tpu.memory_space<hbm>> -> memref<384x128xf32, #tpu.memory_space<hbm>>
          tpu.enqueue_dma source(%dma_start3A_269 : memref<384x128xf32, #tpu.memory_space<hbm>>) target(%dma_start3A_267 : memref<384x128xf32, #tpu.memory_space<vmem>>) target_semaphore(%arg15 : memref<!tpu.dma_semaphore, #tpu.memory_space<semaphore_mem>>)
        } else {
        }
        %mul3A_231 = arith.constant 384 : i32
        %mul3A_232 = arith.muli %select_n3A_181, %mul3A_231 : i32
        %add3A_233 = arith.addi %multiple_of3A, %mul3A_232 : i32
        %min3A_234 = arith.constant 319616 : i32
        %min3A_235 = arith.minsi %add3A_233, %min3A_234 : i32
        %and3A_236 = arith.constant 1 : i32
        %and3A_237 = arith.andi %select_n3A_181, %and3A_236 : i32
        %eq3A_238 = arith.constant 0 : i32
        %eq3A_239 = arith.cmpi eq, %and3A_237, %eq3A_238 : i32
        %convert_element_type3A_240 = arith.extui %eq3A_239 : i1 to i32
        %cond3A_241 = arith.constant 0 : i32
        %cond3A_242 = arith.cmpi ne, %convert_element_type3A_240, %cond3A_241 : i32
        scf.if %cond3A_242 {
          %dma_wait3A = arith.constant 0 : i32
          %dma_wait3A_261 = arith.constant 0 : i32
          %dma_wait3A_262 = tpu.memref_slice %arg9[%dma_wait3A, %dma_wait3A_261] : memref<768x128xf32, #tpu.memory_space<vmem>> -> memref<384x128xf32, #tpu.memory_space<vmem>>
          %dma_wait3A_263 = arith.constant 0 : i32
          %dma_wait3A_264 = tpu.memref_slice %arg2[%min3A_235, %dma_wait3A_263] : memref<320000x128xf32, #tpu.memory_space<hbm>> -> memref<384x128xf32, #tpu.memory_space<hbm>>
          %dma_wait3A_265 = arith.constant 0 : i32
          %dma_wait3A_266 = arith.constant 0 : i32
          %dma_wait3A_267 = tpu.memref_slice %arg9[%dma_wait3A_265, %dma_wait3A_266] : memref<768x128xf32, #tpu.memory_space<vmem>> -> memref<384x128xf32, #tpu.memory_space<vmem>>
          %dma_wait3A_268 = arith.constant 0 : i32
          %dma_wait3A_269 = tpu.memref_slice %arg2[%min3A_235, %dma_wait3A_268] : memref<320000x128xf32, #tpu.memory_space<hbm>> -> memref<384x128xf32, #tpu.memory_space<hbm>>
          tpu.wait_dma2 semaphore(%arg14 : memref<!tpu.dma_semaphore, #tpu.memory_space<semaphore_mem>>) src(%dma_wait3A_269 : memref<384x128xf32, #tpu.memory_space<hbm>>) dst(%dma_wait3A_267 : memref<384x128xf32, #tpu.memory_space<vmem>>)
        } else {
        }
        %and3A_243 = arith.constant 1 : i32
        %and3A_244 = arith.andi %select_n3A_181, %and3A_243 : i32
        %eq3A_245 = arith.constant 1 : i32
        %eq3A_246 = arith.cmpi eq, %and3A_244, %eq3A_245 : i32
        %convert_element_type3A_247 = arith.extui %eq3A_246 : i1 to i32
        %cond3A_248 = arith.constant 0 : i32
        %cond3A_249 = arith.cmpi ne, %convert_element_type3A_247, %cond3A_248 : i32
        scf.if %cond3A_249 {
          %dma_wait3A = arith.constant 384 : i32
          %dma_wait3A_261 = arith.constant 0 : i32
          %dma_wait3A_262 = tpu.memref_slice %arg9[%dma_wait3A, %dma_wait3A_261] : memref<768x128xf32, #tpu.memory_space<vmem>> -> memref<384x128xf32, #tpu.memory_space<vmem>>
          %dma_wait3A_263 = arith.constant 0 : i32
          %dma_wait3A_264 = tpu.memref_slice %arg2[%min3A_235, %dma_wait3A_263] : memref<320000x128xf32, #tpu.memory_space<hbm>> -> memref<384x128xf32, #tpu.memory_space<hbm>>
          %dma_wait3A_265 = arith.constant 384 : i32
          %dma_wait3A_266 = arith.constant 0 : i32
          %dma_wait3A_267 = tpu.memref_slice %arg9[%dma_wait3A_265, %dma_wait3A_266] : memref<768x128xf32, #tpu.memory_space<vmem>> -> memref<384x128xf32, #tpu.memory_space<vmem>>
          %dma_wait3A_268 = arith.constant 0 : i32
          %dma_wait3A_269 = tpu.memref_slice %arg2[%min3A_235, %dma_wait3A_268] : memref<320000x128xf32, #tpu.memory_space<hbm>> -> memref<384x128xf32, #tpu.memory_space<hbm>>
          tpu.wait_dma2 semaphore(%arg15 : memref<!tpu.dma_semaphore, #tpu.memory_space<semaphore_mem>>) src(%dma_wait3A_269 : memref<384x128xf32, #tpu.memory_space<hbm>>) dst(%dma_wait3A_267 : memref<384x128xf32, #tpu.memory_space<vmem>>)
        } else {
        }
        %swap3A_250 = arith.constant 0 : i32
        %swap3A_251 = arith.index_cast %swap3A_250 : i32 to index
        %swap3A_252 = memref.load %arg16[%swap3A_251] : memref<2xi32, #tpu.memory_space<smem>>
        memref.store %select_n3A_181, %arg16[%swap3A_251] : memref<2xi32, #tpu.memory_space<smem>>
        %and3A_253 = arith.constant 1 : i32
        %and3A_254 = arith.andi %select_n3A_181, %and3A_253 : i32
        %mul3A_255 = arith.constant 384 : i32
        %mul3A_256 = arith.muli %and3A_254, %mul3A_255 : i32
        %sub3A_257 = arith.subi %min3A_209, %mul3A_256 : i32
        %swap3A_258 = arith.constant 1 : i32
        %swap3A_259 = arith.index_cast %swap3A_258 : i32 to index
        %swap3A_260 = memref.load %arg16[%swap3A_259] : memref<2xi32, #tpu.memory_space<smem>>
        memref.store %sub3A_257, %arg16[%swap3A_259] : memref<2xi32, #tpu.memory_space<smem>>
      } else {
      }
      %get3A_189 = arith.constant 1 : i32
      %get3A_190 = arith.index_cast %get3A_189 : i32 to index
      %get3A_191 = memref.load %arg16[%get3A_190] : memref<2xi32, #tpu.memory_space<smem>>
      %add3A_192 = arith.constant 16 : i32
      %add3A_193 = arith.addi %add3A_153, %add3A_192 : i32
      %ge3A_194 = arith.cmpi sge, %while3A_131, %add3A_193 : i32
      %add3A_195 = arith.constant 16 : i32
      %add3A_196 = arith.addi %add3A_153, %add3A_195 : i32
      %eq3A_197 = arith.cmpi eq, %min3A, %add3A_196 : i32
      %and3A_198 = arith.andi %ge3A_194, %eq3A_197 : i1
      %convert_element_type3A_199 = arith.extui %and3A_198 : i1 to i32
      %cond3A_200 = arith.constant 0 : i32
      %cond3A_201 = arith.cmpi ne, %convert_element_type3A_199, %cond3A_200 : i32
      %cond3A_202:21 = scf.if %cond3A_201 -> (i32, i32, i32, i32, i32, vector<16xf32>, vector<16xf32>, vector<16xf32>, vector<16xf32>, vector<16xf32>, vector<16xf32>, vector<16xf32>, vector<16xf32>, vector<16xf32>, vector<16xf32>, vector<16xf32>, vector<16xf32>, vector<16xf32>, vector<16xf32>, vector<16xf32>, vector<16xf32>) {
        %sub3A_205 = arith.subi %add3A_153, %get3A_191 : i32
        %add3A_206 = arith.constant 0 : i32
        %add3A_207 = arith.addi %sub3A_205, %add3A_206 : i32
        %get3A_208 = arith.index_cast %add3A_207 : i32 to index
        %get3A_209 = arith.constant 0 : index
        %get3A_210 = tpu.vector_load %arg9[%get3A_208, %get3A_209] {strides = array<i32>} : memref<768x128xf32, #tpu.memory_space<vmem>>, vector<16xf32>,
        %add3A_211 = arith.constant 0 : i32
        %add3A_212 = arith.addi %sub3A_205, %add3A_211 : i32
        %get3A_213 = arith.index_cast %add3A_212 : i32 to index
        %get3A_214 = arith.constant 16 : index
        %get3A_215 = tpu.vector_load %arg9[%get3A_213, %get3A_214] {strides = array<i32>} : memref<768x128xf32, #tpu.memory_space<vmem>>, vector<16xf32>,
        %add3A_216 = arith.constant 0 : i32
        %add3A_217 = arith.addi %sub3A_205, %add3A_216 : i32
        %get3A_218 = arith.index_cast %add3A_217 : i32 to index
        %get3A_219 = arith.constant 32 : index
        %get3A_220 = tpu.vector_load %arg9[%get3A_218, %get3A_219] {strides = array<i32>} : memref<768x128xf32, #tpu.memory_space<vmem>>, vector<16xf32>,
        %add3A_221 = arith.constant 0 : i32
        %add3A_222 = arith.addi %sub3A_205, %add3A_221 : i32
        %get3A_223 = arith.index_cast %add3A_222 : i32 to index
        %get3A_224 = arith.constant 48 : index
        %get3A_225 = tpu.vector_load %arg9[%get3A_223, %get3A_224] {strides = array<i32>} : memref<768x128xf32, #tpu.memory_space<vmem>>, vector<16xf32>,
        %add3A_226 = arith.constant 0 : i32
        %add3A_227 = arith.addi %sub3A_205, %add3A_226 : i32
        %get3A_228 = arith.index_cast %add3A_227 : i32 to index
        %get3A_229 = arith.constant 64 : index
        %get3A_230 = tpu.vector_load %arg9[%get3A_228, %get3A_229] {strides = array<i32>} : memref<768x128xf32, #tpu.memory_space<vmem>>, vector<16xf32>,
        %add3A_231 = arith.constant 0 : i32
        %add3A_232 = arith.addi %sub3A_205, %add3A_231 : i32
        %get3A_233 = arith.index_cast %add3A_232 : i32 to index
        %get3A_234 = arith.constant 80 : index
        %get3A_235 = tpu.vector_load %arg9[%get3A_233, %get3A_234] {strides = array<i32>} : memref<768x128xf32, #tpu.memory_space<vmem>>, vector<16xf32>,
        %add3A_236 = arith.constant 0 : i32
        %add3A_237 = arith.addi %sub3A_205, %add3A_236 : i32
        %get3A_238 = arith.index_cast %add3A_237 : i32 to index
        %get3A_239 = arith.constant 96 : index
        %get3A_240 = tpu.vector_load %arg9[%get3A_238, %get3A_239] {strides = array<i32>} : memref<768x128xf32, #tpu.memory_space<vmem>>, vector<16xf32>,
        %add3A_241 = arith.constant 0 : i32
        %add3A_242 = arith.addi %sub3A_205, %add3A_241 : i32
        %get3A_243 = arith.index_cast %add3A_242 : i32 to index
        %get3A_244 = arith.constant 112 : index
        %get3A_245 = tpu.vector_load %arg9[%get3A_243, %get3A_244] {strides = array<i32>} : memref<768x128xf32, #tpu.memory_space<vmem>>, vector<16xf32>,
        %mul3A_246 = arith.mulf %get3A_210, %get3A_210 : vector<16xf32>
        %mul3A_247 = arith.mulf %get3A_215, %get3A_215 : vector<16xf32>
        %add3A_248 = arith.addf %mul3A_246, %mul3A_247 : vector<16xf32>
        %mul3A_249 = arith.mulf %get3A_220, %get3A_220 : vector<16xf32>
        %mul3A_250 = arith.mulf %get3A_225, %get3A_225 : vector<16xf32>
        %add3A_251 = arith.addf %mul3A_249, %mul3A_250 : vector<16xf32>
        %mul3A_252 = arith.mulf %get3A_230, %get3A_230 : vector<16xf32>
        %mul3A_253 = arith.mulf %get3A_235, %get3A_235 : vector<16xf32>
        %add3A_254 = arith.addf %mul3A_252, %mul3A_253 : vector<16xf32>
        %mul3A_255 = arith.mulf %get3A_240, %get3A_240 : vector<16xf32>
        %mul3A_256 = arith.mulf %get3A_245, %get3A_245 : vector<16xf32>
        %add3A_257 = arith.addf %mul3A_255, %mul3A_256 : vector<16xf32>
        %add3A_258 = arith.addf %add3A_248, %add3A_251 : vector<16xf32>
        %add3A_259 = arith.addf %add3A_254, %add3A_257 : vector<16xf32>
        %add3A_260 = arith.addf %add3A_258, %add3A_259 : vector<16xf32>
        %reduce_sum3A = arith.constant true
        %reduce_sum3A_261 = vector.broadcast %reduce_sum3A : i1 to vector<16xi1>
        %reduce_sum3A_262 = tpu.scan <sum>, %add3A_260 masked %reduce_sum3A_261 : vector<16xf32>, vector<16xi1> -> vector<16xf32>
        %reduce_sum3A_263 = vector.extract %reduce_sum3A_262[15] : f32 from vector<16xf32>
        %max3A_264 = arith.constant 1.000000e-30 : f32
        %max3A_265 = arith.maximumf %reduce_sum3A_263, %max3A_264 : f32
        %bitcast_convert_type3A = arith.bitcast %max3A_265 : f32 to i32
        %shift_right_arithmetic3A = arith.constant 1 : i32
        %shift_right_arithmetic3A_266 = arith.shrsi %bitcast_convert_type3A, %shift_right_arithmetic3A : i32
        %sub3A_267 = arith.constant 1597463007 : i32
        %sub3A_268 = arith.subi %sub3A_267, %shift_right_arithmetic3A_266 : i32
        %bitcast_convert_type3A_269 = arith.bitcast %sub3A_268 : i32 to f32
        %mul3A_270 = arith.constant 5.000000e-01 : f32
        %mul3A_271 = arith.mulf %max3A_265, %mul3A_270 : f32
        %mul3A_272 = arith.mulf %mul3A_271, %bitcast_convert_type3A_269 : f32
        %mul3A_273 = arith.mulf %mul3A_272, %bitcast_convert_type3A_269 : f32
        %sub3A_274 = arith.constant 1.500000e+00 : f32
        %sub3A_275 = arith.subf %sub3A_274, %mul3A_273 : f32
        %mul3A_276 = arith.mulf %bitcast_convert_type3A_269, %sub3A_275 : f32
        %mul3A_277 = arith.mulf %mul3A_271, %mul3A_276 : f32
        %mul3A_278 = arith.mulf %mul3A_277, %mul3A_276 : f32
        %sub3A_279 = arith.constant 1.500000e+00 : f32
        %sub3A_280 = arith.subf %sub3A_279, %mul3A_278 : f32
        %mul3A_281 = arith.mulf %mul3A_276, %sub3A_280 : f32
        %min3A_282 = arith.constant 1.000000e+08 : f32
        %min3A_283 = arith.minimumf %mul3A_281, %min3A_282 : f32
        %broadcast_in_dim3A_284 = vector.broadcast %min3A_283 : f32 to vector<16xf32>
        %add3A_285 = arith.addf %while3A_135, %get3A_210 : vector<16xf32>
        %mul3A_286 = arith.mulf %get3A_210, %broadcast_in_dim3A_284 : vector<16xf32>
        %add3A_287 = arith.addf %while3A_143, %mul3A_286 : vector<16xf32>
        %add3A_288 = arith.addf %while3A_136, %get3A_215 : vector<16xf32>
        %mul3A_289 = arith.mulf %get3A_215, %broadcast_in_dim3A_284 : vector<16xf32>
        %add3A_290 = arith.addf %while3A_144, %mul3A_289 : vector<16xf32>
        %add3A_291 = arith.addf %while3A_137, %get3A_220 : vector<16xf32>
        %mul3A_292 = arith.mulf %get3A_220, %broadcast_in_dim3A_284 : vector<16xf32>
        %add3A_293 = arith.addf %while3A_145, %mul3A_292 : vector<16xf32>
        %add3A_294 = arith.addf %while3A_138, %get3A_225 : vector<16xf32>
        %mul3A_295 = arith.mulf %get3A_225, %broadcast_in_dim3A_284 : vector<16xf32>
        %add3A_296 = arith.addf %while3A_146, %mul3A_295 : vector<16xf32>
        %add3A_297 = arith.addf %while3A_139, %get3A_230 : vector<16xf32>
        %mul3A_298 = arith.mulf %get3A_230, %broadcast_in_dim3A_284 : vector<16xf32>
        %add3A_299 = arith.addf %while3A_147, %mul3A_298 : vector<16xf32>
        %add3A_300 = arith.addf %while3A_140, %get3A_235 : vector<16xf32>
        %mul3A_301 = arith.mulf %get3A_235, %broadcast_in_dim3A_284 : vector<16xf32>
        %add3A_302 = arith.addf %while3A_148, %mul3A_301 : vector<16xf32>
        %add3A_303 = arith.addf %while3A_141, %get3A_240 : vector<16xf32>
        %mul3A_304 = arith.mulf %get3A_240, %broadcast_in_dim3A_284 : vector<16xf32>
        %add3A_305 = arith.addf %while3A_149, %mul3A_304 : vector<16xf32>
        %add3A_306 = arith.addf %while3A_142, %get3A_245 : vector<16xf32>
        %mul3A_307 = arith.mulf %get3A_245, %broadcast_in_dim3A_284 : vector<16xf32>
        %add3A_308 = arith.addf %while3A_150, %mul3A_307 : vector<16xf32>
        %add3A_309 = arith.constant 1 : i32
        %add3A_310 = arith.addi %sub3A_205, %add3A_309 : i32
        %get3A_311 = arith.index_cast %add3A_310 : i32 to index
        %get3A_312 = arith.constant 0 : index
        %get3A_313 = tpu.vector_load %arg9[%get3A_311, %get3A_312] {strides = array<i32>} : memref<768x128xf32, #tpu.memory_space<vmem>>, vector<16xf32>,
        %add3A_314 = arith.constant 1 : i32
        %add3A_315 = arith.addi %sub3A_205, %add3A_314 : i32
        %get3A_316 = arith.index_cast %add3A_315 : i32 to index
        %get3A_317 = arith.constant 16 : index
        %get3A_318 = tpu.vector_load %arg9[%get3A_316, %get3A_317] {strides = array<i32>} : memref<768x128xf32, #tpu.memory_space<vmem>>, vector<16xf32>,
        %add3A_319 = arith.constant 1 : i32
        %add3A_320 = arith.addi %sub3A_205, %add3A_319 : i32
        %get3A_321 = arith.index_cast %add3A_320 : i32 to index
        %get3A_322 = arith.constant 32 : index
        %get3A_323 = tpu.vector_load %arg9[%get3A_321, %get3A_322] {strides = array<i32>} : memref<768x128xf32, #tpu.memory_space<vmem>>, vector<16xf32>,
        %add3A_324 = arith.constant 1 : i32
        %add3A_325 = arith.addi %sub3A_205, %add3A_324 : i32
        %get3A_326 = arith.index_cast %add3A_325 : i32 to index
        %get3A_327 = arith.constant 48 : index
        %get3A_328 = tpu.vector_load %arg9[%get3A_326, %get3A_327] {strides = array<i32>} : memref<768x128xf32, #tpu.memory_space<vmem>>, vector<16xf32>,
        %add3A_329 = arith.constant 1 : i32
        %add3A_330 = arith.addi %sub3A_205, %add3A_329 : i32
        %get3A_331 = arith.index_cast %add3A_330 : i32 to index
        %get3A_332 = arith.constant 64 : index
        %get3A_333 = tpu.vector_load %arg9[%get3A_331, %get3A_332] {strides = array<i32>} : memref<768x128xf32, #tpu.memory_space<vmem>>, vector<16xf32>,
        %add3A_334 = arith.constant 1 : i32
        %add3A_335 = arith.addi %sub3A_205, %add3A_334 : i32
        %get3A_336 = arith.index_cast %add3A_335 : i32 to index
        %get3A_337 = arith.constant 80 : index
        %get3A_338 = tpu.vector_load %arg9[%get3A_336, %get3A_337] {strides = array<i32>} : memref<768x128xf32, #tpu.memory_space<vmem>>, vector<16xf32>,
        %add3A_339 = arith.constant 1 : i32
        %add3A_340 = arith.addi %sub3A_205, %add3A_339 : i32
        %get3A_341 = arith.index_cast %add3A_340 : i32 to index
        %get3A_342 = arith.constant 96 : index
        %get3A_343 = tpu.vector_load %arg9[%get3A_341, %get3A_342] {strides = array<i32>} : memref<768x128xf32, #tpu.memory_space<vmem>>, vector<16xf32>,
        %add3A_344 = arith.constant 1 : i32
        %add3A_345 = arith.addi %sub3A_205, %add3A_344 : i32
        %get3A_346 = arith.index_cast %add3A_345 : i32 to index
        %get3A_347 = arith.constant 112 : index
        %get3A_348 = tpu.vector_load %arg9[%get3A_346, %get3A_347] {strides = array<i32>} : memref<768x128xf32, #tpu.memory_space<vmem>>, vector<16xf32>,
        %mul3A_349 = arith.mulf %get3A_313, %get3A_313 : vector<16xf32>
        %mul3A_350 = arith.mulf %get3A_318, %get3A_318 : vector<16xf32>
        %add3A_351 = arith.addf %mul3A_349, %mul3A_350 : vector<16xf32>
        %mul3A_352 = arith.mulf %get3A_323, %get3A_323 : vector<16xf32>
        %mul3A_353 = arith.mulf %get3A_328, %get3A_328 : vector<16xf32>
        %add3A_354 = arith.addf %mul3A_352, %mul3A_353 : vector<16xf32>
        %mul3A_355 = arith.mulf %get3A_333, %get3A_333 : vector<16xf32>
        %mul3A_356 = arith.mulf %get3A_338, %get3A_338 : vector<16xf32>
        %add3A_357 = arith.addf %mul3A_355, %mul3A_356 : vector<16xf32>
        %mul3A_358 = arith.mulf %get3A_343, %get3A_343 : vector<16xf32>
        %mul3A_359 = arith.mulf %get3A_348, %get3A_348 : vector<16xf32>
        %add3A_360 = arith.addf %mul3A_358, %mul3A_359 : vector<16xf32>
        %add3A_361 = arith.addf %add3A_351, %add3A_354 : vector<16xf32>
        %add3A_362 = arith.addf %add3A_357, %add3A_360 : vector<16xf32>
        %add3A_363 = arith.addf %add3A_361, %add3A_362 : vector<16xf32>
        %reduce_sum3A_364 = arith.constant true
        %reduce_sum3A_365 = vector.broadcast %reduce_sum3A_364 : i1 to vector<16xi1>
        %reduce_sum3A_366 = tpu.scan <sum>, %add3A_363 masked %reduce_sum3A_365 : vector<16xf32>, vector<16xi1> -> vector<16xf32>
        %reduce_sum3A_367 = vector.extract %reduce_sum3A_366[15] : f32 from vector<16xf32>
        %max3A_368 = arith.constant 1.000000e-30 : f32
        %max3A_369 = arith.maximumf %reduce_sum3A_367, %max3A_368 : f32
        %bitcast_convert_type3A_370 = arith.bitcast %max3A_369 : f32 to i32
        %shift_right_arithmetic3A_371 = arith.constant 1 : i32
        %shift_right_arithmetic3A_372 = arith.shrsi %bitcast_convert_type3A_370, %shift_right_arithmetic3A_371 : i32
        %sub3A_373 = arith.constant 1597463007 : i32
        %sub3A_374 = arith.subi %sub3A_373, %shift_right_arithmetic3A_372 : i32
        %bitcast_convert_type3A_375 = arith.bitcast %sub3A_374 : i32 to f32
        %mul3A_376 = arith.constant 5.000000e-01 : f32
        %mul3A_377 = arith.mulf %max3A_369, %mul3A_376 : f32
        %mul3A_378 = arith.mulf %mul3A_377, %bitcast_convert_type3A_375 : f32
        %mul3A_379 = arith.mulf %mul3A_378, %bitcast_convert_type3A_375 : f32
        %sub3A_380 = arith.constant 1.500000e+00 : f32
        %sub3A_381 = arith.subf %sub3A_380, %mul3A_379 : f32
        %mul3A_382 = arith.mulf %bitcast_convert_type3A_375, %sub3A_381 : f32
        %mul3A_383 = arith.mulf %mul3A_377, %mul3A_382 : f32
        %mul3A_384 = arith.mulf %mul3A_383, %mul3A_382 : f32
        %sub3A_385 = arith.constant 1.500000e+00 : f32
        %sub3A_386 = arith.subf %sub3A_385, %mul3A_384 : f32
        %mul3A_387 = arith.mulf %mul3A_382, %sub3A_386 : f32
        %min3A_388 = arith.constant 1.000000e+08 : f32
        %min3A_389 = arith.minimumf %mul3A_387, %min3A_388 : f32
        %broadcast_in_dim3A_390 = vector.broadcast %min3A_389 : f32 to vector<16xf32>
        %add3A_391 = arith.addf %add3A_285, %get3A_313 : vector<16xf32>
        %mul3A_392 = arith.mulf %get3A_313, %broadcast_in_dim3A_390 : vector<16xf32>
        %add3A_393 = arith.addf %add3A_287, %mul3A_392 : vector<16xf32>
        %add3A_394 = arith.addf %add3A_288, %get3A_318 : vector<16xf32>
        %mul3A_395 = arith.mulf %get3A_318, %broadcast_in_dim3A_390 : vector<16xf32>
        %add3A_396 = arith.addf %add3A_290, %mul3A_395 : vector<16xf32>
        %add3A_397 = arith.addf %add3A_291, %get3A_323 : vector<16xf32>
        %mul3A_398 = arith.mulf %get3A_323, %broadcast_in_dim3A_390 : vector<16xf32>
        %add3A_399 = arith.addf %add3A_293, %mul3A_398 : vector<16xf32>
        %add3A_400 = arith.addf %add3A_294, %get3A_328 : vector<16xf32>
        %mul3A_401 = arith.mulf %get3A_328, %broadcast_in_dim3A_390 : vector<16xf32>
        %add3A_402 = arith.addf %add3A_296, %mul3A_401 : vector<16xf32>
        %add3A_403 = arith.addf %add3A_297, %get3A_333 : vector<16xf32>
        %mul3A_404 = arith.mulf %get3A_333, %broadcast_in_dim3A_390 : vector<16xf32>
        %add3A_405 = arith.addf %add3A_299, %mul3A_404 : vector<16xf32>
        %add3A_406 = arith.addf %add3A_300, %get3A_338 : vector<16xf32>
        %mul3A_407 = arith.mulf %get3A_338, %broadcast_in_dim3A_390 : vector<16xf32>
        %add3A_408 = arith.addf %add3A_302, %mul3A_407 : vector<16xf32>
        %add3A_409 = arith.addf %add3A_303, %get3A_343 : vector<16xf32>
        %mul3A_410 = arith.mulf %get3A_343, %broadcast_in_dim3A_390 : vector<16xf32>
        %add3A_411 = arith.addf %add3A_305, %mul3A_410 : vector<16xf32>
        %add3A_412 = arith.addf %add3A_306, %get3A_348 : vector<16xf32>
        %mul3A_413 = arith.mulf %get3A_348, %broadcast_in_dim3A_390 : vector<16xf32>
        %add3A_414 = arith.addf %add3A_308, %mul3A_413 : vector<16xf32>
        %add3A_415 = arith.constant 2 : i32
        %add3A_416 = arith.addi %sub3A_205, %add3A_415 : i32
        %get3A_417 = arith.index_cast %add3A_416 : i32 to index
        %get3A_418 = arith.constant 0 : index
        %get3A_419 = tpu.vector_load %arg9[%get3A_417, %get3A_418] {strides = array<i32>} : memref<768x128xf32, #tpu.memory_space<vmem>>, vector<16xf32>,
        %add3A_420 = arith.constant 2 : i32
        %add3A_421 = arith.addi %sub3A_205, %add3A_420 : i32
        %get3A_422 = arith.index_cast %add3A_421 : i32 to index
        %get3A_423 = arith.constant 16 : index
        %get3A_424 = tpu.vector_load %arg9[%get3A_422, %get3A_423] {strides = array<i32>} : memref<768x128xf32, #tpu.memory_space<vmem>>, vector<16xf32>,
        %add3A_425 = arith.constant 2 : i32
        %add3A_426 = arith.addi %sub3A_205, %add3A_425 : i32
        %get3A_427 = arith.index_cast %add3A_426 : i32 to index
        %get3A_428 = arith.constant 32 : index
        %get3A_429 = tpu.vector_load %arg9[%get3A_427, %get3A_428] {strides = array<i32>} : memref<768x128xf32, #tpu.memory_space<vmem>>, vector<16xf32>,
        %add3A_430 = arith.constant 2 : i32
        %add3A_431 = arith.addi %sub3A_205, %add3A_430 : i32
        %get3A_432 = arith.index_cast %add3A_431 : i32 to index
        %get3A_433 = arith.constant 48 : index
        %get3A_434 = tpu.vector_load %arg9[%get3A_432, %get3A_433] {strides = array<i32>} : memref<768x128xf32, #tpu.memory_space<vmem>>, vector<16xf32>,
        %add3A_435 = arith.constant 2 : i32
        %add3A_436 = arith.addi %sub3A_205, %add3A_435 : i32
        %get3A_437 = arith.index_cast %add3A_436 : i32 to index
        %get3A_438 = arith.constant 64 : index
        %get3A_439 = tpu.vector_load %arg9[%get3A_437, %get3A_438] {strides = array<i32>} : memref<768x128xf32, #tpu.memory_space<vmem>>, vector<16xf32>,
        %add3A_440 = arith.constant 2 : i32
        %add3A_441 = arith.addi %sub3A_205, %add3A_440 : i32
        %get3A_442 = arith.index_cast %add3A_441 : i32 to index
        %get3A_443 = arith.constant 80 : index
        %get3A_444 = tpu.vector_load %arg9[%get3A_442, %get3A_443] {strides = array<i32>} : memref<768x128xf32, #tpu.memory_space<vmem>>, vector<16xf32>,
        %add3A_445 = arith.constant 2 : i32
        %add3A_446 = arith.addi %sub3A_205, %add3A_445 : i32
        %get3A_447 = arith.index_cast %add3A_446 : i32 to index
        %get3A_448 = arith.constant 96 : index
        %get3A_449 = tpu.vector_load %arg9[%get3A_447, %get3A_448] {strides = array<i32>} : memref<768x128xf32, #tpu.memory_space<vmem>>, vector<16xf32>,
        %add3A_450 = arith.constant 2 : i32
        %add3A_451 = arith.addi %sub3A_205, %add3A_450 : i32
        %get3A_452 = arith.index_cast %add3A_451 : i32 to index
        %get3A_453 = arith.constant 112 : index
        %get3A_454 = tpu.vector_load %arg9[%get3A_452, %get3A_453] {strides = array<i32>} : memref<768x128xf32, #tpu.memory_space<vmem>>, vector<16xf32>,
        %mul3A_455 = arith.mulf %get3A_419, %get3A_419 : vector<16xf32>
        %mul3A_456 = arith.mulf %get3A_424, %get3A_424 : vector<16xf32>
        %add3A_457 = arith.addf %mul3A_455, %mul3A_456 : vector<16xf32>
        %mul3A_458 = arith.mulf %get3A_429, %get3A_429 : vector<16xf32>
        %mul3A_459 = arith.mulf %get3A_434, %get3A_434 : vector<16xf32>
        %add3A_460 = arith.addf %mul3A_458, %mul3A_459 : vector<16xf32>
        %mul3A_461 = arith.mulf %get3A_439, %get3A_439 : vector<16xf32>
        %mul3A_462 = arith.mulf %get3A_444, %get3A_444 : vector<16xf32>
        %add3A_463 = arith.addf %mul3A_461, %mul3A_462 : vector<16xf32>
        %mul3A_464 = arith.mulf %get3A_449, %get3A_449 : vector<16xf32>
        %mul3A_465 = arith.mulf %get3A_454, %get3A_454 : vector<16xf32>
        %add3A_466 = arith.addf %mul3A_464, %mul3A_465 : vector<16xf32>
        %add3A_467 = arith.addf %add3A_457, %add3A_460 : vector<16xf32>
        %add3A_468 = arith.addf %add3A_463, %add3A_466 : vector<16xf32>
        %add3A_469 = arith.addf %add3A_467, %add3A_468 : vector<16xf32>
        %reduce_sum3A_470 = arith.constant true
        %reduce_sum3A_471 = vector.broadcast %reduce_sum3A_470 : i1 to vector<16xi1>
        %reduce_sum3A_472 = tpu.scan <sum>, %add3A_469 masked %reduce_sum3A_471 : vector<16xf32>, vector<16xi1> -> vector<16xf32>
        %reduce_sum3A_473 = vector.extract %reduce_sum3A_472[15] : f32 from vector<16xf32>
        %max3A_474 = arith.constant 1.000000e-30 : f32
        %max3A_475 = arith.maximumf %reduce_sum3A_473, %max3A_474 : f32
        %bitcast_convert_type3A_476 = arith.bitcast %max3A_475 : f32 to i32
        %shift_right_arithmetic3A_477 = arith.constant 1 : i32
        %shift_right_arithmetic3A_478 = arith.shrsi %bitcast_convert_type3A_476, %shift_right_arithmetic3A_477 : i32
        %sub3A_479 = arith.constant 1597463007 : i32
        %sub3A_480 = arith.subi %sub3A_479, %shift_right_arithmetic3A_478 : i32
        %bitcast_convert_type3A_481 = arith.bitcast %sub3A_480 : i32 to f32
        %mul3A_482 = arith.constant 5.000000e-01 : f32
        %mul3A_483 = arith.mulf %max3A_475, %mul3A_482 : f32
        %mul3A_484 = arith.mulf %mul3A_483, %bitcast_convert_type3A_481 : f32
        %mul3A_485 = arith.mulf %mul3A_484, %bitcast_convert_type3A_481 : f32
        %sub3A_486 = arith.constant 1.500000e+00 : f32
        %sub3A_487 = arith.subf %sub3A_486, %mul3A_485 : f32
        %mul3A_488 = arith.mulf %bitcast_convert_type3A_481, %sub3A_487 : f32
        %mul3A_489 = arith.mulf %mul3A_483, %mul3A_488 : f32
        %mul3A_490 = arith.mulf %mul3A_489, %mul3A_488 : f32
        %sub3A_491 = arith.constant 1.500000e+00 : f32
        %sub3A_492 = arith.subf %sub3A_491, %mul3A_490 : f32
        %mul3A_493 = arith.mulf %mul3A_488, %sub3A_492 : f32
        %min3A_494 = arith.constant 1.000000e+08 : f32
        %min3A_495 = arith.minimumf %mul3A_493, %min3A_494 : f32
        %broadcast_in_dim3A_496 = vector.broadcast %min3A_495 : f32 to vector<16xf32>
        %add3A_497 = arith.addf %add3A_391, %get3A_419 : vector<16xf32>
        %mul3A_498 = arith.mulf %get3A_419, %broadcast_in_dim3A_496 : vector<16xf32>
        %add3A_499 = arith.addf %add3A_393, %mul3A_498 : vector<16xf32>
        %add3A_500 = arith.addf %add3A_394, %get3A_424 : vector<16xf32>
        %mul3A_501 = arith.mulf %get3A_424, %broadcast_in_dim3A_496 : vector<16xf32>
        %add3A_502 = arith.addf %add3A_396, %mul3A_501 : vector<16xf32>
        %add3A_503 = arith.addf %add3A_397, %get3A_429 : vector<16xf32>
        %mul3A_504 = arith.mulf %get3A_429, %broadcast_in_dim3A_496 : vector<16xf32>
        %add3A_505 = arith.addf %add3A_399, %mul3A_504 : vector<16xf32>
        %add3A_506 = arith.addf %add3A_400, %get3A_434 : vector<16xf32>
        %mul3A_507 = arith.mulf %get3A_434, %broadcast_in_dim3A_496 : vector<16xf32>
        %add3A_508 = arith.addf %add3A_402, %mul3A_507 : vector<16xf32>
        %add3A_509 = arith.addf %add3A_403, %get3A_439 : vector<16xf32>
        %mul3A_510 = arith.mulf %get3A_439, %broadcast_in_dim3A_496 : vector<16xf32>
        %add3A_511 = arith.addf %add3A_405, %mul3A_510 : vector<16xf32>
        %add3A_512 = arith.addf %add3A_406, %get3A_444 : vector<16xf32>
        %mul3A_513 = arith.mulf %get3A_444, %broadcast_in_dim3A_496 : vector<16xf32>
        %add3A_514 = arith.addf %add3A_408, %mul3A_513 : vector<16xf32>
        %add3A_515 = arith.addf %add3A_409, %get3A_449 : vector<16xf32>
        %mul3A_516 = arith.mulf %get3A_449, %broadcast_in_dim3A_496 : vector<16xf32>
        %add3A_517 = arith.addf %add3A_411, %mul3A_516 : vector<16xf32>
        %add3A_518 = arith.addf %add3A_412, %get3A_454 : vector<16xf32>
        %mul3A_519 = arith.mulf %get3A_454, %broadcast_in_dim3A_496 : vector<16xf32>
        %add3A_520 = arith.addf %add3A_414, %mul3A_519 : vector<16xf32>
        %add3A_521 = arith.constant 3 : i32
        %add3A_522 = arith.addi %sub3A_205, %add3A_521 : i32
        %get3A_523 = arith.index_cast %add3A_522 : i32 to index
        %get3A_524 = arith.constant 0 : index
        %get3A_525 = tpu.vector_load %arg9[%get3A_523, %get3A_524] {strides = array<i32>} : memref<768x128xf32, #tpu.memory_space<vmem>>, vector<16xf32>,
        %add3A_526 = arith.constant 3 : i32
        %add3A_527 = arith.addi %sub3A_205, %add3A_526 : i32
        %get3A_528 = arith.index_cast %add3A_527 : i32 to index
        %get3A_529 = arith.constant 16 : index
        %get3A_530 = tpu.vector_load %arg9[%get3A_528, %get3A_529] {strides = array<i32>} : memref<768x128xf32, #tpu.memory_space<vmem>>, vector<16xf32>,
        %add3A_531 = arith.constant 3 : i32
        %add3A_532 = arith.addi %sub3A_205, %add3A_531 : i32
        %get3A_533 = arith.index_cast %add3A_532 : i32 to index
        %get3A_534 = arith.constant 32 : index
        %get3A_535 = tpu.vector_load %arg9[%get3A_533, %get3A_534] {strides = array<i32>} : memref<768x128xf32, #tpu.memory_space<vmem>>, vector<16xf32>,
        %add3A_536 = arith.constant 3 : i32
        %add3A_537 = arith.addi %sub3A_205, %add3A_536 : i32
        %get3A_538 = arith.index_cast %add3A_537 : i32 to index
        %get3A_539 = arith.constant 48 : index
        %get3A_540 = tpu.vector_load %arg9[%get3A_538, %get3A_539] {strides = array<i32>} : memref<768x128xf32, #tpu.memory_space<vmem>>, vector<16xf32>,
        %add3A_541 = arith.constant 3 : i32
        %add3A_542 = arith.addi %sub3A_205, %add3A_541 : i32
        %get3A_543 = arith.index_cast %add3A_542 : i32 to index
        %get3A_544 = arith.constant 64 : index
        %get3A_545 = tpu.vector_load %arg9[%get3A_543, %get3A_544] {strides = array<i32>} : memref<768x128xf32, #tpu.memory_space<vmem>>, vector<16xf32>,
        %add3A_546 = arith.constant 3 : i32
        %add3A_547 = arith.addi %sub3A_205, %add3A_546 : i32
        %get3A_548 = arith.index_cast %add3A_547 : i32 to index
        %get3A_549 = arith.constant 80 : index
        %get3A_550 = tpu.vector_load %arg9[%get3A_548, %get3A_549] {strides = array<i32>} : memref<768x128xf32, #tpu.memory_space<vmem>>, vector<16xf32>,
        %add3A_551 = arith.constant 3 : i32
        %add3A_552 = arith.addi %sub3A_205, %add3A_551 : i32
        %get3A_553 = arith.index_cast %add3A_552 : i32 to index
        %get3A_554 = arith.constant 96 : index
        %get3A_555 = tpu.vector_load %arg9[%get3A_553, %get3A_554] {strides = array<i32>} : memref<768x128xf32, #tpu.memory_space<vmem>>, vector<16xf32>,
        %add3A_556 = arith.constant 3 : i32
        %add3A_557 = arith.addi %sub3A_205, %add3A_556 : i32
        %get3A_558 = arith.index_cast %add3A_557 : i32 to index
        %get3A_559 = arith.constant 112 : index
        %get3A_560 = tpu.vector_load %arg9[%get3A_558, %get3A_559] {strides = array<i32>} : memref<768x128xf32, #tpu.memory_space<vmem>>, vector<16xf32>,
        %mul3A_561 = arith.mulf %get3A_525, %get3A_525 : vector<16xf32>
        %mul3A_562 = arith.mulf %get3A_530, %get3A_530 : vector<16xf32>
        %add3A_563 = arith.addf %mul3A_561, %mul3A_562 : vector<16xf32>
        %mul3A_564 = arith.mulf %get3A_535, %get3A_535 : vector<16xf32>
        %mul3A_565 = arith.mulf %get3A_540, %get3A_540 : vector<16xf32>
        %add3A_566 = arith.addf %mul3A_564, %mul3A_565 : vector<16xf32>
        %mul3A_567 = arith.mulf %get3A_545, %get3A_545 : vector<16xf32>
        %mul3A_568 = arith.mulf %get3A_550, %get3A_550 : vector<16xf32>
        %add3A_569 = arith.addf %mul3A_567, %mul3A_568 : vector<16xf32>
        %mul3A_570 = arith.mulf %get3A_555, %get3A_555 : vector<16xf32>
        %mul3A_571 = arith.mulf %get3A_560, %get3A_560 : vector<16xf32>
        %add3A_572 = arith.addf %mul3A_570, %mul3A_571 : vector<16xf32>
        %add3A_573 = arith.addf %add3A_563, %add3A_566 : vector<16xf32>
        %add3A_574 = arith.addf %add3A_569, %add3A_572 : vector<16xf32>
        %add3A_575 = arith.addf %add3A_573, %add3A_574 : vector<16xf32>
        %reduce_sum3A_576 = arith.constant true
        %reduce_sum3A_577 = vector.broadcast %reduce_sum3A_576 : i1 to vector<16xi1>
        %reduce_sum3A_578 = tpu.scan <sum>, %add3A_575 masked %reduce_sum3A_577 : vector<16xf32>, vector<16xi1> -> vector<16xf32>
        %reduce_sum3A_579 = vector.extract %reduce_sum3A_578[15] : f32 from vector<16xf32>
        %max3A_580 = arith.constant 1.000000e-30 : f32
        %max3A_581 = arith.maximumf %reduce_sum3A_579, %max3A_580 : f32
        %bitcast_convert_type3A_582 = arith.bitcast %max3A_581 : f32 to i32
        %shift_right_arithmetic3A_583 = arith.constant 1 : i32
        %shift_right_arithmetic3A_584 = arith.shrsi %bitcast_convert_type3A_582, %shift_right_arithmetic3A_583 : i32
        %sub3A_585 = arith.constant 1597463007 : i32
        %sub3A_586 = arith.subi %sub3A_585, %shift_right_arithmetic3A_584 : i32
        %bitcast_convert_type3A_587 = arith.bitcast %sub3A_586 : i32 to f32
        %mul3A_588 = arith.constant 5.000000e-01 : f32
        %mul3A_589 = arith.mulf %max3A_581, %mul3A_588 : f32
        %mul3A_590 = arith.mulf %mul3A_589, %bitcast_convert_type3A_587 : f32
        %mul3A_591 = arith.mulf %mul3A_590, %bitcast_convert_type3A_587 : f32
        %sub3A_592 = arith.constant 1.500000e+00 : f32
        %sub3A_593 = arith.subf %sub3A_592, %mul3A_591 : f32
        %mul3A_594 = arith.mulf %bitcast_convert_type3A_587, %sub3A_593 : f32
        %mul3A_595 = arith.mulf %mul3A_589, %mul3A_594 : f32
        %mul3A_596 = arith.mulf %mul3A_595, %mul3A_594 : f32
        %sub3A_597 = arith.constant 1.500000e+00 : f32
        %sub3A_598 = arith.subf %sub3A_597, %mul3A_596 : f32
        %mul3A_599 = arith.mulf %mul3A_594, %sub3A_598 : f32
        %min3A_600 = arith.constant 1.000000e+08 : f32
        %min3A_601 = arith.minimumf %mul3A_599, %min3A_600 : f32
        %broadcast_in_dim3A_602 = vector.broadcast %min3A_601 : f32 to vector<16xf32>
        %add3A_603 = arith.addf %add3A_497, %get3A_525 : vector<16xf32>
        %mul3A_604 = arith.mulf %get3A_525, %broadcast_in_dim3A_602 : vector<16xf32>
        %add3A_605 = arith.addf %add3A_499, %mul3A_604 : vector<16xf32>
        %add3A_606 = arith.addf %add3A_500, %get3A_530 : vector<16xf32>
        %mul3A_607 = arith.mulf %get3A_530, %broadcast_in_dim3A_602 : vector<16xf32>
        %add3A_608 = arith.addf %add3A_502, %mul3A_607 : vector<16xf32>
        %add3A_609 = arith.addf %add3A_503, %get3A_535 : vector<16xf32>
        %mul3A_610 = arith.mulf %get3A_535, %broadcast_in_dim3A_602 : vector<16xf32>
        %add3A_611 = arith.addf %add3A_505, %mul3A_610 : vector<16xf32>
        %add3A_612 = arith.addf %add3A_506, %get3A_540 : vector<16xf32>
        %mul3A_613 = arith.mulf %get3A_540, %broadcast_in_dim3A_602 : vector<16xf32>
        %add3A_614 = arith.addf %add3A_508, %mul3A_613 : vector<16xf32>
        %add3A_615 = arith.addf %add3A_509, %get3A_545 : vector<16xf32>
        %mul3A_616 = arith.mulf %get3A_545, %broadcast_in_dim3A_602 : vector<16xf32>
        %add3A_617 = arith.addf %add3A_511, %mul3A_616 : vector<16xf32>
        %add3A_618 = arith.addf %add3A_512, %get3A_550 : vector<16xf32>
        %mul3A_619 = arith.mulf %get3A_550, %broadcast_in_dim3A_602 : vector<16xf32>
        %add3A_620 = arith.addf %add3A_514, %mul3A_619 : vector<16xf32>
        %add3A_621 = arith.addf %add3A_515, %get3A_555 : vector<16xf32>
        %mul3A_622 = arith.mulf %get3A_555, %broadcast_in_dim3A_602 : vector<16xf32>
        %add3A_623 = arith.addf %add3A_517, %mul3A_622 : vector<16xf32>
        %add3A_624 = arith.addf %add3A_518, %get3A_560 : vector<16xf32>
        %mul3A_625 = arith.mulf %get3A_560, %broadcast_in_dim3A_602 : vector<16xf32>
        %add3A_626 = arith.addf %add3A_520, %mul3A_625 : vector<16xf32>
        %add3A_627 = arith.constant 4 : i32
        %add3A_628 = arith.addi %sub3A_205, %add3A_627 : i32
        %get3A_629 = arith.index_cast %add3A_628 : i32 to index
        %get3A_630 = arith.constant 0 : index
        %get3A_631 = tpu.vector_load %arg9[%get3A_629, %get3A_630] {strides = array<i32>} : memref<768x128xf32, #tpu.memory_space<vmem>>, vector<16xf32>,
        %add3A_632 = arith.constant 4 : i32
        %add3A_633 = arith.addi %sub3A_205, %add3A_632 : i32
        %get3A_634 = arith.index_cast %add3A_633 : i32 to index
        %get3A_635 = arith.constant 16 : index
        %get3A_636 = tpu.vector_load %arg9[%get3A_634, %get3A_635] {strides = array<i32>} : memref<768x128xf32, #tpu.memory_space<vmem>>, vector<16xf32>,
        %add3A_637 = arith.constant 4 : i32
        %add3A_638 = arith.addi %sub3A_205, %add3A_637 : i32
        %get3A_639 = arith.index_cast %add3A_638 : i32 to index
        %get3A_640 = arith.constant 32 : index
        %get3A_641 = tpu.vector_load %arg9[%get3A_639, %get3A_640] {strides = array<i32>} : memref<768x128xf32, #tpu.memory_space<vmem>>, vector<16xf32>,
        %add3A_642 = arith.constant 4 : i32
        %add3A_643 = arith.addi %sub3A_205, %add3A_642 : i32
        %get3A_644 = arith.index_cast %add3A_643 : i32 to index
        %get3A_645 = arith.constant 48 : index
        %get3A_646 = tpu.vector_load %arg9[%get3A_644, %get3A_645] {strides = array<i32>} : memref<768x128xf32, #tpu.memory_space<vmem>>, vector<16xf32>,
        %add3A_647 = arith.constant 4 : i32
        %add3A_648 = arith.addi %sub3A_205, %add3A_647 : i32
        %get3A_649 = arith.index_cast %add3A_648 : i32 to index
        %get3A_650 = arith.constant 64 : index
        %get3A_651 = tpu.vector_load %arg9[%get3A_649, %get3A_650] {strides = array<i32>} : memref<768x128xf32, #tpu.memory_space<vmem>>, vector<16xf32>,
        %add3A_652 = arith.constant 4 : i32
        %add3A_653 = arith.addi %sub3A_205, %add3A_652 : i32
        %get3A_654 = arith.index_cast %add3A_653 : i32 to index
        %get3A_655 = arith.constant 80 : index
        %get3A_656 = tpu.vector_load %arg9[%get3A_654, %get3A_655] {strides = array<i32>} : memref<768x128xf32, #tpu.memory_space<vmem>>, vector<16xf32>,
        %add3A_657 = arith.constant 4 : i32
        %add3A_658 = arith.addi %sub3A_205, %add3A_657 : i32
        %get3A_659 = arith.index_cast %add3A_658 : i32 to index
        %get3A_660 = arith.constant 96 : index
        %get3A_661 = tpu.vector_load %arg9[%get3A_659, %get3A_660] {strides = array<i32>} : memref<768x128xf32, #tpu.memory_space<vmem>>, vector<16xf32>,
        %add3A_662 = arith.constant 4 : i32
        %add3A_663 = arith.addi %sub3A_205, %add3A_662 : i32
        %get3A_664 = arith.index_cast %add3A_663 : i32 to index
        %get3A_665 = arith.constant 112 : index
        %get3A_666 = tpu.vector_load %arg9[%get3A_664, %get3A_665] {strides = array<i32>} : memref<768x128xf32, #tpu.memory_space<vmem>>, vector<16xf32>,
        %mul3A_667 = arith.mulf %get3A_631, %get3A_631 : vector<16xf32>
        %mul3A_668 = arith.mulf %get3A_636, %get3A_636 : vector<16xf32>
        %add3A_669 = arith.addf %mul3A_667, %mul3A_668 : vector<16xf32>
        %mul3A_670 = arith.mulf %get3A_641, %get3A_641 : vector<16xf32>
        %mul3A_671 = arith.mulf %get3A_646, %get3A_646 : vector<16xf32>
        %add3A_672 = arith.addf %mul3A_670, %mul3A_671 : vector<16xf32>
        %mul3A_673 = arith.mulf %get3A_651, %get3A_651 : vector<16xf32>
        %mul3A_674 = arith.mulf %get3A_656, %get3A_656 : vector<16xf32>
        %add3A_675 = arith.addf %mul3A_673, %mul3A_674 : vector<16xf32>
        %mul3A_676 = arith.mulf %get3A_661, %get3A_661 : vector<16xf32>
        %mul3A_677 = arith.mulf %get3A_666, %get3A_666 : vector<16xf32>
        %add3A_678 = arith.addf %mul3A_676, %mul3A_677 : vector<16xf32>
        %add3A_679 = arith.addf %add3A_669, %add3A_672 : vector<16xf32>
        %add3A_680 = arith.addf %add3A_675, %add3A_678 : vector<16xf32>
        %add3A_681 = arith.addf %add3A_679, %add3A_680 : vector<16xf32>
        %reduce_sum3A_682 = arith.constant true
        %reduce_sum3A_683 = vector.broadcast %reduce_sum3A_682 : i1 to vector<16xi1>
        %reduce_sum3A_684 = tpu.scan <sum>, %add3A_681 masked %reduce_sum3A_683 : vector<16xf32>, vector<16xi1> -> vector<16xf32>
        %reduce_sum3A_685 = vector.extract %reduce_sum3A_684[15] : f32 from vector<16xf32>
        %max3A_686 = arith.constant 1.000000e-30 : f32
        %max3A_687 = arith.maximumf %reduce_sum3A_685, %max3A_686 : f32
        %bitcast_convert_type3A_688 = arith.bitcast %max3A_687 : f32 to i32
        %shift_right_arithmetic3A_689 = arith.constant 1 : i32
        %shift_right_arithmetic3A_690 = arith.shrsi %bitcast_convert_type3A_688, %shift_right_arithmetic3A_689 : i32
        %sub3A_691 = arith.constant 1597463007 : i32
        %sub3A_692 = arith.subi %sub3A_691, %shift_right_arithmetic3A_690 : i32
        %bitcast_convert_type3A_693 = arith.bitcast %sub3A_692 : i32 to f32
        %mul3A_694 = arith.constant 5.000000e-01 : f32
        %mul3A_695 = arith.mulf %max3A_687, %mul3A_694 : f32
        %mul3A_696 = arith.mulf %mul3A_695, %bitcast_convert_type3A_693 : f32
        %mul3A_697 = arith.mulf %mul3A_696, %bitcast_convert_type3A_693 : f32
        %sub3A_698 = arith.constant 1.500000e+00 : f32
        %sub3A_699 = arith.subf %sub3A_698, %mul3A_697 : f32
        %mul3A_700 = arith.mulf %bitcast_convert_type3A_693, %sub3A_699 : f32
        %mul3A_701 = arith.mulf %mul3A_695, %mul3A_700 : f32
        %mul3A_702 = arith.mulf %mul3A_701, %mul3A_700 : f32
        %sub3A_703 = arith.constant 1.500000e+00 : f32
        %sub3A_704 = arith.subf %sub3A_703, %mul3A_702 : f32
        %mul3A_705 = arith.mulf %mul3A_700, %sub3A_704 : f32
        %min3A_706 = arith.constant 1.000000e+08 : f32
        %min3A_707 = arith.minimumf %mul3A_705, %min3A_706 : f32
        %broadcast_in_dim3A_708 = vector.broadcast %min3A_707 : f32 to vector<16xf32>
        %add3A_709 = arith.addf %add3A_603, %get3A_631 : vector<16xf32>
        %mul3A_710 = arith.mulf %get3A_631, %broadcast_in_dim3A_708 : vector<16xf32>
        %add3A_711 = arith.addf %add3A_605, %mul3A_710 : vector<16xf32>
        %add3A_712 = arith.addf %add3A_606, %get3A_636 : vector<16xf32>
        %mul3A_713 = arith.mulf %get3A_636, %broadcast_in_dim3A_708 : vector<16xf32>
        %add3A_714 = arith.addf %add3A_608, %mul3A_713 : vector<16xf32>
        %add3A_715 = arith.addf %add3A_609, %get3A_641 : vector<16xf32>
        %mul3A_716 = arith.mulf %get3A_641, %broadcast_in_dim3A_708 : vector<16xf32>
        %add3A_717 = arith.addf %add3A_611, %mul3A_716 : vector<16xf32>
        %add3A_718 = arith.addf %add3A_612, %get3A_646 : vector<16xf32>
        %mul3A_719 = arith.mulf %get3A_646, %broadcast_in_dim3A_708 : vector<16xf32>
        %add3A_720 = arith.addf %add3A_614, %mul3A_719 : vector<16xf32>
        %add3A_721 = arith.addf %add3A_615, %get3A_651 : vector<16xf32>
        %mul3A_722 = arith.mulf %get3A_651, %broadcast_in_dim3A_708 : vector<16xf32>
        %add3A_723 = arith.addf %add3A_617, %mul3A_722 : vector<16xf32>
        %add3A_724 = arith.addf %add3A_618, %get3A_656 : vector<16xf32>
        %mul3A_725 = arith.mulf %get3A_656, %broadcast_in_dim3A_708 : vector<16xf32>
        %add3A_726 = arith.addf %add3A_620, %mul3A_725 : vector<16xf32>
        %add3A_727 = arith.addf %add3A_621, %get3A_661 : vector<16xf32>
        %mul3A_728 = arith.mulf %get3A_661, %broadcast_in_dim3A_708 : vector<16xf32>
        %add3A_729 = arith.addf %add3A_623, %mul3A_728 : vector<16xf32>
        %add3A_730 = arith.addf %add3A_624, %get3A_666 : vector<16xf32>
        %mul3A_731 = arith.mulf %get3A_666, %broadcast_in_dim3A_708 : vector<16xf32>
        %add3A_732 = arith.addf %add3A_626, %mul3A_731 : vector<16xf32>
        %add3A_733 = arith.constant 5 : i32
        %add3A_734 = arith.addi %sub3A_205, %add3A_733 : i32
        %get3A_735 = arith.index_cast %add3A_734 : i32 to index
        %get3A_736 = arith.constant 0 : index
        %get3A_737 = tpu.vector_load %arg9[%get3A_735, %get3A_736] {strides = array<i32>} : memref<768x128xf32, #tpu.memory_space<vmem>>, vector<16xf32>,
        %add3A_738 = arith.constant 5 : i32
        %add3A_739 = arith.addi %sub3A_205, %add3A_738 : i32
        %get3A_740 = arith.index_cast %add3A_739 : i32 to index
        %get3A_741 = arith.constant 16 : index
        %get3A_742 = tpu.vector_load %arg9[%get3A_740, %get3A_741] {strides = array<i32>} : memref<768x128xf32, #tpu.memory_space<vmem>>, vector<16xf32>,
        %add3A_743 = arith.constant 5 : i32
        %add3A_744 = arith.addi %sub3A_205, %add3A_743 : i32
        %get3A_745 = arith.index_cast %add3A_744 : i32 to index
        %get3A_746 = arith.constant 32 : index
        %get3A_747 = tpu.vector_load %arg9[%get3A_745, %get3A_746] {strides = array<i32>} : memref<768x128xf32, #tpu.memory_space<vmem>>, vector<16xf32>,
        %add3A_748 = arith.constant 5 : i32
        %add3A_749 = arith.addi %sub3A_205, %add3A_748 : i32
        %get3A_750 = arith.index_cast %add3A_749 : i32 to index
        %get3A_751 = arith.constant 48 : index
        %get3A_752 = tpu.vector_load %arg9[%get3A_750, %get3A_751] {strides = array<i32>} : memref<768x128xf32, #tpu.memory_space<vmem>>, vector<16xf32>,
        %add3A_753 = arith.constant 5 : i32
        %add3A_754 = arith.addi %sub3A_205, %add3A_753 : i32
        %get3A_755 = arith.index_cast %add3A_754 : i32 to index
        %get3A_756 = arith.constant 64 : index
        %get3A_757 = tpu.vector_load %arg9[%get3A_755, %get3A_756] {strides = array<i32>} : memref<768x128xf32, #tpu.memory_space<vmem>>, vector<16xf32>,
        %add3A_758 = arith.constant 5 : i32
        %add3A_759 = arith.addi %sub3A_205, %add3A_758 : i32
        %get3A_760 = arith.index_cast %add3A_759 : i32 to index
        %get3A_761 = arith.constant 80 : index
        %get3A_762 = tpu.vector_load %arg9[%get3A_760, %get3A_761] {strides = array<i32>} : memref<768x128xf32, #tpu.memory_space<vmem>>, vector<16xf32>,
        %add3A_763 = arith.constant 5 : i32
        %add3A_764 = arith.addi %sub3A_205, %add3A_763 : i32
        %get3A_765 = arith.index_cast %add3A_764 : i32 to index
        %get3A_766 = arith.constant 96 : index
        %get3A_767 = tpu.vector_load %arg9[%get3A_765, %get3A_766] {strides = array<i32>} : memref<768x128xf32, #tpu.memory_space<vmem>>, vector<16xf32>,
        %add3A_768 = arith.constant 5 : i32
        %add3A_769 = arith.addi %sub3A_205, %add3A_768 : i32
        %get3A_770 = arith.index_cast %add3A_769 : i32 to index
        %get3A_771 = arith.constant 112 : index
        %get3A_772 = tpu.vector_load %arg9[%get3A_770, %get3A_771] {strides = array<i32>} : memref<768x128xf32, #tpu.memory_space<vmem>>, vector<16xf32>,
        %mul3A_773 = arith.mulf %get3A_737, %get3A_737 : vector<16xf32>
        %mul3A_774 = arith.mulf %get3A_742, %get3A_742 : vector<16xf32>
        %add3A_775 = arith.addf %mul3A_773, %mul3A_774 : vector<16xf32>
        %mul3A_776 = arith.mulf %get3A_747, %get3A_747 : vector<16xf32>
        %mul3A_777 = arith.mulf %get3A_752, %get3A_752 : vector<16xf32>
        %add3A_778 = arith.addf %mul3A_776, %mul3A_777 : vector<16xf32>
        %mul3A_779 = arith.mulf %get3A_757, %get3A_757 : vector<16xf32>
        %mul3A_780 = arith.mulf %get3A_762, %get3A_762 : vector<16xf32>
        %add3A_781 = arith.addf %mul3A_779, %mul3A_780 : vector<16xf32>
        %mul3A_782 = arith.mulf %get3A_767, %get3A_767 : vector<16xf32>
        %mul3A_783 = arith.mulf %get3A_772, %get3A_772 : vector<16xf32>
        %add3A_784 = arith.addf %mul3A_782, %mul3A_783 : vector<16xf32>
        %add3A_785 = arith.addf %add3A_775, %add3A_778 : vector<16xf32>
        %add3A_786 = arith.addf %add3A_781, %add3A_784 : vector<16xf32>
        %add3A_787 = arith.addf %add3A_785, %add3A_786 : vector<16xf32>
        %reduce_sum3A_788 = arith.constant true
        %reduce_sum3A_789 = vector.broadcast %reduce_sum3A_788 : i1 to vector<16xi1>
        %reduce_sum3A_790 = tpu.scan <sum>, %add3A_787 masked %reduce_sum3A_789 : vector<16xf32>, vector<16xi1> -> vector<16xf32>
        %reduce_sum3A_791 = vector.extract %reduce_sum3A_790[15] : f32 from vector<16xf32>
        %max3A_792 = arith.constant 1.000000e-30 : f32
        %max3A_793 = arith.maximumf %reduce_sum3A_791, %max3A_792 : f32
        %bitcast_convert_type3A_794 = arith.bitcast %max3A_793 : f32 to i32
        %shift_right_arithmetic3A_795 = arith.constant 1 : i32
        %shift_right_arithmetic3A_796 = arith.shrsi %bitcast_convert_type3A_794, %shift_right_arithmetic3A_795 : i32
        %sub3A_797 = arith.constant 1597463007 : i32
        %sub3A_798 = arith.subi %sub3A_797, %shift_right_arithmetic3A_796 : i32
        %bitcast_convert_type3A_799 = arith.bitcast %sub3A_798 : i32 to f32
        %mul3A_800 = arith.constant 5.000000e-01 : f32
        %mul3A_801 = arith.mulf %max3A_793, %mul3A_800 : f32
        %mul3A_802 = arith.mulf %mul3A_801, %bitcast_convert_type3A_799 : f32
        %mul3A_803 = arith.mulf %mul3A_802, %bitcast_convert_type3A_799 : f32
        %sub3A_804 = arith.constant 1.500000e+00 : f32
        %sub3A_805 = arith.subf %sub3A_804, %mul3A_803 : f32
        %mul3A_806 = arith.mulf %bitcast_convert_type3A_799, %sub3A_805 : f32
        %mul3A_807 = arith.mulf %mul3A_801, %mul3A_806 : f32
        %mul3A_808 = arith.mulf %mul3A_807, %mul3A_806 : f32
        %sub3A_809 = arith.constant 1.500000e+00 : f32
        %sub3A_810 = arith.subf %sub3A_809, %mul3A_808 : f32
        %mul3A_811 = arith.mulf %mul3A_806, %sub3A_810 : f32
        %min3A_812 = arith.constant 1.000000e+08 : f32
        %min3A_813 = arith.minimumf %mul3A_811, %min3A_812 : f32
        %broadcast_in_dim3A_814 = vector.broadcast %min3A_813 : f32 to vector<16xf32>
        %add3A_815 = arith.addf %add3A_709, %get3A_737 : vector<16xf32>
        %mul3A_816 = arith.mulf %get3A_737, %broadcast_in_dim3A_814 : vector<16xf32>
        %add3A_817 = arith.addf %add3A_711, %mul3A_816 : vector<16xf32>
        %add3A_818 = arith.addf %add3A_712, %get3A_742 : vector<16xf32>
        %mul3A_819 = arith.mulf %get3A_742, %broadcast_in_dim3A_814 : vector<16xf32>
        %add3A_820 = arith.addf %add3A_714, %mul3A_819 : vector<16xf32>
        %add3A_821 = arith.addf %add3A_715, %get3A_747 : vector<16xf32>
        %mul3A_822 = arith.mulf %get3A_747, %broadcast_in_dim3A_814 : vector<16xf32>
        %add3A_823 = arith.addf %add3A_717, %mul3A_822 : vector<16xf32>
        %add3A_824 = arith.addf %add3A_718, %get3A_752 : vector<16xf32>
        %mul3A_825 = arith.mulf %get3A_752, %broadcast_in_dim3A_814 : vector<16xf32>
        %add3A_826 = arith.addf %add3A_720, %mul3A_825 : vector<16xf32>
        %add3A_827 = arith.addf %add3A_721, %get3A_757 : vector<16xf32>
        %mul3A_828 = arith.mulf %get3A_757, %broadcast_in_dim3A_814 : vector<16xf32>
        %add3A_829 = arith.addf %add3A_723, %mul3A_828 : vector<16xf32>
        %add3A_830 = arith.addf %add3A_724, %get3A_762 : vector<16xf32>
        %mul3A_831 = arith.mulf %get3A_762, %broadcast_in_dim3A_814 : vector<16xf32>
        %add3A_832 = arith.addf %add3A_726, %mul3A_831 : vector<16xf32>
        %add3A_833 = arith.addf %add3A_727, %get3A_767 : vector<16xf32>
        %mul3A_834 = arith.mulf %get3A_767, %broadcast_in_dim3A_814 : vector<16xf32>
        %add3A_835 = arith.addf %add3A_729, %mul3A_834 : vector<16xf32>
        %add3A_836 = arith.addf %add3A_730, %get3A_772 : vector<16xf32>
        %mul3A_837 = arith.mulf %get3A_772, %broadcast_in_dim3A_814 : vector<16xf32>
        %add3A_838 = arith.addf %add3A_732, %mul3A_837 : vector<16xf32>
        %add3A_839 = arith.constant 6 : i32
        %add3A_840 = arith.addi %sub3A_205, %add3A_839 : i32
        %get3A_841 = arith.index_cast %add3A_840 : i32 to index
        %get3A_842 = arith.constant 0 : index
        %get3A_843 = tpu.vector_load %arg9[%get3A_841, %get3A_842] {strides = array<i32>} : memref<768x128xf32, #tpu.memory_space<vmem>>, vector<16xf32>,
        %add3A_844 = arith.constant 6 : i32
        %add3A_845 = arith.addi %sub3A_205, %add3A_844 : i32
        %get3A_846 = arith.index_cast %add3A_845 : i32 to index
        %get3A_847 = arith.constant 16 : index
        %get3A_848 = tpu.vector_load %arg9[%get3A_846, %get3A_847] {strides = array<i32>} : memref<768x128xf32, #tpu.memory_space<vmem>>, vector<16xf32>,
        %add3A_849 = arith.constant 6 : i32
        %add3A_850 = arith.addi %sub3A_205, %add3A_849 : i32
        %get3A_851 = arith.index_cast %add3A_850 : i32 to index
        %get3A_852 = arith.constant 32 : index
        %get3A_853 = tpu.vector_load %arg9[%get3A_851, %get3A_852] {strides = array<i32>} : memref<768x128xf32, #tpu.memory_space<vmem>>, vector<16xf32>,
        %add3A_854 = arith.constant 6 : i32
        %add3A_855 = arith.addi %sub3A_205, %add3A_854 : i32
        %get3A_856 = arith.index_cast %add3A_855 : i32 to index
        %get3A_857 = arith.constant 48 : index
        %get3A_858 = tpu.vector_load %arg9[%get3A_856, %get3A_857] {strides = array<i32>} : memref<768x128xf32, #tpu.memory_space<vmem>>, vector<16xf32>,
        %add3A_859 = arith.constant 6 : i32
        %add3A_860 = arith.addi %sub3A_205, %add3A_859 : i32
        %get3A_861 = arith.index_cast %add3A_860 : i32 to index
        %get3A_862 = arith.constant 64 : index
        %get3A_863 = tpu.vector_load %arg9[%get3A_861, %get3A_862] {strides = array<i32>} : memref<768x128xf32, #tpu.memory_space<vmem>>, vector<16xf32>,
        %add3A_864 = arith.constant 6 : i32
        %add3A_865 = arith.addi %sub3A_205, %add3A_864 : i32
        %get3A_866 = arith.index_cast %add3A_865 : i32 to index
        %get3A_867 = arith.constant 80 : index
        %get3A_868 = tpu.vector_load %arg9[%get3A_866, %get3A_867] {strides = array<i32>} : memref<768x128xf32, #tpu.memory_space<vmem>>, vector<16xf32>,
        %add3A_869 = arith.constant 6 : i32
        %add3A_870 = arith.addi %sub3A_205, %add3A_869 : i32
        %get3A_871 = arith.index_cast %add3A_870 : i32 to index
        %get3A_872 = arith.constant 96 : index
        %get3A_873 = tpu.vector_load %arg9[%get3A_871, %get3A_872] {strides = array<i32>} : memref<768x128xf32, #tpu.memory_space<vmem>>, vector<16xf32>,
        %add3A_874 = arith.constant 6 : i32
        %add3A_875 = arith.addi %sub3A_205, %add3A_874 : i32
        %get3A_876 = arith.index_cast %add3A_875 : i32 to index
        %get3A_877 = arith.constant 112 : index
        %get3A_878 = tpu.vector_load %arg9[%get3A_876, %get3A_877] {strides = array<i32>} : memref<768x128xf32, #tpu.memory_space<vmem>>, vector<16xf32>,
        %mul3A_879 = arith.mulf %get3A_843, %get3A_843 : vector<16xf32>
        %mul3A_880 = arith.mulf %get3A_848, %get3A_848 : vector<16xf32>
        %add3A_881 = arith.addf %mul3A_879, %mul3A_880 : vector<16xf32>
        %mul3A_882 = arith.mulf %get3A_853, %get3A_853 : vector<16xf32>
        %mul3A_883 = arith.mulf %get3A_858, %get3A_858 : vector<16xf32>
        %add3A_884 = arith.addf %mul3A_882, %mul3A_883 : vector<16xf32>
        %mul3A_885 = arith.mulf %get3A_863, %get3A_863 : vector<16xf32>
        %mul3A_886 = arith.mulf %get3A_868, %get3A_868 : vector<16xf32>
        %add3A_887 = arith.addf %mul3A_885, %mul3A_886 : vector<16xf32>
        %mul3A_888 = arith.mulf %get3A_873, %get3A_873 : vector<16xf32>
        %mul3A_889 = arith.mulf %get3A_878, %get3A_878 : vector<16xf32>
        %add3A_890 = arith.addf %mul3A_888, %mul3A_889 : vector<16xf32>
        %add3A_891 = arith.addf %add3A_881, %add3A_884 : vector<16xf32>
        %add3A_892 = arith.addf %add3A_887, %add3A_890 : vector<16xf32>
        %add3A_893 = arith.addf %add3A_891, %add3A_892 : vector<16xf32>
        %reduce_sum3A_894 = arith.constant true
        %reduce_sum3A_895 = vector.broadcast %reduce_sum3A_894 : i1 to vector<16xi1>
        %reduce_sum3A_896 = tpu.scan <sum>, %add3A_893 masked %reduce_sum3A_895 : vector<16xf32>, vector<16xi1> -> vector<16xf32>
        %reduce_sum3A_897 = vector.extract %reduce_sum3A_896[15] : f32 from vector<16xf32>
        %max3A_898 = arith.constant 1.000000e-30 : f32
        %max3A_899 = arith.maximumf %reduce_sum3A_897, %max3A_898 : f32
        %bitcast_convert_type3A_900 = arith.bitcast %max3A_899 : f32 to i32
        %shift_right_arithmetic3A_901 = arith.constant 1 : i32
        %shift_right_arithmetic3A_902 = arith.shrsi %bitcast_convert_type3A_900, %shift_right_arithmetic3A_901 : i32
        %sub3A_903 = arith.constant 1597463007 : i32
        %sub3A_904 = arith.subi %sub3A_903, %shift_right_arithmetic3A_902 : i32
        %bitcast_convert_type3A_905 = arith.bitcast %sub3A_904 : i32 to f32
        %mul3A_906 = arith.constant 5.000000e-01 : f32
        %mul3A_907 = arith.mulf %max3A_899, %mul3A_906 : f32
        %mul3A_908 = arith.mulf %mul3A_907, %bitcast_convert_type3A_905 : f32
        %mul3A_909 = arith.mulf %mul3A_908, %bitcast_convert_type3A_905 : f32
        %sub3A_910 = arith.constant 1.500000e+00 : f32
        %sub3A_911 = arith.subf %sub3A_910, %mul3A_909 : f32
        %mul3A_912 = arith.mulf %bitcast_convert_type3A_905, %sub3A_911 : f32
        %mul3A_913 = arith.mulf %mul3A_907, %mul3A_912 : f32
        %mul3A_914 = arith.mulf %mul3A_913, %mul3A_912 : f32
        %sub3A_915 = arith.constant 1.500000e+00 : f32
        %sub3A_916 = arith.subf %sub3A_915, %mul3A_914 : f32
        %mul3A_917 = arith.mulf %mul3A_912, %sub3A_916 : f32
        %min3A_918 = arith.constant 1.000000e+08 : f32
        %min3A_919 = arith.minimumf %mul3A_917, %min3A_918 : f32
        %broadcast_in_dim3A_920 = vector.broadcast %min3A_919 : f32 to vector<16xf32>
        %add3A_921 = arith.addf %add3A_815, %get3A_843 : vector<16xf32>
        %mul3A_922 = arith.mulf %get3A_843, %broadcast_in_dim3A_920 : vector<16xf32>
        %add3A_923 = arith.addf %add3A_817, %mul3A_922 : vector<16xf32>
        %add3A_924 = arith.addf %add3A_818, %get3A_848 : vector<16xf32>
        %mul3A_925 = arith.mulf %get3A_848, %broadcast_in_dim3A_920 : vector<16xf32>
        %add3A_926 = arith.addf %add3A_820, %mul3A_925 : vector<16xf32>
        %add3A_927 = arith.addf %add3A_821, %get3A_853 : vector<16xf32>
        %mul3A_928 = arith.mulf %get3A_853, %broadcast_in_dim3A_920 : vector<16xf32>
        %add3A_929 = arith.addf %add3A_823, %mul3A_928 : vector<16xf32>
        %add3A_930 = arith.addf %add3A_824, %get3A_858 : vector<16xf32>
        %mul3A_931 = arith.mulf %get3A_858, %broadcast_in_dim3A_920 : vector<16xf32>
        %add3A_932 = arith.addf %add3A_826, %mul3A_931 : vector<16xf32>
        %add3A_933 = arith.addf %add3A_827, %get3A_863 : vector<16xf32>
        %mul3A_934 = arith.mulf %get3A_863, %broadcast_in_dim3A_920 : vector<16xf32>
        %add3A_935 = arith.addf %add3A_829, %mul3A_934 : vector<16xf32>
        %add3A_936 = arith.addf %add3A_830, %get3A_868 : vector<16xf32>
        %mul3A_937 = arith.mulf %get3A_868, %broadcast_in_dim3A_920 : vector<16xf32>
        %add3A_938 = arith.addf %add3A_832, %mul3A_937 : vector<16xf32>
        %add3A_939 = arith.addf %add3A_833, %get3A_873 : vector<16xf32>
        %mul3A_940 = arith.mulf %get3A_873, %broadcast_in_dim3A_920 : vector<16xf32>
        %add3A_941 = arith.addf %add3A_835, %mul3A_940 : vector<16xf32>
        %add3A_942 = arith.addf %add3A_836, %get3A_878 : vector<16xf32>
        %mul3A_943 = arith.mulf %get3A_878, %broadcast_in_dim3A_920 : vector<16xf32>
        %add3A_944 = arith.addf %add3A_838, %mul3A_943 : vector<16xf32>
        %add3A_945 = arith.constant 7 : i32
        %add3A_946 = arith.addi %sub3A_205, %add3A_945 : i32
        %get3A_947 = arith.index_cast %add3A_946 : i32 to index
        %get3A_948 = arith.constant 0 : index
        %get3A_949 = tpu.vector_load %arg9[%get3A_947, %get3A_948] {strides = array<i32>} : memref<768x128xf32, #tpu.memory_space<vmem>>, vector<16xf32>,
        %add3A_950 = arith.constant 7 : i32
        %add3A_951 = arith.addi %sub3A_205, %add3A_950 : i32
        %get3A_952 = arith.index_cast %add3A_951 : i32 to index
        %get3A_953 = arith.constant 16 : index
        %get3A_954 = tpu.vector_load %arg9[%get3A_952, %get3A_953] {strides = array<i32>} : memref<768x128xf32, #tpu.memory_space<vmem>>, vector<16xf32>,
        %add3A_955 = arith.constant 7 : i32
        %add3A_956 = arith.addi %sub3A_205, %add3A_955 : i32
        %get3A_957 = arith.index_cast %add3A_956 : i32 to index
        %get3A_958 = arith.constant 32 : index
        %get3A_959 = tpu.vector_load %arg9[%get3A_957, %get3A_958] {strides = array<i32>} : memref<768x128xf32, #tpu.memory_space<vmem>>, vector<16xf32>,
        %add3A_960 = arith.constant 7 : i32
        %add3A_961 = arith.addi %sub3A_205, %add3A_960 : i32
        %get3A_962 = arith.index_cast %add3A_961 : i32 to index
        %get3A_963 = arith.constant 48 : index
        %get3A_964 = tpu.vector_load %arg9[%get3A_962, %get3A_963] {strides = array<i32>} : memref<768x128xf32, #tpu.memory_space<vmem>>, vector<16xf32>,
        %add3A_965 = arith.constant 7 : i32
        %add3A_966 = arith.addi %sub3A_205, %add3A_965 : i32
        %get3A_967 = arith.index_cast %add3A_966 : i32 to index
        %get3A_968 = arith.constant 64 : index
        %get3A_969 = tpu.vector_load %arg9[%get3A_967, %get3A_968] {strides = array<i32>} : memref<768x128xf32, #tpu.memory_space<vmem>>, vector<16xf32>,
        %add3A_970 = arith.constant 7 : i32
        %add3A_971 = arith.addi %sub3A_205, %add3A_970 : i32
        %get3A_972 = arith.index_cast %add3A_971 : i32 to index
        %get3A_973 = arith.constant 80 : index
        %get3A_974 = tpu.vector_load %arg9[%get3A_972, %get3A_973] {strides = array<i32>} : memref<768x128xf32, #tpu.memory_space<vmem>>, vector<16xf32>,
        %add3A_975 = arith.constant 7 : i32
        %add3A_976 = arith.addi %sub3A_205, %add3A_975 : i32
        %get3A_977 = arith.index_cast %add3A_976 : i32 to index
        %get3A_978 = arith.constant 96 : index
        %get3A_979 = tpu.vector_load %arg9[%get3A_977, %get3A_978] {strides = array<i32>} : memref<768x128xf32, #tpu.memory_space<vmem>>, vector<16xf32>,
        %add3A_980 = arith.constant 7 : i32
        %add3A_981 = arith.addi %sub3A_205, %add3A_980 : i32
        %get3A_982 = arith.index_cast %add3A_981 : i32 to index
        %get3A_983 = arith.constant 112 : index
        %get3A_984 = tpu.vector_load %arg9[%get3A_982, %get3A_983] {strides = array<i32>} : memref<768x128xf32, #tpu.memory_space<vmem>>, vector<16xf32>,
        %mul3A_985 = arith.mulf %get3A_949, %get3A_949 : vector<16xf32>
        %mul3A_986 = arith.mulf %get3A_954, %get3A_954 : vector<16xf32>
        %add3A_987 = arith.addf %mul3A_985, %mul3A_986 : vector<16xf32>
        %mul3A_988 = arith.mulf %get3A_959, %get3A_959 : vector<16xf32>
        %mul3A_989 = arith.mulf %get3A_964, %get3A_964 : vector<16xf32>
        %add3A_990 = arith.addf %mul3A_988, %mul3A_989 : vector<16xf32>
        %mul3A_991 = arith.mulf %get3A_969, %get3A_969 : vector<16xf32>
        %mul3A_992 = arith.mulf %get3A_974, %get3A_974 : vector<16xf32>
        %add3A_993 = arith.addf %mul3A_991, %mul3A_992 : vector<16xf32>
        %mul3A_994 = arith.mulf %get3A_979, %get3A_979 : vector<16xf32>
        %mul3A_995 = arith.mulf %get3A_984, %get3A_984 : vector<16xf32>
        %add3A_996 = arith.addf %mul3A_994, %mul3A_995 : vector<16xf32>
        %add3A_997 = arith.addf %add3A_987, %add3A_990 : vector<16xf32>
        %add3A_998 = arith.addf %add3A_993, %add3A_996 : vector<16xf32>
        %add3A_999 = arith.addf %add3A_997, %add3A_998 : vector<16xf32>
        %reduce_sum3A_1000 = arith.constant true
        %reduce_sum3A_1001 = vector.broadcast %reduce_sum3A_1000 : i1 to vector<16xi1>
        %reduce_sum3A_1002 = tpu.scan <sum>, %add3A_999 masked %reduce_sum3A_1001 : vector<16xf32>, vector<16xi1> -> vector<16xf32>
        %reduce_sum3A_1003 = vector.extract %reduce_sum3A_1002[15] : f32 from vector<16xf32>
        %max3A_1004 = arith.constant 1.000000e-30 : f32
        %max3A_1005 = arith.maximumf %reduce_sum3A_1003, %max3A_1004 : f32
        %bitcast_convert_type3A_1006 = arith.bitcast %max3A_1005 : f32 to i32
        %shift_right_arithmetic3A_1007 = arith.constant 1 : i32
        %shift_right_arithmetic3A_1008 = arith.shrsi %bitcast_convert_type3A_1006, %shift_right_arithmetic3A_1007 : i32
        %sub3A_1009 = arith.constant 1597463007 : i32
        %sub3A_1010 = arith.subi %sub3A_1009, %shift_right_arithmetic3A_1008 : i32
        %bitcast_convert_type3A_1011 = arith.bitcast %sub3A_1010 : i32 to f32
        %mul3A_1012 = arith.constant 5.000000e-01 : f32
        %mul3A_1013 = arith.mulf %max3A_1005, %mul3A_1012 : f32
        %mul3A_1014 = arith.mulf %mul3A_1013, %bitcast_convert_type3A_1011 : f32
        %mul3A_1015 = arith.mulf %mul3A_1014, %bitcast_convert_type3A_1011 : f32
        %sub3A_1016 = arith.constant 1.500000e+00 : f32
        %sub3A_1017 = arith.subf %sub3A_1016, %mul3A_1015 : f32
        %mul3A_1018 = arith.mulf %bitcast_convert_type3A_1011, %sub3A_1017 : f32
        %mul3A_1019 = arith.mulf %mul3A_1013, %mul3A_1018 : f32
        %mul3A_1020 = arith.mulf %mul3A_1019, %mul3A_1018 : f32
        %sub3A_1021 = arith.constant 1.500000e+00 : f32
        %sub3A_1022 = arith.subf %sub3A_1021, %mul3A_1020 : f32
        %mul3A_1023 = arith.mulf %mul3A_1018, %sub3A_1022 : f32
        %min3A_1024 = arith.constant 1.000000e+08 : f32
        %min3A_1025 = arith.minimumf %mul3A_1023, %min3A_1024 : f32
        %broadcast_in_dim3A_1026 = vector.broadcast %min3A_1025 : f32 to vector<16xf32>
        %add3A_1027 = arith.addf %add3A_921, %get3A_949 : vector<16xf32>
        %mul3A_1028 = arith.mulf %get3A_949, %broadcast_in_dim3A_1026 : vector<16xf32>
        %add3A_1029 = arith.addf %add3A_923, %mul3A_1028 : vector<16xf32>
        %add3A_1030 = arith.addf %add3A_924, %get3A_954 : vector<16xf32>
        %mul3A_1031 = arith.mulf %get3A_954, %broadcast_in_dim3A_1026 : vector<16xf32>
        %add3A_1032 = arith.addf %add3A_926, %mul3A_1031 : vector<16xf32>
        %add3A_1033 = arith.addf %add3A_927, %get3A_959 : vector<16xf32>
        %mul3A_1034 = arith.mulf %get3A_959, %broadcast_in_dim3A_1026 : vector<16xf32>
        %add3A_1035 = arith.addf %add3A_929, %mul3A_1034 : vector<16xf32>
        %add3A_1036 = arith.addf %add3A_930, %get3A_964 : vector<16xf32>
        %mul3A_1037 = arith.mulf %get3A_964, %broadcast_in_dim3A_1026 : vector<16xf32>
        %add3A_1038 = arith.addf %add3A_932, %mul3A_1037 : vector<16xf32>
        %add3A_1039 = arith.addf %add3A_933, %get3A_969 : vector<16xf32>
        %mul3A_1040 = arith.mulf %get3A_969, %broadcast_in_dim3A_1026 : vector<16xf32>
        %add3A_1041 = arith.addf %add3A_935, %mul3A_1040 : vector<16xf32>
        %add3A_1042 = arith.addf %add3A_936, %get3A_974 : vector<16xf32>
        %mul3A_1043 = arith.mulf %get3A_974, %broadcast_in_dim3A_1026 : vector<16xf32>
        %add3A_1044 = arith.addf %add3A_938, %mul3A_1043 : vector<16xf32>
        %add3A_1045 = arith.addf %add3A_939, %get3A_979 : vector<16xf32>
        %mul3A_1046 = arith.mulf %get3A_979, %broadcast_in_dim3A_1026 : vector<16xf32>
        %add3A_1047 = arith.addf %add3A_941, %mul3A_1046 : vector<16xf32>
        %add3A_1048 = arith.addf %add3A_942, %get3A_984 : vector<16xf32>
        %mul3A_1049 = arith.mulf %get3A_984, %broadcast_in_dim3A_1026 : vector<16xf32>
        %add3A_1050 = arith.addf %add3A_944, %mul3A_1049 : vector<16xf32>
        %add3A_1051 = arith.constant 8 : i32
        %add3A_1052 = arith.addi %sub3A_205, %add3A_1051 : i32
        %get3A_1053 = arith.index_cast %add3A_1052 : i32 to index
        %get3A_1054 = arith.constant 0 : index
        %get3A_1055 = tpu.vector_load %arg9[%get3A_1053, %get3A_1054] {strides = array<i32>} : memref<768x128xf32, #tpu.memory_space<vmem>>, vector<16xf32>,
        %add3A_1056 = arith.constant 8 : i32
        %add3A_1057 = arith.addi %sub3A_205, %add3A_1056 : i32
        %get3A_1058 = arith.index_cast %add3A_1057 : i32 to index
        %get3A_1059 = arith.constant 16 : index
        %get3A_1060 = tpu.vector_load %arg9[%get3A_1058, %get3A_1059] {strides = array<i32>} : memref<768x128xf32, #tpu.memory_space<vmem>>, vector<16xf32>,
        %add3A_1061 = arith.constant 8 : i32
        %add3A_1062 = arith.addi %sub3A_205, %add3A_1061 : i32
        %get3A_1063 = arith.index_cast %add3A_1062 : i32 to index
        %get3A_1064 = arith.constant 32 : index
        %get3A_1065 = tpu.vector_load %arg9[%get3A_1063, %get3A_1064] {strides = array<i32>} : memref<768x128xf32, #tpu.memory_space<vmem>>, vector<16xf32>,
        %add3A_1066 = arith.constant 8 : i32
        %add3A_1067 = arith.addi %sub3A_205, %add3A_1066 : i32
        %get3A_1068 = arith.index_cast %add3A_1067 : i32 to index
        %get3A_1069 = arith.constant 48 : index
        %get3A_1070 = tpu.vector_load %arg9[%get3A_1068, %get3A_1069] {strides = array<i32>} : memref<768x128xf32, #tpu.memory_space<vmem>>, vector<16xf32>,
        %add3A_1071 = arith.constant 8 : i32
        %add3A_1072 = arith.addi %sub3A_205, %add3A_1071 : i32
        %get3A_1073 = arith.index_cast %add3A_1072 : i32 to index
        %get3A_1074 = arith.constant 64 : index
        %get3A_1075 = tpu.vector_load %arg9[%get3A_1073, %get3A_1074] {strides = array<i32>} : memref<768x128xf32, #tpu.memory_space<vmem>>, vector<16xf32>,
        %add3A_1076 = arith.constant 8 : i32
        %add3A_1077 = arith.addi %sub3A_205, %add3A_1076 : i32
        %get3A_1078 = arith.index_cast %add3A_1077 : i32 to index
        %get3A_1079 = arith.constant 80 : index
        %get3A_1080 = tpu.vector_load %arg9[%get3A_1078, %get3A_1079] {strides = array<i32>} : memref<768x128xf32, #tpu.memory_space<vmem>>, vector<16xf32>,
        %add3A_1081 = arith.constant 8 : i32
        %add3A_1082 = arith.addi %sub3A_205, %add3A_1081 : i32
        %get3A_1083 = arith.index_cast %add3A_1082 : i32 to index
        %get3A_1084 = arith.constant 96 : index
        %get3A_1085 = tpu.vector_load %arg9[%get3A_1083, %get3A_1084] {strides = array<i32>} : memref<768x128xf32, #tpu.memory_space<vmem>>, vector<16xf32>,
        %add3A_1086 = arith.constant 8 : i32
        %add3A_1087 = arith.addi %sub3A_205, %add3A_1086 : i32
        %get3A_1088 = arith.index_cast %add3A_1087 : i32 to index
        %get3A_1089 = arith.constant 112 : index
        %get3A_1090 = tpu.vector_load %arg9[%get3A_1088, %get3A_1089] {strides = array<i32>} : memref<768x128xf32, #tpu.memory_space<vmem>>, vector<16xf32>,
        %mul3A_1091 = arith.mulf %get3A_1055, %get3A_1055 : vector<16xf32>
        %mul3A_1092 = arith.mulf %get3A_1060, %get3A_1060 : vector<16xf32>
        %add3A_1093 = arith.addf %mul3A_1091, %mul3A_1092 : vector<16xf32>
        %mul3A_1094 = arith.mulf %get3A_1065, %get3A_1065 : vector<16xf32>
        %mul3A_1095 = arith.mulf %get3A_1070, %get3A_1070 : vector<16xf32>
        %add3A_1096 = arith.addf %mul3A_1094, %mul3A_1095 : vector<16xf32>
        %mul3A_1097 = arith.mulf %get3A_1075, %get3A_1075 : vector<16xf32>
        %mul3A_1098 = arith.mulf %get3A_1080, %get3A_1080 : vector<16xf32>
        %add3A_1099 = arith.addf %mul3A_1097, %mul3A_1098 : vector<16xf32>
        %mul3A_1100 = arith.mulf %get3A_1085, %get3A_1085 : vector<16xf32>
        %mul3A_1101 = arith.mulf %get3A_1090, %get3A_1090 : vector<16xf32>
        %add3A_1102 = arith.addf %mul3A_1100, %mul3A_1101 : vector<16xf32>
        %add3A_1103 = arith.addf %add3A_1093, %add3A_1096 : vector<16xf32>
        %add3A_1104 = arith.addf %add3A_1099, %add3A_1102 : vector<16xf32>
        %add3A_1105 = arith.addf %add3A_1103, %add3A_1104 : vector<16xf32>
        %reduce_sum3A_1106 = arith.constant true
        %reduce_sum3A_1107 = vector.broadcast %reduce_sum3A_1106 : i1 to vector<16xi1>
        %reduce_sum3A_1108 = tpu.scan <sum>, %add3A_1105 masked %reduce_sum3A_1107 : vector<16xf32>, vector<16xi1> -> vector<16xf32>
        %reduce_sum3A_1109 = vector.extract %reduce_sum3A_1108[15] : f32 from vector<16xf32>
        %max3A_1110 = arith.constant 1.000000e-30 : f32
        %max3A_1111 = arith.maximumf %reduce_sum3A_1109, %max3A_1110 : f32
        %bitcast_convert_type3A_1112 = arith.bitcast %max3A_1111 : f32 to i32
        %shift_right_arithmetic3A_1113 = arith.constant 1 : i32
        %shift_right_arithmetic3A_1114 = arith.shrsi %bitcast_convert_type3A_1112, %shift_right_arithmetic3A_1113 : i32
        %sub3A_1115 = arith.constant 1597463007 : i32
        %sub3A_1116 = arith.subi %sub3A_1115, %shift_right_arithmetic3A_1114 : i32
        %bitcast_convert_type3A_1117 = arith.bitcast %sub3A_1116 : i32 to f32
        %mul3A_1118 = arith.constant 5.000000e-01 : f32
        %mul3A_1119 = arith.mulf %max3A_1111, %mul3A_1118 : f32
        %mul3A_1120 = arith.mulf %mul3A_1119, %bitcast_convert_type3A_1117 : f32
        %mul3A_1121 = arith.mulf %mul3A_1120, %bitcast_convert_type3A_1117 : f32
        %sub3A_1122 = arith.constant 1.500000e+00 : f32
        %sub3A_1123 = arith.subf %sub3A_1122, %mul3A_1121 : f32
        %mul3A_1124 = arith.mulf %bitcast_convert_type3A_1117, %sub3A_1123 : f32
        %mul3A_1125 = arith.mulf %mul3A_1119, %mul3A_1124 : f32
        %mul3A_1126 = arith.mulf %mul3A_1125, %mul3A_1124 : f32
        %sub3A_1127 = arith.constant 1.500000e+00 : f32
        %sub3A_1128 = arith.subf %sub3A_1127, %mul3A_1126 : f32
        %mul3A_1129 = arith.mulf %mul3A_1124, %sub3A_1128 : f32
        %min3A_1130 = arith.constant 1.000000e+08 : f32
        %min3A_1131 = arith.minimumf %mul3A_1129, %min3A_1130 : f32
        %broadcast_in_dim3A_1132 = vector.broadcast %min3A_1131 : f32 to vector<16xf32>
        %add3A_1133 = arith.addf %add3A_1027, %get3A_1055 : vector<16xf32>
        %mul3A_1134 = arith.mulf %get3A_1055, %broadcast_in_dim3A_1132 : vector<16xf32>
        %add3A_1135 = arith.addf %add3A_1029, %mul3A_1134 : vector<16xf32>
        %add3A_1136 = arith.addf %add3A_1030, %get3A_1060 : vector<16xf32>
        %mul3A_1137 = arith.mulf %get3A_1060, %broadcast_in_dim3A_1132 : vector<16xf32>
        %add3A_1138 = arith.addf %add3A_1032, %mul3A_1137 : vector<16xf32>
        %add3A_1139 = arith.addf %add3A_1033, %get3A_1065 : vector<16xf32>
        %mul3A_1140 = arith.mulf %get3A_1065, %broadcast_in_dim3A_1132 : vector<16xf32>
        %add3A_1141 = arith.addf %add3A_1035, %mul3A_1140 : vector<16xf32>
        %add3A_1142 = arith.addf %add3A_1036, %get3A_1070 : vector<16xf32>
        %mul3A_1143 = arith.mulf %get3A_1070, %broadcast_in_dim3A_1132 : vector<16xf32>
        %add3A_1144 = arith.addf %add3A_1038, %mul3A_1143 : vector<16xf32>
        %add3A_1145 = arith.addf %add3A_1039, %get3A_1075 : vector<16xf32>
        %mul3A_1146 = arith.mulf %get3A_1075, %broadcast_in_dim3A_1132 : vector<16xf32>
        %add3A_1147 = arith.addf %add3A_1041, %mul3A_1146 : vector<16xf32>
        %add3A_1148 = arith.addf %add3A_1042, %get3A_1080 : vector<16xf32>
        %mul3A_1149 = arith.mulf %get3A_1080, %broadcast_in_dim3A_1132 : vector<16xf32>
        %add3A_1150 = arith.addf %add3A_1044, %mul3A_1149 : vector<16xf32>
        %add3A_1151 = arith.addf %add3A_1045, %get3A_1085 : vector<16xf32>
        %mul3A_1152 = arith.mulf %get3A_1085, %broadcast_in_dim3A_1132 : vector<16xf32>
        %add3A_1153 = arith.addf %add3A_1047, %mul3A_1152 : vector<16xf32>
        %add3A_1154 = arith.addf %add3A_1048, %get3A_1090 : vector<16xf32>
        %mul3A_1155 = arith.mulf %get3A_1090, %broadcast_in_dim3A_1132 : vector<16xf32>
        %add3A_1156 = arith.addf %add3A_1050, %mul3A_1155 : vector<16xf32>
        %add3A_1157 = arith.constant 9 : i32
        %add3A_1158 = arith.addi %sub3A_205, %add3A_1157 : i32
        %get3A_1159 = arith.index_cast %add3A_1158 : i32 to index
        %get3A_1160 = arith.constant 0 : index
        %get3A_1161 = tpu.vector_load %arg9[%get3A_1159, %get3A_1160] {strides = array<i32>} : memref<768x128xf32, #tpu.memory_space<vmem>>, vector<16xf32>,
        %add3A_1162 = arith.constant 9 : i32
        %add3A_1163 = arith.addi %sub3A_205, %add3A_1162 : i32
        %get3A_1164 = arith.index_cast %add3A_1163 : i32 to index
        %get3A_1165 = arith.constant 16 : index
        %get3A_1166 = tpu.vector_load %arg9[%get3A_1164, %get3A_1165] {strides = array<i32>} : memref<768x128xf32, #tpu.memory_space<vmem>>, vector<16xf32>,
        %add3A_1167 = arith.constant 9 : i32
        %add3A_1168 = arith.addi %sub3A_205, %add3A_1167 : i32
        %get3A_1169 = arith.index_cast %add3A_1168 : i32 to index
        %get3A_1170 = arith.constant 32 : index
        %get3A_1171 = tpu.vector_load %arg9[%get3A_1169, %get3A_1170] {strides = array<i32>} : memref<768x128xf32, #tpu.memory_space<vmem>>, vector<16xf32>,
        %add3A_1172 = arith.constant 9 : i32
        %add3A_1173 = arith.addi %sub3A_205, %add3A_1172 : i32
        %get3A_1174 = arith.index_cast %add3A_1173 : i32 to index
        %get3A_1175 = arith.constant 48 : index
        %get3A_1176 = tpu.vector_load %arg9[%get3A_1174, %get3A_1175] {strides = array<i32>} : memref<768x128xf32, #tpu.memory_space<vmem>>, vector<16xf32>,
        %add3A_1177 = arith.constant 9 : i32
        %add3A_1178 = arith.addi %sub3A_205, %add3A_1177 : i32
        %get3A_1179 = arith.index_cast %add3A_1178 : i32 to index
        %get3A_1180 = arith.constant 64 : index
        %get3A_1181 = tpu.vector_load %arg9[%get3A_1179, %get3A_1180] {strides = array<i32>} : memref<768x128xf32, #tpu.memory_space<vmem>>, vector<16xf32>,
        %add3A_1182 = arith.constant 9 : i32
        %add3A_1183 = arith.addi %sub3A_205, %add3A_1182 : i32
        %get3A_1184 = arith.index_cast %add3A_1183 : i32 to index
        %get3A_1185 = arith.constant 80 : index
        %get3A_1186 = tpu.vector_load %arg9[%get3A_1184, %get3A_1185] {strides = array<i32>} : memref<768x128xf32, #tpu.memory_space<vmem>>, vector<16xf32>,
        %add3A_1187 = arith.constant 9 : i32
        %add3A_1188 = arith.addi %sub3A_205, %add3A_1187 : i32
        %get3A_1189 = arith.index_cast %add3A_1188 : i32 to index
        %get3A_1190 = arith.constant 96 : index
        %get3A_1191 = tpu.vector_load %arg9[%get3A_1189, %get3A_1190] {strides = array<i32>} : memref<768x128xf32, #tpu.memory_space<vmem>>, vector<16xf32>,
        %add3A_1192 = arith.constant 9 : i32
        %add3A_1193 = arith.addi %sub3A_205, %add3A_1192 : i32
        %get3A_1194 = arith.index_cast %add3A_1193 : i32 to index
        %get3A_1195 = arith.constant 112 : index
        %get3A_1196 = tpu.vector_load %arg9[%get3A_1194, %get3A_1195] {strides = array<i32>} : memref<768x128xf32, #tpu.memory_space<vmem>>, vector<16xf32>,
        %mul3A_1197 = arith.mulf %get3A_1161, %get3A_1161 : vector<16xf32>
        %mul3A_1198 = arith.mulf %get3A_1166, %get3A_1166 : vector<16xf32>
        %add3A_1199 = arith.addf %mul3A_1197, %mul3A_1198 : vector<16xf32>
        %mul3A_1200 = arith.mulf %get3A_1171, %get3A_1171 : vector<16xf32>
        %mul3A_1201 = arith.mulf %get3A_1176, %get3A_1176 : vector<16xf32>
        %add3A_1202 = arith.addf %mul3A_1200, %mul3A_1201 : vector<16xf32>
        %mul3A_1203 = arith.mulf %get3A_1181, %get3A_1181 : vector<16xf32>
        %mul3A_1204 = arith.mulf %get3A_1186, %get3A_1186 : vector<16xf32>
        %add3A_1205 = arith.addf %mul3A_1203, %mul3A_1204 : vector<16xf32>
        %mul3A_1206 = arith.mulf %get3A_1191, %get3A_1191 : vector<16xf32>
        %mul3A_1207 = arith.mulf %get3A_1196, %get3A_1196 : vector<16xf32>
        %add3A_1208 = arith.addf %mul3A_1206, %mul3A_1207 : vector<16xf32>
        %add3A_1209 = arith.addf %add3A_1199, %add3A_1202 : vector<16xf32>
        %add3A_1210 = arith.addf %add3A_1205, %add3A_1208 : vector<16xf32>
        %add3A_1211 = arith.addf %add3A_1209, %add3A_1210 : vector<16xf32>
        %reduce_sum3A_1212 = arith.constant true
        %reduce_sum3A_1213 = vector.broadcast %reduce_sum3A_1212 : i1 to vector<16xi1>
        %reduce_sum3A_1214 = tpu.scan <sum>, %add3A_1211 masked %reduce_sum3A_1213 : vector<16xf32>, vector<16xi1> -> vector<16xf32>
        %reduce_sum3A_1215 = vector.extract %reduce_sum3A_1214[15] : f32 from vector<16xf32>
        %max3A_1216 = arith.constant 1.000000e-30 : f32
        %max3A_1217 = arith.maximumf %reduce_sum3A_1215, %max3A_1216 : f32
        %bitcast_convert_type3A_1218 = arith.bitcast %max3A_1217 : f32 to i32
        %shift_right_arithmetic3A_1219 = arith.constant 1 : i32
        %shift_right_arithmetic3A_1220 = arith.shrsi %bitcast_convert_type3A_1218, %shift_right_arithmetic3A_1219 : i32
        %sub3A_1221 = arith.constant 1597463007 : i32
        %sub3A_1222 = arith.subi %sub3A_1221, %shift_right_arithmetic3A_1220 : i32
        %bitcast_convert_type3A_1223 = arith.bitcast %sub3A_1222 : i32 to f32
        %mul3A_1224 = arith.constant 5.000000e-01 : f32
        %mul3A_1225 = arith.mulf %max3A_1217, %mul3A_1224 : f32
        %mul3A_1226 = arith.mulf %mul3A_1225, %bitcast_convert_type3A_1223 : f32
        %mul3A_1227 = arith.mulf %mul3A_1226, %bitcast_convert_type3A_1223 : f32
        %sub3A_1228 = arith.constant 1.500000e+00 : f32
        %sub3A_1229 = arith.subf %sub3A_1228, %mul3A_1227 : f32
        %mul3A_1230 = arith.mulf %bitcast_convert_type3A_1223, %sub3A_1229 : f32
        %mul3A_1231 = arith.mulf %mul3A_1225, %mul3A_1230 : f32
        %mul3A_1232 = arith.mulf %mul3A_1231, %mul3A_1230 : f32
        %sub3A_1233 = arith.constant 1.500000e+00 : f32
        %sub3A_1234 = arith.subf %sub3A_1233, %mul3A_1232 : f32
        %mul3A_1235 = arith.mulf %mul3A_1230, %sub3A_1234 : f32
        %min3A_1236 = arith.constant 1.000000e+08 : f32
        %min3A_1237 = arith.minimumf %mul3A_1235, %min3A_1236 : f32
        %broadcast_in_dim3A_1238 = vector.broadcast %min3A_1237 : f32 to vector<16xf32>
        %add3A_1239 = arith.addf %add3A_1133, %get3A_1161 : vector<16xf32>
        %mul3A_1240 = arith.mulf %get3A_1161, %broadcast_in_dim3A_1238 : vector<16xf32>
        %add3A_1241 = arith.addf %add3A_1135, %mul3A_1240 : vector<16xf32>
        %add3A_1242 = arith.addf %add3A_1136, %get3A_1166 : vector<16xf32>
        %mul3A_1243 = arith.mulf %get3A_1166, %broadcast_in_dim3A_1238 : vector<16xf32>
        %add3A_1244 = arith.addf %add3A_1138, %mul3A_1243 : vector<16xf32>
        %add3A_1245 = arith.addf %add3A_1139, %get3A_1171 : vector<16xf32>
        %mul3A_1246 = arith.mulf %get3A_1171, %broadcast_in_dim3A_1238 : vector<16xf32>
        %add3A_1247 = arith.addf %add3A_1141, %mul3A_1246 : vector<16xf32>
        %add3A_1248 = arith.addf %add3A_1142, %get3A_1176 : vector<16xf32>
        %mul3A_1249 = arith.mulf %get3A_1176, %broadcast_in_dim3A_1238 : vector<16xf32>
        %add3A_1250 = arith.addf %add3A_1144, %mul3A_1249 : vector<16xf32>
        %add3A_1251 = arith.addf %add3A_1145, %get3A_1181 : vector<16xf32>
        %mul3A_1252 = arith.mulf %get3A_1181, %broadcast_in_dim3A_1238 : vector<16xf32>
        %add3A_1253 = arith.addf %add3A_1147, %mul3A_1252 : vector<16xf32>
        %add3A_1254 = arith.addf %add3A_1148, %get3A_1186 : vector<16xf32>
        %mul3A_1255 = arith.mulf %get3A_1186, %broadcast_in_dim3A_1238 : vector<16xf32>
        %add3A_1256 = arith.addf %add3A_1150, %mul3A_1255 : vector<16xf32>
        %add3A_1257 = arith.addf %add3A_1151, %get3A_1191 : vector<16xf32>
        %mul3A_1258 = arith.mulf %get3A_1191, %broadcast_in_dim3A_1238 : vector<16xf32>
        %add3A_1259 = arith.addf %add3A_1153, %mul3A_1258 : vector<16xf32>
        %add3A_1260 = arith.addf %add3A_1154, %get3A_1196 : vector<16xf32>
        %mul3A_1261 = arith.mulf %get3A_1196, %broadcast_in_dim3A_1238 : vector<16xf32>
        %add3A_1262 = arith.addf %add3A_1156, %mul3A_1261 : vector<16xf32>
        %add3A_1263 = arith.constant 10 : i32
        %add3A_1264 = arith.addi %sub3A_205, %add3A_1263 : i32
        %get3A_1265 = arith.index_cast %add3A_1264 : i32 to index
        %get3A_1266 = arith.constant 0 : index
        %get3A_1267 = tpu.vector_load %arg9[%get3A_1265, %get3A_1266] {strides = array<i32>} : memref<768x128xf32, #tpu.memory_space<vmem>>, vector<16xf32>,
        %add3A_1268 = arith.constant 10 : i32
        %add3A_1269 = arith.addi %sub3A_205, %add3A_1268 : i32
        %get3A_1270 = arith.index_cast %add3A_1269 : i32 to index
        %get3A_1271 = arith.constant 16 : index
        %get3A_1272 = tpu.vector_load %arg9[%get3A_1270, %get3A_1271] {strides = array<i32>} : memref<768x128xf32, #tpu.memory_space<vmem>>, vector<16xf32>,
        %add3A_1273 = arith.constant 10 : i32
        %add3A_1274 = arith.addi %sub3A_205, %add3A_1273 : i32
        %get3A_1275 = arith.index_cast %add3A_1274 : i32 to index
        %get3A_1276 = arith.constant 32 : index
        %get3A_1277 = tpu.vector_load %arg9[%get3A_1275, %get3A_1276] {strides = array<i32>} : memref<768x128xf32, #tpu.memory_space<vmem>>, vector<16xf32>,
        %add3A_1278 = arith.constant 10 : i32
        %add3A_1279 = arith.addi %sub3A_205, %add3A_1278 : i32
        %get3A_1280 = arith.index_cast %add3A_1279 : i32 to index
        %get3A_1281 = arith.constant 48 : index
        %get3A_1282 = tpu.vector_load %arg9[%get3A_1280, %get3A_1281] {strides = array<i32>} : memref<768x128xf32, #tpu.memory_space<vmem>>, vector<16xf32>,
        %add3A_1283 = arith.constant 10 : i32
        %add3A_1284 = arith.addi %sub3A_205, %add3A_1283 : i32
        %get3A_1285 = arith.index_cast %add3A_1284 : i32 to index
        %get3A_1286 = arith.constant 64 : index
        %get3A_1287 = tpu.vector_load %arg9[%get3A_1285, %get3A_1286] {strides = array<i32>} : memref<768x128xf32, #tpu.memory_space<vmem>>, vector<16xf32>,
        %add3A_1288 = arith.constant 10 : i32
        %add3A_1289 = arith.addi %sub3A_205, %add3A_1288 : i32
        %get3A_1290 = arith.index_cast %add3A_1289 : i32 to index
        %get3A_1291 = arith.constant 80 : index
        %get3A_1292 = tpu.vector_load %arg9[%get3A_1290, %get3A_1291] {strides = array<i32>} : memref<768x128xf32, #tpu.memory_space<vmem>>, vector<16xf32>,
        %add3A_1293 = arith.constant 10 : i32
        %add3A_1294 = arith.addi %sub3A_205, %add3A_1293 : i32
        %get3A_1295 = arith.index_cast %add3A_1294 : i32 to index
        %get3A_1296 = arith.constant 96 : index
        %get3A_1297 = tpu.vector_load %arg9[%get3A_1295, %get3A_1296] {strides = array<i32>} : memref<768x128xf32, #tpu.memory_space<vmem>>, vector<16xf32>,
        %add3A_1298 = arith.constant 10 : i32
        %add3A_1299 = arith.addi %sub3A_205, %add3A_1298 : i32
        %get3A_1300 = arith.index_cast %add3A_1299 : i32 to index
        %get3A_1301 = arith.constant 112 : index
        %get3A_1302 = tpu.vector_load %arg9[%get3A_1300, %get3A_1301] {strides = array<i32>} : memref<768x128xf32, #tpu.memory_space<vmem>>, vector<16xf32>,
        %mul3A_1303 = arith.mulf %get3A_1267, %get3A_1267 : vector<16xf32>
        %mul3A_1304 = arith.mulf %get3A_1272, %get3A_1272 : vector<16xf32>
        %add3A_1305 = arith.addf %mul3A_1303, %mul3A_1304 : vector<16xf32>
        %mul3A_1306 = arith.mulf %get3A_1277, %get3A_1277 : vector<16xf32>
        %mul3A_1307 = arith.mulf %get3A_1282, %get3A_1282 : vector<16xf32>
        %add3A_1308 = arith.addf %mul3A_1306, %mul3A_1307 : vector<16xf32>
        %mul3A_1309 = arith.mulf %get3A_1287, %get3A_1287 : vector<16xf32>
        %mul3A_1310 = arith.mulf %get3A_1292, %get3A_1292 : vector<16xf32>
        %add3A_1311 = arith.addf %mul3A_1309, %mul3A_1310 : vector<16xf32>
        %mul3A_1312 = arith.mulf %get3A_1297, %get3A_1297 : vector<16xf32>
        %mul3A_1313 = arith.mulf %get3A_1302, %get3A_1302 : vector<16xf32>
        %add3A_1314 = arith.addf %mul3A_1312, %mul3A_1313 : vector<16xf32>
        %add3A_1315 = arith.addf %add3A_1305, %add3A_1308 : vector<16xf32>
        %add3A_1316 = arith.addf %add3A_1311, %add3A_1314 : vector<16xf32>
        %add3A_1317 = arith.addf %add3A_1315, %add3A_1316 : vector<16xf32>
        %reduce_sum3A_1318 = arith.constant true
        %reduce_sum3A_1319 = vector.broadcast %reduce_sum3A_1318 : i1 to vector<16xi1>
        %reduce_sum3A_1320 = tpu.scan <sum>, %add3A_1317 masked %reduce_sum3A_1319 : vector<16xf32>, vector<16xi1> -> vector<16xf32>
        %reduce_sum3A_1321 = vector.extract %reduce_sum3A_1320[15] : f32 from vector<16xf32>
        %max3A_1322 = arith.constant 1.000000e-30 : f32
        %max3A_1323 = arith.maximumf %reduce_sum3A_1321, %max3A_1322 : f32
        %bitcast_convert_type3A_1324 = arith.bitcast %max3A_1323 : f32 to i32
        %shift_right_arithmetic3A_1325 = arith.constant 1 : i32
        %shift_right_arithmetic3A_1326 = arith.shrsi %bitcast_convert_type3A_1324, %shift_right_arithmetic3A_1325 : i32
        %sub3A_1327 = arith.constant 1597463007 : i32
        %sub3A_1328 = arith.subi %sub3A_1327, %shift_right_arithmetic3A_1326 : i32
        %bitcast_convert_type3A_1329 = arith.bitcast %sub3A_1328 : i32 to f32
        %mul3A_1330 = arith.constant 5.000000e-01 : f32
        %mul3A_1331 = arith.mulf %max3A_1323, %mul3A_1330 : f32
        %mul3A_1332 = arith.mulf %mul3A_1331, %bitcast_convert_type3A_1329 : f32
        %mul3A_1333 = arith.mulf %mul3A_1332, %bitcast_convert_type3A_1329 : f32
        %sub3A_1334 = arith.constant 1.500000e+00 : f32
        %sub3A_1335 = arith.subf %sub3A_1334, %mul3A_1333 : f32
        %mul3A_1336 = arith.mulf %bitcast_convert_type3A_1329, %sub3A_1335 : f32
        %mul3A_1337 = arith.mulf %mul3A_1331, %mul3A_1336 : f32
        %mul3A_1338 = arith.mulf %mul3A_1337, %mul3A_1336 : f32
        %sub3A_1339 = arith.constant 1.500000e+00 : f32
        %sub3A_1340 = arith.subf %sub3A_1339, %mul3A_1338 : f32
        %mul3A_1341 = arith.mulf %mul3A_1336, %sub3A_1340 : f32
        %min3A_1342 = arith.constant 1.000000e+08 : f32
        %min3A_1343 = arith.minimumf %mul3A_1341, %min3A_1342 : f32
        %broadcast_in_dim3A_1344 = vector.broadcast %min3A_1343 : f32 to vector<16xf32>
        %add3A_1345 = arith.addf %add3A_1239, %get3A_1267 : vector<16xf32>
        %mul3A_1346 = arith.mulf %get3A_1267, %broadcast_in_dim3A_1344 : vector<16xf32>
        %add3A_1347 = arith.addf %add3A_1241, %mul3A_1346 : vector<16xf32>
        %add3A_1348 = arith.addf %add3A_1242, %get3A_1272 : vector<16xf32>
        %mul3A_1349 = arith.mulf %get3A_1272, %broadcast_in_dim3A_1344 : vector<16xf32>
        %add3A_1350 = arith.addf %add3A_1244, %mul3A_1349 : vector<16xf32>
        %add3A_1351 = arith.addf %add3A_1245, %get3A_1277 : vector<16xf32>
        %mul3A_1352 = arith.mulf %get3A_1277, %broadcast_in_dim3A_1344 : vector<16xf32>
        %add3A_1353 = arith.addf %add3A_1247, %mul3A_1352 : vector<16xf32>
        %add3A_1354 = arith.addf %add3A_1248, %get3A_1282 : vector<16xf32>
        %mul3A_1355 = arith.mulf %get3A_1282, %broadcast_in_dim3A_1344 : vector<16xf32>
        %add3A_1356 = arith.addf %add3A_1250, %mul3A_1355 : vector<16xf32>
        %add3A_1357 = arith.addf %add3A_1251, %get3A_1287 : vector<16xf32>
        %mul3A_1358 = arith.mulf %get3A_1287, %broadcast_in_dim3A_1344 : vector<16xf32>
        %add3A_1359 = arith.addf %add3A_1253, %mul3A_1358 : vector<16xf32>
        %add3A_1360 = arith.addf %add3A_1254, %get3A_1292 : vector<16xf32>
        %mul3A_1361 = arith.mulf %get3A_1292, %broadcast_in_dim3A_1344 : vector<16xf32>
        %add3A_1362 = arith.addf %add3A_1256, %mul3A_1361 : vector<16xf32>
        %add3A_1363 = arith.addf %add3A_1257, %get3A_1297 : vector<16xf32>
        %mul3A_1364 = arith.mulf %get3A_1297, %broadcast_in_dim3A_1344 : vector<16xf32>
        %add3A_1365 = arith.addf %add3A_1259, %mul3A_1364 : vector<16xf32>
        %add3A_1366 = arith.addf %add3A_1260, %get3A_1302 : vector<16xf32>
        %mul3A_1367 = arith.mulf %get3A_1302, %broadcast_in_dim3A_1344 : vector<16xf32>
        %add3A_1368 = arith.addf %add3A_1262, %mul3A_1367 : vector<16xf32>
        %add3A_1369 = arith.constant 11 : i32
        %add3A_1370 = arith.addi %sub3A_205, %add3A_1369 : i32
        %get3A_1371 = arith.index_cast %add3A_1370 : i32 to index
        %get3A_1372 = arith.constant 0 : index
        %get3A_1373 = tpu.vector_load %arg9[%get3A_1371, %get3A_1372] {strides = array<i32>} : memref<768x128xf32, #tpu.memory_space<vmem>>, vector<16xf32>,
        %add3A_1374 = arith.constant 11 : i32
        %add3A_1375 = arith.addi %sub3A_205, %add3A_1374 : i32
        %get3A_1376 = arith.index_cast %add3A_1375 : i32 to index
        %get3A_1377 = arith.constant 16 : index
        %get3A_1378 = tpu.vector_load %arg9[%get3A_1376, %get3A_1377] {strides = array<i32>} : memref<768x128xf32, #tpu.memory_space<vmem>>, vector<16xf32>,
        %add3A_1379 = arith.constant 11 : i32
        %add3A_1380 = arith.addi %sub3A_205, %add3A_1379 : i32
        %get3A_1381 = arith.index_cast %add3A_1380 : i32 to index
        %get3A_1382 = arith.constant 32 : index
        %get3A_1383 = tpu.vector_load %arg9[%get3A_1381, %get3A_1382] {strides = array<i32>} : memref<768x128xf32, #tpu.memory_space<vmem>>, vector<16xf32>,
        %add3A_1384 = arith.constant 11 : i32
        %add3A_1385 = arith.addi %sub3A_205, %add3A_1384 : i32
        %get3A_1386 = arith.index_cast %add3A_1385 : i32 to index
        %get3A_1387 = arith.constant 48 : index
        %get3A_1388 = tpu.vector_load %arg9[%get3A_1386, %get3A_1387] {strides = array<i32>} : memref<768x128xf32, #tpu.memory_space<vmem>>, vector<16xf32>,
        %add3A_1389 = arith.constant 11 : i32
        %add3A_1390 = arith.addi %sub3A_205, %add3A_1389 : i32
        %get3A_1391 = arith.index_cast %add3A_1390 : i32 to index
        %get3A_1392 = arith.constant 64 : index
        %get3A_1393 = tpu.vector_load %arg9[%get3A_1391, %get3A_1392] {strides = array<i32>} : memref<768x128xf32, #tpu.memory_space<vmem>>, vector<16xf32>,
        %add3A_1394 = arith.constant 11 : i32
        %add3A_1395 = arith.addi %sub3A_205, %add3A_1394 : i32
        %get3A_1396 = arith.index_cast %add3A_1395 : i32 to index
        %get3A_1397 = arith.constant 80 : index
        %get3A_1398 = tpu.vector_load %arg9[%get3A_1396, %get3A_1397] {strides = array<i32>} : memref<768x128xf32, #tpu.memory_space<vmem>>, vector<16xf32>,
        %add3A_1399 = arith.constant 11 : i32
        %add3A_1400 = arith.addi %sub3A_205, %add3A_1399 : i32
        %get3A_1401 = arith.index_cast %add3A_1400 : i32 to index
        %get3A_1402 = arith.constant 96 : index
        %get3A_1403 = tpu.vector_load %arg9[%get3A_1401, %get3A_1402] {strides = array<i32>} : memref<768x128xf32, #tpu.memory_space<vmem>>, vector<16xf32>,
        %add3A_1404 = arith.constant 11 : i32
        %add3A_1405 = arith.addi %sub3A_205, %add3A_1404 : i32
        %get3A_1406 = arith.index_cast %add3A_1405 : i32 to index
        %get3A_1407 = arith.constant 112 : index
        %get3A_1408 = tpu.vector_load %arg9[%get3A_1406, %get3A_1407] {strides = array<i32>} : memref<768x128xf32, #tpu.memory_space<vmem>>, vector<16xf32>,
        %mul3A_1409 = arith.mulf %get3A_1373, %get3A_1373 : vector<16xf32>
        %mul3A_1410 = arith.mulf %get3A_1378, %get3A_1378 : vector<16xf32>
        %add3A_1411 = arith.addf %mul3A_1409, %mul3A_1410 : vector<16xf32>
        %mul3A_1412 = arith.mulf %get3A_1383, %get3A_1383 : vector<16xf32>
        %mul3A_1413 = arith.mulf %get3A_1388, %get3A_1388 : vector<16xf32>
        %add3A_1414 = arith.addf %mul3A_1412, %mul3A_1413 : vector<16xf32>
        %mul3A_1415 = arith.mulf %get3A_1393, %get3A_1393 : vector<16xf32>
        %mul3A_1416 = arith.mulf %get3A_1398, %get3A_1398 : vector<16xf32>
        %add3A_1417 = arith.addf %mul3A_1415, %mul3A_1416 : vector<16xf32>
        %mul3A_1418 = arith.mulf %get3A_1403, %get3A_1403 : vector<16xf32>
        %mul3A_1419 = arith.mulf %get3A_1408, %get3A_1408 : vector<16xf32>
        %add3A_1420 = arith.addf %mul3A_1418, %mul3A_1419 : vector<16xf32>
        %add3A_1421 = arith.addf %add3A_1411, %add3A_1414 : vector<16xf32>
        %add3A_1422 = arith.addf %add3A_1417, %add3A_1420 : vector<16xf32>
        %add3A_1423 = arith.addf %add3A_1421, %add3A_1422 : vector<16xf32>
        %reduce_sum3A_1424 = arith.constant true
        %reduce_sum3A_1425 = vector.broadcast %reduce_sum3A_1424 : i1 to vector<16xi1>
        %reduce_sum3A_1426 = tpu.scan <sum>, %add3A_1423 masked %reduce_sum3A_1425 : vector<16xf32>, vector<16xi1> -> vector<16xf32>
        %reduce_sum3A_1427 = vector.extract %reduce_sum3A_1426[15] : f32 from vector<16xf32>
        %max3A_1428 = arith.constant 1.000000e-30 : f32
        %max3A_1429 = arith.maximumf %reduce_sum3A_1427, %max3A_1428 : f32
        %bitcast_convert_type3A_1430 = arith.bitcast %max3A_1429 : f32 to i32
        %shift_right_arithmetic3A_1431 = arith.constant 1 : i32
        %shift_right_arithmetic3A_1432 = arith.shrsi %bitcast_convert_type3A_1430, %shift_right_arithmetic3A_1431 : i32
        %sub3A_1433 = arith.constant 1597463007 : i32
        %sub3A_1434 = arith.subi %sub3A_1433, %shift_right_arithmetic3A_1432 : i32
        %bitcast_convert_type3A_1435 = arith.bitcast %sub3A_1434 : i32 to f32
        %mul3A_1436 = arith.constant 5.000000e-01 : f32
        %mul3A_1437 = arith.mulf %max3A_1429, %mul3A_1436 : f32
        %mul3A_1438 = arith.mulf %mul3A_1437, %bitcast_convert_type3A_1435 : f32
        %mul3A_1439 = arith.mulf %mul3A_1438, %bitcast_convert_type3A_1435 : f32
        %sub3A_1440 = arith.constant 1.500000e+00 : f32
        %sub3A_1441 = arith.subf %sub3A_1440, %mul3A_1439 : f32
        %mul3A_1442 = arith.mulf %bitcast_convert_type3A_1435, %sub3A_1441 : f32
        %mul3A_1443 = arith.mulf %mul3A_1437, %mul3A_1442 : f32
        %mul3A_1444 = arith.mulf %mul3A_1443, %mul3A_1442 : f32
        %sub3A_1445 = arith.constant 1.500000e+00 : f32
        %sub3A_1446 = arith.subf %sub3A_1445, %mul3A_1444 : f32
        %mul3A_1447 = arith.mulf %mul3A_1442, %sub3A_1446 : f32
        %min3A_1448 = arith.constant 1.000000e+08 : f32
        %min3A_1449 = arith.minimumf %mul3A_1447, %min3A_1448 : f32
        %broadcast_in_dim3A_1450 = vector.broadcast %min3A_1449 : f32 to vector<16xf32>
        %add3A_1451 = arith.addf %add3A_1345, %get3A_1373 : vector<16xf32>
        %mul3A_1452 = arith.mulf %get3A_1373, %broadcast_in_dim3A_1450 : vector<16xf32>
        %add3A_1453 = arith.addf %add3A_1347, %mul3A_1452 : vector<16xf32>
        %add3A_1454 = arith.addf %add3A_1348, %get3A_1378 : vector<16xf32>
        %mul3A_1455 = arith.mulf %get3A_1378, %broadcast_in_dim3A_1450 : vector<16xf32>
        %add3A_1456 = arith.addf %add3A_1350, %mul3A_1455 : vector<16xf32>
        %add3A_1457 = arith.addf %add3A_1351, %get3A_1383 : vector<16xf32>
        %mul3A_1458 = arith.mulf %get3A_1383, %broadcast_in_dim3A_1450 : vector<16xf32>
        %add3A_1459 = arith.addf %add3A_1353, %mul3A_1458 : vector<16xf32>
        %add3A_1460 = arith.addf %add3A_1354, %get3A_1388 : vector<16xf32>
        %mul3A_1461 = arith.mulf %get3A_1388, %broadcast_in_dim3A_1450 : vector<16xf32>
        %add3A_1462 = arith.addf %add3A_1356, %mul3A_1461 : vector<16xf32>
        %add3A_1463 = arith.addf %add3A_1357, %get3A_1393 : vector<16xf32>
        %mul3A_1464 = arith.mulf %get3A_1393, %broadcast_in_dim3A_1450 : vector<16xf32>
        %add3A_1465 = arith.addf %add3A_1359, %mul3A_1464 : vector<16xf32>
        %add3A_1466 = arith.addf %add3A_1360, %get3A_1398 : vector<16xf32>
        %mul3A_1467 = arith.mulf %get3A_1398, %broadcast_in_dim3A_1450 : vector<16xf32>
        %add3A_1468 = arith.addf %add3A_1362, %mul3A_1467 : vector<16xf32>
        %add3A_1469 = arith.addf %add3A_1363, %get3A_1403 : vector<16xf32>
        %mul3A_1470 = arith.mulf %get3A_1403, %broadcast_in_dim3A_1450 : vector<16xf32>
        %add3A_1471 = arith.addf %add3A_1365, %mul3A_1470 : vector<16xf32>
        %add3A_1472 = arith.addf %add3A_1366, %get3A_1408 : vector<16xf32>
        %mul3A_1473 = arith.mulf %get3A_1408, %broadcast_in_dim3A_1450 : vector<16xf32>
        %add3A_1474 = arith.addf %add3A_1368, %mul3A_1473 : vector<16xf32>
        %add3A_1475 = arith.constant 12 : i32
        %add3A_1476 = arith.addi %sub3A_205, %add3A_1475 : i32
        %get3A_1477 = arith.index_cast %add3A_1476 : i32 to index
        %get3A_1478 = arith.constant 0 : index
        %get3A_1479 = tpu.vector_load %arg9[%get3A_1477, %get3A_1478] {strides = array<i32>} : memref<768x128xf32, #tpu.memory_space<vmem>>, vector<16xf32>,
        %add3A_1480 = arith.constant 12 : i32
        %add3A_1481 = arith.addi %sub3A_205, %add3A_1480 : i32
        %get3A_1482 = arith.index_cast %add3A_1481 : i32 to index
        %get3A_1483 = arith.constant 16 : index
        %get3A_1484 = tpu.vector_load %arg9[%get3A_1482, %get3A_1483] {strides = array<i32>} : memref<768x128xf32, #tpu.memory_space<vmem>>, vector<16xf32>,
        %add3A_1485 = arith.constant 12 : i32
        %add3A_1486 = arith.addi %sub3A_205, %add3A_1485 : i32
        %get3A_1487 = arith.index_cast %add3A_1486 : i32 to index
        %get3A_1488 = arith.constant 32 : index
        %get3A_1489 = tpu.vector_load %arg9[%get3A_1487, %get3A_1488] {strides = array<i32>} : memref<768x128xf32, #tpu.memory_space<vmem>>, vector<16xf32>,
        %add3A_1490 = arith.constant 12 : i32
        %add3A_1491 = arith.addi %sub3A_205, %add3A_1490 : i32
        %get3A_1492 = arith.index_cast %add3A_1491 : i32 to index
        %get3A_1493 = arith.constant 48 : index
        %get3A_1494 = tpu.vector_load %arg9[%get3A_1492, %get3A_1493] {strides = array<i32>} : memref<768x128xf32, #tpu.memory_space<vmem>>, vector<16xf32>,
        %add3A_1495 = arith.constant 12 : i32
        %add3A_1496 = arith.addi %sub3A_205, %add3A_1495 : i32
        %get3A_1497 = arith.index_cast %add3A_1496 : i32 to index
        %get3A_1498 = arith.constant 64 : index
        %get3A_1499 = tpu.vector_load %arg9[%get3A_1497, %get3A_1498] {strides = array<i32>} : memref<768x128xf32, #tpu.memory_space<vmem>>, vector<16xf32>,
        %add3A_1500 = arith.constant 12 : i32
        %add3A_1501 = arith.addi %sub3A_205, %add3A_1500 : i32
        %get3A_1502 = arith.index_cast %add3A_1501 : i32 to index
        %get3A_1503 = arith.constant 80 : index
        %get3A_1504 = tpu.vector_load %arg9[%get3A_1502, %get3A_1503] {strides = array<i32>} : memref<768x128xf32, #tpu.memory_space<vmem>>, vector<16xf32>,
        %add3A_1505 = arith.constant 12 : i32
        %add3A_1506 = arith.addi %sub3A_205, %add3A_1505 : i32
        %get3A_1507 = arith.index_cast %add3A_1506 : i32 to index
        %get3A_1508 = arith.constant 96 : index
        %get3A_1509 = tpu.vector_load %arg9[%get3A_1507, %get3A_1508] {strides = array<i32>} : memref<768x128xf32, #tpu.memory_space<vmem>>, vector<16xf32>,
        %add3A_1510 = arith.constant 12 : i32
        %add3A_1511 = arith.addi %sub3A_205, %add3A_1510 : i32
        %get3A_1512 = arith.index_cast %add3A_1511 : i32 to index
        %get3A_1513 = arith.constant 112 : index
        %get3A_1514 = tpu.vector_load %arg9[%get3A_1512, %get3A_1513] {strides = array<i32>} : memref<768x128xf32, #tpu.memory_space<vmem>>, vector<16xf32>,
        %mul3A_1515 = arith.mulf %get3A_1479, %get3A_1479 : vector<16xf32>
        %mul3A_1516 = arith.mulf %get3A_1484, %get3A_1484 : vector<16xf32>
        %add3A_1517 = arith.addf %mul3A_1515, %mul3A_1516 : vector<16xf32>
        %mul3A_1518 = arith.mulf %get3A_1489, %get3A_1489 : vector<16xf32>
        %mul3A_1519 = arith.mulf %get3A_1494, %get3A_1494 : vector<16xf32>
        %add3A_1520 = arith.addf %mul3A_1518, %mul3A_1519 : vector<16xf32>
        %mul3A_1521 = arith.mulf %get3A_1499, %get3A_1499 : vector<16xf32>
        %mul3A_1522 = arith.mulf %get3A_1504, %get3A_1504 : vector<16xf32>
        %add3A_1523 = arith.addf %mul3A_1521, %mul3A_1522 : vector<16xf32>
        %mul3A_1524 = arith.mulf %get3A_1509, %get3A_1509 : vector<16xf32>
        %mul3A_1525 = arith.mulf %get3A_1514, %get3A_1514 : vector<16xf32>
        %add3A_1526 = arith.addf %mul3A_1524, %mul3A_1525 : vector<16xf32>
        %add3A_1527 = arith.addf %add3A_1517, %add3A_1520 : vector<16xf32>
        %add3A_1528 = arith.addf %add3A_1523, %add3A_1526 : vector<16xf32>
        %add3A_1529 = arith.addf %add3A_1527, %add3A_1528 : vector<16xf32>
        %reduce_sum3A_1530 = arith.constant true
        %reduce_sum3A_1531 = vector.broadcast %reduce_sum3A_1530 : i1 to vector<16xi1>
        %reduce_sum3A_1532 = tpu.scan <sum>, %add3A_1529 masked %reduce_sum3A_1531 : vector<16xf32>, vector<16xi1> -> vector<16xf32>
        %reduce_sum3A_1533 = vector.extract %reduce_sum3A_1532[15] : f32 from vector<16xf32>
        %max3A_1534 = arith.constant 1.000000e-30 : f32
        %max3A_1535 = arith.maximumf %reduce_sum3A_1533, %max3A_1534 : f32
        %bitcast_convert_type3A_1536 = arith.bitcast %max3A_1535 : f32 to i32
        %shift_right_arithmetic3A_1537 = arith.constant 1 : i32
        %shift_right_arithmetic3A_1538 = arith.shrsi %bitcast_convert_type3A_1536, %shift_right_arithmetic3A_1537 : i32
        %sub3A_1539 = arith.constant 1597463007 : i32
        %sub3A_1540 = arith.subi %sub3A_1539, %shift_right_arithmetic3A_1538 : i32
        %bitcast_convert_type3A_1541 = arith.bitcast %sub3A_1540 : i32 to f32
        %mul3A_1542 = arith.constant 5.000000e-01 : f32
        %mul3A_1543 = arith.mulf %max3A_1535, %mul3A_1542 : f32
        %mul3A_1544 = arith.mulf %mul3A_1543, %bitcast_convert_type3A_1541 : f32
        %mul3A_1545 = arith.mulf %mul3A_1544, %bitcast_convert_type3A_1541 : f32
        %sub3A_1546 = arith.constant 1.500000e+00 : f32
        %sub3A_1547 = arith.subf %sub3A_1546, %mul3A_1545 : f32
        %mul3A_1548 = arith.mulf %bitcast_convert_type3A_1541, %sub3A_1547 : f32
        %mul3A_1549 = arith.mulf %mul3A_1543, %mul3A_1548 : f32
        %mul3A_1550 = arith.mulf %mul3A_1549, %mul3A_1548 : f32
        %sub3A_1551 = arith.constant 1.500000e+00 : f32
        %sub3A_1552 = arith.subf %sub3A_1551, %mul3A_1550 : f32
        %mul3A_1553 = arith.mulf %mul3A_1548, %sub3A_1552 : f32
        %min3A_1554 = arith.constant 1.000000e+08 : f32
        %min3A_1555 = arith.minimumf %mul3A_1553, %min3A_1554 : f32
        %broadcast_in_dim3A_1556 = vector.broadcast %min3A_1555 : f32 to vector<16xf32>
        %add3A_1557 = arith.addf %add3A_1451, %get3A_1479 : vector<16xf32>
        %mul3A_1558 = arith.mulf %get3A_1479, %broadcast_in_dim3A_1556 : vector<16xf32>
        %add3A_1559 = arith.addf %add3A_1453, %mul3A_1558 : vector<16xf32>
        %add3A_1560 = arith.addf %add3A_1454, %get3A_1484 : vector<16xf32>
        %mul3A_1561 = arith.mulf %get3A_1484, %broadcast_in_dim3A_1556 : vector<16xf32>
        %add3A_1562 = arith.addf %add3A_1456, %mul3A_1561 : vector<16xf32>
        %add3A_1563 = arith.addf %add3A_1457, %get3A_1489 : vector<16xf32>
        %mul3A_1564 = arith.mulf %get3A_1489, %broadcast_in_dim3A_1556 : vector<16xf32>
        %add3A_1565 = arith.addf %add3A_1459, %mul3A_1564 : vector<16xf32>
        %add3A_1566 = arith.addf %add3A_1460, %get3A_1494 : vector<16xf32>
        %mul3A_1567 = arith.mulf %get3A_1494, %broadcast_in_dim3A_1556 : vector<16xf32>
        %add3A_1568 = arith.addf %add3A_1462, %mul3A_1567 : vector<16xf32>
        %add3A_1569 = arith.addf %add3A_1463, %get3A_1499 : vector<16xf32>
        %mul3A_1570 = arith.mulf %get3A_1499, %broadcast_in_dim3A_1556 : vector<16xf32>
        %add3A_1571 = arith.addf %add3A_1465, %mul3A_1570 : vector<16xf32>
        %add3A_1572 = arith.addf %add3A_1466, %get3A_1504 : vector<16xf32>
        %mul3A_1573 = arith.mulf %get3A_1504, %broadcast_in_dim3A_1556 : vector<16xf32>
        %add3A_1574 = arith.addf %add3A_1468, %mul3A_1573 : vector<16xf32>
        %add3A_1575 = arith.addf %add3A_1469, %get3A_1509 : vector<16xf32>
        %mul3A_1576 = arith.mulf %get3A_1509, %broadcast_in_dim3A_1556 : vector<16xf32>
        %add3A_1577 = arith.addf %add3A_1471, %mul3A_1576 : vector<16xf32>
        %add3A_1578 = arith.addf %add3A_1472, %get3A_1514 : vector<16xf32>
        %mul3A_1579 = arith.mulf %get3A_1514, %broadcast_in_dim3A_1556 : vector<16xf32>
        %add3A_1580 = arith.addf %add3A_1474, %mul3A_1579 : vector<16xf32>
        %add3A_1581 = arith.constant 13 : i32
        %add3A_1582 = arith.addi %sub3A_205, %add3A_1581 : i32
        %get3A_1583 = arith.index_cast %add3A_1582 : i32 to index
        %get3A_1584 = arith.constant 0 : index
        %get3A_1585 = tpu.vector_load %arg9[%get3A_1583, %get3A_1584] {strides = array<i32>} : memref<768x128xf32, #tpu.memory_space<vmem>>, vector<16xf32>,
        %add3A_1586 = arith.constant 13 : i32
        %add3A_1587 = arith.addi %sub3A_205, %add3A_1586 : i32
        %get3A_1588 = arith.index_cast %add3A_1587 : i32 to index
        %get3A_1589 = arith.constant 16 : index
        %get3A_1590 = tpu.vector_load %arg9[%get3A_1588, %get3A_1589] {strides = array<i32>} : memref<768x128xf32, #tpu.memory_space<vmem>>, vector<16xf32>,
        %add3A_1591 = arith.constant 13 : i32
        %add3A_1592 = arith.addi %sub3A_205, %add3A_1591 : i32
        %get3A_1593 = arith.index_cast %add3A_1592 : i32 to index
        %get3A_1594 = arith.constant 32 : index
        %get3A_1595 = tpu.vector_load %arg9[%get3A_1593, %get3A_1594] {strides = array<i32>} : memref<768x128xf32, #tpu.memory_space<vmem>>, vector<16xf32>,
        %add3A_1596 = arith.constant 13 : i32
        %add3A_1597 = arith.addi %sub3A_205, %add3A_1596 : i32
        %get3A_1598 = arith.index_cast %add3A_1597 : i32 to index
        %get3A_1599 = arith.constant 48 : index
        %get3A_1600 = tpu.vector_load %arg9[%get3A_1598, %get3A_1599] {strides = array<i32>} : memref<768x128xf32, #tpu.memory_space<vmem>>, vector<16xf32>,
        %add3A_1601 = arith.constant 13 : i32
        %add3A_1602 = arith.addi %sub3A_205, %add3A_1601 : i32
        %get3A_1603 = arith.index_cast %add3A_1602 : i32 to index
        %get3A_1604 = arith.constant 64 : index
        %get3A_1605 = tpu.vector_load %arg9[%get3A_1603, %get3A_1604] {strides = array<i32>} : memref<768x128xf32, #tpu.memory_space<vmem>>, vector<16xf32>,
        %add3A_1606 = arith.constant 13 : i32
        %add3A_1607 = arith.addi %sub3A_205, %add3A_1606 : i32
        %get3A_1608 = arith.index_cast %add3A_1607 : i32 to index
        %get3A_1609 = arith.constant 80 : index
        %get3A_1610 = tpu.vector_load %arg9[%get3A_1608, %get3A_1609] {strides = array<i32>} : memref<768x128xf32, #tpu.memory_space<vmem>>, vector<16xf32>,
        %add3A_1611 = arith.constant 13 : i32
        %add3A_1612 = arith.addi %sub3A_205, %add3A_1611 : i32
        %get3A_1613 = arith.index_cast %add3A_1612 : i32 to index
        %get3A_1614 = arith.constant 96 : index
        %get3A_1615 = tpu.vector_load %arg9[%get3A_1613, %get3A_1614] {strides = array<i32>} : memref<768x128xf32, #tpu.memory_space<vmem>>, vector<16xf32>,
        %add3A_1616 = arith.constant 13 : i32
        %add3A_1617 = arith.addi %sub3A_205, %add3A_1616 : i32
        %get3A_1618 = arith.index_cast %add3A_1617 : i32 to index
        %get3A_1619 = arith.constant 112 : index
        %get3A_1620 = tpu.vector_load %arg9[%get3A_1618, %get3A_1619] {strides = array<i32>} : memref<768x128xf32, #tpu.memory_space<vmem>>, vector<16xf32>,
        %mul3A_1621 = arith.mulf %get3A_1585, %get3A_1585 : vector<16xf32>
        %mul3A_1622 = arith.mulf %get3A_1590, %get3A_1590 : vector<16xf32>
        %add3A_1623 = arith.addf %mul3A_1621, %mul3A_1622 : vector<16xf32>
        %mul3A_1624 = arith.mulf %get3A_1595, %get3A_1595 : vector<16xf32>
        %mul3A_1625 = arith.mulf %get3A_1600, %get3A_1600 : vector<16xf32>
        %add3A_1626 = arith.addf %mul3A_1624, %mul3A_1625 : vector<16xf32>
        %mul3A_1627 = arith.mulf %get3A_1605, %get3A_1605 : vector<16xf32>
        %mul3A_1628 = arith.mulf %get3A_1610, %get3A_1610 : vector<16xf32>
        %add3A_1629 = arith.addf %mul3A_1627, %mul3A_1628 : vector<16xf32>
        %mul3A_1630 = arith.mulf %get3A_1615, %get3A_1615 : vector<16xf32>
        %mul3A_1631 = arith.mulf %get3A_1620, %get3A_1620 : vector<16xf32>
        %add3A_1632 = arith.addf %mul3A_1630, %mul3A_1631 : vector<16xf32>
        %add3A_1633 = arith.addf %add3A_1623, %add3A_1626 : vector<16xf32>
        %add3A_1634 = arith.addf %add3A_1629, %add3A_1632 : vector<16xf32>
        %add3A_1635 = arith.addf %add3A_1633, %add3A_1634 : vector<16xf32>
        %reduce_sum3A_1636 = arith.constant true
        %reduce_sum3A_1637 = vector.broadcast %reduce_sum3A_1636 : i1 to vector<16xi1>
        %reduce_sum3A_1638 = tpu.scan <sum>, %add3A_1635 masked %reduce_sum3A_1637 : vector<16xf32>, vector<16xi1> -> vector<16xf32>
        %reduce_sum3A_1639 = vector.extract %reduce_sum3A_1638[15] : f32 from vector<16xf32>
        %max3A_1640 = arith.constant 1.000000e-30 : f32
        %max3A_1641 = arith.maximumf %reduce_sum3A_1639, %max3A_1640 : f32
        %bitcast_convert_type3A_1642 = arith.bitcast %max3A_1641 : f32 to i32
        %shift_right_arithmetic3A_1643 = arith.constant 1 : i32
        %shift_right_arithmetic3A_1644 = arith.shrsi %bitcast_convert_type3A_1642, %shift_right_arithmetic3A_1643 : i32
        %sub3A_1645 = arith.constant 1597463007 : i32
        %sub3A_1646 = arith.subi %sub3A_1645, %shift_right_arithmetic3A_1644 : i32
        %bitcast_convert_type3A_1647 = arith.bitcast %sub3A_1646 : i32 to f32
        %mul3A_1648 = arith.constant 5.000000e-01 : f32
        %mul3A_1649 = arith.mulf %max3A_1641, %mul3A_1648 : f32
        %mul3A_1650 = arith.mulf %mul3A_1649, %bitcast_convert_type3A_1647 : f32
        %mul3A_1651 = arith.mulf %mul3A_1650, %bitcast_convert_type3A_1647 : f32
        %sub3A_1652 = arith.constant 1.500000e+00 : f32
        %sub3A_1653 = arith.subf %sub3A_1652, %mul3A_1651 : f32
        %mul3A_1654 = arith.mulf %bitcast_convert_type3A_1647, %sub3A_1653 : f32
        %mul3A_1655 = arith.mulf %mul3A_1649, %mul3A_1654 : f32
        %mul3A_1656 = arith.mulf %mul3A_1655, %mul3A_1654 : f32
        %sub3A_1657 = arith.constant 1.500000e+00 : f32
        %sub3A_1658 = arith.subf %sub3A_1657, %mul3A_1656 : f32
        %mul3A_1659 = arith.mulf %mul3A_1654, %sub3A_1658 : f32
        %min3A_1660 = arith.constant 1.000000e+08 : f32
        %min3A_1661 = arith.minimumf %mul3A_1659, %min3A_1660 : f32
        %broadcast_in_dim3A_1662 = vector.broadcast %min3A_1661 : f32 to vector<16xf32>
        %add3A_1663 = arith.addf %add3A_1557, %get3A_1585 : vector<16xf32>
        %mul3A_1664 = arith.mulf %get3A_1585, %broadcast_in_dim3A_1662 : vector<16xf32>
        %add3A_1665 = arith.addf %add3A_1559, %mul3A_1664 : vector<16xf32>
        %add3A_1666 = arith.addf %add3A_1560, %get3A_1590 : vector<16xf32>
        %mul3A_1667 = arith.mulf %get3A_1590, %broadcast_in_dim3A_1662 : vector<16xf32>
        %add3A_1668 = arith.addf %add3A_1562, %mul3A_1667 : vector<16xf32>
        %add3A_1669 = arith.addf %add3A_1563, %get3A_1595 : vector<16xf32>
        %mul3A_1670 = arith.mulf %get3A_1595, %broadcast_in_dim3A_1662 : vector<16xf32>
        %add3A_1671 = arith.addf %add3A_1565, %mul3A_1670 : vector<16xf32>
        %add3A_1672 = arith.addf %add3A_1566, %get3A_1600 : vector<16xf32>
        %mul3A_1673 = arith.mulf %get3A_1600, %broadcast_in_dim3A_1662 : vector<16xf32>
        %add3A_1674 = arith.addf %add3A_1568, %mul3A_1673 : vector<16xf32>
        %add3A_1675 = arith.addf %add3A_1569, %get3A_1605 : vector<16xf32>
        %mul3A_1676 = arith.mulf %get3A_1605, %broadcast_in_dim3A_1662 : vector<16xf32>
        %add3A_1677 = arith.addf %add3A_1571, %mul3A_1676 : vector<16xf32>
        %add3A_1678 = arith.addf %add3A_1572, %get3A_1610 : vector<16xf32>
        %mul3A_1679 = arith.mulf %get3A_1610, %broadcast_in_dim3A_1662 : vector<16xf32>
        %add3A_1680 = arith.addf %add3A_1574, %mul3A_1679 : vector<16xf32>
        %add3A_1681 = arith.addf %add3A_1575, %get3A_1615 : vector<16xf32>
        %mul3A_1682 = arith.mulf %get3A_1615, %broadcast_in_dim3A_1662 : vector<16xf32>
        %add3A_1683 = arith.addf %add3A_1577, %mul3A_1682 : vector<16xf32>
        %add3A_1684 = arith.addf %add3A_1578, %get3A_1620 : vector<16xf32>
        %mul3A_1685 = arith.mulf %get3A_1620, %broadcast_in_dim3A_1662 : vector<16xf32>
        %add3A_1686 = arith.addf %add3A_1580, %mul3A_1685 : vector<16xf32>
        %add3A_1687 = arith.constant 14 : i32
        %add3A_1688 = arith.addi %sub3A_205, %add3A_1687 : i32
        %get3A_1689 = arith.index_cast %add3A_1688 : i32 to index
        %get3A_1690 = arith.constant 0 : index
        %get3A_1691 = tpu.vector_load %arg9[%get3A_1689, %get3A_1690] {strides = array<i32>} : memref<768x128xf32, #tpu.memory_space<vmem>>, vector<16xf32>,
        %add3A_1692 = arith.constant 14 : i32
        %add3A_1693 = arith.addi %sub3A_205, %add3A_1692 : i32
        %get3A_1694 = arith.index_cast %add3A_1693 : i32 to index
        %get3A_1695 = arith.constant 16 : index
        %get3A_1696 = tpu.vector_load %arg9[%get3A_1694, %get3A_1695] {strides = array<i32>} : memref<768x128xf32, #tpu.memory_space<vmem>>, vector<16xf32>,
        %add3A_1697 = arith.constant 14 : i32
        %add3A_1698 = arith.addi %sub3A_205, %add3A_1697 : i32
        %get3A_1699 = arith.index_cast %add3A_1698 : i32 to index
        %get3A_1700 = arith.constant 32 : index
        %get3A_1701 = tpu.vector_load %arg9[%get3A_1699, %get3A_1700] {strides = array<i32>} : memref<768x128xf32, #tpu.memory_space<vmem>>, vector<16xf32>,
        %add3A_1702 = arith.constant 14 : i32
        %add3A_1703 = arith.addi %sub3A_205, %add3A_1702 : i32
        %get3A_1704 = arith.index_cast %add3A_1703 : i32 to index
        %get3A_1705 = arith.constant 48 : index
        %get3A_1706 = tpu.vector_load %arg9[%get3A_1704, %get3A_1705] {strides = array<i32>} : memref<768x128xf32, #tpu.memory_space<vmem>>, vector<16xf32>,
        %add3A_1707 = arith.constant 14 : i32
        %add3A_1708 = arith.addi %sub3A_205, %add3A_1707 : i32
        %get3A_1709 = arith.index_cast %add3A_1708 : i32 to index
        %get3A_1710 = arith.constant 64 : index
        %get3A_1711 = tpu.vector_load %arg9[%get3A_1709, %get3A_1710] {strides = array<i32>} : memref<768x128xf32, #tpu.memory_space<vmem>>, vector<16xf32>,
        %add3A_1712 = arith.constant 14 : i32
        %add3A_1713 = arith.addi %sub3A_205, %add3A_1712 : i32
        %get3A_1714 = arith.index_cast %add3A_1713 : i32 to index
        %get3A_1715 = arith.constant 80 : index
        %get3A_1716 = tpu.vector_load %arg9[%get3A_1714, %get3A_1715] {strides = array<i32>} : memref<768x128xf32, #tpu.memory_space<vmem>>, vector<16xf32>,
        %add3A_1717 = arith.constant 14 : i32
        %add3A_1718 = arith.addi %sub3A_205, %add3A_1717 : i32
        %get3A_1719 = arith.index_cast %add3A_1718 : i32 to index
        %get3A_1720 = arith.constant 96 : index
        %get3A_1721 = tpu.vector_load %arg9[%get3A_1719, %get3A_1720] {strides = array<i32>} : memref<768x128xf32, #tpu.memory_space<vmem>>, vector<16xf32>,
        %add3A_1722 = arith.constant 14 : i32
        %add3A_1723 = arith.addi %sub3A_205, %add3A_1722 : i32
        %get3A_1724 = arith.index_cast %add3A_1723 : i32 to index
        %get3A_1725 = arith.constant 112 : index
        %get3A_1726 = tpu.vector_load %arg9[%get3A_1724, %get3A_1725] {strides = array<i32>} : memref<768x128xf32, #tpu.memory_space<vmem>>, vector<16xf32>,
        %mul3A_1727 = arith.mulf %get3A_1691, %get3A_1691 : vector<16xf32>
        %mul3A_1728 = arith.mulf %get3A_1696, %get3A_1696 : vector<16xf32>
        %add3A_1729 = arith.addf %mul3A_1727, %mul3A_1728 : vector<16xf32>
        %mul3A_1730 = arith.mulf %get3A_1701, %get3A_1701 : vector<16xf32>
        %mul3A_1731 = arith.mulf %get3A_1706, %get3A_1706 : vector<16xf32>
        %add3A_1732 = arith.addf %mul3A_1730, %mul3A_1731 : vector<16xf32>
        %mul3A_1733 = arith.mulf %get3A_1711, %get3A_1711 : vector<16xf32>
        %mul3A_1734 = arith.mulf %get3A_1716, %get3A_1716 : vector<16xf32>
        %add3A_1735 = arith.addf %mul3A_1733, %mul3A_1734 : vector<16xf32>
        %mul3A_1736 = arith.mulf %get3A_1721, %get3A_1721 : vector<16xf32>
        %mul3A_1737 = arith.mulf %get3A_1726, %get3A_1726 : vector<16xf32>
        %add3A_1738 = arith.addf %mul3A_1736, %mul3A_1737 : vector<16xf32>
        %add3A_1739 = arith.addf %add3A_1729, %add3A_1732 : vector<16xf32>
        %add3A_1740 = arith.addf %add3A_1735, %add3A_1738 : vector<16xf32>
        %add3A_1741 = arith.addf %add3A_1739, %add3A_1740 : vector<16xf32>
        %reduce_sum3A_1742 = arith.constant true
        %reduce_sum3A_1743 = vector.broadcast %reduce_sum3A_1742 : i1 to vector<16xi1>
        %reduce_sum3A_1744 = tpu.scan <sum>, %add3A_1741 masked %reduce_sum3A_1743 : vector<16xf32>, vector<16xi1> -> vector<16xf32>
        %reduce_sum3A_1745 = vector.extract %reduce_sum3A_1744[15] : f32 from vector<16xf32>
        %max3A_1746 = arith.constant 1.000000e-30 : f32
        %max3A_1747 = arith.maximumf %reduce_sum3A_1745, %max3A_1746 : f32
        %bitcast_convert_type3A_1748 = arith.bitcast %max3A_1747 : f32 to i32
        %shift_right_arithmetic3A_1749 = arith.constant 1 : i32
        %shift_right_arithmetic3A_1750 = arith.shrsi %bitcast_convert_type3A_1748, %shift_right_arithmetic3A_1749 : i32
        %sub3A_1751 = arith.constant 1597463007 : i32
        %sub3A_1752 = arith.subi %sub3A_1751, %shift_right_arithmetic3A_1750 : i32
        %bitcast_convert_type3A_1753 = arith.bitcast %sub3A_1752 : i32 to f32
        %mul3A_1754 = arith.constant 5.000000e-01 : f32
        %mul3A_1755 = arith.mulf %max3A_1747, %mul3A_1754 : f32
        %mul3A_1756 = arith.mulf %mul3A_1755, %bitcast_convert_type3A_1753 : f32
        %mul3A_1757 = arith.mulf %mul3A_1756, %bitcast_convert_type3A_1753 : f32
        %sub3A_1758 = arith.constant 1.500000e+00 : f32
        %sub3A_1759 = arith.subf %sub3A_1758, %mul3A_1757 : f32
        %mul3A_1760 = arith.mulf %bitcast_convert_type3A_1753, %sub3A_1759 : f32
        %mul3A_1761 = arith.mulf %mul3A_1755, %mul3A_1760 : f32
        %mul3A_1762 = arith.mulf %mul3A_1761, %mul3A_1760 : f32
        %sub3A_1763 = arith.constant 1.500000e+00 : f32
        %sub3A_1764 = arith.subf %sub3A_1763, %mul3A_1762 : f32
        %mul3A_1765 = arith.mulf %mul3A_1760, %sub3A_1764 : f32
        %min3A_1766 = arith.constant 1.000000e+08 : f32
        %min3A_1767 = arith.minimumf %mul3A_1765, %min3A_1766 : f32
        %broadcast_in_dim3A_1768 = vector.broadcast %min3A_1767 : f32 to vector<16xf32>
        %add3A_1769 = arith.addf %add3A_1663, %get3A_1691 : vector<16xf32>
        %mul3A_1770 = arith.mulf %get3A_1691, %broadcast_in_dim3A_1768 : vector<16xf32>
        %add3A_1771 = arith.addf %add3A_1665, %mul3A_1770 : vector<16xf32>
        %add3A_1772 = arith.addf %add3A_1666, %get3A_1696 : vector<16xf32>
        %mul3A_1773 = arith.mulf %get3A_1696, %broadcast_in_dim3A_1768 : vector<16xf32>
        %add3A_1774 = arith.addf %add3A_1668, %mul3A_1773 : vector<16xf32>
        %add3A_1775 = arith.addf %add3A_1669, %get3A_1701 : vector<16xf32>
        %mul3A_1776 = arith.mulf %get3A_1701, %broadcast_in_dim3A_1768 : vector<16xf32>
        %add3A_1777 = arith.addf %add3A_1671, %mul3A_1776 : vector<16xf32>
        %add3A_1778 = arith.addf %add3A_1672, %get3A_1706 : vector<16xf32>
        %mul3A_1779 = arith.mulf %get3A_1706, %broadcast_in_dim3A_1768 : vector<16xf32>
        %add3A_1780 = arith.addf %add3A_1674, %mul3A_1779 : vector<16xf32>
        %add3A_1781 = arith.addf %add3A_1675, %get3A_1711 : vector<16xf32>
        %mul3A_1782 = arith.mulf %get3A_1711, %broadcast_in_dim3A_1768 : vector<16xf32>
        %add3A_1783 = arith.addf %add3A_1677, %mul3A_1782 : vector<16xf32>
        %add3A_1784 = arith.addf %add3A_1678, %get3A_1716 : vector<16xf32>
        %mul3A_1785 = arith.mulf %get3A_1716, %broadcast_in_dim3A_1768 : vector<16xf32>
        %add3A_1786 = arith.addf %add3A_1680, %mul3A_1785 : vector<16xf32>
        %add3A_1787 = arith.addf %add3A_1681, %get3A_1721 : vector<16xf32>
        %mul3A_1788 = arith.mulf %get3A_1721, %broadcast_in_dim3A_1768 : vector<16xf32>
        %add3A_1789 = arith.addf %add3A_1683, %mul3A_1788 : vector<16xf32>
        %add3A_1790 = arith.addf %add3A_1684, %get3A_1726 : vector<16xf32>
        %mul3A_1791 = arith.mulf %get3A_1726, %broadcast_in_dim3A_1768 : vector<16xf32>
        %add3A_1792 = arith.addf %add3A_1686, %mul3A_1791 : vector<16xf32>
        %add3A_1793 = arith.constant 15 : i32
        %add3A_1794 = arith.addi %sub3A_205, %add3A_1793 : i32
        %get3A_1795 = arith.index_cast %add3A_1794 : i32 to index
        %get3A_1796 = arith.constant 0 : index
        %get3A_1797 = tpu.vector_load %arg9[%get3A_1795, %get3A_1796] {strides = array<i32>} : memref<768x128xf32, #tpu.memory_space<vmem>>, vector<16xf32>,
        %add3A_1798 = arith.constant 15 : i32
        %add3A_1799 = arith.addi %sub3A_205, %add3A_1798 : i32
        %get3A_1800 = arith.index_cast %add3A_1799 : i32 to index
        %get3A_1801 = arith.constant 16 : index
        %get3A_1802 = tpu.vector_load %arg9[%get3A_1800, %get3A_1801] {strides = array<i32>} : memref<768x128xf32, #tpu.memory_space<vmem>>, vector<16xf32>,
        %add3A_1803 = arith.constant 15 : i32
        %add3A_1804 = arith.addi %sub3A_205, %add3A_1803 : i32
        %get3A_1805 = arith.index_cast %add3A_1804 : i32 to index
        %get3A_1806 = arith.constant 32 : index
        %get3A_1807 = tpu.vector_load %arg9[%get3A_1805, %get3A_1806] {strides = array<i32>} : memref<768x128xf32, #tpu.memory_space<vmem>>, vector<16xf32>,
        %add3A_1808 = arith.constant 15 : i32
        %add3A_1809 = arith.addi %sub3A_205, %add3A_1808 : i32
        %get3A_1810 = arith.index_cast %add3A_1809 : i32 to index
        %get3A_1811 = arith.constant 48 : index
        %get3A_1812 = tpu.vector_load %arg9[%get3A_1810, %get3A_1811] {strides = array<i32>} : memref<768x128xf32, #tpu.memory_space<vmem>>, vector<16xf32>,
        %add3A_1813 = arith.constant 15 : i32
        %add3A_1814 = arith.addi %sub3A_205, %add3A_1813 : i32
        %get3A_1815 = arith.index_cast %add3A_1814 : i32 to index
        %get3A_1816 = arith.constant 64 : index
        %get3A_1817 = tpu.vector_load %arg9[%get3A_1815, %get3A_1816] {strides = array<i32>} : memref<768x128xf32, #tpu.memory_space<vmem>>, vector<16xf32>,
        %add3A_1818 = arith.constant 15 : i32
        %add3A_1819 = arith.addi %sub3A_205, %add3A_1818 : i32
        %get3A_1820 = arith.index_cast %add3A_1819 : i32 to index
        %get3A_1821 = arith.constant 80 : index
        %get3A_1822 = tpu.vector_load %arg9[%get3A_1820, %get3A_1821] {strides = array<i32>} : memref<768x128xf32, #tpu.memory_space<vmem>>, vector<16xf32>,
        %add3A_1823 = arith.constant 15 : i32
        %add3A_1824 = arith.addi %sub3A_205, %add3A_1823 : i32
        %get3A_1825 = arith.index_cast %add3A_1824 : i32 to index
        %get3A_1826 = arith.constant 96 : index
        %get3A_1827 = tpu.vector_load %arg9[%get3A_1825, %get3A_1826] {strides = array<i32>} : memref<768x128xf32, #tpu.memory_space<vmem>>, vector<16xf32>,
        %add3A_1828 = arith.constant 15 : i32
        %add3A_1829 = arith.addi %sub3A_205, %add3A_1828 : i32
        %get3A_1830 = arith.index_cast %add3A_1829 : i32 to index
        %get3A_1831 = arith.constant 112 : index
        %get3A_1832 = tpu.vector_load %arg9[%get3A_1830, %get3A_1831] {strides = array<i32>} : memref<768x128xf32, #tpu.memory_space<vmem>>, vector<16xf32>,
        %mul3A_1833 = arith.mulf %get3A_1797, %get3A_1797 : vector<16xf32>
        %mul3A_1834 = arith.mulf %get3A_1802, %get3A_1802 : vector<16xf32>
        %add3A_1835 = arith.addf %mul3A_1833, %mul3A_1834 : vector<16xf32>
        %mul3A_1836 = arith.mulf %get3A_1807, %get3A_1807 : vector<16xf32>
        %mul3A_1837 = arith.mulf %get3A_1812, %get3A_1812 : vector<16xf32>
        %add3A_1838 = arith.addf %mul3A_1836, %mul3A_1837 : vector<16xf32>
        %mul3A_1839 = arith.mulf %get3A_1817, %get3A_1817 : vector<16xf32>
        %mul3A_1840 = arith.mulf %get3A_1822, %get3A_1822 : vector<16xf32>
        %add3A_1841 = arith.addf %mul3A_1839, %mul3A_1840 : vector<16xf32>
        %mul3A_1842 = arith.mulf %get3A_1827, %get3A_1827 : vector<16xf32>
        %mul3A_1843 = arith.mulf %get3A_1832, %get3A_1832 : vector<16xf32>
        %add3A_1844 = arith.addf %mul3A_1842, %mul3A_1843 : vector<16xf32>
        %add3A_1845 = arith.addf %add3A_1835, %add3A_1838 : vector<16xf32>
        %add3A_1846 = arith.addf %add3A_1841, %add3A_1844 : vector<16xf32>
        %add3A_1847 = arith.addf %add3A_1845, %add3A_1846 : vector<16xf32>
        %reduce_sum3A_1848 = arith.constant true
        %reduce_sum3A_1849 = vector.broadcast %reduce_sum3A_1848 : i1 to vector<16xi1>
        %reduce_sum3A_1850 = tpu.scan <sum>, %add3A_1847 masked %reduce_sum3A_1849 : vector<16xf32>, vector<16xi1> -> vector<16xf32>
        %reduce_sum3A_1851 = vector.extract %reduce_sum3A_1850[15] : f32 from vector<16xf32>
        %max3A_1852 = arith.constant 1.000000e-30 : f32
        %max3A_1853 = arith.maximumf %reduce_sum3A_1851, %max3A_1852 : f32
        %bitcast_convert_type3A_1854 = arith.bitcast %max3A_1853 : f32 to i32
        %shift_right_arithmetic3A_1855 = arith.constant 1 : i32
        %shift_right_arithmetic3A_1856 = arith.shrsi %bitcast_convert_type3A_1854, %shift_right_arithmetic3A_1855 : i32
        %sub3A_1857 = arith.constant 1597463007 : i32
        %sub3A_1858 = arith.subi %sub3A_1857, %shift_right_arithmetic3A_1856 : i32
        %bitcast_convert_type3A_1859 = arith.bitcast %sub3A_1858 : i32 to f32
        %mul3A_1860 = arith.constant 5.000000e-01 : f32
        %mul3A_1861 = arith.mulf %max3A_1853, %mul3A_1860 : f32
        %mul3A_1862 = arith.mulf %mul3A_1861, %bitcast_convert_type3A_1859 : f32
        %mul3A_1863 = arith.mulf %mul3A_1862, %bitcast_convert_type3A_1859 : f32
        %sub3A_1864 = arith.constant 1.500000e+00 : f32
        %sub3A_1865 = arith.subf %sub3A_1864, %mul3A_1863 : f32
        %mul3A_1866 = arith.mulf %bitcast_convert_type3A_1859, %sub3A_1865 : f32
        %mul3A_1867 = arith.mulf %mul3A_1861, %mul3A_1866 : f32
        %mul3A_1868 = arith.mulf %mul3A_1867, %mul3A_1866 : f32
        %sub3A_1869 = arith.constant 1.500000e+00 : f32
        %sub3A_1870 = arith.subf %sub3A_1869, %mul3A_1868 : f32
        %mul3A_1871 = arith.mulf %mul3A_1866, %sub3A_1870 : f32
        %min3A_1872 = arith.constant 1.000000e+08 : f32
        %min3A_1873 = arith.minimumf %mul3A_1871, %min3A_1872 : f32
        %broadcast_in_dim3A_1874 = vector.broadcast %min3A_1873 : f32 to vector<16xf32>
        %add3A_1875 = arith.addf %add3A_1769, %get3A_1797 : vector<16xf32>
        %mul3A_1876 = arith.mulf %get3A_1797, %broadcast_in_dim3A_1874 : vector<16xf32>
        %add3A_1877 = arith.addf %add3A_1771, %mul3A_1876 : vector<16xf32>
        %add3A_1878 = arith.addf %add3A_1772, %get3A_1802 : vector<16xf32>
        %mul3A_1879 = arith.mulf %get3A_1802, %broadcast_in_dim3A_1874 : vector<16xf32>
        %add3A_1880 = arith.addf %add3A_1774, %mul3A_1879 : vector<16xf32>
        %add3A_1881 = arith.addf %add3A_1775, %get3A_1807 : vector<16xf32>
        %mul3A_1882 = arith.mulf %get3A_1807, %broadcast_in_dim3A_1874 : vector<16xf32>
        %add3A_1883 = arith.addf %add3A_1777, %mul3A_1882 : vector<16xf32>
        %add3A_1884 = arith.addf %add3A_1778, %get3A_1812 : vector<16xf32>
        %mul3A_1885 = arith.mulf %get3A_1812, %broadcast_in_dim3A_1874 : vector<16xf32>
        %add3A_1886 = arith.addf %add3A_1780, %mul3A_1885 : vector<16xf32>
        %add3A_1887 = arith.addf %add3A_1781, %get3A_1817 : vector<16xf32>
        %mul3A_1888 = arith.mulf %get3A_1817, %broadcast_in_dim3A_1874 : vector<16xf32>
        %add3A_1889 = arith.addf %add3A_1783, %mul3A_1888 : vector<16xf32>
        %add3A_1890 = arith.addf %add3A_1784, %get3A_1822 : vector<16xf32>
        %mul3A_1891 = arith.mulf %get3A_1822, %broadcast_in_dim3A_1874 : vector<16xf32>
        %add3A_1892 = arith.addf %add3A_1786, %mul3A_1891 : vector<16xf32>
        %add3A_1893 = arith.addf %add3A_1787, %get3A_1827 : vector<16xf32>
        %mul3A_1894 = arith.mulf %get3A_1827, %broadcast_in_dim3A_1874 : vector<16xf32>
        %add3A_1895 = arith.addf %add3A_1789, %mul3A_1894 : vector<16xf32>
        %add3A_1896 = arith.addf %add3A_1790, %get3A_1832 : vector<16xf32>
        %mul3A_1897 = arith.mulf %get3A_1832, %broadcast_in_dim3A_1874 : vector<16xf32>
        %add3A_1898 = arith.addf %add3A_1792, %mul3A_1897 : vector<16xf32>
        scf.yield %while3A_130, %while3A_131, %while3A_132, %while3A_133, %while3A_134, %add3A_1875, %add3A_1878, %add3A_1881, %add3A_1884, %add3A_1887, %add3A_1890, %add3A_1893, %add3A_1896, %add3A_1877, %add3A_1880, %add3A_1883, %add3A_1886, %add3A_1889, %add3A_1892, %add3A_1895, %add3A_1898 : i32, i32, i32, i32, i32, vector<16xf32>, vector<16xf32>, vector<16xf32>, vector<16xf32>, vector<16xf32>, vector<16xf32>, vector<16xf32>, vector<16xf32>, vector<16xf32>, vector<16xf32>, vector<16xf32>, vector<16xf32>, vector<16xf32>, vector<16xf32>, vector<16xf32>, vector<16xf32>
      } else {
        %while3A_205:22 = scf.while (%while3A_220 = %add3A_153, %while3A_221 = %while3A_130, %while3A_222 = %while3A_131, %while3A_223 = %while3A_132, %while3A_224 = %while3A_133, %while3A_225 = %while3A_134, %while3A_226 = %while3A_135, %while3A_227 = %while3A_136, %while3A_228 = %while3A_137, %while3A_229 = %while3A_138, %while3A_230 = %while3A_139, %while3A_231 = %while3A_140, %while3A_232 = %while3A_141, %while3A_233 = %while3A_142, %while3A_234 = %while3A_143, %while3A_235 = %while3A_144, %while3A_236 = %while3A_145, %while3A_237 = %while3A_146, %while3A_238 = %while3A_147, %while3A_239 = %while3A_148, %while3A_240 = %while3A_149, %while3A_241 = %while3A_150) : (i32, i32, i32, i32, i32, i32, vector<16xf32>, vector<16xf32>, vector<16xf32>, vector<16xf32>, vector<16xf32>, vector<16xf32>, vector<16xf32>, vector<16xf32>, vector<16xf32>, vector<16xf32>, vector<16xf32>, vector<16xf32>, vector<16xf32>, vector<16xf32>, vector<16xf32>, vector<16xf32>) -> (i32, i32, i32, i32, i32, i32, vector<16xf32>, vector<16xf32>, vector<16xf32>, vector<16xf32>, vector<16xf32>, vector<16xf32>, vector<16xf32>, vector<16xf32>, vector<16xf32>, vector<16xf32>, vector<16xf32>, vector<16xf32>, vector<16xf32>, vector<16xf32>, vector<16xf32>, vector<16xf32>) {
          %lt3A_242 = arith.cmpi slt, %while3A_222, %min3A : i32
          scf.condition(%lt3A_242) %while3A_220, %while3A_221, %while3A_222, %while3A_223, %while3A_224, %while3A_225, %while3A_226, %while3A_227, %while3A_228, %while3A_229, %while3A_230, %while3A_231, %while3A_232, %while3A_233, %while3A_234, %while3A_235, %while3A_236, %while3A_237, %while3A_238, %while3A_239, %while3A_240, %while3A_241 : i32, i32, i32, i32, i32, i32, vector<16xf32>, vector<16xf32>, vector<16xf32>, vector<16xf32>, vector<16xf32>, vector<16xf32>, vector<16xf32>, vector<16xf32>, vector<16xf32>, vector<16xf32>, vector<16xf32>, vector<16xf32>, vector<16xf32>, vector<16xf32>, vector<16xf32>, vector<16xf32>
        } do {
        ^bb0(%while3A_220: i32, %while3A_221: i32, %while3A_222: i32, %while3A_223: i32, %while3A_224: i32, %while3A_225: i32, %while3A_226: vector<16xf32>, %while3A_227: vector<16xf32>, %while3A_228: vector<16xf32>, %while3A_229: vector<16xf32>, %while3A_230: vector<16xf32>, %while3A_231: vector<16xf32>, %while3A_232: vector<16xf32>, %while3A_233: vector<16xf32>, %while3A_234: vector<16xf32>, %while3A_235: vector<16xf32>, %while3A_236: vector<16xf32>, %while3A_237: vector<16xf32>, %while3A_238: vector<16xf32>, %while3A_239: vector<16xf32>, %while3A_240: vector<16xf32>, %while3A_241: vector<16xf32>):
          %gt3A_242 = arith.constant 0 : i32
          %gt3A_243 = arith.cmpi sgt, %while3A_224, %gt3A_242 : i32
          %select_n3A_244 = arith.select %gt3A_243, %while3A_220, %while3A_222 : i32
          %while3A_245 = arith.subi %while3A_222, %select_n3A_244 : i32
          %while3A_246 = arith.addi %select_n3A_244, %while3A_245 : i32
          %while3A_247 = arith.constant 1 : i32
          %while3A_248 = arith.divsi %while3A_245, %while3A_247 : i32
          %while3A_249 = arith.muli %while3A_248, %while3A_247 : i32
          %while3A_250 = arith.addi %select_n3A_244, %while3A_249 : i32
          %while3A_251 = arith.constant 1 : i32
          %while3A_252:16 = scf.for %while3A_273 = %select_n3A_244 to %while3A_250 step %while3A_251 iter_args(%while3A_274 = %while3A_226, %while3A_275 = %while3A_227, %while3A_276 = %while3A_228, %while3A_277 = %while3A_229, %while3A_278 = %while3A_230, %while3A_279 = %while3A_231, %while3A_280 = %while3A_232, %while3A_281 = %while3A_233, %while3A_282 = %while3A_234, %while3A_283 = %while3A_235, %while3A_284 = %while3A_236, %while3A_285 = %while3A_237, %while3A_286 = %while3A_238, %while3A_287 = %while3A_239, %while3A_288 = %while3A_240, %while3A_289 = %while3A_241) -> (vector<16xf32>, vector<16xf32>, vector<16xf32>, vector<16xf32>, vector<16xf32>, vector<16xf32>, vector<16xf32>, vector<16xf32>, vector<16xf32>, vector<16xf32>, vector<16xf32>, vector<16xf32>, vector<16xf32>, vector<16xf32>, vector<16xf32>, vector<16xf32>)  : i32 {
            %sub3A_290 = arith.subi %while3A_273, %get3A_191 : i32
            %get3A_291 = arith.index_cast %sub3A_290 : i32 to index
            %get3A_292 = arith.constant 0 : index
            %get3A_293 = tpu.vector_load %arg9[%get3A_291, %get3A_292] {strides = array<i32>} : memref<768x128xf32, #tpu.memory_space<vmem>>, vector<16xf32>,
            %get3A_294 = arith.index_cast %sub3A_290 : i32 to index
            %get3A_295 = arith.constant 16 : index
            %get3A_296 = tpu.vector_load %arg9[%get3A_294, %get3A_295] {strides = array<i32>} : memref<768x128xf32, #tpu.memory_space<vmem>>, vector<16xf32>,
            %get3A_297 = arith.index_cast %sub3A_290 : i32 to index
            %get3A_298 = arith.constant 32 : index
            %get3A_299 = tpu.vector_load %arg9[%get3A_297, %get3A_298] {strides = array<i32>} : memref<768x128xf32, #tpu.memory_space<vmem>>, vector<16xf32>,
            %get3A_300 = arith.index_cast %sub3A_290 : i32 to index
            %get3A_301 = arith.constant 48 : index
            %get3A_302 = tpu.vector_load %arg9[%get3A_300, %get3A_301] {strides = array<i32>} : memref<768x128xf32, #tpu.memory_space<vmem>>, vector<16xf32>,
            %get3A_303 = arith.index_cast %sub3A_290 : i32 to index
            %get3A_304 = arith.constant 64 : index
            %get3A_305 = tpu.vector_load %arg9[%get3A_303, %get3A_304] {strides = array<i32>} : memref<768x128xf32, #tpu.memory_space<vmem>>, vector<16xf32>,
            %get3A_306 = arith.index_cast %sub3A_290 : i32 to index
            %get3A_307 = arith.constant 80 : index
            %get3A_308 = tpu.vector_load %arg9[%get3A_306, %get3A_307] {strides = array<i32>} : memref<768x128xf32, #tpu.memory_space<vmem>>, vector<16xf32>,
            %get3A_309 = arith.index_cast %sub3A_290 : i32 to index
            %get3A_310 = arith.constant 96 : index
            %get3A_311 = tpu.vector_load %arg9[%get3A_309, %get3A_310] {strides = array<i32>} : memref<768x128xf32, #tpu.memory_space<vmem>>, vector<16xf32>,
            %get3A_312 = arith.index_cast %sub3A_290 : i32 to index
            %get3A_313 = arith.constant 112 : index
            %get3A_314 = tpu.vector_load %arg9[%get3A_312, %get3A_313] {strides = array<i32>} : memref<768x128xf32, #tpu.memory_space<vmem>>, vector<16xf32>,
            %mul3A_315 = arith.mulf %get3A_293, %get3A_293 : vector<16xf32>
            %mul3A_316 = arith.mulf %get3A_296, %get3A_296 : vector<16xf32>
            %add3A_317 = arith.addf %mul3A_315, %mul3A_316 : vector<16xf32>
            %mul3A_318 = arith.mulf %get3A_299, %get3A_299 : vector<16xf32>
            %mul3A_319 = arith.mulf %get3A_302, %get3A_302 : vector<16xf32>
            %add3A_320 = arith.addf %mul3A_318, %mul3A_319 : vector<16xf32>
            %mul3A_321 = arith.mulf %get3A_305, %get3A_305 : vector<16xf32>
            %mul3A_322 = arith.mulf %get3A_308, %get3A_308 : vector<16xf32>
            %add3A_323 = arith.addf %mul3A_321, %mul3A_322 : vector<16xf32>
            %mul3A_324 = arith.mulf %get3A_311, %get3A_311 : vector<16xf32>
            %mul3A_325 = arith.mulf %get3A_314, %get3A_314 : vector<16xf32>
            %add3A_326 = arith.addf %mul3A_324, %mul3A_325 : vector<16xf32>
            %add3A_327 = arith.addf %add3A_317, %add3A_320 : vector<16xf32>
            %add3A_328 = arith.addf %add3A_323, %add3A_326 : vector<16xf32>
            %add3A_329 = arith.addf %add3A_327, %add3A_328 : vector<16xf32>
            %reduce_sum3A = arith.constant true
            %reduce_sum3A_330 = vector.broadcast %reduce_sum3A : i1 to vector<16xi1>
            %reduce_sum3A_331 = tpu.scan <sum>, %add3A_329 masked %reduce_sum3A_330 : vector<16xf32>, vector<16xi1> -> vector<16xf32>
            %reduce_sum3A_332 = vector.extract %reduce_sum3A_331[15] : f32 from vector<16xf32>
            %max3A_333 = arith.constant 1.000000e-30 : f32
            %max3A_334 = arith.maximumf %reduce_sum3A_332, %max3A_333 : f32
            %bitcast_convert_type3A = arith.bitcast %max3A_334 : f32 to i32
            %shift_right_arithmetic3A = arith.constant 1 : i32
            %shift_right_arithmetic3A_335 = arith.shrsi %bitcast_convert_type3A, %shift_right_arithmetic3A : i32
            %sub3A_336 = arith.constant 1597463007 : i32
            %sub3A_337 = arith.subi %sub3A_336, %shift_right_arithmetic3A_335 : i32
            %bitcast_convert_type3A_338 = arith.bitcast %sub3A_337 : i32 to f32
            %mul3A_339 = arith.constant 5.000000e-01 : f32
            %mul3A_340 = arith.mulf %max3A_334, %mul3A_339 : f32
            %mul3A_341 = arith.mulf %mul3A_340, %bitcast_convert_type3A_338 : f32
            %mul3A_342 = arith.mulf %mul3A_341, %bitcast_convert_type3A_338 : f32
            %sub3A_343 = arith.constant 1.500000e+00 : f32
            %sub3A_344 = arith.subf %sub3A_343, %mul3A_342 : f32
            %mul3A_345 = arith.mulf %bitcast_convert_type3A_338, %sub3A_344 : f32
            %mul3A_346 = arith.mulf %mul3A_340, %mul3A_345 : f32
            %mul3A_347 = arith.mulf %mul3A_346, %mul3A_345 : f32
            %sub3A_348 = arith.constant 1.500000e+00 : f32
            %sub3A_349 = arith.subf %sub3A_348, %mul3A_347 : f32
            %mul3A_350 = arith.mulf %mul3A_345, %sub3A_349 : f32
            %min3A_351 = arith.constant 1.000000e+08 : f32
            %min3A_352 = arith.minimumf %mul3A_350, %min3A_351 : f32
            %broadcast_in_dim3A_353 = vector.broadcast %min3A_352 : f32 to vector<16xf32>
            %add3A_354 = arith.addf %while3A_274, %get3A_293 : vector<16xf32>
            %add3A_355 = arith.addf %while3A_275, %get3A_296 : vector<16xf32>
            %add3A_356 = arith.addf %while3A_276, %get3A_299 : vector<16xf32>
            %add3A_357 = arith.addf %while3A_277, %get3A_302 : vector<16xf32>
            %add3A_358 = arith.addf %while3A_278, %get3A_305 : vector<16xf32>
            %add3A_359 = arith.addf %while3A_279, %get3A_308 : vector<16xf32>
            %add3A_360 = arith.addf %while3A_280, %get3A_311 : vector<16xf32>
            %add3A_361 = arith.addf %while3A_281, %get3A_314 : vector<16xf32>
            %mul3A_362 = arith.mulf %get3A_293, %broadcast_in_dim3A_353 : vector<16xf32>
            %add3A_363 = arith.addf %while3A_282, %mul3A_362 : vector<16xf32>
            %mul3A_364 = arith.mulf %get3A_296, %broadcast_in_dim3A_353 : vector<16xf32>
            %add3A_365 = arith.addf %while3A_283, %mul3A_364 : vector<16xf32>
            %mul3A_366 = arith.mulf %get3A_299, %broadcast_in_dim3A_353 : vector<16xf32>
            %add3A_367 = arith.addf %while3A_284, %mul3A_366 : vector<16xf32>
            %mul3A_368 = arith.mulf %get3A_302, %broadcast_in_dim3A_353 : vector<16xf32>
            %add3A_369 = arith.addf %while3A_285, %mul3A_368 : vector<16xf32>
            %mul3A_370 = arith.mulf %get3A_305, %broadcast_in_dim3A_353 : vector<16xf32>
            %add3A_371 = arith.addf %while3A_286, %mul3A_370 : vector<16xf32>
            %mul3A_372 = arith.mulf %get3A_308, %broadcast_in_dim3A_353 : vector<16xf32>
            %add3A_373 = arith.addf %while3A_287, %mul3A_372 : vector<16xf32>
            %mul3A_374 = arith.mulf %get3A_311, %broadcast_in_dim3A_353 : vector<16xf32>
            %add3A_375 = arith.addf %while3A_288, %mul3A_374 : vector<16xf32>
            %mul3A_376 = arith.mulf %get3A_314, %broadcast_in_dim3A_353 : vector<16xf32>
            %add3A_377 = arith.addf %while3A_289, %mul3A_376 : vector<16xf32>
            scf.yield %add3A_354, %add3A_355, %add3A_356, %add3A_357, %add3A_358, %add3A_359, %add3A_360, %add3A_361, %add3A_363, %add3A_365, %add3A_367, %add3A_369, %add3A_371, %add3A_373, %add3A_375, %add3A_377 : vector<16xf32>, vector<16xf32>, vector<16xf32>, vector<16xf32>, vector<16xf32>, vector<16xf32>, vector<16xf32>, vector<16xf32>, vector<16xf32>, vector<16xf32>, vector<16xf32>, vector<16xf32>, vector<16xf32>, vector<16xf32>, vector<16xf32>, vector<16xf32>
          }
          %while3A_253 = arith.constant 1 : i32
          %while3A_254:16 = scf.for %while3A_273 = %while3A_250 to %while3A_246 step %while3A_253 iter_args(%while3A_274 = %while3A_252#0, %while3A_275 = %while3A_252#1, %while3A_276 = %while3A_252#2, %while3A_277 = %while3A_252#3, %while3A_278 = %while3A_252#4, %while3A_279 = %while3A_252#5, %while3A_280 = %while3A_252#6, %while3A_281 = %while3A_252#7, %while3A_282 = %while3A_252#8, %while3A_283 = %while3A_252#9, %while3A_284 = %while3A_252#10, %while3A_285 = %while3A_252#11, %while3A_286 = %while3A_252#12, %while3A_287 = %while3A_252#13, %while3A_288 = %while3A_252#14, %while3A_289 = %while3A_252#15) -> (vector<16xf32>, vector<16xf32>, vector<16xf32>, vector<16xf32>, vector<16xf32>, vector<16xf32>, vector<16xf32>, vector<16xf32>, vector<16xf32>, vector<16xf32>, vector<16xf32>, vector<16xf32>, vector<16xf32>, vector<16xf32>, vector<16xf32>, vector<16xf32>)  : i32 {
            %sub3A_290 = arith.subi %while3A_273, %get3A_191 : i32
            %get3A_291 = arith.index_cast %sub3A_290 : i32 to index
            %get3A_292 = arith.constant 0 : index
            %get3A_293 = tpu.vector_load %arg9[%get3A_291, %get3A_292] {strides = array<i32>} : memref<768x128xf32, #tpu.memory_space<vmem>>, vector<16xf32>,
            %get3A_294 = arith.index_cast %sub3A_290 : i32 to index
            %get3A_295 = arith.constant 16 : index
            %get3A_296 = tpu.vector_load %arg9[%get3A_294, %get3A_295] {strides = array<i32>} : memref<768x128xf32, #tpu.memory_space<vmem>>, vector<16xf32>,
            %get3A_297 = arith.index_cast %sub3A_290 : i32 to index
            %get3A_298 = arith.constant 32 : index
            %get3A_299 = tpu.vector_load %arg9[%get3A_297, %get3A_298] {strides = array<i32>} : memref<768x128xf32, #tpu.memory_space<vmem>>, vector<16xf32>,
            %get3A_300 = arith.index_cast %sub3A_290 : i32 to index
            %get3A_301 = arith.constant 48 : index
            %get3A_302 = tpu.vector_load %arg9[%get3A_300, %get3A_301] {strides = array<i32>} : memref<768x128xf32, #tpu.memory_space<vmem>>, vector<16xf32>,
            %get3A_303 = arith.index_cast %sub3A_290 : i32 to index
            %get3A_304 = arith.constant 64 : index
            %get3A_305 = tpu.vector_load %arg9[%get3A_303, %get3A_304] {strides = array<i32>} : memref<768x128xf32, #tpu.memory_space<vmem>>, vector<16xf32>,
            %get3A_306 = arith.index_cast %sub3A_290 : i32 to index
            %get3A_307 = arith.constant 80 : index
            %get3A_308 = tpu.vector_load %arg9[%get3A_306, %get3A_307] {strides = array<i32>} : memref<768x128xf32, #tpu.memory_space<vmem>>, vector<16xf32>,
            %get3A_309 = arith.index_cast %sub3A_290 : i32 to index
            %get3A_310 = arith.constant 96 : index
            %get3A_311 = tpu.vector_load %arg9[%get3A_309, %get3A_310] {strides = array<i32>} : memref<768x128xf32, #tpu.memory_space<vmem>>, vector<16xf32>,
            %get3A_312 = arith.index_cast %sub3A_290 : i32 to index
            %get3A_313 = arith.constant 112 : index
            %get3A_314 = tpu.vector_load %arg9[%get3A_312, %get3A_313] {strides = array<i32>} : memref<768x128xf32, #tpu.memory_space<vmem>>, vector<16xf32>,
            %mul3A_315 = arith.mulf %get3A_293, %get3A_293 : vector<16xf32>
            %mul3A_316 = arith.mulf %get3A_296, %get3A_296 : vector<16xf32>
            %add3A_317 = arith.addf %mul3A_315, %mul3A_316 : vector<16xf32>
            %mul3A_318 = arith.mulf %get3A_299, %get3A_299 : vector<16xf32>
            %mul3A_319 = arith.mulf %get3A_302, %get3A_302 : vector<16xf32>
            %add3A_320 = arith.addf %mul3A_318, %mul3A_319 : vector<16xf32>
            %mul3A_321 = arith.mulf %get3A_305, %get3A_305 : vector<16xf32>
            %mul3A_322 = arith.mulf %get3A_308, %get3A_308 : vector<16xf32>
            %add3A_323 = arith.addf %mul3A_321, %mul3A_322 : vector<16xf32>
            %mul3A_324 = arith.mulf %get3A_311, %get3A_311 : vector<16xf32>
            %mul3A_325 = arith.mulf %get3A_314, %get3A_314 : vector<16xf32>
            %add3A_326 = arith.addf %mul3A_324, %mul3A_325 : vector<16xf32>
            %add3A_327 = arith.addf %add3A_317, %add3A_320 : vector<16xf32>
            %add3A_328 = arith.addf %add3A_323, %add3A_326 : vector<16xf32>
            %add3A_329 = arith.addf %add3A_327, %add3A_328 : vector<16xf32>
            %reduce_sum3A = arith.constant true
            %reduce_sum3A_330 = vector.broadcast %reduce_sum3A : i1 to vector<16xi1>
            %reduce_sum3A_331 = tpu.scan <sum>, %add3A_329 masked %reduce_sum3A_330 : vector<16xf32>, vector<16xi1> -> vector<16xf32>
            %reduce_sum3A_332 = vector.extract %reduce_sum3A_331[15] : f32 from vector<16xf32>
            %max3A_333 = arith.constant 1.000000e-30 : f32
            %max3A_334 = arith.maximumf %reduce_sum3A_332, %max3A_333 : f32
            %bitcast_convert_type3A = arith.bitcast %max3A_334 : f32 to i32
            %shift_right_arithmetic3A = arith.constant 1 : i32
            %shift_right_arithmetic3A_335 = arith.shrsi %bitcast_convert_type3A, %shift_right_arithmetic3A : i32
            %sub3A_336 = arith.constant 1597463007 : i32
            %sub3A_337 = arith.subi %sub3A_336, %shift_right_arithmetic3A_335 : i32
            %bitcast_convert_type3A_338 = arith.bitcast %sub3A_337 : i32 to f32
            %mul3A_339 = arith.constant 5.000000e-01 : f32
            %mul3A_340 = arith.mulf %max3A_334, %mul3A_339 : f32
            %mul3A_341 = arith.mulf %mul3A_340, %bitcast_convert_type3A_338 : f32
            %mul3A_342 = arith.mulf %mul3A_341, %bitcast_convert_type3A_338 : f32
            %sub3A_343 = arith.constant 1.500000e+00 : f32
            %sub3A_344 = arith.subf %sub3A_343, %mul3A_342 : f32
            %mul3A_345 = arith.mulf %bitcast_convert_type3A_338, %sub3A_344 : f32
            %mul3A_346 = arith.mulf %mul3A_340, %mul3A_345 : f32
            %mul3A_347 = arith.mulf %mul3A_346, %mul3A_345 : f32
            %sub3A_348 = arith.constant 1.500000e+00 : f32
            %sub3A_349 = arith.subf %sub3A_348, %mul3A_347 : f32
            %mul3A_350 = arith.mulf %mul3A_345, %sub3A_349 : f32
            %min3A_351 = arith.constant 1.000000e+08 : f32
            %min3A_352 = arith.minimumf %mul3A_350, %min3A_351 : f32
            %broadcast_in_dim3A_353 = vector.broadcast %min3A_352 : f32 to vector<16xf32>
            %add3A_354 = arith.addf %while3A_274, %get3A_293 : vector<16xf32>
            %add3A_355 = arith.addf %while3A_275, %get3A_296 : vector<16xf32>
            %add3A_356 = arith.addf %while3A_276, %get3A_299 : vector<16xf32>
            %add3A_357 = arith.addf %while3A_277, %get3A_302 : vector<16xf32>
            %add3A_358 = arith.addf %while3A_278, %get3A_305 : vector<16xf32>
            %add3A_359 = arith.addf %while3A_279, %get3A_308 : vector<16xf32>
            %add3A_360 = arith.addf %while3A_280, %get3A_311 : vector<16xf32>
            %add3A_361 = arith.addf %while3A_281, %get3A_314 : vector<16xf32>
            %mul3A_362 = arith.mulf %get3A_293, %broadcast_in_dim3A_353 : vector<16xf32>
            %add3A_363 = arith.addf %while3A_282, %mul3A_362 : vector<16xf32>
            %mul3A_364 = arith.mulf %get3A_296, %broadcast_in_dim3A_353 : vector<16xf32>
            %add3A_365 = arith.addf %while3A_283, %mul3A_364 : vector<16xf32>
            %mul3A_366 = arith.mulf %get3A_299, %broadcast_in_dim3A_353 : vector<16xf32>
            %add3A_367 = arith.addf %while3A_284, %mul3A_366 : vector<16xf32>
            %mul3A_368 = arith.mulf %get3A_302, %broadcast_in_dim3A_353 : vector<16xf32>
            %add3A_369 = arith.addf %while3A_285, %mul3A_368 : vector<16xf32>
            %mul3A_370 = arith.mulf %get3A_305, %broadcast_in_dim3A_353 : vector<16xf32>
            %add3A_371 = arith.addf %while3A_286, %mul3A_370 : vector<16xf32>
            %mul3A_372 = arith.mulf %get3A_308, %broadcast_in_dim3A_353 : vector<16xf32>
            %add3A_373 = arith.addf %while3A_287, %mul3A_372 : vector<16xf32>
            %mul3A_374 = arith.mulf %get3A_311, %broadcast_in_dim3A_353 : vector<16xf32>
            %add3A_375 = arith.addf %while3A_288, %mul3A_374 : vector<16xf32>
            %mul3A_376 = arith.mulf %get3A_314, %broadcast_in_dim3A_353 : vector<16xf32>
            %add3A_377 = arith.addf %while3A_289, %mul3A_376 : vector<16xf32>
            scf.yield %add3A_354, %add3A_355, %add3A_356, %add3A_357, %add3A_358, %add3A_359, %add3A_360, %add3A_361, %add3A_363, %add3A_365, %add3A_367, %add3A_369, %add3A_371, %add3A_373, %add3A_375, %add3A_377 : vector<16xf32>, vector<16xf32>, vector<16xf32>, vector<16xf32>, vector<16xf32>, vector<16xf32>, vector<16xf32>, vector<16xf32>, vector<16xf32>, vector<16xf32>, vector<16xf32>, vector<16xf32>, vector<16xf32>, vector<16xf32>, vector<16xf32>, vector<16xf32>
          }
          %gt3A_255 = arith.constant 0 : i32
          %gt3A_256 = arith.cmpi sgt, %while3A_224, %gt3A_255 : i32
          %convert_element_type3A_257 = arith.extui %gt3A_256 : i1 to i32
          %cond3A_258 = arith.constant 0 : i32
          %cond3A_259 = arith.cmpi ne, %convert_element_type3A_257, %cond3A_258 : i32
          scf.if %cond3A_259 {
            %add3A_273 = arith.constant 8 : i32
            %add3A_274 = arith.addi %add3A_273, %while3A_223 : i32
            %sub3A_275 = arith.subi %add3A_274, %multiple_of3A : i32
            %get3A_276 = arith.index_cast %sub3A_275 : i32 to index
            %get3A_277 = tpu.vector_load %arg5[%get3A_276] {strides = array<i32>} : memref<10032xi32, #tpu.memory_space<vmem>>, vector<16xi32>,
            %slice3A_278 = vector.extract_strided_slice %get3A_277 {offsets = [0], sizes = [1], strides = [1]} : vector<16xi32> to vector<1xi32>
            %squeeze3A_279 = vector.extract %slice3A_278[0] : i32 from vector<1xi32>
            %sub3A_280 = arith.subi %while3A_222, %while3A_223 : i32
            %and3A_281 = arith.constant 1 : i32
            %and3A_282 = arith.andi %while3A_225, %and3A_281 : i32
            %eq3A_283 = arith.constant 0 : i32
            %eq3A_284 = arith.cmpi eq, %and3A_282, %eq3A_283 : i32
            %convert_element_type3A_285 = arith.extui %eq3A_284 : i1 to i32
            %cond3A_286 = arith.constant 0 : i32
            %cond3A_287 = arith.cmpi ne, %convert_element_type3A_285, %cond3A_286 : i32
            scf.if %cond3A_287 {
              %ge3A_295 = arith.constant 2 : i32
              %ge3A_296 = arith.cmpi sge, %while3A_225, %ge3A_295 : i32
              %convert_element_type3A_297 = arith.extui %ge3A_296 : i1 to i32
              %cond3A_298 = arith.constant 0 : i32
              %cond3A_299 = arith.cmpi ne, %convert_element_type3A_297, %cond3A_298 : i32
              scf.if %cond3A_299 {
                %dma_wait3A = arith.constant 0 : i32
                %dma_wait3A_341 = tpu.memref_slice %arg4[%squeeze3A_279, %dma_wait3A] : memref<10000x272xf32, #tpu.memory_space<hbm>> -> memref<1x272xf32, #tpu.memory_space<hbm>>
                %dma_wait3A_342 = tpu.memref_squeeze %dma_wait3A_341 : memref<1x272xf32, #tpu.memory_space<hbm>> -> memref<272xf32, #tpu.memory_space<hbm>>
                %dma_wait3A_343 = arith.constant 0 : i32
                %dma_wait3A_344 = tpu.memref_slice %arg4[%squeeze3A_279, %dma_wait3A_343] : memref<10000x272xf32, #tpu.memory_space<hbm>> -> memref<1x272xf32, #tpu.memory_space<hbm>>
                %dma_wait3A_345 = tpu.memref_squeeze %dma_wait3A_344 : memref<1x272xf32, #tpu.memory_space<hbm>> -> memref<272xf32, #tpu.memory_space<hbm>>
                tpu.wait_dma2 semaphore(%arg12 : memref<!tpu.dma_semaphore, #tpu.memory_space<semaphore_mem>>) src(%arg10 : memref<272xf32, #tpu.memory_space<vmem>>) dst(%dma_wait3A_345 : memref<272xf32, #tpu.memory_space<hbm>>)
              } else {
              }
              %swap3A_300 = arith.constant 0 : index
              %swap3A_301 = tpu.vector_load %arg10[%swap3A_300] {strides = array<i32>} : memref<272xf32, #tpu.memory_space<vmem>>, vector<16xf32>,
              tpu.vector_store %arg10[%swap3A_300], %while3A_254#0 {strides = array<i32>} : memref<272xf32, #tpu.memory_space<vmem>>, vector<16xf32>,
              %swap3A_302 = arith.constant 128 : index
              %swap3A_303 = tpu.vector_load %arg10[%swap3A_302] {strides = array<i32>} : memref<272xf32, #tpu.memory_space<vmem>>, vector<16xf32>,
              tpu.vector_store %arg10[%swap3A_302], %while3A_254#8 {strides = array<i32>} : memref<272xf32, #tpu.memory_space<vmem>>, vector<16xf32>,
              %swap3A_304 = arith.constant 16 : index
              %swap3A_305 = tpu.vector_load %arg10[%swap3A_304] {strides = array<i32>} : memref<272xf32, #tpu.memory_space<vmem>>, vector<16xf32>,
              tpu.vector_store %arg10[%swap3A_304], %while3A_254#1 {strides = array<i32>} : memref<272xf32, #tpu.memory_space<vmem>>, vector<16xf32>,
              %swap3A_306 = arith.constant 144 : index
              %swap3A_307 = tpu.vector_load %arg10[%swap3A_306] {strides = array<i32>} : memref<272xf32, #tpu.memory_space<vmem>>, vector<16xf32>,
              tpu.vector_store %arg10[%swap3A_306], %while3A_254#9 {strides = array<i32>} : memref<272xf32, #tpu.memory_space<vmem>>, vector<16xf32>,
              %swap3A_308 = arith.constant 32 : index
              %swap3A_309 = tpu.vector_load %arg10[%swap3A_308] {strides = array<i32>} : memref<272xf32, #tpu.memory_space<vmem>>, vector<16xf32>,
              tpu.vector_store %arg10[%swap3A_308], %while3A_254#2 {strides = array<i32>} : memref<272xf32, #tpu.memory_space<vmem>>, vector<16xf32>,
              %swap3A_310 = arith.constant 160 : index
              %swap3A_311 = tpu.vector_load %arg10[%swap3A_310] {strides = array<i32>} : memref<272xf32, #tpu.memory_space<vmem>>, vector<16xf32>,
              tpu.vector_store %arg10[%swap3A_310], %while3A_254#10 {strides = array<i32>} : memref<272xf32, #tpu.memory_space<vmem>>, vector<16xf32>,
              %swap3A_312 = arith.constant 48 : index
              %swap3A_313 = tpu.vector_load %arg10[%swap3A_312] {strides = array<i32>} : memref<272xf32, #tpu.memory_space<vmem>>, vector<16xf32>,
              tpu.vector_store %arg10[%swap3A_312], %while3A_254#3 {strides = array<i32>} : memref<272xf32, #tpu.memory_space<vmem>>, vector<16xf32>,
              %swap3A_314 = arith.constant 176 : index
              %swap3A_315 = tpu.vector_load %arg10[%swap3A_314] {strides = array<i32>} : memref<272xf32, #tpu.memory_space<vmem>>, vector<16xf32>,
              tpu.vector_store %arg10[%swap3A_314], %while3A_254#11 {strides = array<i32>} : memref<272xf32, #tpu.memory_space<vmem>>, vector<16xf32>,
              %swap3A_316 = arith.constant 64 : index
              %swap3A_317 = tpu.vector_load %arg10[%swap3A_316] {strides = array<i32>} : memref<272xf32, #tpu.memory_space<vmem>>, vector<16xf32>,
              tpu.vector_store %arg10[%swap3A_316], %while3A_254#4 {strides = array<i32>} : memref<272xf32, #tpu.memory_space<vmem>>, vector<16xf32>,
              %swap3A_318 = arith.constant 192 : index
              %swap3A_319 = tpu.vector_load %arg10[%swap3A_318] {strides = array<i32>} : memref<272xf32, #tpu.memory_space<vmem>>, vector<16xf32>,
              tpu.vector_store %arg10[%swap3A_318], %while3A_254#12 {strides = array<i32>} : memref<272xf32, #tpu.memory_space<vmem>>, vector<16xf32>,
              %swap3A_320 = arith.constant 80 : index
              %swap3A_321 = tpu.vector_load %arg10[%swap3A_320] {strides = array<i32>} : memref<272xf32, #tpu.memory_space<vmem>>, vector<16xf32>,
              tpu.vector_store %arg10[%swap3A_320], %while3A_254#5 {strides = array<i32>} : memref<272xf32, #tpu.memory_space<vmem>>, vector<16xf32>,
              %swap3A_322 = arith.constant 208 : index
              %swap3A_323 = tpu.vector_load %arg10[%swap3A_322] {strides = array<i32>} : memref<272xf32, #tpu.memory_space<vmem>>, vector<16xf32>,
              tpu.vector_store %arg10[%swap3A_322], %while3A_254#13 {strides = array<i32>} : memref<272xf32, #tpu.memory_space<vmem>>, vector<16xf32>,
              %swap3A_324 = arith.constant 96 : index
              %swap3A_325 = tpu.vector_load %arg10[%swap3A_324] {strides = array<i32>} : memref<272xf32, #tpu.memory_space<vmem>>, vector<16xf32>,
              tpu.vector_store %arg10[%swap3A_324], %while3A_254#6 {strides = array<i32>} : memref<272xf32, #tpu.memory_space<vmem>>, vector<16xf32>,
              %swap3A_326 = arith.constant 224 : index
              %swap3A_327 = tpu.vector_load %arg10[%swap3A_326] {strides = array<i32>} : memref<272xf32, #tpu.memory_space<vmem>>, vector<16xf32>,
              tpu.vector_store %arg10[%swap3A_326], %while3A_254#14 {strides = array<i32>} : memref<272xf32, #tpu.memory_space<vmem>>, vector<16xf32>,
              %swap3A_328 = arith.constant 112 : index
              %swap3A_329 = tpu.vector_load %arg10[%swap3A_328] {strides = array<i32>} : memref<272xf32, #tpu.memory_space<vmem>>, vector<16xf32>,
              tpu.vector_store %arg10[%swap3A_328], %while3A_254#7 {strides = array<i32>} : memref<272xf32, #tpu.memory_space<vmem>>, vector<16xf32>,
              %swap3A_330 = arith.constant 240 : index
              %swap3A_331 = tpu.vector_load %arg10[%swap3A_330] {strides = array<i32>} : memref<272xf32, #tpu.memory_space<vmem>>, vector<16xf32>,
              tpu.vector_store %arg10[%swap3A_330], %while3A_254#15 {strides = array<i32>} : memref<272xf32, #tpu.memory_space<vmem>>, vector<16xf32>,
              %convert_element_type3A_332 = arith.sitofp %sub3A_280 : i32 to f32
              %broadcast_in_dim3A_333 = vector.broadcast %convert_element_type3A_332 : f32 to vector<16xf32>
              %swap3A_334 = arith.constant 256 : index
              %swap3A_335 = tpu.vector_load %arg10[%swap3A_334] {strides = array<i32>} : memref<272xf32, #tpu.memory_space<vmem>>, vector<16xf32>,
              tpu.vector_store %arg10[%swap3A_334], %broadcast_in_dim3A_333 {strides = array<i32>} : memref<272xf32, #tpu.memory_space<vmem>>, vector<16xf32>,
              %dma_start3A = arith.constant 0 : i32
              %dma_start3A_336 = tpu.memref_slice %arg4[%squeeze3A_279, %dma_start3A] : memref<10000x272xf32, #tpu.memory_space<hbm>> -> memref<1x272xf32, #tpu.memory_space<hbm>>
              %dma_start3A_337 = tpu.memref_squeeze %dma_start3A_336 : memref<1x272xf32, #tpu.memory_space<hbm>> -> memref<272xf32, #tpu.memory_space<hbm>>
              %dma_start3A_338 = arith.constant 0 : i32
              %dma_start3A_339 = tpu.memref_slice %arg4[%squeeze3A_279, %dma_start3A_338] : memref<10000x272xf32, #tpu.memory_space<hbm>> -> memref<1x272xf32, #tpu.memory_space<hbm>>
              %dma_start3A_340 = tpu.memref_squeeze %dma_start3A_339 : memref<1x272xf32, #tpu.memory_space<hbm>> -> memref<272xf32, #tpu.memory_space<hbm>>
              tpu.enqueue_dma source(%arg10 : memref<272xf32, #tpu.memory_space<vmem>>) target(%dma_start3A_340 : memref<272xf32, #tpu.memory_space<hbm>>) target_semaphore(%arg12 : memref<!tpu.dma_semaphore, #tpu.memory_space<semaphore_mem>>)
            } else {
            }
            %and3A_288 = arith.constant 1 : i32
            %and3A_289 = arith.andi %while3A_225, %and3A_288 : i32
            %eq3A_290 = arith.constant 1 : i32
            %eq3A_291 = arith.cmpi eq, %and3A_289, %eq3A_290 : i32
            %convert_element_type3A_292 = arith.extui %eq3A_291 : i1 to i32
            %cond3A_293 = arith.constant 0 : i32
            %cond3A_294 = arith.cmpi ne, %convert_element_type3A_292, %cond3A_293 : i32
            scf.if %cond3A_294 {
              %ge3A_295 = arith.constant 2 : i32
              %ge3A_296 = arith.cmpi sge, %while3A_225, %ge3A_295 : i32
              %convert_element_type3A_297 = arith.extui %ge3A_296 : i1 to i32
              %cond3A_298 = arith.constant 0 : i32
              %cond3A_299 = arith.cmpi ne, %convert_element_type3A_297, %cond3A_298 : i32
              scf.if %cond3A_299 {
                %dma_wait3A = arith.constant 0 : i32
                %dma_wait3A_341 = tpu.memref_slice %arg4[%squeeze3A_279, %dma_wait3A] : memref<10000x272xf32, #tpu.memory_space<hbm>> -> memref<1x272xf32, #tpu.memory_space<hbm>>
                %dma_wait3A_342 = tpu.memref_squeeze %dma_wait3A_341 : memref<1x272xf32, #tpu.memory_space<hbm>> -> memref<272xf32, #tpu.memory_space<hbm>>
                %dma_wait3A_343 = arith.constant 0 : i32
                %dma_wait3A_344 = tpu.memref_slice %arg4[%squeeze3A_279, %dma_wait3A_343] : memref<10000x272xf32, #tpu.memory_space<hbm>> -> memref<1x272xf32, #tpu.memory_space<hbm>>
                %dma_wait3A_345 = tpu.memref_squeeze %dma_wait3A_344 : memref<1x272xf32, #tpu.memory_space<hbm>> -> memref<272xf32, #tpu.memory_space<hbm>>
                tpu.wait_dma2 semaphore(%arg13 : memref<!tpu.dma_semaphore, #tpu.memory_space<semaphore_mem>>) src(%arg11 : memref<272xf32, #tpu.memory_space<vmem>>) dst(%dma_wait3A_345 : memref<272xf32, #tpu.memory_space<hbm>>)
              } else {
              }
              %swap3A_300 = arith.constant 0 : index
              %swap3A_301 = tpu.vector_load %arg11[%swap3A_300] {strides = array<i32>} : memref<272xf32, #tpu.memory_space<vmem>>, vector<16xf32>,
              tpu.vector_store %arg11[%swap3A_300], %while3A_254#0 {strides = array<i32>} : memref<272xf32, #tpu.memory_space<vmem>>, vector<16xf32>,
              %swap3A_302 = arith.constant 128 : index
              %swap3A_303 = tpu.vector_load %arg11[%swap3A_302] {strides = array<i32>} : memref<272xf32, #tpu.memory_space<vmem>>, vector<16xf32>,
              tpu.vector_store %arg11[%swap3A_302], %while3A_254#8 {strides = array<i32>} : memref<272xf32, #tpu.memory_space<vmem>>, vector<16xf32>,
              %swap3A_304 = arith.constant 16 : index
              %swap3A_305 = tpu.vector_load %arg11[%swap3A_304] {strides = array<i32>} : memref<272xf32, #tpu.memory_space<vmem>>, vector<16xf32>,
              tpu.vector_store %arg11[%swap3A_304], %while3A_254#1 {strides = array<i32>} : memref<272xf32, #tpu.memory_space<vmem>>, vector<16xf32>,
              %swap3A_306 = arith.constant 144 : index
              %swap3A_307 = tpu.vector_load %arg11[%swap3A_306] {strides = array<i32>} : memref<272xf32, #tpu.memory_space<vmem>>, vector<16xf32>,
              tpu.vector_store %arg11[%swap3A_306], %while3A_254#9 {strides = array<i32>} : memref<272xf32, #tpu.memory_space<vmem>>, vector<16xf32>,
              %swap3A_308 = arith.constant 32 : index
              %swap3A_309 = tpu.vector_load %arg11[%swap3A_308] {strides = array<i32>} : memref<272xf32, #tpu.memory_space<vmem>>, vector<16xf32>,
              tpu.vector_store %arg11[%swap3A_308], %while3A_254#2 {strides = array<i32>} : memref<272xf32, #tpu.memory_space<vmem>>, vector<16xf32>,
              %swap3A_310 = arith.constant 160 : index
              %swap3A_311 = tpu.vector_load %arg11[%swap3A_310] {strides = array<i32>} : memref<272xf32, #tpu.memory_space<vmem>>, vector<16xf32>,
              tpu.vector_store %arg11[%swap3A_310], %while3A_254#10 {strides = array<i32>} : memref<272xf32, #tpu.memory_space<vmem>>, vector<16xf32>,
              %swap3A_312 = arith.constant 48 : index
              %swap3A_313 = tpu.vector_load %arg11[%swap3A_312] {strides = array<i32>} : memref<272xf32, #tpu.memory_space<vmem>>, vector<16xf32>,
              tpu.vector_store %arg11[%swap3A_312], %while3A_254#3 {strides = array<i32>} : memref<272xf32, #tpu.memory_space<vmem>>, vector<16xf32>,
              %swap3A_314 = arith.constant 176 : index
              %swap3A_315 = tpu.vector_load %arg11[%swap3A_314] {strides = array<i32>} : memref<272xf32, #tpu.memory_space<vmem>>, vector<16xf32>,
              tpu.vector_store %arg11[%swap3A_314], %while3A_254#11 {strides = array<i32>} : memref<272xf32, #tpu.memory_space<vmem>>, vector<16xf32>,
              %swap3A_316 = arith.constant 64 : index
              %swap3A_317 = tpu.vector_load %arg11[%swap3A_316] {strides = array<i32>} : memref<272xf32, #tpu.memory_space<vmem>>, vector<16xf32>,
              tpu.vector_store %arg11[%swap3A_316], %while3A_254#4 {strides = array<i32>} : memref<272xf32, #tpu.memory_space<vmem>>, vector<16xf32>,
              %swap3A_318 = arith.constant 192 : index
              %swap3A_319 = tpu.vector_load %arg11[%swap3A_318] {strides = array<i32>} : memref<272xf32, #tpu.memory_space<vmem>>, vector<16xf32>,
              tpu.vector_store %arg11[%swap3A_318], %while3A_254#12 {strides = array<i32>} : memref<272xf32, #tpu.memory_space<vmem>>, vector<16xf32>,
              %swap3A_320 = arith.constant 80 : index
              %swap3A_321 = tpu.vector_load %arg11[%swap3A_320] {strides = array<i32>} : memref<272xf32, #tpu.memory_space<vmem>>, vector<16xf32>,
              tpu.vector_store %arg11[%swap3A_320], %while3A_254#5 {strides = array<i32>} : memref<272xf32, #tpu.memory_space<vmem>>, vector<16xf32>,
              %swap3A_322 = arith.constant 208 : index
              %swap3A_323 = tpu.vector_load %arg11[%swap3A_322] {strides = array<i32>} : memref<272xf32, #tpu.memory_space<vmem>>, vector<16xf32>,
              tpu.vector_store %arg11[%swap3A_322], %while3A_254#13 {strides = array<i32>} : memref<272xf32, #tpu.memory_space<vmem>>, vector<16xf32>,
              %swap3A_324 = arith.constant 96 : index
              %swap3A_325 = tpu.vector_load %arg11[%swap3A_324] {strides = array<i32>} : memref<272xf32, #tpu.memory_space<vmem>>, vector<16xf32>,
              tpu.vector_store %arg11[%swap3A_324], %while3A_254#6 {strides = array<i32>} : memref<272xf32, #tpu.memory_space<vmem>>, vector<16xf32>,
              %swap3A_326 = arith.constant 224 : index
              %swap3A_327 = tpu.vector_load %arg11[%swap3A_326] {strides = array<i32>} : memref<272xf32, #tpu.memory_space<vmem>>, vector<16xf32>,
              tpu.vector_store %arg11[%swap3A_326], %while3A_254#14 {strides = array<i32>} : memref<272xf32, #tpu.memory_space<vmem>>, vector<16xf32>,
              %swap3A_328 = arith.constant 112 : index
              %swap3A_329 = tpu.vector_load %arg11[%swap3A_328] {strides = array<i32>} : memref<272xf32, #tpu.memory_space<vmem>>, vector<16xf32>,
              tpu.vector_store %arg11[%swap3A_328], %while3A_254#7 {strides = array<i32>} : memref<272xf32, #tpu.memory_space<vmem>>, vector<16xf32>,
              %swap3A_330 = arith.constant 240 : index
              %swap3A_331 = tpu.vector_load %arg11[%swap3A_330] {strides = array<i32>} : memref<272xf32, #tpu.memory_space<vmem>>, vector<16xf32>,
              tpu.vector_store %arg11[%swap3A_330], %while3A_254#15 {strides = array<i32>} : memref<272xf32, #tpu.memory_space<vmem>>, vector<16xf32>,
              %convert_element_type3A_332 = arith.sitofp %sub3A_280 : i32 to f32
              %broadcast_in_dim3A_333 = vector.broadcast %convert_element_type3A_332 : f32 to vector<16xf32>
              %swap3A_334 = arith.constant 256 : index
              %swap3A_335 = tpu.vector_load %arg11[%swap3A_334] {strides = array<i32>} : memref<272xf32, #tpu.memory_space<vmem>>, vector<16xf32>,
              tpu.vector_store %arg11[%swap3A_334], %broadcast_in_dim3A_333 {strides = array<i32>} : memref<272xf32, #tpu.memory_space<vmem>>, vector<16xf32>,
              %dma_start3A = arith.constant 0 : i32
              %dma_start3A_336 = tpu.memref_slice %arg4[%squeeze3A_279, %dma_start3A] : memref<10000x272xf32, #tpu.memory_space<hbm>> -> memref<1x272xf32, #tpu.memory_space<hbm>>
              %dma_start3A_337 = tpu.memref_squeeze %dma_start3A_336 : memref<1x272xf32, #tpu.memory_space<hbm>> -> memref<272xf32, #tpu.memory_space<hbm>>
              %dma_start3A_338 = arith.constant 0 : i32
              %dma_start3A_339 = tpu.memref_slice %arg4[%squeeze3A_279, %dma_start3A_338] : memref<10000x272xf32, #tpu.memory_space<hbm>> -> memref<1x272xf32, #tpu.memory_space<hbm>>
              %dma_start3A_340 = tpu.memref_squeeze %dma_start3A_339 : memref<1x272xf32, #tpu.memory_space<hbm>> -> memref<272xf32, #tpu.memory_space<hbm>>
              tpu.enqueue_dma source(%arg11 : memref<272xf32, #tpu.memory_space<vmem>>) target(%dma_start3A_340 : memref<272xf32, #tpu.memory_space<hbm>>) target_semaphore(%arg13 : memref<!tpu.dma_semaphore, #tpu.memory_space<semaphore_mem>>)
            } else {
            }
          } else {
          }
          %gt3A_260 = arith.constant 0 : i32
          %gt3A_261 = arith.cmpi sgt, %while3A_224, %gt3A_260 : i32
          %jit3A_262 = arith.constant 1 : i32
          %jit3A_263 = arith.constant 0 : i32
          %select_n3A_264 = arith.select %gt3A_261, %jit3A_262, %jit3A_263 : i32
          %add3A_265 = arith.addi %while3A_225, %select_n3A_264 : i32
          %add3A_266 = arith.constant 1 : i32
          %add3A_267 = arith.addi %while3A_221, %add3A_266 : i32
          %get3A_268 = arith.index_cast %add3A_267 : i32 to index
          %get3A_269 = tpu.vector_load %arg7[%get3A_268] {strides = array<i32>} : memref<10016xi32, #tpu.memory_space<vmem>>, vector<16xi32>,
          %slice3A_270 = vector.extract_strided_slice %get3A_269 {offsets = [0], sizes = [1], strides = [1]} : vector<16xi32> to vector<1xi32>
          %squeeze3A_271 = vector.extract %slice3A_270[0] : i32 from vector<1xi32>
          %while3A_272 = arith.constant 1 : i32
          scf.yield %while3A_222, %add3A_267, %squeeze3A_271, %while3A_222, %while3A_272, %add3A_265, %broadcast_in_dim3A_42, %broadcast_in_dim3A_42, %broadcast_in_dim3A_42, %broadcast_in_dim3A_42, %broadcast_in_dim3A_42, %broadcast_in_dim3A_42, %broadcast_in_dim3A_42, %broadcast_in_dim3A_42, %broadcast_in_dim3A_42, %broadcast_in_dim3A_42, %broadcast_in_dim3A_42, %broadcast_in_dim3A_42, %broadcast_in_dim3A_42, %broadcast_in_dim3A_42, %broadcast_in_dim3A_42, %broadcast_in_dim3A_42 : i32, i32, i32, i32, i32, i32, vector<16xf32>, vector<16xf32>, vector<16xf32>, vector<16xf32>, vector<16xf32>, vector<16xf32>, vector<16xf32>, vector<16xf32>, vector<16xf32>, vector<16xf32>, vector<16xf32>, vector<16xf32>, vector<16xf32>, vector<16xf32>, vector<16xf32>, vector<16xf32>
        }
        %gt3A_206 = arith.constant 0 : i32
        %gt3A_207 = arith.cmpi sgt, %while3A_205#4, %gt3A_206 : i32
        %max3A_208 = arith.maxsi %while3A_205#0, %add3A_153 : i32
        %select_n3A_209 = arith.select %gt3A_207, %max3A_208, %min3A : i32
        %while3A_210 = arith.subi %min3A, %select_n3A_209 : i32
        %while3A_211 = arith.addi %select_n3A_209, %while3A_210 : i32
        %while3A_212 = arith.constant 1 : i32
        %while3A_213 = arith.divsi %while3A_210, %while3A_212 : i32
        %while3A_214 = arith.muli %while3A_213, %while3A_212 : i32
        %while3A_215 = arith.addi %select_n3A_209, %while3A_214 : i32
        %while3A_216 = arith.constant 1 : i32
        %while3A_217:16 = scf.for %while3A_220 = %select_n3A_209 to %while3A_215 step %while3A_216 iter_args(%while3A_221 = %while3A_205#6, %while3A_222 = %while3A_205#7, %while3A_223 = %while3A_205#8, %while3A_224 = %while3A_205#9, %while3A_225 = %while3A_205#10, %while3A_226 = %while3A_205#11, %while3A_227 = %while3A_205#12, %while3A_228 = %while3A_205#13, %while3A_229 = %while3A_205#14, %while3A_230 = %while3A_205#15, %while3A_231 = %while3A_205#16, %while3A_232 = %while3A_205#17, %while3A_233 = %while3A_205#18, %while3A_234 = %while3A_205#19, %while3A_235 = %while3A_205#20, %while3A_236 = %while3A_205#21) -> (vector<16xf32>, vector<16xf32>, vector<16xf32>, vector<16xf32>, vector<16xf32>, vector<16xf32>, vector<16xf32>, vector<16xf32>, vector<16xf32>, vector<16xf32>, vector<16xf32>, vector<16xf32>, vector<16xf32>, vector<16xf32>, vector<16xf32>, vector<16xf32>)  : i32 {
          %sub3A_237 = arith.subi %while3A_220, %get3A_191 : i32
          %get3A_238 = arith.index_cast %sub3A_237 : i32 to index
          %get3A_239 = arith.constant 0 : index
          %get3A_240 = tpu.vector_load %arg9[%get3A_238, %get3A_239] {strides = array<i32>} : memref<768x128xf32, #tpu.memory_space<vmem>>, vector<16xf32>,
          %get3A_241 = arith.index_cast %sub3A_237 : i32 to index
          %get3A_242 = arith.constant 16 : index
          %get3A_243 = tpu.vector_load %arg9[%get3A_241, %get3A_242] {strides = array<i32>} : memref<768x128xf32, #tpu.memory_space<vmem>>, vector<16xf32>,
          %get3A_244 = arith.index_cast %sub3A_237 : i32 to index
          %get3A_245 = arith.constant 32 : index
          %get3A_246 = tpu.vector_load %arg9[%get3A_244, %get3A_245] {strides = array<i32>} : memref<768x128xf32, #tpu.memory_space<vmem>>, vector<16xf32>,
          %get3A_247 = arith.index_cast %sub3A_237 : i32 to index
          %get3A_248 = arith.constant 48 : index
          %get3A_249 = tpu.vector_load %arg9[%get3A_247, %get3A_248] {strides = array<i32>} : memref<768x128xf32, #tpu.memory_space<vmem>>, vector<16xf32>,
          %get3A_250 = arith.index_cast %sub3A_237 : i32 to index
          %get3A_251 = arith.constant 64 : index
          %get3A_252 = tpu.vector_load %arg9[%get3A_250, %get3A_251] {strides = array<i32>} : memref<768x128xf32, #tpu.memory_space<vmem>>, vector<16xf32>,
          %get3A_253 = arith.index_cast %sub3A_237 : i32 to index
          %get3A_254 = arith.constant 80 : index
          %get3A_255 = tpu.vector_load %arg9[%get3A_253, %get3A_254] {strides = array<i32>} : memref<768x128xf32, #tpu.memory_space<vmem>>, vector<16xf32>,
          %get3A_256 = arith.index_cast %sub3A_237 : i32 to index
          %get3A_257 = arith.constant 96 : index
          %get3A_258 = tpu.vector_load %arg9[%get3A_256, %get3A_257] {strides = array<i32>} : memref<768x128xf32, #tpu.memory_space<vmem>>, vector<16xf32>,
          %get3A_259 = arith.index_cast %sub3A_237 : i32 to index
          %get3A_260 = arith.constant 112 : index
          %get3A_261 = tpu.vector_load %arg9[%get3A_259, %get3A_260] {strides = array<i32>} : memref<768x128xf32, #tpu.memory_space<vmem>>, vector<16xf32>,
          %mul3A_262 = arith.mulf %get3A_240, %get3A_240 : vector<16xf32>
          %mul3A_263 = arith.mulf %get3A_243, %get3A_243 : vector<16xf32>
          %add3A_264 = arith.addf %mul3A_262, %mul3A_263 : vector<16xf32>
          %mul3A_265 = arith.mulf %get3A_246, %get3A_246 : vector<16xf32>
          %mul3A_266 = arith.mulf %get3A_249, %get3A_249 : vector<16xf32>
          %add3A_267 = arith.addf %mul3A_265, %mul3A_266 : vector<16xf32>
          %mul3A_268 = arith.mulf %get3A_252, %get3A_252 : vector<16xf32>
          %mul3A_269 = arith.mulf %get3A_255, %get3A_255 : vector<16xf32>
          %add3A_270 = arith.addf %mul3A_268, %mul3A_269 : vector<16xf32>
          %mul3A_271 = arith.mulf %get3A_258, %get3A_258 : vector<16xf32>
          %mul3A_272 = arith.mulf %get3A_261, %get3A_261 : vector<16xf32>
          %add3A_273 = arith.addf %mul3A_271, %mul3A_272 : vector<16xf32>
          %add3A_274 = arith.addf %add3A_264, %add3A_267 : vector<16xf32>
          %add3A_275 = arith.addf %add3A_270, %add3A_273 : vector<16xf32>
          %add3A_276 = arith.addf %add3A_274, %add3A_275 : vector<16xf32>
          %reduce_sum3A = arith.constant true
          %reduce_sum3A_277 = vector.broadcast %reduce_sum3A : i1 to vector<16xi1>
          %reduce_sum3A_278 = tpu.scan <sum>, %add3A_276 masked %reduce_sum3A_277 : vector<16xf32>, vector<16xi1> -> vector<16xf32>
          %reduce_sum3A_279 = vector.extract %reduce_sum3A_278[15] : f32 from vector<16xf32>
          %max3A_280 = arith.constant 1.000000e-30 : f32
          %max3A_281 = arith.maximumf %reduce_sum3A_279, %max3A_280 : f32
          %bitcast_convert_type3A = arith.bitcast %max3A_281 : f32 to i32
          %shift_right_arithmetic3A = arith.constant 1 : i32
          %shift_right_arithmetic3A_282 = arith.shrsi %bitcast_convert_type3A, %shift_right_arithmetic3A : i32
          %sub3A_283 = arith.constant 1597463007 : i32
          %sub3A_284 = arith.subi %sub3A_283, %shift_right_arithmetic3A_282 : i32
          %bitcast_convert_type3A_285 = arith.bitcast %sub3A_284 : i32 to f32
          %mul3A_286 = arith.constant 5.000000e-01 : f32
          %mul3A_287 = arith.mulf %max3A_281, %mul3A_286 : f32
          %mul3A_288 = arith.mulf %mul3A_287, %bitcast_convert_type3A_285 : f32
          %mul3A_289 = arith.mulf %mul3A_288, %bitcast_convert_type3A_285 : f32
          %sub3A_290 = arith.constant 1.500000e+00 : f32
          %sub3A_291 = arith.subf %sub3A_290, %mul3A_289 : f32
          %mul3A_292 = arith.mulf %bitcast_convert_type3A_285, %sub3A_291 : f32
          %mul3A_293 = arith.mulf %mul3A_287, %mul3A_292 : f32
          %mul3A_294 = arith.mulf %mul3A_293, %mul3A_292 : f32
          %sub3A_295 = arith.constant 1.500000e+00 : f32
          %sub3A_296 = arith.subf %sub3A_295, %mul3A_294 : f32
          %mul3A_297 = arith.mulf %mul3A_292, %sub3A_296 : f32
          %min3A_298 = arith.constant 1.000000e+08 : f32
          %min3A_299 = arith.minimumf %mul3A_297, %min3A_298 : f32
          %broadcast_in_dim3A_300 = vector.broadcast %min3A_299 : f32 to vector<16xf32>
          %add3A_301 = arith.addf %while3A_221, %get3A_240 : vector<16xf32>
          %add3A_302 = arith.addf %while3A_222, %get3A_243 : vector<16xf32>
          %add3A_303 = arith.addf %while3A_223, %get3A_246 : vector<16xf32>
          %add3A_304 = arith.addf %while3A_224, %get3A_249 : vector<16xf32>
          %add3A_305 = arith.addf %while3A_225, %get3A_252 : vector<16xf32>
          %add3A_306 = arith.addf %while3A_226, %get3A_255 : vector<16xf32>
          %add3A_307 = arith.addf %while3A_227, %get3A_258 : vector<16xf32>
          %add3A_308 = arith.addf %while3A_228, %get3A_261 : vector<16xf32>
          %mul3A_309 = arith.mulf %get3A_240, %broadcast_in_dim3A_300 : vector<16xf32>
          %add3A_310 = arith.addf %while3A_229, %mul3A_309 : vector<16xf32>
          %mul3A_311 = arith.mulf %get3A_243, %broadcast_in_dim3A_300 : vector<16xf32>
          %add3A_312 = arith.addf %while3A_230, %mul3A_311 : vector<16xf32>
          %mul3A_313 = arith.mulf %get3A_246, %broadcast_in_dim3A_300 : vector<16xf32>
          %add3A_314 = arith.addf %while3A_231, %mul3A_313 : vector<16xf32>
          %mul3A_315 = arith.mulf %get3A_249, %broadcast_in_dim3A_300 : vector<16xf32>
          %add3A_316 = arith.addf %while3A_232, %mul3A_315 : vector<16xf32>
          %mul3A_317 = arith.mulf %get3A_252, %broadcast_in_dim3A_300 : vector<16xf32>
          %add3A_318 = arith.addf %while3A_233, %mul3A_317 : vector<16xf32>
          %mul3A_319 = arith.mulf %get3A_255, %broadcast_in_dim3A_300 : vector<16xf32>
          %add3A_320 = arith.addf %while3A_234, %mul3A_319 : vector<16xf32>
          %mul3A_321 = arith.mulf %get3A_258, %broadcast_in_dim3A_300 : vector<16xf32>
          %add3A_322 = arith.addf %while3A_235, %mul3A_321 : vector<16xf32>
          %mul3A_323 = arith.mulf %get3A_261, %broadcast_in_dim3A_300 : vector<16xf32>
          %add3A_324 = arith.addf %while3A_236, %mul3A_323 : vector<16xf32>
          scf.yield %add3A_301, %add3A_302, %add3A_303, %add3A_304, %add3A_305, %add3A_306, %add3A_307, %add3A_308, %add3A_310, %add3A_312, %add3A_314, %add3A_316, %add3A_318, %add3A_320, %add3A_322, %add3A_324 : vector<16xf32>, vector<16xf32>, vector<16xf32>, vector<16xf32>, vector<16xf32>, vector<16xf32>, vector<16xf32>, vector<16xf32>, vector<16xf32>, vector<16xf32>, vector<16xf32>, vector<16xf32>, vector<16xf32>, vector<16xf32>, vector<16xf32>, vector<16xf32>
        }
        %while3A_218 = arith.constant 1 : i32
        %while3A_219:16 = scf.for %while3A_220 = %while3A_215 to %while3A_211 step %while3A_218 iter_args(%while3A_221 = %while3A_217#0, %while3A_222 = %while3A_217#1, %while3A_223 = %while3A_217#2, %while3A_224 = %while3A_217#3, %while3A_225 = %while3A_217#4, %while3A_226 = %while3A_217#5, %while3A_227 = %while3A_217#6, %while3A_228 = %while3A_217#7, %while3A_229 = %while3A_217#8, %while3A_230 = %while3A_217#9, %while3A_231 = %while3A_217#10, %while3A_232 = %while3A_217#11, %while3A_233 = %while3A_217#12, %while3A_234 = %while3A_217#13, %while3A_235 = %while3A_217#14, %while3A_236 = %while3A_217#15) -> (vector<16xf32>, vector<16xf32>, vector<16xf32>, vector<16xf32>, vector<16xf32>, vector<16xf32>, vector<16xf32>, vector<16xf32>, vector<16xf32>, vector<16xf32>, vector<16xf32>, vector<16xf32>, vector<16xf32>, vector<16xf32>, vector<16xf32>, vector<16xf32>)  : i32 {
          %sub3A_237 = arith.subi %while3A_220, %get3A_191 : i32
          %get3A_238 = arith.index_cast %sub3A_237 : i32 to index
          %get3A_239 = arith.constant 0 : index
          %get3A_240 = tpu.vector_load %arg9[%get3A_238, %get3A_239] {strides = array<i32>} : memref<768x128xf32, #tpu.memory_space<vmem>>, vector<16xf32>,
          %get3A_241 = arith.index_cast %sub3A_237 : i32 to index
          %get3A_242 = arith.constant 16 : index
          %get3A_243 = tpu.vector_load %arg9[%get3A_241, %get3A_242] {strides = array<i32>} : memref<768x128xf32, #tpu.memory_space<vmem>>, vector<16xf32>,
          %get3A_244 = arith.index_cast %sub3A_237 : i32 to index
          %get3A_245 = arith.constant 32 : index
          %get3A_246 = tpu.vector_load %arg9[%get3A_244, %get3A_245] {strides = array<i32>} : memref<768x128xf32, #tpu.memory_space<vmem>>, vector<16xf32>,
          %get3A_247 = arith.index_cast %sub3A_237 : i32 to index
          %get3A_248 = arith.constant 48 : index
          %get3A_249 = tpu.vector_load %arg9[%get3A_247, %get3A_248] {strides = array<i32>} : memref<768x128xf32, #tpu.memory_space<vmem>>, vector<16xf32>,
          %get3A_250 = arith.index_cast %sub3A_237 : i32 to index
          %get3A_251 = arith.constant 64 : index
          %get3A_252 = tpu.vector_load %arg9[%get3A_250, %get3A_251] {strides = array<i32>} : memref<768x128xf32, #tpu.memory_space<vmem>>, vector<16xf32>,
          %get3A_253 = arith.index_cast %sub3A_237 : i32 to index
          %get3A_254 = arith.constant 80 : index
          %get3A_255 = tpu.vector_load %arg9[%get3A_253, %get3A_254] {strides = array<i32>} : memref<768x128xf32, #tpu.memory_space<vmem>>, vector<16xf32>,
          %get3A_256 = arith.index_cast %sub3A_237 : i32 to index
          %get3A_257 = arith.constant 96 : index
          %get3A_258 = tpu.vector_load %arg9[%get3A_256, %get3A_257] {strides = array<i32>} : memref<768x128xf32, #tpu.memory_space<vmem>>, vector<16xf32>,
          %get3A_259 = arith.index_cast %sub3A_237 : i32 to index
          %get3A_260 = arith.constant 112 : index
          %get3A_261 = tpu.vector_load %arg9[%get3A_259, %get3A_260] {strides = array<i32>} : memref<768x128xf32, #tpu.memory_space<vmem>>, vector<16xf32>,
          %mul3A_262 = arith.mulf %get3A_240, %get3A_240 : vector<16xf32>
          %mul3A_263 = arith.mulf %get3A_243, %get3A_243 : vector<16xf32>
          %add3A_264 = arith.addf %mul3A_262, %mul3A_263 : vector<16xf32>
          %mul3A_265 = arith.mulf %get3A_246, %get3A_246 : vector<16xf32>
          %mul3A_266 = arith.mulf %get3A_249, %get3A_249 : vector<16xf32>
          %add3A_267 = arith.addf %mul3A_265, %mul3A_266 : vector<16xf32>
          %mul3A_268 = arith.mulf %get3A_252, %get3A_252 : vector<16xf32>
          %mul3A_269 = arith.mulf %get3A_255, %get3A_255 : vector<16xf32>
          %add3A_270 = arith.addf %mul3A_268, %mul3A_269 : vector<16xf32>
          %mul3A_271 = arith.mulf %get3A_258, %get3A_258 : vector<16xf32>
          %mul3A_272 = arith.mulf %get3A_261, %get3A_261 : vector<16xf32>
          %add3A_273 = arith.addf %mul3A_271, %mul3A_272 : vector<16xf32>
          %add3A_274 = arith.addf %add3A_264, %add3A_267 : vector<16xf32>
          %add3A_275 = arith.addf %add3A_270, %add3A_273 : vector<16xf32>
          %add3A_276 = arith.addf %add3A_274, %add3A_275 : vector<16xf32>
          %reduce_sum3A = arith.constant true
          %reduce_sum3A_277 = vector.broadcast %reduce_sum3A : i1 to vector<16xi1>
          %reduce_sum3A_278 = tpu.scan <sum>, %add3A_276 masked %reduce_sum3A_277 : vector<16xf32>, vector<16xi1> -> vector<16xf32>
          %reduce_sum3A_279 = vector.extract %reduce_sum3A_278[15] : f32 from vector<16xf32>
          %max3A_280 = arith.constant 1.000000e-30 : f32
          %max3A_281 = arith.maximumf %reduce_sum3A_279, %max3A_280 : f32
          %bitcast_convert_type3A = arith.bitcast %max3A_281 : f32 to i32
          %shift_right_arithmetic3A = arith.constant 1 : i32
          %shift_right_arithmetic3A_282 = arith.shrsi %bitcast_convert_type3A, %shift_right_arithmetic3A : i32
          %sub3A_283 = arith.constant 1597463007 : i32
          %sub3A_284 = arith.subi %sub3A_283, %shift_right_arithmetic3A_282 : i32
          %bitcast_convert_type3A_285 = arith.bitcast %sub3A_284 : i32 to f32
          %mul3A_286 = arith.constant 5.000000e-01 : f32
          %mul3A_287 = arith.mulf %max3A_281, %mul3A_286 : f32
          %mul3A_288 = arith.mulf %mul3A_287, %bitcast_convert_type3A_285 : f32
          %mul3A_289 = arith.mulf %mul3A_288, %bitcast_convert_type3A_285 : f32
          %sub3A_290 = arith.constant 1.500000e+00 : f32
          %sub3A_291 = arith.subf %sub3A_290, %mul3A_289 : f32
          %mul3A_292 = arith.mulf %bitcast_convert_type3A_285, %sub3A_291 : f32
          %mul3A_293 = arith.mulf %mul3A_287, %mul3A_292 : f32
          %mul3A_294 = arith.mulf %mul3A_293, %mul3A_292 : f32
          %sub3A_295 = arith.constant 1.500000e+00 : f32
          %sub3A_296 = arith.subf %sub3A_295, %mul3A_294 : f32
          %mul3A_297 = arith.mulf %mul3A_292, %sub3A_296 : f32
          %min3A_298 = arith.constant 1.000000e+08 : f32
          %min3A_299 = arith.minimumf %mul3A_297, %min3A_298 : f32
          %broadcast_in_dim3A_300 = vector.broadcast %min3A_299 : f32 to vector<16xf32>
          %add3A_301 = arith.addf %while3A_221, %get3A_240 : vector<16xf32>
          %add3A_302 = arith.addf %while3A_222, %get3A_243 : vector<16xf32>
          %add3A_303 = arith.addf %while3A_223, %get3A_246 : vector<16xf32>
          %add3A_304 = arith.addf %while3A_224, %get3A_249 : vector<16xf32>
          %add3A_305 = arith.addf %while3A_225, %get3A_252 : vector<16xf32>
          %add3A_306 = arith.addf %while3A_226, %get3A_255 : vector<16xf32>
          %add3A_307 = arith.addf %while3A_227, %get3A_258 : vector<16xf32>
          %add3A_308 = arith.addf %while3A_228, %get3A_261 : vector<16xf32>
          %mul3A_309 = arith.mulf %get3A_240, %broadcast_in_dim3A_300 : vector<16xf32>
          %add3A_310 = arith.addf %while3A_229, %mul3A_309 : vector<16xf32>
          %mul3A_311 = arith.mulf %get3A_243, %broadcast_in_dim3A_300 : vector<16xf32>
          %add3A_312 = arith.addf %while3A_230, %mul3A_311 : vector<16xf32>
          %mul3A_313 = arith.mulf %get3A_246, %broadcast_in_dim3A_300 : vector<16xf32>
          %add3A_314 = arith.addf %while3A_231, %mul3A_313 : vector<16xf32>
          %mul3A_315 = arith.mulf %get3A_249, %broadcast_in_dim3A_300 : vector<16xf32>
          %add3A_316 = arith.addf %while3A_232, %mul3A_315 : vector<16xf32>
          %mul3A_317 = arith.mulf %get3A_252, %broadcast_in_dim3A_300 : vector<16xf32>
          %add3A_318 = arith.addf %while3A_233, %mul3A_317 : vector<16xf32>
          %mul3A_319 = arith.mulf %get3A_255, %broadcast_in_dim3A_300 : vector<16xf32>
          %add3A_320 = arith.addf %while3A_234, %mul3A_319 : vector<16xf32>
          %mul3A_321 = arith.mulf %get3A_258, %broadcast_in_dim3A_300 : vector<16xf32>
          %add3A_322 = arith.addf %while3A_235, %mul3A_321 : vector<16xf32>
          %mul3A_323 = arith.mulf %get3A_261, %broadcast_in_dim3A_300 : vector<16xf32>
          %add3A_324 = arith.addf %while3A_236, %mul3A_323 : vector<16xf32>
          scf.yield %add3A_301, %add3A_302, %add3A_303, %add3A_304, %add3A_305, %add3A_306, %add3A_307, %add3A_308, %add3A_310, %add3A_312, %add3A_314, %add3A_316, %add3A_318, %add3A_320, %add3A_322, %add3A_324 : vector<16xf32>, vector<16xf32>, vector<16xf32>, vector<16xf32>, vector<16xf32>, vector<16xf32>, vector<16xf32>, vector<16xf32>, vector<16xf32>, vector<16xf32>, vector<16xf32>, vector<16xf32>, vector<16xf32>, vector<16xf32>, vector<16xf32>, vector<16xf32>
        }
        scf.yield %while3A_205#1, %while3A_205#2, %while3A_205#3, %while3A_205#4, %while3A_205#5, %while3A_219#0, %while3A_219#1, %while3A_219#2, %while3A_219#3, %while3A_219#4, %while3A_219#5, %while3A_219#6, %while3A_219#7, %while3A_219#8, %while3A_219#9, %while3A_219#10, %while3A_219#11, %while3A_219#12, %while3A_219#13, %while3A_219#14, %while3A_219#15 : i32, i32, i32, i32, i32, vector<16xf32>, vector<16xf32>, vector<16xf32>, vector<16xf32>, vector<16xf32>, vector<16xf32>, vector<16xf32>, vector<16xf32>, vector<16xf32>, vector<16xf32>, vector<16xf32>, vector<16xf32>, vector<16xf32>, vector<16xf32>, vector<16xf32>, vector<16xf32>
      }
      %add3A_203 = arith.constant 1 : i32
      %add3A_204 = arith.addi %while3A_129, %add3A_203 : i32
      scf.yield %add3A_204, %cond3A_202#0, %cond3A_202#1, %cond3A_202#2, %cond3A_202#3, %cond3A_202#4, %cond3A_202#5, %cond3A_202#6, %cond3A_202#7, %cond3A_202#8, %cond3A_202#9, %cond3A_202#10, %cond3A_202#11, %cond3A_202#12, %cond3A_202#13, %cond3A_202#14, %cond3A_202#15, %cond3A_202#16, %cond3A_202#17, %cond3A_202#18, %cond3A_202#19, %cond3A_202#20 : i32, i32, i32, i32, i32, i32, vector<16xf32>, vector<16xf32>, vector<16xf32>, vector<16xf32>, vector<16xf32>, vector<16xf32>, vector<16xf32>, vector<16xf32>, vector<16xf32>, vector<16xf32>, vector<16xf32>, vector<16xf32>, vector<16xf32>, vector<16xf32>, vector<16xf32>, vector<16xf32>
    }
    %gt3A_104 = arith.constant 0 : i32
    %gt3A_105 = arith.cmpi sgt, %while3A_103#4, %gt3A_104 : i32
    %convert_element_type3A_106 = arith.extui %gt3A_105 : i1 to i32
    %cond3A_107 = arith.constant 0 : i32
    %cond3A_108 = arith.cmpi ne, %convert_element_type3A_106, %cond3A_107 : i32
    scf.if %cond3A_108 {
      %add3A_129 = arith.constant 8 : i32
      %add3A_130 = arith.addi %add3A_129, %while3A_103#3 : i32
      %sub3A_131 = arith.subi %add3A_130, %multiple_of3A : i32
      %get3A_132 = arith.index_cast %sub3A_131 : i32 to index
      %get3A_133 = tpu.vector_load %arg5[%get3A_132] {strides = array<i32>} : memref<10032xi32, #tpu.memory_space<vmem>>, vector<16xi32>,
      %slice3A_134 = vector.extract_strided_slice %get3A_133 {offsets = [0], sizes = [1], strides = [1]} : vector<16xi32> to vector<1xi32>
      %squeeze3A_135 = vector.extract %slice3A_134[0] : i32 from vector<1xi32>
      %sub3A_136 = arith.subi %select_n3A_29, %while3A_103#3 : i32
      %and3A_137 = arith.constant 1 : i32
      %and3A_138 = arith.andi %while3A_103#5, %and3A_137 : i32
      %eq3A_139 = arith.constant 0 : i32
      %eq3A_140 = arith.cmpi eq, %and3A_138, %eq3A_139 : i32
      %convert_element_type3A_141 = arith.extui %eq3A_140 : i1 to i32
      %cond3A_142 = arith.constant 0 : i32
      %cond3A_143 = arith.cmpi ne, %convert_element_type3A_141, %cond3A_142 : i32
      scf.if %cond3A_143 {
        %ge3A_151 = arith.constant 2 : i32
        %ge3A_152 = arith.cmpi sge, %while3A_103#5, %ge3A_151 : i32
        %convert_element_type3A_153 = arith.extui %ge3A_152 : i1 to i32
        %cond3A_154 = arith.constant 0 : i32
        %cond3A_155 = arith.cmpi ne, %convert_element_type3A_153, %cond3A_154 : i32
        scf.if %cond3A_155 {
          %dma_wait3A = arith.constant 0 : i32
          %dma_wait3A_197 = tpu.memref_slice %arg4[%squeeze3A_135, %dma_wait3A] : memref<10000x272xf32, #tpu.memory_space<hbm>> -> memref<1x272xf32, #tpu.memory_space<hbm>>
          %dma_wait3A_198 = tpu.memref_squeeze %dma_wait3A_197 : memref<1x272xf32, #tpu.memory_space<hbm>> -> memref<272xf32, #tpu.memory_space<hbm>>
          %dma_wait3A_199 = arith.constant 0 : i32
          %dma_wait3A_200 = tpu.memref_slice %arg4[%squeeze3A_135, %dma_wait3A_199] : memref<10000x272xf32, #tpu.memory_space<hbm>> -> memref<1x272xf32, #tpu.memory_space<hbm>>
          %dma_wait3A_201 = tpu.memref_squeeze %dma_wait3A_200 : memref<1x272xf32, #tpu.memory_space<hbm>> -> memref<272xf32, #tpu.memory_space<hbm>>
          tpu.wait_dma2 semaphore(%arg12 : memref<!tpu.dma_semaphore, #tpu.memory_space<semaphore_mem>>) src(%arg10 : memref<272xf32, #tpu.memory_space<vmem>>) dst(%dma_wait3A_201 : memref<272xf32, #tpu.memory_space<hbm>>)
        } else {
        }
        %swap3A_156 = arith.constant 0 : index
        %swap3A_157 = tpu.vector_load %arg10[%swap3A_156] {strides = array<i32>} : memref<272xf32, #tpu.memory_space<vmem>>, vector<16xf32>,
        tpu.vector_store %arg10[%swap3A_156], %while3A_103#6 {strides = array<i32>} : memref<272xf32, #tpu.memory_space<vmem>>, vector<16xf32>,
        %swap3A_158 = arith.constant 128 : index
        %swap3A_159 = tpu.vector_load %arg10[%swap3A_158] {strides = array<i32>} : memref<272xf32, #tpu.memory_space<vmem>>, vector<16xf32>,
        tpu.vector_store %arg10[%swap3A_158], %while3A_103#14 {strides = array<i32>} : memref<272xf32, #tpu.memory_space<vmem>>, vector<16xf32>,
        %swap3A_160 = arith.constant 16 : index
        %swap3A_161 = tpu.vector_load %arg10[%swap3A_160] {strides = array<i32>} : memref<272xf32, #tpu.memory_space<vmem>>, vector<16xf32>,
        tpu.vector_store %arg10[%swap3A_160], %while3A_103#7 {strides = array<i32>} : memref<272xf32, #tpu.memory_space<vmem>>, vector<16xf32>,
        %swap3A_162 = arith.constant 144 : index
        %swap3A_163 = tpu.vector_load %arg10[%swap3A_162] {strides = array<i32>} : memref<272xf32, #tpu.memory_space<vmem>>, vector<16xf32>,
        tpu.vector_store %arg10[%swap3A_162], %while3A_103#15 {strides = array<i32>} : memref<272xf32, #tpu.memory_space<vmem>>, vector<16xf32>,
        %swap3A_164 = arith.constant 32 : index
        %swap3A_165 = tpu.vector_load %arg10[%swap3A_164] {strides = array<i32>} : memref<272xf32, #tpu.memory_space<vmem>>, vector<16xf32>,
        tpu.vector_store %arg10[%swap3A_164], %while3A_103#8 {strides = array<i32>} : memref<272xf32, #tpu.memory_space<vmem>>, vector<16xf32>,
        %swap3A_166 = arith.constant 160 : index
        %swap3A_167 = tpu.vector_load %arg10[%swap3A_166] {strides = array<i32>} : memref<272xf32, #tpu.memory_space<vmem>>, vector<16xf32>,
        tpu.vector_store %arg10[%swap3A_166], %while3A_103#16 {strides = array<i32>} : memref<272xf32, #tpu.memory_space<vmem>>, vector<16xf32>,
        %swap3A_168 = arith.constant 48 : index
        %swap3A_169 = tpu.vector_load %arg10[%swap3A_168] {strides = array<i32>} : memref<272xf32, #tpu.memory_space<vmem>>, vector<16xf32>,
        tpu.vector_store %arg10[%swap3A_168], %while3A_103#9 {strides = array<i32>} : memref<272xf32, #tpu.memory_space<vmem>>, vector<16xf32>,
        %swap3A_170 = arith.constant 176 : index
        %swap3A_171 = tpu.vector_load %arg10[%swap3A_170] {strides = array<i32>} : memref<272xf32, #tpu.memory_space<vmem>>, vector<16xf32>,
        tpu.vector_store %arg10[%swap3A_170], %while3A_103#17 {strides = array<i32>} : memref<272xf32, #tpu.memory_space<vmem>>, vector<16xf32>,
        %swap3A_172 = arith.constant 64 : index
        %swap3A_173 = tpu.vector_load %arg10[%swap3A_172] {strides = array<i32>} : memref<272xf32, #tpu.memory_space<vmem>>, vector<16xf32>,
        tpu.vector_store %arg10[%swap3A_172], %while3A_103#10 {strides = array<i32>} : memref<272xf32, #tpu.memory_space<vmem>>, vector<16xf32>,
        %swap3A_174 = arith.constant 192 : index
        %swap3A_175 = tpu.vector_load %arg10[%swap3A_174] {strides = array<i32>} : memref<272xf32, #tpu.memory_space<vmem>>, vector<16xf32>,
        tpu.vector_store %arg10[%swap3A_174], %while3A_103#18 {strides = array<i32>} : memref<272xf32, #tpu.memory_space<vmem>>, vector<16xf32>,
        %swap3A_176 = arith.constant 80 : index
        %swap3A_177 = tpu.vector_load %arg10[%swap3A_176] {strides = array<i32>} : memref<272xf32, #tpu.memory_space<vmem>>, vector<16xf32>,
        tpu.vector_store %arg10[%swap3A_176], %while3A_103#11 {strides = array<i32>} : memref<272xf32, #tpu.memory_space<vmem>>, vector<16xf32>,
        %swap3A_178 = arith.constant 208 : index
        %swap3A_179 = tpu.vector_load %arg10[%swap3A_178] {strides = array<i32>} : memref<272xf32, #tpu.memory_space<vmem>>, vector<16xf32>,
        tpu.vector_store %arg10[%swap3A_178], %while3A_103#19 {strides = array<i32>} : memref<272xf32, #tpu.memory_space<vmem>>, vector<16xf32>,
        %swap3A_180 = arith.constant 96 : index
        %swap3A_181 = tpu.vector_load %arg10[%swap3A_180] {strides = array<i32>} : memref<272xf32, #tpu.memory_space<vmem>>, vector<16xf32>,
        tpu.vector_store %arg10[%swap3A_180], %while3A_103#12 {strides = array<i32>} : memref<272xf32, #tpu.memory_space<vmem>>, vector<16xf32>,
        %swap3A_182 = arith.constant 224 : index
        %swap3A_183 = tpu.vector_load %arg10[%swap3A_182] {strides = array<i32>} : memref<272xf32, #tpu.memory_space<vmem>>, vector<16xf32>,
        tpu.vector_store %arg10[%swap3A_182], %while3A_103#20 {strides = array<i32>} : memref<272xf32, #tpu.memory_space<vmem>>, vector<16xf32>,
        %swap3A_184 = arith.constant 112 : index
        %swap3A_185 = tpu.vector_load %arg10[%swap3A_184] {strides = array<i32>} : memref<272xf32, #tpu.memory_space<vmem>>, vector<16xf32>,
        tpu.vector_store %arg10[%swap3A_184], %while3A_103#13 {strides = array<i32>} : memref<272xf32, #tpu.memory_space<vmem>>, vector<16xf32>,
        %swap3A_186 = arith.constant 240 : index
        %swap3A_187 = tpu.vector_load %arg10[%swap3A_186] {strides = array<i32>} : memref<272xf32, #tpu.memory_space<vmem>>, vector<16xf32>,
        tpu.vector_store %arg10[%swap3A_186], %while3A_103#21 {strides = array<i32>} : memref<272xf32, #tpu.memory_space<vmem>>, vector<16xf32>,
        %convert_element_type3A_188 = arith.sitofp %sub3A_136 : i32 to f32
        %broadcast_in_dim3A_189 = vector.broadcast %convert_element_type3A_188 : f32 to vector<16xf32>
        %swap3A_190 = arith.constant 256 : index
        %swap3A_191 = tpu.vector_load %arg10[%swap3A_190] {strides = array<i32>} : memref<272xf32, #tpu.memory_space<vmem>>, vector<16xf32>,
        tpu.vector_store %arg10[%swap3A_190], %broadcast_in_dim3A_189 {strides = array<i32>} : memref<272xf32, #tpu.memory_space<vmem>>, vector<16xf32>,
        %dma_start3A = arith.constant 0 : i32
        %dma_start3A_192 = tpu.memref_slice %arg4[%squeeze3A_135, %dma_start3A] : memref<10000x272xf32, #tpu.memory_space<hbm>> -> memref<1x272xf32, #tpu.memory_space<hbm>>
        %dma_start3A_193 = tpu.memref_squeeze %dma_start3A_192 : memref<1x272xf32, #tpu.memory_space<hbm>> -> memref<272xf32, #tpu.memory_space<hbm>>
        %dma_start3A_194 = arith.constant 0 : i32
        %dma_start3A_195 = tpu.memref_slice %arg4[%squeeze3A_135, %dma_start3A_194] : memref<10000x272xf32, #tpu.memory_space<hbm>> -> memref<1x272xf32, #tpu.memory_space<hbm>>
        %dma_start3A_196 = tpu.memref_squeeze %dma_start3A_195 : memref<1x272xf32, #tpu.memory_space<hbm>> -> memref<272xf32, #tpu.memory_space<hbm>>
        tpu.enqueue_dma source(%arg10 : memref<272xf32, #tpu.memory_space<vmem>>) target(%dma_start3A_196 : memref<272xf32, #tpu.memory_space<hbm>>) target_semaphore(%arg12 : memref<!tpu.dma_semaphore, #tpu.memory_space<semaphore_mem>>)
      } else {
      }
      %and3A_144 = arith.constant 1 : i32
      %and3A_145 = arith.andi %while3A_103#5, %and3A_144 : i32
      %eq3A_146 = arith.constant 1 : i32
      %eq3A_147 = arith.cmpi eq, %and3A_145, %eq3A_146 : i32
      %convert_element_type3A_148 = arith.extui %eq3A_147 : i1 to i32
      %cond3A_149 = arith.constant 0 : i32
      %cond3A_150 = arith.cmpi ne, %convert_element_type3A_148, %cond3A_149 : i32
      scf.if %cond3A_150 {
        %ge3A_151 = arith.constant 2 : i32
        %ge3A_152 = arith.cmpi sge, %while3A_103#5, %ge3A_151 : i32
        %convert_element_type3A_153 = arith.extui %ge3A_152 : i1 to i32
        %cond3A_154 = arith.constant 0 : i32
        %cond3A_155 = arith.cmpi ne, %convert_element_type3A_153, %cond3A_154 : i32
        scf.if %cond3A_155 {
          %dma_wait3A = arith.constant 0 : i32
          %dma_wait3A_197 = tpu.memref_slice %arg4[%squeeze3A_135, %dma_wait3A] : memref<10000x272xf32, #tpu.memory_space<hbm>> -> memref<1x272xf32, #tpu.memory_space<hbm>>
          %dma_wait3A_198 = tpu.memref_squeeze %dma_wait3A_197 : memref<1x272xf32, #tpu.memory_space<hbm>> -> memref<272xf32, #tpu.memory_space<hbm>>
          %dma_wait3A_199 = arith.constant 0 : i32
          %dma_wait3A_200 = tpu.memref_slice %arg4[%squeeze3A_135, %dma_wait3A_199] : memref<10000x272xf32, #tpu.memory_space<hbm>> -> memref<1x272xf32, #tpu.memory_space<hbm>>
          %dma_wait3A_201 = tpu.memref_squeeze %dma_wait3A_200 : memref<1x272xf32, #tpu.memory_space<hbm>> -> memref<272xf32, #tpu.memory_space<hbm>>
          tpu.wait_dma2 semaphore(%arg13 : memref<!tpu.dma_semaphore, #tpu.memory_space<semaphore_mem>>) src(%arg11 : memref<272xf32, #tpu.memory_space<vmem>>) dst(%dma_wait3A_201 : memref<272xf32, #tpu.memory_space<hbm>>)
        } else {
        }
        %swap3A_156 = arith.constant 0 : index
        %swap3A_157 = tpu.vector_load %arg11[%swap3A_156] {strides = array<i32>} : memref<272xf32, #tpu.memory_space<vmem>>, vector<16xf32>,
        tpu.vector_store %arg11[%swap3A_156], %while3A_103#6 {strides = array<i32>} : memref<272xf32, #tpu.memory_space<vmem>>, vector<16xf32>,
        %swap3A_158 = arith.constant 128 : index
        %swap3A_159 = tpu.vector_load %arg11[%swap3A_158] {strides = array<i32>} : memref<272xf32, #tpu.memory_space<vmem>>, vector<16xf32>,
        tpu.vector_store %arg11[%swap3A_158], %while3A_103#14 {strides = array<i32>} : memref<272xf32, #tpu.memory_space<vmem>>, vector<16xf32>,
        %swap3A_160 = arith.constant 16 : index
        %swap3A_161 = tpu.vector_load %arg11[%swap3A_160] {strides = array<i32>} : memref<272xf32, #tpu.memory_space<vmem>>, vector<16xf32>,
        tpu.vector_store %arg11[%swap3A_160], %while3A_103#7 {strides = array<i32>} : memref<272xf32, #tpu.memory_space<vmem>>, vector<16xf32>,
        %swap3A_162 = arith.constant 144 : index
        %swap3A_163 = tpu.vector_load %arg11[%swap3A_162] {strides = array<i32>} : memref<272xf32, #tpu.memory_space<vmem>>, vector<16xf32>,
        tpu.vector_store %arg11[%swap3A_162], %while3A_103#15 {strides = array<i32>} : memref<272xf32, #tpu.memory_space<vmem>>, vector<16xf32>,
        %swap3A_164 = arith.constant 32 : index
        %swap3A_165 = tpu.vector_load %arg11[%swap3A_164] {strides = array<i32>} : memref<272xf32, #tpu.memory_space<vmem>>, vector<16xf32>,
        tpu.vector_store %arg11[%swap3A_164], %while3A_103#8 {strides = array<i32>} : memref<272xf32, #tpu.memory_space<vmem>>, vector<16xf32>,
        %swap3A_166 = arith.constant 160 : index
        %swap3A_167 = tpu.vector_load %arg11[%swap3A_166] {strides = array<i32>} : memref<272xf32, #tpu.memory_space<vmem>>, vector<16xf32>,
        tpu.vector_store %arg11[%swap3A_166], %while3A_103#16 {strides = array<i32>} : memref<272xf32, #tpu.memory_space<vmem>>, vector<16xf32>,
        %swap3A_168 = arith.constant 48 : index
        %swap3A_169 = tpu.vector_load %arg11[%swap3A_168] {strides = array<i32>} : memref<272xf32, #tpu.memory_space<vmem>>, vector<16xf32>,
        tpu.vector_store %arg11[%swap3A_168], %while3A_103#9 {strides = array<i32>} : memref<272xf32, #tpu.memory_space<vmem>>, vector<16xf32>,
        %swap3A_170 = arith.constant 176 : index
        %swap3A_171 = tpu.vector_load %arg11[%swap3A_170] {strides = array<i32>} : memref<272xf32, #tpu.memory_space<vmem>>, vector<16xf32>,
        tpu.vector_store %arg11[%swap3A_170], %while3A_103#17 {strides = array<i32>} : memref<272xf32, #tpu.memory_space<vmem>>, vector<16xf32>,
        %swap3A_172 = arith.constant 64 : index
        %swap3A_173 = tpu.vector_load %arg11[%swap3A_172] {strides = array<i32>} : memref<272xf32, #tpu.memory_space<vmem>>, vector<16xf32>,
        tpu.vector_store %arg11[%swap3A_172], %while3A_103#10 {strides = array<i32>} : memref<272xf32, #tpu.memory_space<vmem>>, vector<16xf32>,
        %swap3A_174 = arith.constant 192 : index
        %swap3A_175 = tpu.vector_load %arg11[%swap3A_174] {strides = array<i32>} : memref<272xf32, #tpu.memory_space<vmem>>, vector<16xf32>,
        tpu.vector_store %arg11[%swap3A_174], %while3A_103#18 {strides = array<i32>} : memref<272xf32, #tpu.memory_space<vmem>>, vector<16xf32>,
        %swap3A_176 = arith.constant 80 : index
        %swap3A_177 = tpu.vector_load %arg11[%swap3A_176] {strides = array<i32>} : memref<272xf32, #tpu.memory_space<vmem>>, vector<16xf32>,
        tpu.vector_store %arg11[%swap3A_176], %while3A_103#11 {strides = array<i32>} : memref<272xf32, #tpu.memory_space<vmem>>, vector<16xf32>,
        %swap3A_178 = arith.constant 208 : index
        %swap3A_179 = tpu.vector_load %arg11[%swap3A_178] {strides = array<i32>} : memref<272xf32, #tpu.memory_space<vmem>>, vector<16xf32>,
        tpu.vector_store %arg11[%swap3A_178], %while3A_103#19 {strides = array<i32>} : memref<272xf32, #tpu.memory_space<vmem>>, vector<16xf32>,
        %swap3A_180 = arith.constant 96 : index
        %swap3A_181 = tpu.vector_load %arg11[%swap3A_180] {strides = array<i32>} : memref<272xf32, #tpu.memory_space<vmem>>, vector<16xf32>,
        tpu.vector_store %arg11[%swap3A_180], %while3A_103#12 {strides = array<i32>} : memref<272xf32, #tpu.memory_space<vmem>>, vector<16xf32>,
        %swap3A_182 = arith.constant 224 : index
        %swap3A_183 = tpu.vector_load %arg11[%swap3A_182] {strides = array<i32>} : memref<272xf32, #tpu.memory_space<vmem>>, vector<16xf32>,
        tpu.vector_store %arg11[%swap3A_182], %while3A_103#20 {strides = array<i32>} : memref<272xf32, #tpu.memory_space<vmem>>, vector<16xf32>,
        %swap3A_184 = arith.constant 112 : index
        %swap3A_185 = tpu.vector_load %arg11[%swap3A_184] {strides = array<i32>} : memref<272xf32, #tpu.memory_space<vmem>>, vector<16xf32>,
        tpu.vector_store %arg11[%swap3A_184], %while3A_103#13 {strides = array<i32>} : memref<272xf32, #tpu.memory_space<vmem>>, vector<16xf32>,
        %swap3A_186 = arith.constant 240 : index
        %swap3A_187 = tpu.vector_load %arg11[%swap3A_186] {strides = array<i32>} : memref<272xf32, #tpu.memory_space<vmem>>, vector<16xf32>,
        tpu.vector_store %arg11[%swap3A_186], %while3A_103#21 {strides = array<i32>} : memref<272xf32, #tpu.memory_space<vmem>>, vector<16xf32>,
        %convert_element_type3A_188 = arith.sitofp %sub3A_136 : i32 to f32
        %broadcast_in_dim3A_189 = vector.broadcast %convert_element_type3A_188 : f32 to vector<16xf32>
        %swap3A_190 = arith.constant 256 : index
        %swap3A_191 = tpu.vector_load %arg11[%swap3A_190] {strides = array<i32>} : memref<272xf32, #tpu.memory_space<vmem>>, vector<16xf32>,
        tpu.vector_store %arg11[%swap3A_190], %broadcast_in_dim3A_189 {strides = array<i32>} : memref<272xf32, #tpu.memory_space<vmem>>, vector<16xf32>,
        %dma_start3A = arith.constant 0 : i32
        %dma_start3A_192 = tpu.memref_slice %arg4[%squeeze3A_135, %dma_start3A] : memref<10000x272xf32, #tpu.memory_space<hbm>> -> memref<1x272xf32, #tpu.memory_space<hbm>>
        %dma_start3A_193 = tpu.memref_squeeze %dma_start3A_192 : memref<1x272xf32, #tpu.memory_space<hbm>> -> memref<272xf32, #tpu.memory_space<hbm>>
        %dma_start3A_194 = arith.constant 0 : i32
        %dma_start3A_195 = tpu.memref_slice %arg4[%squeeze3A_135, %dma_start3A_194] : memref<10000x272xf32, #tpu.memory_space<hbm>> -> memref<1x272xf32, #tpu.memory_space<hbm>>
        %dma_start3A_196 = tpu.memref_squeeze %dma_start3A_195 : memref<1x272xf32, #tpu.memory_space<hbm>> -> memref<272xf32, #tpu.memory_space<hbm>>
        tpu.enqueue_dma source(%arg11 : memref<272xf32, #tpu.memory_space<vmem>>) target(%dma_start3A_196 : memref<272xf32, #tpu.memory_space<hbm>>) target_semaphore(%arg13 : memref<!tpu.dma_semaphore, #tpu.memory_space<semaphore_mem>>)
      } else {
      }
    } else {
    }
    %gt3A_109 = arith.constant 0 : i32
    %gt3A_110 = arith.cmpi sgt, %while3A_103#4, %gt3A_109 : i32
    %jit3A_111 = arith.constant 1 : i32
    %jit3A_112 = arith.constant 0 : i32
    %select_n3A_113 = arith.select %gt3A_110, %jit3A_111, %jit3A_112 : i32
    %add3A_114 = arith.addi %while3A_103#5, %select_n3A_113 : i32
    %gt3A_115 = arith.constant 0 : i32
    %gt3A_116 = arith.cmpi sgt, %scan3A_18, %gt3A_115 : i32
    %convert_element_type3A_117 = arith.extui %gt3A_116 : i1 to i32
    %cond3A_118 = arith.constant 0 : i32
    %cond3A_119 = arith.cmpi ne, %convert_element_type3A_117, %cond3A_118 : i32
    scf.if %cond3A_119 {
      %get3A_129 = arith.constant 0 : i32
      %get3A_130 = arith.index_cast %get3A_129 : i32 to index
      %get3A_131 = memref.load %arg16[%get3A_130] : memref<2xi32, #tpu.memory_space<smem>>
      %add3A_132 = arith.constant 1 : i32
      %add3A_133 = arith.addi %get3A_131, %add3A_132 : i32
      %mul3A_134 = arith.constant 384 : i32
      %mul3A_135 = arith.muli %add3A_133, %mul3A_134 : i32
      %add3A_136 = arith.addi %multiple_of3A, %mul3A_135 : i32
      %min3A = arith.constant 319616 : i32
      %min3A_137 = arith.minsi %add3A_136, %min3A : i32
      %and3A_138 = arith.constant 1 : i32
      %and3A_139 = arith.andi %add3A_133, %and3A_138 : i32
      %eq3A_140 = arith.constant 0 : i32
      %eq3A_141 = arith.cmpi eq, %and3A_139, %eq3A_140 : i32
      %convert_element_type3A_142 = arith.extui %eq3A_141 : i1 to i32
      %cond3A_143 = arith.constant 0 : i32
      %cond3A_144 = arith.cmpi ne, %convert_element_type3A_142, %cond3A_143 : i32
      scf.if %cond3A_144 {
        %dma_wait3A = arith.constant 0 : i32
        %dma_wait3A_152 = arith.constant 0 : i32
        %dma_wait3A_153 = tpu.memref_slice %arg9[%dma_wait3A, %dma_wait3A_152] : memref<768x128xf32, #tpu.memory_space<vmem>> -> memref<384x128xf32, #tpu.memory_space<vmem>>
        %dma_wait3A_154 = arith.constant 0 : i32
        %dma_wait3A_155 = tpu.memref_slice %arg2[%min3A_137, %dma_wait3A_154] : memref<320000x128xf32, #tpu.memory_space<hbm>> -> memref<384x128xf32, #tpu.memory_space<hbm>>
        %dma_wait3A_156 = arith.constant 0 : i32
        %dma_wait3A_157 = arith.constant 0 : i32
        %dma_wait3A_158 = tpu.memref_slice %arg9[%dma_wait3A_156, %dma_wait3A_157] : memref<768x128xf32, #tpu.memory_space<vmem>> -> memref<384x128xf32, #tpu.memory_space<vmem>>
        %dma_wait3A_159 = arith.constant 0 : i32
        %dma_wait3A_160 = tpu.memref_slice %arg2[%min3A_137, %dma_wait3A_159] : memref<320000x128xf32, #tpu.memory_space<hbm>> -> memref<384x128xf32, #tpu.memory_space<hbm>>
        tpu.wait_dma2 semaphore(%arg14 : memref<!tpu.dma_semaphore, #tpu.memory_space<semaphore_mem>>) src(%dma_wait3A_160 : memref<384x128xf32, #tpu.memory_space<hbm>>) dst(%dma_wait3A_158 : memref<384x128xf32, #tpu.memory_space<vmem>>)
      } else {
      }
      %and3A_145 = arith.constant 1 : i32
      %and3A_146 = arith.andi %add3A_133, %and3A_145 : i32
      %eq3A_147 = arith.constant 1 : i32
      %eq3A_148 = arith.cmpi eq, %and3A_146, %eq3A_147 : i32
      %convert_element_type3A_149 = arith.extui %eq3A_148 : i1 to i32
      %cond3A_150 = arith.constant 0 : i32
      %cond3A_151 = arith.cmpi ne, %convert_element_type3A_149, %cond3A_150 : i32
      scf.if %cond3A_151 {
        %dma_wait3A = arith.constant 384 : i32
        %dma_wait3A_152 = arith.constant 0 : i32
        %dma_wait3A_153 = tpu.memref_slice %arg9[%dma_wait3A, %dma_wait3A_152] : memref<768x128xf32, #tpu.memory_space<vmem>> -> memref<384x128xf32, #tpu.memory_space<vmem>>
        %dma_wait3A_154 = arith.constant 0 : i32
        %dma_wait3A_155 = tpu.memref_slice %arg2[%min3A_137, %dma_wait3A_154] : memref<320000x128xf32, #tpu.memory_space<hbm>> -> memref<384x128xf32, #tpu.memory_space<hbm>>
        %dma_wait3A_156 = arith.constant 384 : i32
        %dma_wait3A_157 = arith.constant 0 : i32
        %dma_wait3A_158 = tpu.memref_slice %arg9[%dma_wait3A_156, %dma_wait3A_157] : memref<768x128xf32, #tpu.memory_space<vmem>> -> memref<384x128xf32, #tpu.memory_space<vmem>>
        %dma_wait3A_159 = arith.constant 0 : i32
        %dma_wait3A_160 = tpu.memref_slice %arg2[%min3A_137, %dma_wait3A_159] : memref<320000x128xf32, #tpu.memory_space<hbm>> -> memref<384x128xf32, #tpu.memory_space<hbm>>
        tpu.wait_dma2 semaphore(%arg15 : memref<!tpu.dma_semaphore, #tpu.memory_space<semaphore_mem>>) src(%dma_wait3A_160 : memref<384x128xf32, #tpu.memory_space<hbm>>) dst(%dma_wait3A_158 : memref<384x128xf32, #tpu.memory_space<vmem>>)
      } else {
      }
    } else {
    }
    %ge3A = arith.constant 1 : i32
    %ge3A_120 = arith.cmpi sge, %add3A_114, %ge3A : i32
    %convert_element_type3A_121 = arith.extui %ge3A_120 : i1 to i32
    %cond3A_122 = arith.constant 0 : i32
    %cond3A_123 = arith.cmpi ne, %convert_element_type3A_121, %cond3A_122 : i32
    scf.if %cond3A_123 {
      %dma_wait3A = arith.constant 0 : i32
      %dma_wait3A_129 = arith.constant 0 : i32
      %dma_wait3A_130 = tpu.memref_slice %arg4[%dma_wait3A, %dma_wait3A_129] : memref<10000x272xf32, #tpu.memory_space<hbm>> -> memref<1x272xf32, #tpu.memory_space<hbm>>
      %dma_wait3A_131 = tpu.memref_squeeze %dma_wait3A_130 : memref<1x272xf32, #tpu.memory_space<hbm>> -> memref<272xf32, #tpu.memory_space<hbm>>
      %dma_wait3A_132 = arith.constant 0 : i32
      %dma_wait3A_133 = tpu.memref_slice %arg4[%dma_wait3A, %dma_wait3A_132] : memref<10000x272xf32, #tpu.memory_space<hbm>> -> memref<1x272xf32, #tpu.memory_space<hbm>>
      %dma_wait3A_134 = tpu.memref_squeeze %dma_wait3A_133 : memref<1x272xf32, #tpu.memory_space<hbm>> -> memref<272xf32, #tpu.memory_space<hbm>>
      tpu.wait_dma2 semaphore(%arg12 : memref<!tpu.dma_semaphore, #tpu.memory_space<semaphore_mem>>) src(%arg10 : memref<272xf32, #tpu.memory_space<vmem>>) dst(%dma_wait3A_134 : memref<272xf32, #tpu.memory_space<hbm>>)
    } else {
    }
    %ge3A_124 = arith.constant 2 : i32
    %ge3A_125 = arith.cmpi sge, %add3A_114, %ge3A_124 : i32
    %convert_element_type3A_126 = arith.extui %ge3A_125 : i1 to i32
    %cond3A_127 = arith.constant 0 : i32
    %cond3A_128 = arith.cmpi ne, %convert_element_type3A_126, %cond3A_127 : i32
    scf.if %cond3A_128 {
      %dma_wait3A = arith.constant 0 : i32
      %dma_wait3A_129 = arith.constant 0 : i32
      %dma_wait3A_130 = tpu.memref_slice %arg4[%dma_wait3A, %dma_wait3A_129] : memref<10000x272xf32, #tpu.memory_space<hbm>> -> memref<1x272xf32, #tpu.memory_space<hbm>>
      %dma_wait3A_131 = tpu.memref_squeeze %dma_wait3A_130 : memref<1x272xf32, #tpu.memory_space<hbm>> -> memref<272xf32, #tpu.memory_space<hbm>>
      %dma_wait3A_132 = arith.constant 0 : i32
      %dma_wait3A_133 = tpu.memref_slice %arg4[%dma_wait3A, %dma_wait3A_132] : memref<10000x272xf32, #tpu.memory_space<hbm>> -> memref<1x272xf32, #tpu.memory_space<hbm>>
      %dma_wait3A_134 = tpu.memref_squeeze %dma_wait3A_133 : memref<1x272xf32, #tpu.memory_space<hbm>> -> memref<272xf32, #tpu.memory_space<hbm>>
      tpu.wait_dma2 semaphore(%arg13 : memref<!tpu.dma_semaphore, #tpu.memory_space<semaphore_mem>>) src(%arg11 : memref<272xf32, #tpu.memory_space<vmem>>) dst(%dma_wait3A_134 : memref<272xf32, #tpu.memory_space<hbm>>)
    } else {
    }
    return
  }
}

module attributes {stable_mosaic.version = 14 : i64} {
  func.func @_tc_finish_body(%arg0: memref<10000x272xf32, #tpu.memory_space<vmem>>, %arg1: memref<1x1xf32, #tpu.memory_space<vmem>>, %arg2: memref<1x1xf32, #tpu.memory_space<vmem>>) attributes {dimension_semantics = [], scalar_prefetch = 0 : i64, scratch_operands = 0 : i64, tpu.core_type = #tpu.core_type<tc>} {
    %get3A = arith.constant 0 : index
    %get3A_0 = arith.constant 0 : index
    %get3A_1 = vector.load %arg0[%get3A, %get3A_0] : memref<10000x272xf32, #tpu.memory_space<vmem>>, vector<10000x128xf32>
    %get3A_2 = arith.constant 0 : index
    %get3A_3 = arith.constant 128 : index
    %get3A_4 = vector.load %arg0[%get3A_2, %get3A_3] : memref<10000x272xf32, #tpu.memory_space<vmem>>, vector<10000x128xf32>
    %get3A_5 = arith.constant 0 : index
    %get3A_6 = arith.constant 256 : index
    %get3A_7 = vector.load %arg0[%get3A_5, %get3A_6] : memref<10000x272xf32, #tpu.memory_space<vmem>>, vector<10000x1xf32>
    %div3A = vector.broadcast %get3A_7 : vector<10000x1xf32> to vector<10000x128xf32>
    %div3A_8 = arith.divf %get3A_1, %div3A : vector<10000x128xf32>
    %mul3A = arith.mulf %div3A_8, %div3A_8 : vector<10000x128xf32>
    %reduce_sum3A = arith.constant dense<0.000000e+00> : vector<10000xf32>
    %reduce_sum3A_9 = vector.multi_reduction <add>, %mul3A, %reduce_sum3A [1] : vector<10000x128xf32> to vector<10000xf32>
    %broadcast_in_dim3A = vector.shape_cast %reduce_sum3A_9 : vector<10000xf32> to vector<10000x1xf32>
    %sqrt3A = math.sqrt %broadcast_in_dim3A : vector<10000x1xf32>
    %mul3A_10 = arith.mulf %div3A_8, %get3A_4 : vector<10000x128xf32>
    %reduce_sum3A_11 = arith.constant dense<0.000000e+00> : vector<10000xf32>
    %reduce_sum3A_12 = vector.multi_reduction <add>, %mul3A_10, %reduce_sum3A_11 [1] : vector<10000x128xf32> to vector<10000xf32>
    %broadcast_in_dim3A_13 = vector.shape_cast %reduce_sum3A_12 : vector<10000xf32> to vector<10000x1xf32>
    %max3A = arith.constant 9.99999993E-9 : f32
    %max3A_14 = vector.broadcast %max3A : f32 to vector<10000x1xf32>
    %max3A_15 = arith.maximumf %sqrt3A, %max3A_14 : vector<10000x1xf32>
    %div3A_16 = arith.divf %broadcast_in_dim3A_13, %max3A_15 : vector<10000x1xf32>
    %reduce_sum3A_17 = vector.shape_cast %div3A_16 : vector<10000x1xf32> to vector<1x10000x1xf32>
    %reduce_sum3A_18 = arith.constant dense<0.000000e+00> : vector<1xf32>
    %reduce_sum3A_19 = vector.multi_reduction <add>, %reduce_sum3A_17, %reduce_sum3A_18 [1, 2] : vector<1x10000x1xf32> to vector<1xf32>
    %reduce_sum3A_20 = vector.shape_cast %reduce_sum3A_19 : vector<1xf32> to vector<1x1x1xf32>
    %reduce_sum3A_21 = vector.extract %reduce_sum3A_20[0, 0, 0] : f32 from vector<1x1x1xf32>
    %reduce_sum3A_22 = vector.shape_cast %get3A_7 : vector<10000x1xf32> to vector<1x10000x1xf32>
    %reduce_sum3A_23 = arith.constant dense<0.000000e+00> : vector<1xf32>
    %reduce_sum3A_24 = vector.multi_reduction <add>, %reduce_sum3A_22, %reduce_sum3A_23 [1, 2] : vector<1x10000x1xf32> to vector<1xf32>
    %reduce_sum3A_25 = vector.shape_cast %reduce_sum3A_24 : vector<1xf32> to vector<1x1x1xf32>
    %reduce_sum3A_26 = vector.extract %reduce_sum3A_25[0, 0, 0] : f32 from vector<1x1x1xf32>
    %sub3A = arith.subf %reduce_sum3A_26, %reduce_sum3A_21 : f32
    %add3A = arith.constant 9.99999971E-10 : f32
    %add3A_27 = arith.addf %reduce_sum3A_26, %add3A : f32
    %div3A_28 = arith.divf %sub3A, %add3A_27 : f32
    %reshape3A = vector.broadcast %div3A_28 : f32 to vector<1x1xf32>
    %swap3A = arith.constant 0 : index
    %swap3A_29 = arith.constant 0 : index
    %swap3A_30 = vector.load %arg1[%swap3A, %swap3A_29] : memref<1x1xf32, #tpu.memory_space<vmem>>, vector<1x1xf32>
    tpu.vector_store %arg1[%swap3A, %swap3A_29], %reshape3A {strides = array<i32>} : memref<1x1xf32, #tpu.memory_space<vmem>>, vector<1x1xf32>,
    %max3A_31 = arith.constant 9.99999996E-13 : f32
    %max3A_32 = vector.broadcast %max3A_31 : f32 to vector<10000x1xf32>
    %max3A_33 = arith.maximumf %sqrt3A, %max3A_32 : vector<10000x1xf32>
    %div3A_34 = vector.broadcast %max3A_33 : vector<10000x1xf32> to vector<10000x128xf32>
    %div3A_35 = arith.divf %div3A_8, %div3A_34 : vector<10000x128xf32>
    %reduce_sum3A_36 = arith.constant dense<0.000000e+00> : vector<128xf32>
    %reduce_sum3A_37 = vector.multi_reduction <add>, %div3A_35, %reduce_sum3A_36 [0] : vector<10000x128xf32> to vector<128xf32>
    %broadcast_in_dim3A_38 = vector.shape_cast %reduce_sum3A_37 : vector<128xf32> to vector<1x128xf32>
    %mul3A_39 = arith.mulf %broadcast_in_dim3A_38, %broadcast_in_dim3A_38 : vector<1x128xf32>
    %reduce_sum3A_40 = vector.shape_cast %mul3A_39 : vector<1x128xf32> to vector<1x1x128xf32>
    %reduce_sum3A_41 = arith.constant dense<0.000000e+00> : vector<1xf32>
    %reduce_sum3A_42 = vector.multi_reduction <add>, %reduce_sum3A_40, %reduce_sum3A_41 [1, 2] : vector<1x1x128xf32> to vector<1xf32>
    %reduce_sum3A_43 = vector.shape_cast %reduce_sum3A_42 : vector<1xf32> to vector<1x1x1xf32>
    %reduce_sum3A_44 = vector.extract %reduce_sum3A_43[0, 0, 0] : f32 from vector<1x1x1xf32>
    %mul3A_45 = arith.mulf %div3A_35, %div3A_35 : vector<10000x128xf32>
    %reduce_sum3A_46 = vector.shape_cast %mul3A_45 : vector<10000x128xf32> to vector<1x10000x128xf32>
    %reduce_sum3A_47 = arith.constant dense<0.000000e+00> : vector<1xf32>
    %reduce_sum3A_48 = vector.multi_reduction <add>, %reduce_sum3A_46, %reduce_sum3A_47 [1, 2] : vector<1x10000x128xf32> to vector<1xf32>
    %reduce_sum3A_49 = vector.shape_cast %reduce_sum3A_48 : vector<1xf32> to vector<1x1x1xf32>
    %reduce_sum3A_50 = vector.extract %reduce_sum3A_49[0, 0, 0] : f32 from vector<1x1x1xf32>
    %sub3A_51 = arith.subf %reduce_sum3A_44, %reduce_sum3A_50 : f32
    %div3A_52 = arith.constant 9.999000e+07 : f32
    %div3A_53 = arith.divf %sub3A_51, %div3A_52 : f32
    %reshape3A_54 = vector.broadcast %div3A_53 : f32 to vector<1x1xf32>
    %swap3A_55 = arith.constant 0 : index
    %swap3A_56 = arith.constant 0 : index
    %swap3A_57 = vector.load %arg2[%swap3A_55, %swap3A_56] : memref<1x1xf32, #tpu.memory_space<vmem>>, vector<1x1xf32>
    tpu.vector_store %arg2[%swap3A_55, %swap3A_56], %reshape3A_54 {strides = array<i32>} : memref<1x1xf32, #tpu.memory_space<vmem>>, vector<1x1xf32>,
    return
  }
}

</mosaic_0001>

<sc_bundles>
// kernel: kernel.4.cloned.1.call-start
scs
__scs_entry_jumppad:
0x0: {  	(pc) =	sbr.rel $0x88, $3  }
0x1: {  	(tag) =	ssettag $0x0;
	lr =	simm.s32 $0x1  }
0x2: {  	[smem:$0x3F9F] =	sst lr;
	_ =	strace $0xD0000000  }
0x3: {  	_ = 	snop  }
0x4: {  	_ = 	snop  }
0x5: {  	_ = 	snop  }
0x6: {  	_ = 	snop  }
0x7: {  	_ = 	snop  }
__scs_overlays_trampoline_lowered:
0x8: {  	[smem:$0x3FAE] =	sst s0  }
0x9: {  	[smem:$0x3FAF] =	sst s1  }
0xa: {  	[smem:$0x3FB0] =	sst s2  }
0xb: {  	[smem:$0x3FB1] =	sst s3  }
0xc: {  	[smem:$0x3FB2] =	sst s4  }
0xd: {  	[smem:$0x3FB3] =	sst s5  }
0xe: {  	[smem:$0x3FB4] =	sst s6  }
0xf: {  	[smem:$0x3FB5] =	sst s7  }
0x10: {  	[smem:$0x3FB6] =	sst s8  }
0x11: {  	[smem:$0x3FB7] =	sst s9;
	s0 =	simm.s32 @!p0 $0x0  }
0x12: {  	s1 =	sld [smem:$0x3F9D];
	s0 =	simm.s32 @p0 $0x1  }
0x13: {  	[smem:$0x3FB8] =	sst s0;
	s0 =	simm.s32 @!p1 $0x0  }
0x14: {  	s2 =	sld [smem:$0x3F9C];
	s0 =	simm.s32 @p1 $0x1  }
0x15: {  	[smem:$0x3FB9] =	sst s0;
	s0 =	simm.s32 @!p2 $0x0  }
0x16: {  	s3 =	sld [smem:$0x3FDB];
	s0 =	simm.s32 @p2 $0x1  }
0x17: {  	s4 =	simm.s32 $0x1BF5;
	[smem:$0x3FBB] =	sst s0  }
0x18: {  	s0 =	sld [smem:$0x3F9E];
	_ =	swait.ge [sflag:s4], $0x0  }
0x19: {  	s7 =	sld [smem:$0x3F9F]  }
0x1a: {  	s8 =	sadd.s32 $0xFFFFE003, lr  }
0x1b: {  	s9 =	sadd.s32 $0xFFFFFEF7, lr;
	s5 =	simm.s32 $0xFFFFFFFF;
	p2 =	slt.u32 s8, $0xFFFFF086  }
0x1c: {  	p1 =	slt.u32 s9, $0xF7A;
	s5 =	simm.s32 @!p2 $0x0  }
0x1d: {  	s5 =	simm.s32 @p1 $0x1;
	p0 =	seq.s32 s7, s2  }
0x1e: {  	s7 =	smul.u32 @!p0 $0xF7A, s2;
	p2 =	seq.s32 @!p0 s5, $0x0  }
0x1f: {  	s9 =	smul.u32 $0xF7A, s1;
	s8 =	simm.s32 @!p0 $0x1BF5;
	p2 =	por !p2, p0  }
0x20: {  	[sflag:s8] =	ssyncset.s32 @!p0 $0xFFFFF086;
	s6 =	sadd.s32 @!p0 s3, s7;
	s7 =	simm.s32 @!p0 $0x108  }
0x21: {  	s3 =	sadd.s32 s3, s9;
	s6 =	sadd.s32 @!p0 $0x88, s6;
	s7 =	simm.s32 @p2 $0x1082  }
0x22: {  	[simem:s7], [sflag:s8] =	dma.local @!p0 [hbm:s6], $0xF7A  }
0x23: {  	s9 =	sor.u32 $0xD0000000, s2;
	s6 =	simm.s32 $0x108;
	_ =	swait.ge @!p0 [sflag:s8], $0x0  }
0x24: {  	s3 =	sadd.s32 $0x88, s3;
	s6 =	simm.s32 @!p1 $0x1082;
	[sflag:s4] =	ssyncset.s32 $0xFFFFF086  }
0x25: {  	[simem:s6], [sflag:s4] =	dma.local [hbm:s3], $0xF7A  }
0x26: {  	[smem:$0x3F9F] =	sst s1;
	(tag) =	ssettag s2;
	_ =	strace s9  }
0x27: {  	s1 =	sld [smem:$0x3FAF]  }
0x28: {  	s2 =	sld [smem:$0x3FB0]  }
0x29: {  	s4 =	sld [smem:$0x3FB2]  }
0x2a: {  	p0 =	seq.s32 s5, $0x0;
	s5 =	sld [smem:$0x3FB3]  }
0x2b: {  	s6 =	sld [smem:$0x3FB4]  }
0x2c: {  	s7 =	sld [smem:$0x3FB5]  }
0x2d: {  	s3 =	simm.s32 $0x108;
	s8 =	sld [smem:$0x3FB6]  }
0x2e: {  	s3 =	simm.s32 @!p0 $0x1082;
	s9 =	sld [smem:$0x3FB7]  }
0x2f: {  	lr =	sadd.s32 s0, s3;
	s0 =	sld [smem:$0x3FAE]  }
0x30: {  	s3 =	sld [smem:$0x3FB1]  }
0x31: {  	[smem:$0x3FBA] =	sst s10  }
0x32: {  	s10 =	sld [smem:$0x3FB8];
	_ =	sdelay $0x3  }
0x33: {  	p0 =	seq.s32 s10, $0x1;
	s10 =	sld [smem:$0x3FBA];
	_ =	sdelay $0x3  }
0x34: {  	[smem:$0x3FBA] =	sst s10  }
0x35: {  	s10 =	sld [smem:$0x3FB9];
	_ =	sdelay $0x3  }
0x36: {  	p1 =	seq.s32 s10, $0x1;
	s10 =	sld [smem:$0x3FBA];
	_ =	sdelay $0x3  }
0x37: {  	[smem:$0x3FBA] =	sst s10  }
0x38: {  	s10 =	sld [smem:$0x3FBB]  }
0x39: {  	_ = 	snop;
	(pc) =	sbr.ind lr, $3  }
0x3a: {  	_ = 	snop  }
0x3b: {  	_ = 	snop  }
0x3c: {  	p2 =	seq.s32 s10, $0x1;
	s10 =	sld [smem:$0x3FBA]  }
0x3d: {  	_ =	shalt  }
0x3e: {  	_ =	shalt  }
0x3f: {  	_ =	shalt  }
0x40: {  	_ =	shalt  }
0x41: {  	_ =	shalt  }
0x42: {  	_ =	shalt  }
0x43: {  	_ =	shalt  }
0x44: {  	_ =	shalt  }
0x45: {  	_ =	shalt  }
0x46: {  	_ =	shalt  }
0x47: {  	_ =	shalt  }
0x48: {  	_ =	shalt  }
0x49: {  	_ =	shalt  }
0x4a: {  	_ =	shalt  }
0x4b: {  	_ =	shalt  }
0x4c: {  	_ =	shalt  }
0x4d: {  	_ =	shalt  }
0x4e: {  	_ =	shalt  }
0x4f: {  	_ =	shalt  }
0x50: {  	_ =	shalt  }
0x51: {  	_ =	shalt  }
0x52: {  	_ =	shalt  }
0x53: {  	_ =	shalt  }
0x54: {  	_ =	shalt  }
0x55: {  	_ =	shalt  }
0x56: {  	_ =	shalt  }
0x57: {  	_ =	shalt  }
0x58: {  	_ =	shalt  }
0x59: {  	_ =	shalt  }
0x5a: {  	_ =	shalt  }
0x5b: {  	_ =	shalt  }
0x5c: {  	_ =	shalt  }
0x5d: {  	_ =	shalt  }
0x5e: {  	_ =	shalt  }
0x5f: {  	_ =	shalt  }
0x60: {  	_ =	shalt  }
0x61: {  	_ =	shalt  }
0x62: {  	_ =	shalt  }
0x63: {  	_ =	shalt  }
0x64: {  	_ =	shalt  }
0x65: {  	_ =	shalt  }
0x66: {  	_ =	shalt  }
0x67: {  	_ =	shalt  }
0x68: {  	_ =	shalt  }
0x69: {  	_ =	shalt  }
0x6a: {  	_ =	shalt  }
0x6b: {  	_ =	shalt  }
0x6c: {  	_ =	shalt  }
0x6d: {  	_ =	shalt  }
0x6e: {  	_ =	shalt  }
0x6f: {  	_ =	shalt  }
0x70: {  	_ =	shalt  }
0x71: {  	_ =	shalt  }
0x72: {  	_ =	shalt  }
0x73: {  	_ =	shalt  }
0x74: {  	_ =	shalt  }
0x75: {  	_ =	shalt  }
0x76: {  	_ =	shalt  }
0x77: {  	_ =	shalt  }
0x78: {  	_ =	shalt  }
0x79: {  	_ =	shalt  }
0x7a: {  	_ =	shalt  }
0x7b: {  	_ =	shalt  }
0x7c: {  	_ =	shalt  }
0x7d: {  	_ =	shalt  }
0x7e: {  	_ =	shalt  }
0x7f: {  	_ =	shalt  }
0x80: {  	_ =	shalt  }
0x81: {  	_ =	shalt  }
0x82: {  	_ =	shalt  }
0x83: {  	_ =	shalt  }
0x84: {  	_ =	shalt  }
0x85: {  	_ =	shalt  }
0x86: {  	_ =	shalt  }
0x87: {  	_ =	shalt  }
.Lfunc_end0:
.L_simem_size_0:
called_computation_lowered:
.L_overlay_start_0:
0x88: {  	s2 =	sld [smem:$0x3FD9]  }
0x89: {  	s3 =	sld [smem:$0x3FFE];
	_ =	sdelay $0x1  }
0x8a: {  	s1 =	srdreg.scid  }
0x8b: {  	s0 =	sand.u32 $0x1, s1  }
0x8c: {  	s17 =	sshll.u32 s0, $0xA;
	s2 =	sadd.s32 s3, s2  }
0x8d: {  	s2 =	sadd.s32 s2, s17  }
0x8e: {  	[smem:$0x3FC6] =	sst s2  }
0x8f: {  	_ = 	snop  }
0x90: {  	s2 =	sld [smem:$0x3FC9]  }
0x91: {  	s18 =	sld [smem:$0x3FC8];
	(tm) =	ssettm $0x1  }
0x92: {  	s4 =	sld [smem:$0x3FFB];
	_ =	sdelay $0x3  }
0x93: {  	_ =	strace s4  }
0x94: {  	s4 =	sld [smem:$0x3FFC];
	_ =	sdelay $0x3  }
0x95: {  	_ =	strace s4  }
0x96: {  	s4 =	sld [smem:$0x3FFD];
	_ =	sdelay $0x3  }
0x97: {  	_ =	strace s4  }
0x98: {  	_ =	strace $0x8FFFFFFF  }
0x99: {  	s19 =	sld [smem:$0x3FDB];
	_ =	sdelay $0x1  }
0x9a: {  	s5 =	simm.s32 $_scs_section_size  }
0x9b: {  	s6 =	simm.s32 $_size__tile_overlayer_lowered;
	s7 =	simm.s32 $_tile_overlayer_lowered  }
0x9c: {  	s22 =	simm.s32 $0x1BFF;
	s21 =	sshll.u32 s7, $0x1;
	s4 =	sadd.s32 s5, s19  }
0x9d: {  	s8 =	simm.s32 $0x0;
	s20 =	sshll.u32 s6, $0x1;
	s6 =	sadd.s32 s21, s4  }
0x9e: {  	[timem:s8], [sflag:s22] =	dma.local [hbm:s6], s20  }
0x9f: {  	_ =	swait.ge [sflag:s22], s20  }
0xa0: {  	s5 =	ssub.s32 $0x0, s20;
	[sflag:s22] =	ssyncset.done $0x0  }
0xa1: {  	[sflag:s22] =	ssyncadd.s32 s5;
	_ =	sdelay $0x1  }
0xa2: {  	s23 =	simm.s32 $0x1B8B  }
0xa3: {  	_ =	swait.ge [sflag:s23], $0x1  }
0xa4: {  	[sflag:s23] =	ssyncset.done $0x0  }
0xa5: {  	s25 =	simm.s32 $0x1B8E;
	s24 =	sld [smem:$0x3FFE];
	[sflag:s23] =	ssyncadd.s32 $0xFFFFFFFF  }
0xa6: {  	s26 =	simm.s32 $execute0_lowered;
	[smem:$0x3FD2] =	sst s25  }
0xa7: {  	s6 =	sshll.u32 s26, $0x1;
	_ =	strace $0x80000046;
	[dreg:$0x1] =	wrdreg $0xFFFFFFFF  }
0xa8: {  	s28 =	simm.s32 $_size_execute0_lowered;
	s4 =	sadd.s32 s4, s6;
	[dreg:$0x0] =	wrdreg $0x0  }
0xa9: {  	s6 =	sshll.u32 s28, $0x1;
	[dreg:$0x2] =	wrdreg s4  }
0xaa: {  	[dreg:$0x3] =	wrdreg s6  }
0xab: {  	[dreg:$0x4] =	wrdreg $0xC0  }
0xac: {  	_ =	task [dreg:s8], $0x5FFFF  }
0xad: {  	[dreg:$0x1] =	wrdreg $0xFFFFFFFF  }
0xae: {  	[dreg:$0x0] =	wrdreg $0x60  }
0xaf: {  	[dreg:$0x2] =	wrdreg s2  }
0xb0: {  	[dreg:$0x3] =	wrdreg s18  }
0xb1: {  	[dreg:$0x4] =	wrdreg s24  }
0xb2: {  	[dreg:$0x5] =	wrdreg $0x9  }
0xb3: {  	_ =	task.clear_ibuf [dreg:s8], $0x6FFFF;
	_ =	strace $0x90000046  }
0xb4: {  	s29 =	simm.s32 $0x9;
	_ =	strace $0x80000048  }
0xb5: {  	_ =	swait.ge [sflag:s29], $0x1  }
0xb6: {  	[sflag:s29] =	ssyncadd.s32 $0xFFFFFFFF  }
0xb7: {  	_ =	strace $0x90000048  }
0xb8: {  	_ =	sfence  }
0xb9: {  	s30 =	sld [smem:$0x0];
	_ =	sdelay $0x2  }
0xba: {  	s31 =	sshll.u32 s1, $0xD;
	s1 =	sshrl.u32 s1, $0x2  }
0xbb: {  	s3 =	sand.u32 $0x4000, s31;
	s1 =	sadd.s32 s1, s30  }
0xbc: {  	s0 =	sor.u32 s3, s0;
	s1 =	sshll.u32 s1, $0x11  }
0xbd: {  	s0 =	sor.u32 s1, s0  }
0xbe: {  	s0 =	sadd.s32 $0x8F2B, s0  }
0xbf: {  	[sflag:s0] =	ssyncadd.remote.s32 $0x1  }
0xc0: {  	_ =	sfence.sel $0xFFFF  }
0xc1: {  	[dreg:$0x0] =	wrdreg $0xFFFFFFFF;
	(pc) =	sbr.abs _section_cstart, $3  }
0xc2: {  	[dreg:$0x1] =	wrdreg $0xFFFFFFFF  }
0xc3: {  	_ =	task.clear_ibuf [dreg:s8], $0x2FFFF;
	_ =	strace $0x9FFFFFFF  }
0xc4: {  	(tm) =	ssettm $0x7FFFFFFF  }
0xc5: {  	_ =	shalt  }
tec
execute0_lowered:
.L_overlay_start_1:
0x0: {  	(tag) =	ssettag $0x1  }
0x1: {  	s31 =	rddreg [dreg:$0x0]  }
0x2: {  	s10 =	rddreg [dreg:$0x1];
	s0 =	srdreg.scid  }
0x3: {  	s7 =	stileid.u32;
	s1 =	rddreg [dreg:$0x2];
	s4 =	simm.s32 $0x0  }
0x4: {  	s13 =	simm.s32 $0x5;
	s21 =	simm.s32 $0x2780;
	s15 =	simm.s32 $0x2800  }
0x5: {  	s22 =	simm.s32 $0xFFFFFFFF;
	s17 =	simm.s32 $0x80;
	s18 =	simm.s32 $0x400  }
0x6: {  	s0 =	sand.u32 $0x1, s0;
	s2 =	sshll.u32 s7, $0x1;
	[smem:$0x7FF] =	sst s4  }
0x7: {  	s6 =	sadd.s32 $0x400, s1;
	s7 =	smul.u32 $0x4E20, s7;
	s2 =	sor.u32 s0, s2  }
0x8: {  	_ =	strace $0x80000047;
	s25 =	ssub.s32 $0x2, s0;
	s0 =	smul.u32 $0x2710, s0  }
0x9: {  	s5 =	smul.u32 $0x2710, s2;
	s8 =	sshrl.u32 s25, $0x1;
	p0 =	seq.s32 s2, $0x0  }
0xa: {  	s1 =	ssub.s32 s25, s8;
	s9 =	sadd.s32 s0, s7;
	s0 =	simm.s32 @!p0 $0x0  }
0xb: {  	s3 =	smax.u32 s5, $0x8;
	s26 =	sshrl.u32 s5, $0x3;
	s29 =	sadd.s32 $0x2710, s5  }
0xc: {  	s30 =	sadd.s32 $0x10, s9;
	s20 =	smax.u32 s1, $0x1;
	[dreg:$0x6] =	wrdreg s29  }
0xd: {  	s0 =	simm.s32 @p0 $0x1;
	p0 =	seq.s32 s2, $0x1F;
	[dreg:$0x7] =	wrdreg s30  }
.Ltmp0:
0xe: {  	s3 =	sadd.s32 $0xFFFFFFF8, s3;
	[smem:$0x7FC] =	sst s0;
	(pc) =	sbr.rel .LBB2_1-.Ltmp0, $4  }
0xf: {  	s12 =	sadd.s32 s10, s26;
	s0 =	simm.s32 @!p0 $0x0;
	[dreg:$0x8] =	wrdreg s20  }
0x10: {  	s3 =	sshrl.u32 s3, $0x3;
	s0 =	simm.s32 @p0 $0x1;
	[dreg:$0x4] =	wrdreg s12  }
0x11: {  	s19 =	simm.s32 $0x1D180;
	s16 =	sadd.s32 s10, s3;
	[smem:$0x7FD] =	sst s0  }
0x12: {  	v3 =	vlaneseq.u32;
	v4 =	vimm.s32 $0x0;
	s28 =	simm.s32 $0x0;
	s26 =	simm.s32 $0x4F80;
	[dreg:$0x5] =	wrdreg s16  }
.LBB2_50:
0x13: {  	p0 =	slt.s32 s24, $0x2  }
0x14: {  	s2 =	simm.s32 @!p0 $0x2  }
0x15: {  	_ =	swait.ge @!p0 [sflag:s2], $0x180  }
0x16: {  	[sflag:s2] =	ssyncset.done @!p0 $0x0  }
0x17: {  	[sflag:s2] =	ssyncadd.s32 @!p0 $0xFFFFFE80  }
0x18: {  	[tilespmem:$0x1D180] =	vst v15  }
0x19: {  	[tilespmem:$0x1D200] =	vst v61  }
0x1a: {  	[tilespmem:$0x1D190] =	vst v14  }
0x1b: {  	[tilespmem:$0x1D210] =	vst v59  }
0x1c: {  	[tilespmem:$0x1D1A0] =	vst v13  }
0x1d: {  	[tilespmem:$0x1D220] =	vst v43  }
0x1e: {  	[tilespmem:$0x1D1B0] =	vst v12  }
0x1f: {  	[tilespmem:$0x1D230] =	vst v51  }
0x20: {  	[tilespmem:$0x1D1C0] =	vst v11  }
0x21: {  	[tilespmem:$0x1D240] =	vst v54  }
0x22: {  	[tilespmem:$0x1D1D0] =	vst v8  }
0x23: {  	s29 =	sshrl.u32 s0, $0x3;
	[tilespmem:$0x1D250] =	vst v57  }
0x24: {  	s30 =	sshll.u32 s0, $0x7;
	s2 =	smul.u32 $0xC00, s29;
	[tilespmem:$0x1D1E0] =	vst v4  }
0x25: {  	s1 =	scvt.s32.f32 s1;
	s0 =	sand.u32 $0x380, s30;
	s12 =	rddreg [dreg:$0x4];
	[tilespmem:$0x1D260] =	vst v60  }
0x26: {  	s16 =	rddreg [dreg:$0x5];
	[tilespmem:$0x1D1F0] =	vst v3;
	s0 =	sor.u32 s0, s2  }
0x27: {  	s21 =	simm.s32 $0x2780;
	v0 =	vmov s1;
	s20 =	rddreg [dreg:$0x8];
	[tilespmem:$0x1D270] =	vst v62;
	s0 =	sshrl.u32 s0, $0x3  }
0x28: {  	s22 =	simm.s32 $0xFFFFFFFF;
	s28 =	rddreg [dreg:$0x9];
	[tilespmem:$0x1D280] =	vst v0;
	s0 =	sadd.s32 s6, s0  }
0x29: {  	[hbm4b:s0+s17] =	stream.strided.scatter [tilespmem:s19], [sflag:$0x2], $0x180, s18, s17, $0x38;
	[tilespmem:$0x1D300] =	vst v63  }
0x2a: {  	s26 =	simm.s32 $0x4F80;
	s10 =	rddreg [dreg:$0x1];
	v3 =	vlaneseq.u32;
	v4 =	vimm.s32 $0x0;
	s0 =	simm.s32 $0x1  }
.LBB2_51:
0x2b: {  	s1 =	sld @!p2 [smem:$0x0];
	_ =	sdelay $0x2  }
0x2c: {  	s1 =	sand.u32 @!p2 $0x1, s1  }
0x2d: {  	p0 =	seq.s32 @!p2 s1, $0x1  }
0x2e: {  	s1 =	simm.s32 @!p2 $0x3;
	p0 =	por !p0, p2  }
0x2f: {  	s1 =	simm.s32 @p0 $0x4  }
0x30: {  	s0 =	sadd.s32 s0, s24;
	_ =	swait.ge @!p2 [sflag:s1], $0xC000  }
0x31: {  	p0 =	slt.s32 s0, $0x1;
	[sflag:s1] =	ssyncset.done @!p2 $0x0  }
0x32: {  	[sflag:s1] =	ssyncadd.s32 @!p2 $0xFFFF4000;
	s1 =	simm.s32 @!p0 $0x1  }
0x33: {  	_ =	swait.ge @!p0 [sflag:s1], $0x180  }
0x34: {  	s28 =	sadd.s32 $0x1, s28;
	p1 =	seq.s32 @!p0 s0, $0x1;
	[sflag:s1] =	ssyncset.done @!p0 $0x0  }
0x35: {  	p1 =	por p1, p0;
	[sflag:s1] =	ssyncadd.s32 @!p0 $0xFFFFFE80;
	p0 =	sne.s32 s28, s20  }
.Ltmp1:
0x36: {  	_ = 	snop;
	(pc) =	sbr.rel @!p0 .LBB2_52-.Ltmp1, $4  }
0x37: {  	s0 =	simm.s32 @!p1 $0x2  }
0x38: {  	_ =	swait.ge @!p1 [sflag:s0], $0x180  }
0x39: {  	[sflag:s0] =	ssyncset.done @!p1 $0x0  }
0x3a: {  	[sflag:s0] =	ssyncadd.s32 @!p1 $0xFFFFFE80  }
.LBB2_1:
0x3b: {  	s0 =	simm.s32 $0x8  }
0x3c: {  	[tilespmem:s0], [sflag:$0x5] =	stream.linear.gather [hbm4b:s12+s4], $0x2710, $0x38;
	[tilespmem:$0x1D300] =	vst v63  }
0x3d: {  	_ =	swait.ge [sflag:s13], $0x2710  }
0x3e: {  	[sflag:s13] =	ssyncset.done $0x0  }
0x3f: {  	[sflag:s13] =	ssyncadd.s32 $0xFFFFD8F0  }
0x40: {  	[tilespmem:s21], [sflag:$0x5] =	stream.linear.gather [hbm4b:s16+s4], $0x8, $0x38;
	[tilespmem:$0x1D300] =	vst v63  }
0x41: {  	_ =	swait.ge [sflag:s13], $0x8  }
0x42: {  	[sflag:s13] =	ssyncset.done $0x0  }
0x43: {  	[sflag:s13] =	ssyncadd.s32 $0xFFFFFFF8  }
0x44: {  	v0 =	vld [tilespmem:$0x2780];
	_ =	sdelay $0x4  }
0x45: {  	(v2sf) =	vpush v0, $0x7;
	_ =	sdelay $0xb  }
0x46: {  	s2 =	sld [smem:$0x7FC];
	v0 =	vld [tilespmem:$0x0];
	_ =	sdelay $0x2  }
0x47: {  	p0 =	seq.s32 s2, $0x1;
	s1 =	spop (v2sf)  }
0x48: {  	vm0 =	veq.s32 v3, $0x7;
	s1 =	simm.s32 @p0 $0xFFFFFFFF  }
0x49: {  	v0 =	vsel vm0, s1, v0  }
0x4a: {  	[tilespmem:$0x0] =	vst v0  }
0x4b: {  	v0 =	vld [tilespmem:s0+$0x0]  }
0x4c: {  	v1 =	vld [tilespmem:s0+$0xFFFFFFFF];
	_ =	sdelay $0x4  }
0x4d: {  	vm0 =	vne.s32 v0, v1  }
0x4e: {  	v0 =	vmpcnt.ones.xlane vm0  }
0x4f: {  	v1 =	vsel vm0, $0x1, v4  }
0x50: {  	(xrf0) =	vadd.scan.msk.s32 $0xffff, v1;
	v0 =	vxor.u32 $0x80000000, v0  }
0x51: {  	(xrf0) =	vmax.scan.msk.u32 $0xffff, v0;
	_ =	sdelay $0x3  }
0x52: {  	v0 =	vsel vm0, $0xFFFFFFFF, v4  }
0x53: {  	v0 =	vadd.s32 s4, v0;
	v1, _, _ =	vpop (xrf0)  }
0x54: {  	v0 =	vadd.s32 v1, v0;
	v1, _, _ =	vpop (xrf0)  }
0x55: {  	v0 =	vnsel vm0, $0x2718, v0;
	(v2sf) =	vpush v1, $0xF;
	_ =	sdelay $0x2  }
0x56: {  	s30 =	sadd.s32 $0x0, s9  }
0x57: {  	v1 =	vor.u32 s30, v3  }
0x58: {  	s0 =	simm.s32 $0x18;
	[tilespmem:v0+s15+$0x0] =	vst.idx.msk $0xffff, v1  }
0x59: {  	v0 =	vld [tilespmem:s0+$0x0]  }
0x5a: {  	v1 =	vld [tilespmem:s0+$0xFFFFFFFF];
	_ =	sdelay $0x4  }
0x5b: {  	vm0 =	vne.s32 v0, v1  }
0x5c: {  	v0 =	vmpcnt.ones.xlane vm0;
	v1 =	vsel vm0, $0x1, v4  }
0x5d: {  	(xrf0) =	vadd.scan.msk.s32 $0xffff, v1  }
0x5e: {  	v0 =	vxor.u32 $0x80000000, v0;
	s3 =	spop (v2sf)  }
0x5f: {  	s2 =	simm.s32 $0x20;
	s1 =	simm.s32 $0x10;
	(xrf0) =	vmax.scan.msk.u32 $0xffff, v0;
	s3 =	sadd.s32 $0x0, s3  }
.LBB2_2:
0x60: {  	p0 =	sne.s32 s2, $0x2700  }
0x61: {  	s3 =	sadd.s32 $0x80000000, s3;
	s7 =	smov.u32 s2;
	s2 =	sadd.s32 $0x10, s2  }
0x62: {  	v0 =	vsel vm0, $0xFFFFFFFF, v4  }
0x63: {  	v0 =	vadd.s32 s3, v0;
	v1, _, _ =	vpop (xrf0)  }
0x64: {  	v0 =	vadd.s32 v1, v0  }
0x65: {  	v0 =	vnsel vm0, $0x2718, v0;
	v1, _, _ =	vpop (xrf0)  }
0x66: {  	(v2sf) =	vpush v1, $0xF;
	_ =	sdelay $0x1  }
0x67: {  	s8 =	sadd.s32 s1, s9;
	s1 =	smov.u32 s7  }
0x68: {  	v1 =	vor.u32 s8, v3  }
0x69: {  	s0 =	sadd.s32 $0x10, s0;
	[tilespmem:v0+s15+$0x0] =	vst.idx.msk $0xffff, v1  }
0x6a: {  	v0 =	vld [tilespmem:s0+$0x0]  }
0x6b: {  	v1 =	vld [tilespmem:s0+$0xFFFFFFFF];
	_ =	sdelay $0x4  }
0x6c: {  	vm0 =	vne.s32 v0, v1  }
.Ltmp2:
0x6d: {  	v0 =	vsel vm0, $0x1, v4;
	v1 =	vmpcnt.ones.xlane vm0;
	(pc) =	sbr.rel @p0 .LBB2_2-.Ltmp2, $4  }
0x6e: {  	(xrf0) =	vadd.scan.msk.s32 $0xffff, v0  }
0x6f: {  	v0 =	vxor.u32 $0x80000000, v1  }
0x70: {  	(xrf0) =	vmax.scan.msk.u32 $0xffff, v0;
	s7 =	spop (v2sf)  }
0x71: {  	s3 =	sadd.s32 s7, s3  }
0x72: {  	_ =	sdelay $0x2  }
0x73: {  	v0, _, _ =	vpop (xrf0)  }
0x74: {  	v1, _, _ =	vpop (xrf0)  }
0x75: {  	(v2sf) =	vpush v1, $0xF;
	_ =	sdelay $0x8  }
0x76: {  	s0 =	sadd.s32 $0x80000000, s3;
	s30 =	sld [smem:$0x7FD];
	v1 =	vsel vm0, $0xFFFFFFFF, v4  }
0x77: {  	v1 =	vadd.s32 s0, v1  }
0x78: {  	v0 =	vadd.s32 v0, v1  }
0x79: {  	p0 =	seq.s32 s30, $0x1;
	v0 =	vnsel vm0, $0x2718, v0  }
.Ltmp3:
0x7a: {  	_ = 	snop;
	(pc) =	sbr.rel @p0 .LBB2_7-.Ltmp3, $4  }
0x7b: {  	_ = 	snop  }
0x7c: {  	s1 =	sadd.s32 s1, s9;
	s2 =	spop (v2sf)  }
0x7d: {  	v1 =	vor.u32 s1, v3;
	s0 =	sadd.s32 s2, s0  }
0x7e: {  	s23 =	simm.s32 $0x4E200;
	[tilespmem:v0+s15+$0x0] =	vst.idx.msk $0xffff, v1;
	s0 =	sadd.s32 $0x80000000, s0  }
0x7f: {  	v0 =	vld.msk [tilespmem:$0x2717 ss:$0x0], $0xffff;
	s1 =	rddreg [dreg:$0x6]  }
.LBB2_5:
0x80: {  	s2 =	smin.u32 s1, $0x4E1F0  }
0x81: {  	s3 =	sshrl.u32 s2, $0x3  }
0x82: {  	s3 =	sadd.s32 s10, s3  }
0x83: {  	[tilespmem:s26], [sflag:$0x5] =	stream.linear.gather [hbm4b:s3+s4], $0x10, $0x38;
	[tilespmem:$0x1D300] =	vst v63  }
0x84: {  	_ =	swait.ge [sflag:s13], $0x10  }
0x85: {  	[sflag:s13] =	ssyncset.done $0x0  }
0x86: {  	[sflag:s13] =	ssyncadd.s32 $0xFFFFFFF0  }
0x87: {  	v1 =	vld [tilespmem:$0x4F80];
	_ =	sdelay $0x4  }
0x88: {  	vm0 =	vne.s32 v1, v0  }
0x89: {  	v1 =	vmpcnt.ones.xlane vm0  }
0x8a: {  	v2 =	vmctz.xlane vm0  }
0x8b: {  	v1 =	vxor.u32 $0x80000000, v1  }
0x8c: {  	(xrf0) =	vmax.scan.msk.u32 $0xffff, v1;
	v1 =	vxor.u32 $0x80000000, v2  }
0x8d: {  	(xrf0) =	vmax.scan.msk.u32 $0xffff, v1;
	_ =	sdelay $0x4  }
0x8e: {  	v1, _, _ =	vpop (xrf0)  }
0x8f: {  	(v2sf) =	vpush v1, $0xF;
	v1, _, _ =	vpop (xrf0)  }
0x90: {  	(v2sf) =	vpush v1, $0xF;
	_ =	sdelay $0xd  }
0x91: {  	s30 =	spop (v2sf)  }
0x92: {  	s7 =	spop (v2sf)  }
0x93: {  	s2 =	sadd.s32 s7, s2  }
0x94: {  	p0 =	sgt.u32 s30, $0x80000000;
	s23 =	sadd.s32 $0x80000000, s2  }
0x95: {  	s23 =	simm.s32 @!p0 $0xFFFFFFFF;
	p0 =	sgt.u32 s1, $0x4E1EF  }
0x96: {  	p1 =	slt.s32 @!p0 s23, $0x0  }
0x97: {  	p0 =	por p0, !p1  }
.Ltmp4:
0x98: {  	_ = 	snop;
	(pc) =	sbr.rel @!p0 .LBB2_5-.Ltmp4, $2  }
0x99: {  	_ =	sdelay $0x2  }
0x9a: {  	s1 =	sadd.s32 $0x10, s1  }
0x9b: {  	p0 =	slt.s32 s23, $0x0  }
0x9c: {  	s23 =	simm.s32 @p0 $0x4E200  }
.LBB2_7:
0x9d: {  	v0 =	vmov s23  }
0x9e: {  	[tilespmem:s0+$0x2800] =	vst v0  }
0x9f: {  	v0 =	vld [tilespmem:$0x2800];
	_ =	sdelay $0x4  }
0xa0: {  	(v2sf) =	vpush v0, $0x0;
	_ =	sdelay $0xe  }
0xa1: {  	s2 =	spop (v2sf)  }
0xa2: {  	s3 =	simm.s32 $0x1;
	s1 =	ssub.s32 s2, s5;
	p0 =	sne.s32 s2, s5  }
0xa3: {  	s7 =	sshra.s32 s1, $0x1F;
	s3 =	simm.s32 @!p0 $0x0  }
0xa4: {  	s8 =	sand.u32 $0xF, s2;
	s3 =	sor.u32 s3, s7  }
0xa5: {  	p1 =	sne.s32 s8, $0x0;
	p6 =	sne.s32 s3, $0x1  }
0xa6: {  	s30 =	sshrl.u32 s7, $0x1C;
	p0 =	por !p1, !p6  }
0xa7: {  	s1 =	sadd.s32 s30, s1;
	s3 =	simm.s32 $0x1;
	p0 =	por !p0, !p0  }
0xa8: {  	s1 =	sshra.s32 s1, $0x4;
	s3 =	simm.s32 @!p0 $0x0  }
0xa9: {  	s25 =	ssub.s32 s1, s3  }
0xaa: {  	p2 =	slt.s32 s0, $0x1;
	s1 =	sshll.u32 s25, $0x4  }
0xab: {  	s3 =	smulhi.u32 @!p2 $0x2AAAAAAB, s1;
	s7 =	sshra.s32 @!p2 s1, $0x1F  }
0xac: {  	s7 =	smul.u32 @!p2 $0x2AAAAAAB, s7;
	_ =	sdelay $0x1  }
0xad: {  	s3 =	sadd.s32 @!p2 s7, s3  }
0xae: {  	s7 =	sshrl.u32 @!p2 s3, $0x1F;
	s3 =	sshra.s32 @!p2 s3, $0x6  }
0xaf: {  	s3 =	sadd.s32 @!p2 s7, s3  }
0xb0: {  	s7 =	smul.u32 @!p2 $0xFFFFFE80, s3  }
0xb1: {  	s8 =	ssub.s32 @!p2 $0x0, s1  }
0xb2: {  	p0 =	slt.s32 @!p2 s1, $0x1;
	p1 =	sne.s32 @!p2 s7, s8  }
0xb3: {  	p0 =	por @!p2 !p0, !p1  }
0xb4: {  	p0 =	por @!p2 !p0, !p0  }
0xb5: {  	s7 =	simm.s32 @!p2 $0x1;
	p0 =	por !p0, p2  }
0xb6: {  	s7 =	simm.s32 @p0 $0x0  }
0xb7: {  	s3 =	ssub.s32 @!p2 s3, s7  }
0xb8: {  	s7 =	smul.u32 @!p2 $0x180, s3;
	_ =	sdelay $0x1  }
0xb9: {  	s7 =	sadd.s32 @!p2 s5, s7  }
0xba: {  	p0 =	slt.s32 @!p2 s7, $0x4E080  }
0xbb: {  	s3 =	sand.u32 @!p2 $0x1, s3;
	p0 =	por !p0, p2  }
0xbc: {  	s7 =	simm.s32 @p0 $0x4E080;
	p0 =	seq.s32 @!p2 s3, $0x1  }
0xbd: {  	s11 =	smov.u32 s5;
	s3 =	sshll.u32 @!p2 s7, $0x4;
	p1 =	por !p0, p2  }
0xbe: {  	s3 =	sadd.s32 @!p2 s31, s3;
	s7 =	simm.s32 @!p1 $0x0;
	s8 =	simm.s32 @!p1 $0x11000  }
0xbf: {  	[tilespmem:s8], [sflag:$0x4] =	stream.linear.gather @!p1 [hbm4b:s3+s7], $0xC000, $0x38;
	[tilespmem:$0x1D300] =	vst v63  }
0xc0: {  	s14 =	sadd.s32 s5, s1;
	p0 =	por p0, p2;
	p1 =	sgt.s32 s0, $0x0  }
0xc1: {  	s0 =	simm.s32 @!p0 $0x0;
	s7 =	simm.s32 @!p0 $0x5000;
	s11 =	smov.u32 @p1 s23  }
0xc2: {  	[tilespmem:s7], [sflag:$0x3] =	stream.linear.gather @!p0 [hbm4b:s3+s0], $0xC000, $0x38;
	[tilespmem:$0x1D300] =	vst v63  }
0xc3: {  	p0 =	sge.s32 s14, s11  }
.Ltmp5:
0xc4: {  	_ = 	snop;
	(pc) =	sbr.rel @p0 .LBB2_51-.Ltmp5, $3  }
0xc5: {  	_ =	sdelay $0x1  }
0xc6: {  	[smem:$0x0] =	sst s22  }
0xc7: {  	s24 =	simm.s32 $0x0;
	[smem:$0x1] =	sst s4;
	s0 =	simm.s32 $0x0  }
0xc8: {  	v62 =	vimm.f32 $0.0e+00  }
.Ltmp6:
0xc9: {  	v60 =	vimm.f32 $0.0e+00;
	v57 =	vimm.f32 $0.0e+00;
	v54 =	vimm.f32 $0.0e+00;
	(pc) =	sbr.rel .LBB2_9-.Ltmp6, $4  }
0xca: {  	[dreg:$0x9] =	wrdreg s28;
	v51 =	vimm.f32 $0.0e+00;
	v43 =	vimm.f32 $0.0e+00;
	v59 =	vimm.f32 $0.0e+00  }
0xcb: {  	v61 =	vimm.f32 $0.0e+00;
	v3 =	vimm.f32 $0.0e+00;
	v4 =	vimm.f32 $0.0e+00;
	s0 =	rddreg [dreg:$0x7]  }
0xcc: {  	s24 =	simm.s32 $0x0;
	s29 =	simm.s32 $0xFFFFFFFF;
	v8 =	vimm.f32 $0.0e+00;
	v11 =	vimm.f32 $0.0e+00;
	v12 =	vimm.f32 $0.0e+00;
	s10 =	simm.s32 $0x0  }
0xcd: {  	v13 =	vimm.f32 $0.0e+00;
	v14 =	vimm.f32 $0.0e+00;
	v15 =	vimm.f32 $0.0e+00;
	s30 =	simm.s32 $0x0;
	s28 =	sadd.s32 s1, s0;
	s0 =	simm.s32 $0x0  }
.LBB2_11:
0xce: {  	s1 =	sadd.s32 $0x10, s14  }
0xcf: {  	p0 =	slt.s32 s2, s1  }
0xd0: {  	p1 =	sle.s32 @!p0 s1, s11  }
0xd1: {  	p0 =	por p0, !p1  }
.Ltmp7:
0xd2: {  	_ = 	snop;
	(pc) =	sbr.rel @p0 .LBB2_12-.Ltmp7, $2  }
0xd3: {  	_ =	sdelay $0x2  }
0xd4: {  	s16 =	sld [smem:$0x1]  }
0xd5: {  	_ =	sdelay $0x1  }
0xd6: {  	s1 =	ssub.s32 s14, s16  }
0xd7: {  	s1 =	sshll.u32 s1, $0x9  }
0xd8: {  	s14 =	sshra.s32 s1, $0x2  }
0xd9: {  	v27 =	vld [tilespmem:s14+$0x5000]  }
0xda: {  	v23 =	vld [tilespmem:s14+$0x5010]  }
0xdb: {  	v0 =	vld [tilespmem:s14+$0x5020]  }
0xdc: {  	v19 =	vld [tilespmem:s14+$0x5030]  }
0xdd: {  	v18 =	vld [tilespmem:s14+$0x5040]  }
0xde: {  	v56 =	vld [tilespmem:s14+$0x5050]  }
0xdf: {  	[tilespmem:$0x1FE20] =	vst v54;
	v54 =	vld [tilespmem:s14+$0x5060]  }
0xe0: {  	v53 =	vld [tilespmem:s14+$0x5070];
	_ =	sdelay $0x1  }
0xe1: {  	v1 =	vmul.f32 v27, v27;
	v2 =	vmul.f32 v23, v23  }
0xe2: {  	v5 =	vmul.f32 v0, v0;
	v6 =	vmul.f32 v19, v19  }
0xe3: {  	v7 =	vmul.f32 v18, v18;
	v9 =	vmul.f32 v56, v56  }
0xe4: {  	v10 =	vmul.f32 v54, v54;
	v16 =	vmul.f32 v53, v53  }
0xe5: {  	v1 =	vadd.f32 v2, v1;
	v2 =	vadd.f32 v6, v5  }
0xe6: {  	v5 =	vadd.f32 v9, v7;
	v6 =	vadd.f32 v16, v10;
	_ =	sdelay $0x1  }
0xe7: {  	v1 =	vadd.f32 v2, v1;
	v2 =	vadd.f32 v6, v5  }
0xe8: {  	v55 =	vld [tilespmem:s14+$0x5080]  }
0xe9: {  	v52 =	vld [tilespmem:s14+$0x5090];
	v1 =	vadd.f32 v2, v1  }
0xea: {  	v50 =	vld [tilespmem:s14+$0x50B0]  }
0xeb: {  	v42 =	vld [tilespmem:s14+$0x50C0];
	(xrf2) =	vadd.scan.msk.f32 $0xffff, v1  }
0xec: {  	v41 =	vld [tilespmem:s14+$0x50D0]  }
0xed: {  	v30 =	vld [tilespmem:s14+$0x50E0]  }
0xee: {  	v9 =	vmov v51;
	v51 =	vld [tilespmem:s14+$0x50A0]  }
0xef: {  	v31 =	vld [tilespmem:s14+$0x50F0];
	_ =	sdelay $0x1  }
0xf0: {  	v7 =	vmul.f32 v50, v50;
	v2 =	vmul.f32 v52, v52  }
0xf1: {  	v10 =	vmul.f32 v42, v42;
	v1 =	vmul.f32 v55, v55  }
0xf2: {  	v49 =	vld [tilespmem:s14+$0x5100];
	v16 =	vmul.f32 v41, v41;
	v5 =	vmul.f32 v51, v51  }
0xf3: {  	v48 =	vld [tilespmem:s14+$0x5110];
	v17 =	vmul.f32 v30, v30;
	v20 =	vmul.f32 v31, v31;
	v1 =	vadd.f32 v2, v1  }
0xf4: {  	v47 =	vld [tilespmem:s14+$0x5120];
	v5 =	vadd.f32 v7, v5;
	v7 =	vadd.f32 v16, v10;
	v2, _, _ =	vpop (xrf2)  }
0xf5: {  	v46 =	vld [tilespmem:s14+$0x5140];
	v10 =	vadd.f32 v20, v17;
	(v2sf) =	vpush v2, $0xF  }
0xf6: {  	v33 =	vld [tilespmem:s14+$0x5160]  }
0xf7: {  	v45 =	vld [tilespmem:s14+$0x5170];
	v1 =	vadd.f32 v5, v1;
	v5 =	vadd.f32 v10, v7  }
0xf8: {  	v32 =	vld [tilespmem:s14+$0x5130]  }
0xf9: {  	v10 =	vld [tilespmem:s14+$0x5150];
	v1 =	vadd.f32 v5, v1;
	_ =	sdelay $0x1  }
0xfa: {  	v40 =	vmul.f32 v46, v46;
	v22 =	vmul.f32 v33, v33;
	(xrf2) =	vadd.scan.msk.f32 $0xffff, v1  }
0xfb: {  	v24 =	vmul.f32 v45, v45;
	v16 =	vmul.f32 v47, v47  }
0xfc: {  	v34 =	vld [tilespmem:s14+$0x5180];
	v17 =	vmul.f32 v32, v32;
	v7 =	vmul.f32 v48, v48  }
0xfd: {  	v35 =	vld [tilespmem:s14+$0x5190];
	v1 =	vmul.f32 v49, v49;
	v21 =	vmul.f32 v10, v10  }
0xfe: {  	v39 =	vld [tilespmem:s14+$0x51C0];
	v44 =	vadd.f32 v24, v22;
	v16 =	vadd.f32 v17, v16  }
0xff: {  	v36 =	vld [tilespmem:s14+$0x51E0];
	v25 =	vadd.f32 v7, v1;
	v17 =	vadd.f32 v21, v40  }
0x100: {  	v37 =	vld [tilespmem:s14+$0x51F0]  }
0x101: {  	v6 =	vmov v43;
	v43 =	vld [tilespmem:s14+$0x51B0];
	v16 =	vadd.f32 v16, v25;
	v17 =	vadd.f32 v44, v17  }
0x102: {  	v40 =	vld [tilespmem:s14+$0x51D0]  }
0x103: {  	v44 =	vld [tilespmem:s14+$0x51A0];
	v16 =	vadd.f32 v17, v16;
	s16 =	spop (v2sf)  }
0x104: {  	v58, _, _ =	vpop (xrf2);
	s1 =	smax.f32 s16, $1.000000000e-30  }
0x105: {  	v38 =	vld [tilespmem:s14+$0x5200];
	v63 =	vmul.f32 v39, v39;
	v26 =	vmul.f32 v37, v37;
	(xrf2) =	vadd.scan.msk.f32 $0xffff, v16;
	(v2sf) =	vpush v58, $0xF;
	s3 =	sshra.s32 s1, $0x1;
	s1 =	smul.f32 $5.000000000e-01, s1  }
0x106: {  	v28 =	vld [tilespmem:s14+$0x5210];
	v21 =	vmul.f32 v43, v43;
	v17 =	vmul.f32 v35, v35;
	s3 =	ssub.s32 $0x5F3759DF, s3  }
0x107: {  	v5 =	vld [tilespmem:s14+$0x5260];
	v29 =	vmul.f32 v40, v40;
	v16 =	vmul.f32 v34, v34;
	s7 =	smul.f32 s3, s1  }
0x108: {  	v1 =	vld [tilespmem:s14+$0x5230];
	v20 =	vmul.f32 v44, v44;
	v58 =	vmul.f32 v36, v36  }
0x109: {  	v2 =	vld [tilespmem:s14+$0x5270];
	v63 =	vadd.f32 v29, v63;
	v17 =	vadd.f32 v17, v16;
	s7 =	smul.f32 s3, s7  }
0x10a: {  	v20 =	vadd.f32 v21, v20;
	v16 =	vld [tilespmem:s14+$0x5240];
	v29 =	vadd.f32 v26, v58  }
0x10b: {  	v25 =	vld [tilespmem:s14+$0x5250];
	s7 =	ssub.f32 $1.500000000e+00, s7  }
0x10c: {  	v7 =	vld [tilespmem:s14+$0x5220];
	v20 =	vadd.f32 v20, v17;
	v21 =	vadd.f32 v29, v63  }
0x10d: {  	v15 =	vadd.f32 v27, v15;
	s3 =	smul.f32 s3, s7  }
0x10e: {  	v22 =	vmul.f32 v28, v28;
	v26 =	vmul.f32 v1, v1;
	v20 =	vadd.f32 v21, v20  }
0x10f: {  	[tilespmem:$0x1FE50] =	vst v1;
	v1 =	vmov v57;
	v57 =	vmul.f32 v5, v5;
	v58, _, _ =	vpop (xrf2);
	v63 =	vmul.f32 v16, v16;
	s1 =	smul.f32 s3, s1  }
0x110: {  	v29 =	vmul.f32 v25, v25;
	(v2sf) =	vpush v58, $0xF;
	v58 =	vmul.f32 v2, v2;
	(xrf2) =	vadd.scan.msk.f32 $0xffff, v20  }
0x111: {  	[tilespmem:$0x1FE30] =	vst v28;
	v14 =	vadd.f32 v23, v14;
	v28 =	vld [tilespmem:s14+$0x52B0];
	v24 =	vmul.f32 v7, v7;
	v21 =	vmul.f32 v38, v38;
	s1 =	smul.f32 s1, s3  }
0x112: {  	[tilespmem:$0x1FE40] =	vst v7;
	v7 =	vld [tilespmem:s14+$0x52E0];
	v63 =	vadd.f32 v29, v63;
	v58 =	vadd.f32 v58, v57  }
0x113: {  	v17 =	vld [tilespmem:s14+$0x5280];
	v21 =	vadd.f32 v22, v21;
	v22 =	vadd.f32 v26, v24;
	s1 =	ssub.f32 $1.500000000e+00, s1  }
0x114: {  	v11 =	vadd.f32 v18, v11;
	v15 =	vadd.f32 v55, v15;
	[tilespmem:$0x1FE60] =	vst v5;
	v5 =	vld [tilespmem:s14+$0x52C0];
	s20 =	spop (v2sf)  }
0x115: {  	v20 =	vld [tilespmem:s14+$0x5290];
	v29 =	vadd.f32 v58, v63;
	v22 =	vadd.f32 v22, v21;
	s7 =	smax.f32 s20, $1.000000000e-30;
	s1 =	smul.f32 s1, s3  }
0x116: {  	v13 =	vadd.f32 v0, v13;
	v11 =	vadd.f32 v42, v11;
	v26 =	vld [tilespmem:s14+$0x52A0];
	s8 =	sshra.s32 s7, $0x1;
	s7 =	smul.f32 $5.000000000e-01, s7  }
0x117: {  	v15 =	vadd.f32 v49, v15;
	v24 =	vld [tilespmem:s14+$0x52D0];
	v29 =	vadd.f32 v29, v22;
	s21 =	ssub.s32 $0x5F3759DF, s8;
	s1 =	smin.f32 s1, $1.000000000e+08  }
0x118: {  	v8 =	vadd.f32 v56, v8;
	v11 =	vadd.f32 v46, v11;
	v22 =	vld [tilespmem:s14+$0x52F0];
	s8 =	smul.f32 s21, s7;
	v63 =	vmul.f32 s1, v27  }
0x119: {  	v15 =	vadd.f32 v34, v15;
	[tilespmem:$0x1FE70] =	vst v2;
	v2 =	vmovc v60;
	v60 =	vmul.f32 v28, v28;
	(xrf2) =	vadd.scan.msk.f32 $0xffff, v29  }
0x11a: {  	v29 =	vmul.f32 v20, v20;
	v21, _, _ =	vpop (xrf2);
	s8 =	smul.f32 s21, s8;
	v57 =	vadd.f32 v63, v61;
	v63 =	vmul.f32 s1, v23  }
0x11b: {  	(v2sf) =	vpush v21, $0xF;
	v21 =	vmul.f32 v7, v7;
	v27 =	vmul.f32 v5, v5  }
0x11c: {  	s8 =	ssub.f32 $1.500000000e+00, s8;
	v23 =	vmul.f32 v17, v17;
	v58 =	vadd.f32 v63, v59;
	v59 =	vmul.f32 v26, v26  }
0x11d: {  	v11 =	vadd.f32 v39, v11;
	v61 =	vmul.f32 v24, v24;
	v63 =	vmul.f32 v22, v22  }
0x11e: {  	s3 =	smul.f32 s21, s8;
	v23 =	vadd.f32 v29, v23;
	v59 =	vadd.f32 v60, v59;
	v60 =	vmul.f32 s1, v0;
	v0 =	vld [tilespmem:$0x1FE20]  }
0x11f: {  	[tilespmem:$0x1FE80] =	vst v5;
	s22 =	spop (v2sf);
	v5 =	vmov v62;
	v29 =	vld [tilespmem:s14+$0x5300];
	v61 =	vadd.f32 v61, v27;
	v62 =	vadd.f32 v63, v21  }
0x120: {  	v15 =	vadd.f32 v38, v15;
	s8 =	smax.f32 s22, $1.000000000e-30;
	v27 =	vld [tilespmem:s14+$0x5320];
	s7 =	smul.f32 s3, s7;
	v63 =	vadd.f32 v19, v12  }
0x121: {  	s12 =	sshra.s32 s8, $0x1;
	s8 =	smul.f32 $5.000000000e-01, s8;
	v21 =	vld [tilespmem:s14+$0x5310];
	v12 =	vmul.f32 s1, v19;
	v61 =	vadd.f32 v62, v61;
	v62 =	vmul.f32 s1, v18  }
0x122: {  	v11 =	vadd.f32 v16, v11;
	s12 =	ssub.s32 $0x5F3759DF, s12;
	v19 =	vld [tilespmem:s14+$0x5340];
	s7 =	smul.f32 s7, s3;
	v59 =	vadd.f32 v59, v23  }
0x123: {  	s26 =	smul.f32 s12, s8;
	v23 =	vld [tilespmem:s14+$0x5330];
	v12 =	vadd.f32 v12, v9;
	v18 =	vmul.f32 s1, v56;
	v62 =	vadd.f32 v62, v0;
	v0, _, _ =	vpop (xrf2)  }
0x124: {  	s7 =	ssub.f32 $1.500000000e+00, s7;
	v61 =	vadd.f32 v61, v59;
	v59 =	vld [tilespmem:s14+$0x5350];
	(v2sf) =	vpush v0, $0xF  }
0x125: {  	[tilespmem:$0x1FE90] =	vst v7;
	v9 =	vadd.f32 v54, v4;
	s16 =	smul.f32 s12, s26;
	v18 =	vadd.f32 v18, v1;
	v1 =	vmul.f32 s1, v54;
	v54 =	vld [tilespmem:s14+$0x5370]  }
0x126: {  	v7 =	vadd.f32 v53, v3;
	v60 =	vadd.f32 v60, v6;
	v56 =	vld [tilespmem:s14+$0x5360];
	v3 =	vmul.f32 v27, v27;
	s3 =	smul.f32 s7, s3;
	(xrf2) =	vadd.scan.msk.f32 $0xffff, v61  }
0x127: {  	v4 =	vmul.f32 v21, v21;
	v6 =	vadd.f32 v1, v2;
	s7 =	ssub.f32 $1.500000000e+00, s16;
	v1 =	vmul.f32 s1, v53  }
0x128: {  	v7 =	vadd.f32 v31, v7;
	v53 =	vmul.f32 v29, v29;
	v2 =	vmul.f32 v23, v23;
	s3 =	smin.f32 s3, $1.000000000e+08  }
0x129: {  	v5 =	vadd.f32 v1, v5;
	s20 =	smul.f32 s12, s7;
	v61 =	vmul.f32 s3, v55;
	v55 =	vmul.f32 v19, v19  }
0x12a: {  	v4 =	vadd.f32 v4, v53;
	v1 =	vmul.f32 v59, v59;
	v0 =	vmul.f32 v54, v54  }
0x12b: {  	v2 =	vadd.f32 v2, v3;
	s7 =	smul.f32 s20, s8;
	v57 =	vadd.f32 v61, v57;
	v61 =	vmul.f32 v56, v56  }
0x12c: {  	s21 =	spop (v2sf);
	v3 =	vmul.f32 s3, v52;
	v52 =	vadd.f32 v52, v14;
	v14 =	vmul.f32 s3, v51  }
0x12d: {  	s8 =	smax.f32 s21, $1.000000000e-30;
	v1 =	vadd.f32 v1, v55;
	s7 =	smul.f32 s7, s20;
	v0 =	vadd.f32 v0, v61  }
0x12e: {  	v7 =	vadd.f32 v45, v7;
	v3 =	vadd.f32 v3, v58;
	s22 =	sshra.s32 s8, $0x1;
	s8 =	smul.f32 $5.000000000e-01, s8  }
0x12f: {  	v2 =	vadd.f32 v2, v4;
	s26 =	ssub.s32 $0x5F3759DF, s22;
	s7 =	ssub.f32 $1.500000000e+00, s7;
	v0 =	vadd.f32 v0, v1  }
0x130: {  	v4 =	vmul.f32 s3, v50;
	s12 =	smul.f32 s26, s8;
	v1 =	vadd.f32 v51, v13;
	v13 =	vadd.f32 v14, v60;
	v14, _, _ =	vpop (xrf2)  }
0x131: {  	s1 =	smul.f32 s7, s20;
	(v2sf) =	vpush v14, $0xF;
	v0 =	vadd.f32 v0, v2;
	v2 =	vmul.f32 s3, v42  }
0x132: {  	v50 =	vadd.f32 v50, v63;
	v63 =	vld [tilespmem:s14+$0x53C0];
	v12 =	vadd.f32 v4, v12;
	v4 =	vmul.f32 s3, v41;
	s12 =	smul.f32 s26, s12  }
0x133: {  	v42 =	vld [tilespmem:s14+$0x5380];
	v1 =	vadd.f32 v47, v1;
	s1 =	smin.f32 s1, $1.000000000e+08;
	v51 =	vadd.f32 v2, v62;
	v2 =	vmul.f32 s3, v30;
	(xrf2) =	vadd.scan.msk.f32 $0xffff, v0;
	s16 =	spop (v2sf)  }
0x134: {  	v14 =	vld [tilespmem:s14+$0x53B0];
	v0 =	vadd.f32 v41, v8;
	v8 =	vadd.f32 v4, v18;
	v4 =	vmul.f32 s3, v31;
	s3 =	ssub.f32 $1.500000000e+00, s12;
	s12 =	smax.f32 s16, $1.000000000e-30  }
0x135: {  	v41 =	vld [tilespmem:s14+$0x5390];
	v18 =	vadd.f32 v30, v9;
	v30 =	vadd.f32 v2, v6;
	v2 =	vmul.f32 s1, v49;
	s20 =	sshra.s32 s12, $0x1;
	s12 =	smul.f32 $5.000000000e-01, s12  }
0x136: {  	v9 =	vld [tilespmem:s14+$0x53A0];
	v58 =	vmul.f32 s1, v46;
	v5 =	vadd.f32 v4, v5;
	v4 =	vmul.f32 s1, v48;
	s21 =	ssub.s32 $0x5F3759DF, s20  }
0x137: {  	v1 =	vadd.f32 v44, v1;
	v6 =	vld [tilespmem:s14+$0x53F0];
	v31 =	vadd.f32 v2, v57;
	v2 =	vmul.f32 s1, v47;
	s16 =	smul.f32 s21, s12  }
0x138: {  	v48 =	vadd.f32 v48, v52;
	s3 =	smul.f32 s26, s3;
	v49 =	vadd.f32 v4, v3;
	v3 =	vld [tilespmem:s14+$0x53D0]  }
0x139: {  	v60 =	vmul.f32 s1, v10;
	v46 =	vadd.f32 v58, v51;
	v13 =	vadd.f32 v2, v13;
	v2 =	vld [tilespmem:s14+$0x53E0];
	s16 =	smul.f32 s21, s16  }
0x13a: {  	v0 =	vadd.f32 v10, v0;
	v58 =	vmul.f32 v63, v63;
	v57 =	vmul.f32 s1, v32;
	s8 =	smul.f32 s3, s8  }
0x13b: {  	v8 =	vadd.f32 v60, v8;
	v10 =	vmul.f32 v42, v42;
	v61 =	vmul.f32 v41, v41;
	s16 =	ssub.f32 $1.500000000e+00, s16  }
0x13c: {  	v18 =	vadd.f32 v33, v18;
	v51 =	vmul.f32 v9, v9;
	v12 =	vadd.f32 v57, v12;
	s8 =	smul.f32 s8, s3  }
0x13d: {  	v57 =	vmul.f32 v14, v14;
	v10 =	vadd.f32 v61, v10;
	v60 =	vmul.f32 v3, v3;
	v62, _, _ =	vpop (xrf2);
	s7 =	smul.f32 s21, s16  }
0x13e: {  	s8 =	ssub.f32 $1.500000000e+00, s8;
	(v2sf) =	vpush v62, $0xF;
	v61 =	vmul.f32 v2, v2;
	v62 =	vmul.f32 v6, v6  }
0x13f: {  	v33 =	vmul.f32 s1, v33;
	v32 =	vadd.f32 v32, v50;
	v51 =	vadd.f32 v57, v51;
	s12 =	smul.f32 s7, s12  }
0x140: {  	s3 =	smul.f32 s8, s3;
	v47 =	vadd.f32 v60, v58;
	s22 =	spop (v2sf);
	v50 =	vadd.f32 v62, v61  }
0x141: {  	v30 =	vadd.f32 v33, v30;
	v0 =	vadd.f32 v40, v0;
	v57 =	vmul.f32 s1, v45;
	s8 =	smax.f32 s22, $1.000000000e-30;
	s12 =	smul.f32 s12, s7  }
0x142: {  	v10 =	vadd.f32 v51, v10;
	s26 =	smin.f32 s3, $1.000000000e+08;
	s20 =	sshra.s32 s8, $0x1;
	s8 =	smul.f32 $5.000000000e-01, s8;
	v47 =	vadd.f32 v50, v47  }
0x143: {  	v0 =	vadd.f32 v25, v0;
	v5 =	vadd.f32 v57, v5;
	[tilespmem:$0x1FEC0] =	vst v2;
	v2 =	vld [tilespmem:$0x1FE30];
	v58 =	vmul.f32 s26, v34;
	s3 =	ssub.s32 $0x5F3759DF, s20;
	s12 =	ssub.f32 $1.500000000e+00, s12  }
0x144: {  	v60 =	vmul.f32 s26, v35;
	v45 =	vmul.f32 s26, v40;
	s21 =	smul.f32 s3, s8;
	v10 =	vadd.f32 v47, v10  }
0x145: {  	[tilespmem:$0x1FEB0] =	vst v3;
	v3 =	vld [tilespmem:$0x1FE40];
	v61 =	vmul.f32 s26, v44;
	v35 =	vadd.f32 v35, v48;
	v62 =	vmul.f32 s26, v43;
	s7 =	smul.f32 s12, s7  }
0x146: {  	s16 =	smul.f32 s3, s21;
	(xrf2) =	vadd.scan.msk.f32 $0xffff, v10;
	v10 =	vadd.f32 v43, v32;
	v32 =	vadd.f32 v45, v8;
	v8 =	vmul.f32 s26, v37  }
0x147: {  	v44 =	vmul.f32 s26, v39;
	v33 =	vadd.f32 v60, v49;
	v47 =	vmul.f32 s26, v36;
	s26 =	smin.f32 s7, $1.000000000e+08  }
0x148: {  	v35 =	vadd.f32 v2, v35;
	s22 =	ssub.f32 $1.500000000e+00, s16;
	v49 =	vadd.f32 v8, v5;
	v5 =	vmul.f32 s26, v2;
	v2 =	vld [tilespmem:$0x1FE50]  }
0x149: {  	v18 =	vadd.f32 v36, v18;
	v0 =	vadd.f32 v24, v0  }
0x14a: {  	v13 =	vadd.f32 v61, v13;
	v37 =	vadd.f32 v37, v7;
	s3 =	smul.f32 s3, s22;
	v7 =	vmul.f32 s26, v3  }
0x14b: {  	[tilespmem:$0x1FEA0] =	vst v14;
	v57 =	vld [tilespmem:s14+$0x5400];
	v14 =	vadd.f32 v59, v0;
	v39 =	vadd.f32 v17, v15  }
0x14c: {  	v52 =	vld [tilespmem:s14+$0x5420];
	v1 =	vadd.f32 v3, v1;
	s12 =	smul.f32 s3, s8;
	v13 =	vadd.f32 v7, v13;
	v7 =	vmul.f32 s26, v16  }
0x14d: {  	v33 =	vadd.f32 v5, v33;
	s16 =	spop (v2sf);
	v5 =	vmul.f32 s26, v2;
	v36 =	vadd.f32 v2, v10;
	v2 =	vld [tilespmem:$0x1FE60]  }
0x14e: {  	v4 =	vld [tilespmem:s14+$0x5450];
	v31 =	vadd.f32 v58, v31;
	v34 =	vadd.f32 v44, v46;
	s7 =	smul.f32 s12, s3;
	s8 =	smax.f32 s16, $1.000000000e-30  }
0x14f: {  	v12 =	vadd.f32 v62, v12;
	v1 =	vadd.f32 v26, v1;
	v8 =	vld [tilespmem:s14+$0x5440];
	s20 =	sshra.s32 s8, $0x1;
	s8 =	smul.f32 $5.000000000e-01, s8  }
0x150: {  	v15 =	vmul.f32 v57, v57;
	v30 =	vadd.f32 v47, v30;
	v47 =	vld [tilespmem:s14+$0x5430];
	v16 =	vadd.f32 v7, v34;
	s7 =	ssub.f32 $1.500000000e+00, s7;
	s12 =	ssub.s32 $0x5F3759DF, s20;
	v7, _, _ =	vpop (xrf2)  }
0x151: {  	v53 =	vld [tilespmem:s14+$0x5410];
	v60 =	vmul.f32 v52, v52;
	v35 =	vadd.f32 v20, v35;
	s21 =	smul.f32 s12, s8;
	(v2sf) =	vpush v7, $0xF  }
0x152: {  	v48 =	vmul.f32 s26, v38;
	s3 =	smul.f32 s7, s3;
	v50 =	vmul.f32 s26, v2;
	v18 =	vadd.f32 v2, v18;
	v2 =	vld [tilespmem:$0x1FE70]  }
0x153: {  	v45 =	vadd.f32 v29, v39;
	v12 =	vadd.f32 v5, v12;
	v5 =	vmul.f32 s26, v25;
	v7 =	vld [tilespmem:$0x1FE90];
	s22 =	smul.f32 s12, s21  }
0x154: {  	v31 =	vadd.f32 v48, v31;
	v48 =	vmul.f32 v4, v4;
	v62 =	vmul.f32 v8, v8;
	s3 =	smin.f32 s3, $1.000000000e+08  }
0x155: {  	v61 =	vmul.f32 v47, v47;
	v32 =	vadd.f32 v5, v32;
	v55 =	vmul.f32 s3, v17;
	s1 =	ssub.f32 $1.500000000e+00, s22  }
0x156: {  	v3 =	vld [tilespmem:s14+$0x5460];
	v58 =	vmul.f32 s3, v20;
	v17 =	vmul.f32 v53, v53;
	v20 =	vadd.f32 v48, v62  }
0x157: {  	v30 =	vadd.f32 v50, v30;
	s1 =	smul.f32 s12, s1;
	v51 =	vmul.f32 s26, v2;
	v37 =	vadd.f32 v2, v37;
	v2 =	vld [tilespmem:s14+$0x5470]  }
0x158: {  	v18 =	vadd.f32 v7, v18;
	v31 =	vadd.f32 v55, v31  }
0x159: {  	v15 =	vadd.f32 v17, v15;
	v17 =	vadd.f32 v61, v60;
	s26 =	smul.f32 s1, s8  }
0x15a: {  	v5 =	vld [tilespmem:s14+$0x54A0];
	v33 =	vadd.f32 v58, v33;
	v58 =	vmul.f32 s3, v24;
	v60 =	vmul.f32 s3, v7  }
0x15b: {  	[tilespmem:$0x1FEF0] =	vst v3;
	v15 =	vadd.f32 v17, v15;
	v34 =	vadd.f32 v51, v49;
	v49 =	vmul.f32 v3, v3;
	s7 =	smul.f32 s26, s1;
	v3 =	vld [tilespmem:$0x1FE80]  }
0x15c: {  	[tilespmem:$0x1FED0] =	vst v8;
	v8 =	vld [tilespmem:s14+$0x54F0];
	v43 =	vadd.f32 v58, v32;
	v51 =	vmul.f32 s3, v26;
	v50 =	vmul.f32 v2, v2  }
0x15d: {  	v10 =	vld [tilespmem:s14+$0x5490];
	v61 =	vmul.f32 s3, v22;
	v24 =	vadd.f32 v60, v30;
	v30 =	vadd.f32 v22, v37;
	s7 =	ssub.f32 $1.500000000e+00, s7  }
0x15e: {  	v62 =	vld [tilespmem:s14+$0x5480];
	v26 =	vadd.f32 v51, v13;
	v13 =	vmul.f32 s3, v28;
	v38 =	vadd.f32 v50, v49  }
0x15f: {  	v58 =	vmul.f32 v5, v5;
	v28 =	vadd.f32 v28, v36;
	v44 =	vadd.f32 v61, v34;
	[tilespmem:$0x1FF00] =	vst v2;
	v2 =	vld [tilespmem:s14+$0x54B0];
	s1 =	smul.f32 s7, s1  }
0x160: {  	v7 =	vld [tilespmem:s14+$0x54E0];
	v12 =	vadd.f32 v13, v12;
	v55 =	vmul.f32 s3, v3;
	s7 =	spop (v2sf);
	v20 =	vadd.f32 v38, v20  }
0x161: {  	v22 =	vmul.f32 v8, v8;
	v13 =	vadd.f32 v42, v45;
	v11 =	vadd.f32 v3, v11;
	v3 =	vld [tilespmem:s14+$0x54C0];
	s1 =	smin.f32 s1, $1.000000000e+08;
	s3 =	smax.f32 s7, $1.000000000e-30  }
0x162: {  	[tilespmem:$0x1FEE0] =	vst v4;
	v4 =	vld [tilespmem:s14+$0x54D0];
	v40 =	vadd.f32 v55, v16;
	v25 =	vmul.f32 s1, v29;
	s8 =	sshra.s32 s3, $0x1;
	s3 =	smul.f32 $5.000000000e-01, s3;
	v20 =	vadd.f32 v20, v15  }
0x163: {  	v48 =	vld [tilespmem:s14+$0x5510];
	v39 =	vmul.f32 s1, v21;
	v55 =	vmul.f32 v10, v10;
	v21 =	vadd.f32 v21, v35;
	s7 =	ssub.s32 $0x5F3759DF, s8  }
0x164: {  	v37 =	vld [tilespmem:s14+$0x5550];
	[tilespmem:$0x1FF30] =	vst v2;
	v60 =	vmul.f32 v2, v2;
	v2 =	vadd.f32 v27, v1;
	s12 =	smul.f32 s7, s3;
	(xrf2) =	vadd.scan.msk.f32 $0xffff, v20  }
0x165: {  	v51 =	vld [tilespmem:s14+$0x5500];
	v1 =	vmul.f32 v7, v7;
	v46 =	vadd.f32 v25, v31;
	v31 =	vmul.f32 v62, v62  }
0x166: {  	v36 =	vld [tilespmem:s14+$0x5540];
	v27 =	vmul.f32 s1, v27;
	v50 =	vadd.f32 v39, v33;
	v61 =	vmul.f32 v3, v3;
	s8 =	smul.f32 s7, s12  }
0x167: {  	v35 =	vld [tilespmem:s14+$0x5530];
	v1 =	vadd.f32 v22, v1;
	v20 =	vmul.f32 v4, v4;
	v31 =	vadd.f32 v55, v31  }
0x168: {  	v49 =	vld [tilespmem:s14+$0x5520];
	v55 =	vadd.f32 v60, v58;
	v58 =	vadd.f32 v27, v26;
	s8 =	ssub.f32 $1.500000000e+00, s8  }
0x169: {  	v38 =	vld [tilespmem:s14+$0x5560];
	v25 =	vmul.f32 v37, v37;
	v60 =	vadd.f32 v23, v28;
	v29 =	vadd.f32 v20, v61  }
0x16a: {  	[tilespmem:$0x1FF50] =	vst v4;
	v23 =	vmul.f32 s1, v23;
	v4 =	vadd.f32 v19, v11;
	v55 =	vadd.f32 v55, v31;
	v31 =	vld [tilespmem:s14+$0x5570];
	s7 =	smul.f32 s7, s8  }
0x16b: {  	v0 =	vld [tilespmem:s14+$0x55E0];
	v11 =	vmul.f32 v51, v51;
	v27 =	vmul.f32 v36, v36;
	v1 =	vadd.f32 v1, v29  }
0x16c: {  	v32 =	vld [tilespmem:s14+$0x5590];
	v26 =	vmul.f32 v35, v35;
	v61 =	vadd.f32 v23, v12;
	v12 =	vmul.f32 s1, v19;
	s3 =	smul.f32 s7, s3  }
0x16d: {  	v39 =	vld [tilespmem:s14+$0x5580];
	v23 =	vmul.f32 s1, v59;
	v19 =	vmul.f32 v48, v48;
	v1 =	vadd.f32 v1, v55  }
0x16e: {  	v28 =	vld [tilespmem:s14+$0x55F0];
	v59 =	vmul.f32 v38, v38;
	v25 =	vadd.f32 v25, v27;
	v55 =	vadd.f32 v12, v40;
	s3 =	smul.f32 s3, s7;
	v34, _, _ =	vpop (xrf2)  }
0x16f: {  	v33 =	vld [tilespmem:s14+$0x55B0];
	v12 =	vmul.f32 v49, v49;
	v22 =	vmul.f32 v31, v31;
	(xrf2) =	vadd.scan.msk.f32 $0xffff, v1;
	(v2sf) =	vpush v34, $0xF  }
0x170: {  	v20 =	vadd.f32 v23, v43;
	v43 =	vmul.f32 s1, v56;
	v11 =	vadd.f32 v19, v11;
	v40 =	vld [tilespmem:s14+$0x55A0];
	s3 =	ssub.f32 $1.500000000e+00, s3  }
0x171: {  	v12 =	vadd.f32 v26, v12;
	v1 =	vld [tilespmem:s14+$0x55D0];
	v23 =	vadd.f32 v22, v59  }
0x172: {  	[tilespmem:$0x1FF60] =	vst v7;
	v7 =	vmul.f32 v0, v0;
	v43 =	vadd.f32 v43, v24;
	v26 =	vmul.f32 s1, v54;
	v34 =	vld [tilespmem:s14+$0x55C0];
	s3 =	smul.f32 s3, s7  }
0x173: {  	[tilespmem:$0x1FF90] =	vst v0;
	v0 =	vmul.f32 v28, v28;
	v11 =	vadd.f32 v12, v11;
	v12 =	vadd.f32 v23, v25  }
0x174: {  	[tilespmem:$0x1FF20] =	vst v5;
	v5 =	vld [tilespmem:s14+$0x5660];
	v59 =	vadd.f32 v56, v18;
	v56 =	vadd.f32 v26, v44;
	v44 =	vmul.f32 v32, v32;
	s1 =	smin.f32 s3, $1.000000000e+08  }
0x175: {  	v29 =	vld [tilespmem:s14+$0x5600];
	v24 =	vmul.f32 v40, v40;
	v11 =	vadd.f32 v12, v11;
	v27 =	vmul.f32 s1, v42  }
0x176: {  	v54 =	vadd.f32 v54, v30;
	v30 =	vld [tilespmem:s14+$0x5610];
	v25 =	vmul.f32 v33, v33;
	v12 =	vmul.f32 v39, v39  }
0x177: {  	v22 =	vld [tilespmem:s14+$0x5620];
	[tilespmem:$0x1FF80] =	vst v1;
	v1 =	vmul.f32 v1, v1;
	v15 =	vadd.f32 v27, v46;
	v27 =	vmul.f32 v34, v34  }
0x178: {  	v0 =	vadd.f32 v0, v7;
	v26 =	vld [tilespmem:s14+$0x5630];
	v44 =	vadd.f32 v44, v12  }
0x179: {  	v23 =	vld [tilespmem:s14+$0x5640];
	(xrf2) =	vadd.scan.msk.f32 $0xffff, v11;
	v42 =	vadd.f32 v25, v24;
	v11, _, _ =	vpop (xrf2);
	v1 =	vadd.f32 v1, v27  }
0x17a: {  	[tilespmem:$0x1FF70] =	vst v8;
	v8 =	vmul.f32 s1, v41;
	(v2sf) =	vpush v11, $0xF;
	v11 =	vld [tilespmem:s14+$0x5650]  }
0x17b: {  	[tilespmem:$0x1FF40] =	vst v3;
	v3 =	vld [tilespmem:s14+$0x5670];
	v7 =	vadd.f32 v42, v44;
	v0 =	vadd.f32 v0, v1  }
0x17c: {  	[tilespmem:$0x1FF10] =	vst v10;
	v10 =	vmul.f32 v30, v30;
	v17 =	vadd.f32 v8, v50  }
0x17d: {  	[tilespmem:$0x1FFA0] =	vst v22;
	v8 =	vmul.f32 v22, v22;
	v22 =	vmul.f32 v26, v26;
	v0 =	vadd.f32 v0, v7  }
0x17e: {  	v45 =	vld [tilespmem:s14+$0x56E0];
	[tilespmem:$0x1FFC0] =	vst v23;
	v1 =	vmul.f32 v29, v29;
	v7 =	vmul.f32 v23, v23;
	s16 =	spop (v2sf)  }
0x17f: {  	[tilespmem:$0x1FFD0] =	vst v11;
	v23 =	vmul.f32 v11, v11;
	v11 =	vadd.f32 v9, v2;
	v2 =	vld [tilespmem:$0x1FEA0];
	(xrf2) =	vadd.scan.msk.f32 $0xffff, v0;
	s3 =	smax.f32 s16, $1.000000000e-30  }
0x180: {  	v18 =	vmul.f32 v3, v3;
	[tilespmem:$0x1FFB0] =	vst v26;
	v26 =	vld [tilespmem:s14+$0x56C0];
	v1 =	vadd.f32 v10, v1;
	v10 =	vmul.f32 v5, v5;
	s20 =	sshra.s32 s3, $0x1;
	s3 =	smul.f32 $5.000000000e-01, s3  }
0x181: {  	v16 =	vadd.f32 v41, v21;
	v41 =	vld [tilespmem:s14+$0x5680];
	v0 =	vadd.f32 v22, v8;
	v8 =	vmul.f32 s1, v9;
	s7 =	ssub.s32 $0x5F3759DF, s20  }
0x182: {  	v50 =	vld [tilespmem:s14+$0x56D0];
	v10 =	vadd.f32 v18, v10;
	s21 =	smul.f32 s7, s3  }
0x183: {  	v42 =	vld [tilespmem:s14+$0x56A0];
	v7 =	vadd.f32 v23, v7;
	v58 =	vadd.f32 v8, v58  }
0x184: {  	v46 =	vld [tilespmem:s14+$0x56F0];
	v0 =	vadd.f32 v0, v1;
	v9 =	vadd.f32 v2, v60;
	v8 =	vmul.f32 s1, v2;
	v2 =	vmovc v63;
	s8 =	smul.f32 s7, s21  }
0x185: {  	v27 =	vld [tilespmem:s14+$0x5690];
	v1 =	vadd.f32 v10, v7;
	v12 =	vadd.f32 v2, v4;
	v2 =	vmul.f32 v26, v26  }
0x186: {  	v44 =	vld [tilespmem:s14+$0x56B0];
	s8 =	ssub.f32 $1.500000000e+00, s8  }
0x187: {  	v19, _, _ =	vpop (xrf2);
	v0 =	vadd.f32 v1, v0;
	v1 =	vmul.f32 v50, v50  }
0x188: {  	[tilespmem:$0x1FFF0] =	vst v3;
	v3 =	vmul.f32 v41, v41;
	(v2sf) =	vpush v19, $0xF;
	s7 =	smul.f32 s7, s8  }
0x189: {  	v23 =	vmul.f32 v45, v45;
	(xrf2) =	vadd.scan.msk.f32 $0xffff, v0;
	v0 =	vmul.f32 v46, v46;
	v1 =	vadd.f32 v1, v2;
	v2, _, _ =	vpop (xrf2)  }
0x18a: {  	v21 =	vmul.f32 v27, v27;
	v22 =	vmul.f32 v42, v42;
	s22 =	spop (v2sf);
	(v2sf) =	vpush v2, $0xF;
	v2 =	vld [tilespmem:$0x1FEB0];
	s3 =	smul.f32 s7, s3  }
0x18b: {  	v61 =	vadd.f32 v8, v61;
	v8 =	vmul.f32 v44, v44;
	v0 =	vadd.f32 v0, v23  }
0x18c: {  	v3 =	vadd.f32 v21, v3;
	v10 =	vmul.f32 s1, v63;
	v63 =	vld [tilespmem:s14+$0x5720];
	s3 =	smul.f32 s3, s7  }
0x18d: {  	v18 =	vadd.f32 v8, v22;
	v19 =	vadd.f32 v0, v1;
	v1 =	vld [tilespmem:$0x1FEC0]  }
0x18e: {  	v10 =	vadd.f32 v10, v55;
	v55 =	vld [tilespmem:s14+$0x5730];
	s3 =	ssub.f32 $1.500000000e+00, s3  }
0x18f: {  	v25 =	vld [tilespmem:s14+$0x5700];
	v3 =	vadd.f32 v18, v3;
	v14 =	vadd.f32 v2, v14;
	v2 =	vmul.f32 s1, v2  }
0x190: {  	v24 =	vld [tilespmem:s14+$0x5710];
	s3 =	smul.f32 s3, s7  }
0x191: {  	v21 =	vld [tilespmem:s14+$0x5750];
	v3 =	vadd.f32 v19, v3;
	v7 =	vadd.f32 v2, v20;
	v2 =	vmul.f32 s1, v6  }
0x192: {  	v54 =	vadd.f32 v6, v54;
	v23 =	vld [tilespmem:s14+$0x5740];
	v4 =	vmul.f32 v63, v63;
	v0 =	vmul.f32 s1, v1;
	s1 =	smin.f32 s3, $1.000000000e+08  }
0x193: {  	v22 =	vld [tilespmem:s14+$0x5760];
	(xrf2) =	vadd.scan.msk.f32 $0xffff, v3;
	v3 =	vmul.f32 v55, v55;
	v6 =	vadd.f32 v2, v56;
	v2 =	vmul.f32 s1, v57  }
0x194: {  	v11 =	vadd.f32 v52, v11;
	v8 =	vadd.f32 v0, v43;
	v43 =	vld [tilespmem:s14+$0x5770]  }
0x195: {  	v60 =	vmul.f32 v24, v24;
	s8 =	smax.f32 s22, $1.000000000e-30;
	v3 =	vadd.f32 v3, v4;
	v56 =	vmul.f32 v25, v25  }
0x196: {  	s26 =	sshra.s32 s8, $0x1;
	s8 =	smul.f32 $5.000000000e-01, s8;
	v4 =	vadd.f32 v53, v16;
	v20 =	vadd.f32 v57, v13;
	v13 =	vld [tilespmem:s14+$0x57A0]  }
0x197: {  	[tilespmem:$0x1FFE0] =	vst v5;
	s16 =	ssub.s32 $0x5F3759DF, s26;
	v5 =	vmul.f32 v23, v23;
	v60 =	vadd.f32 v60, v56;
	v56 =	vld [tilespmem:s14+$0x57B0];
	v15 =	vadd.f32 v2, v15;
	v2, _, _ =	vpop (xrf2)  }
0x198: {  	v18 =	vld [tilespmem:s14+$0x57D0];
	s12 =	smul.f32 s16, s8;
	s21 =	spop (v2sf);
	v16 =	vmul.f32 s1, v53;
	(v2sf) =	vpush v2, $0xF;
	v2 =	vmul.f32 v21, v21  }
0x199: {  	v19 =	vld [tilespmem:s14+$0x5780];
	v59 =	vadd.f32 v1, v59;
	v1 =	vmul.f32 v22, v22;
	v0 =	vmul.f32 v43, v43  }
0x19a: {  	s20 =	smul.f32 s16, s12;
	v57 =	vld [tilespmem:s14+$0x5790];
	v2 =	vadd.f32 v2, v5;
	v5 =	vadd.f32 v16, v17;
	v17 =	vmul.f32 s1, v47  }
0x19b: {  	v53 =	vld [tilespmem:s14+$0x57C0];
	v3 =	vadd.f32 v3, v60;
	v60 =	vmul.f32 v13, v13;
	v1 =	vadd.f32 v0, v1  }
0x19c: {  	s3 =	ssub.f32 $1.500000000e+00, s20;
	v16 =	vmul.f32 s1, v52;
	v52 =	vld [tilespmem:s14+$0x57E0];
	v17 =	vadd.f32 v17, v61;
	v61 =	vmul.f32 v56, v56  }
0x19d: {  	v1 =	vadd.f32 v1, v2;
	v2 =	vld [tilespmem:s14+$0x57F0]  }
0x19e: {  	s3 =	smul.f32 s16, s3;
	v60 =	vadd.f32 v61, v60;
	v61 =	vld [tilespmem:$0x1FED0]  }
0x19f: {  	v9 =	vadd.f32 v47, v9;
	v47 =	vmul.f32 v57, v57  }
0x1a0: {  	s22 =	smax.f32 s21, $1.000000000e-30;
	s8 =	smul.f32 s3, s8;
	v16 =	vadd.f32 v16, v58;
	v58, _, _ =	vpop (xrf2);
	v1 =	vadd.f32 v1, v3;
	v3 =	vmul.f32 v19, v19  }
0x1a1: {  	s12 =	sshra.s32 s22, $0x1;
	s7 =	smul.f32 $5.000000000e-01, s22;
	v20 =	vadd.f32 v62, v20;
	s21 =	spop (v2sf);
	(v2sf) =	vpush v58, $0xF;
	v58 =	vmul.f32 v18, v18  }
0x1a2: {  	s12 =	ssub.s32 $0x5F3759DF, s12;
	s8 =	smul.f32 s8, s3;
	(xrf2) =	vadd.scan.msk.f32 $0xffff, v1;
	v1 =	vmul.f32 v53, v53;
	v3 =	vadd.f32 v47, v3;
	v47 =	vmul.f32 v52, v52  }
0x1a3: {  	s26 =	smul.f32 s12, s7;
	v0 =	vmul.f32 v2, v2;
	v12 =	vadd.f32 v61, v12;
	v61 =	vmul.f32 s1, v61  }
0x1a4: {  	v20 =	vadd.f32 v51, v20;
	s8 =	ssub.f32 $1.500000000e+00, s8;
	v1 =	vadd.f32 v58, v1;
	v58 =	vld [tilespmem:$0x1FEE0]  }
0x1a5: {  	s16 =	smul.f32 s12, s26;
	v0 =	vadd.f32 v0, v47;
	v10 =	vadd.f32 v61, v10;
	v61 =	vld [tilespmem:$0x1FEF0]  }
0x1a6: {  	v20 =	vadd.f32 v39, v20;
	s3 =	smul.f32 s8, s3  }
0x1a7: {  	v3 =	vadd.f32 v60, v3;
	v60 =	vld [tilespmem:$0x1FF00];
	v0 =	vadd.f32 v0, v1  }
0x1a8: {  	s20 =	ssub.f32 $1.500000000e+00, s16;
	v20 =	vadd.f32 v29, v20;
	s3 =	smin.f32 s3, $1.000000000e+08  }
0x1a9: {  	v47 =	vmul.f32 s1, v58;
	v0 =	vadd.f32 v0, v3;
	v3 =	vmul.f32 s3, v62;
	v62 =	vld [tilespmem:$0x1FF20]  }
0x1aa: {  	s12 =	smul.f32 s12, s20;
	v20 =	vadd.f32 v41, v20;
	s8 =	smax.f32 s21, $1.000000000e-30;
	v14 =	vadd.f32 v58, v14;
	v58 =	vld [tilespmem:$0x1FF30];
	v1 =	vmul.f32 s1, v61  }
0x1ab: {  	s22 =	sshra.s32 s8, $0x1;
	s8 =	smul.f32 $5.000000000e-01, s8;
	v7 =	vadd.f32 v47, v7;
	v47 =	vadd.f32 v61, v59  }
0x1ac: {  	s7 =	smul.f32 s12, s7;
	s14 =	ssub.s32 $0x5F3759DF, s22;
	v61 =	vmul.f32 s1, v60;
	v1 =	vadd.f32 v1, v8;
	v8 =	vadd.f32 v60, v54;
	v60 =	vld [tilespmem:$0x1FF10]  }
0x1ad: {  	s26 =	smul.f32 s14, s8;
	v59 =	vld [tilespmem:$0x1FF40]  }
0x1ae: {  	v20 =	vadd.f32 v25, v20;
	s7 =	smul.f32 s7, s12;
	v11 =	vadd.f32 v62, v11  }
0x1af: {  	s16 =	smul.f32 s14, s26;
	v3 =	vadd.f32 v3, v15;
	v15 =	vmul.f32 s3, v62;
	v9 =	vadd.f32 v58, v9  }
0x1b0: {  	s7 =	ssub.f32 $1.500000000e+00, s7;
	v6 =	vadd.f32 v61, v6;
	v62 =	vld [tilespmem:$0x1FF70];
	v11 =	vadd.f32 v49, v11  }
0x1b1: {  	s20 =	ssub.f32 $1.500000000e+00, s16;
	v15 =	vadd.f32 v15, v16;
	v9 =	vadd.f32 v35, v9;
	v61 =	vmul.f32 s3, v60  }
0x1b2: {  	s7 =	smul.f32 s7, s12;
	s21 =	spop (v2sf);
	(xrf2) =	vadd.scan.msk.f32 $0xffff, v0;
	v16 =	vmul.f32 s3, v59;
	v12 =	vadd.f32 v59, v12;
	v11 =	vadd.f32 v40, v11  }
0x1b3: {  	s12 =	smax.f32 s21, $1.000000000e-30;
	s1 =	smul.f32 s14, s20;
	v0 =	vadd.f32 v60, v4;
	v4 =	vadd.f32 v61, v5;
	v61 =	vld [tilespmem:$0x1FF60]  }
0x1b4: {  	s22 =	sshra.s32 s12, $0x1;
	s12 =	smul.f32 $5.000000000e-01, s12;
	v9 =	vadd.f32 v33, v9;
	v60 =	vld [tilespmem:$0x1FF50];
	v10 =	vadd.f32 v16, v10  }
0x1b5: {  	s7 =	smin.f32 s7, $1.000000000e+08;
	s14 =	ssub.s32 $0x5F3759DF, s22;
	s8 =	smul.f32 s1, s8;
	v8 =	vadd.f32 v62, v8;
	v12 =	vadd.f32 v36, v12;
	v5, _, _ =	vpop (xrf2)  }
0x1b6: {  	s26 =	smul.f32 s14, s12;
	v59 =	vmul.f32 s7, v48;
	v0 =	vadd.f32 v48, v0;
	(v2sf) =	vpush v5, $0xF  }
0x1b7: {  	s8 =	smul.f32 s8, s1;
	v8 =	vadd.f32 v31, v8;
	v12 =	vadd.f32 v34, v12;
	v5 =	vmul.f32 s3, v58  }
0x1b8: {  	s16 =	smul.f32 s14, s26;
	v58 =	vmul.f32 s3, v62;
	v4 =	vadd.f32 v59, v4;
	v16 =	vmul.f32 s3, v61  }
0x1b9: {  	s8 =	ssub.f32 $1.500000000e+00, s8;
	v0 =	vadd.f32 v32, v0;
	v5 =	vadd.f32 v5, v17;
	v17 =	vmul.f32 s3, v60  }
0x1ba: {  	s21 =	spop (v2sf);
	s20 =	ssub.f32 $1.500000000e+00, s16;
	v8 =	vadd.f32 v28, v8;
	v1 =	vadd.f32 v16, v1;
	v16 =	vmul.f32 s7, v51  }
0x1bb: {  	s1 =	smul.f32 s8, s1;
	s8 =	smax.f32 s21, $1.000000000e-30;
	v62 =	vmul.f32 s7, v37;
	v14 =	vadd.f32 v60, v14;
	v7 =	vadd.f32 v17, v7  }
0x1bc: {  	s22 =	sshra.s32 s8, $0x1;
	s8 =	smul.f32 $5.000000000e-01, s8;
	v17 =	vadd.f32 v61, v47;
	v61, _, _ =	vpop (xrf2);
	v3 =	vadd.f32 v16, v3;
	v16 =	vmul.f32 s7, v49  }
0x1bd: {  	v6 =	vadd.f32 v58, v6;
	v60 =	vmul.f32 s7, v35;
	s3 =	smul.f32 s14, s20;
	s14 =	ssub.s32 $0x5F3759DF, s22;
	(v2sf) =	vpush v61, $0xF  }
0x1be: {  	s1 =	smin.f32 s1, $1.000000000e+08;
	v0 =	vadd.f32 v30, v0;
	s26 =	smul.f32 s14, s8;
	v15 =	vadd.f32 v16, v15;
	v16 =	vmul.f32 s7, v36  }
0x1bf: {  	v48 =	vmul.f32 s1, v33;
	v5 =	vadd.f32 v60, v5;
	v14 =	vadd.f32 v37, v14;
	s12 =	smul.f32 s3, s12  }
0x1c0: {  	v33 =	vld [tilespmem:$0x1FFC0];
	v37 =	vmul.f32 s7, v31;
	s16 =	smul.f32 s14, s26;
	v10 =	vadd.f32 v16, v10;
	v16 =	vmul.f32 s7, v38  }
0x1c1: {  	v54 =	vld [tilespmem:$0x1FF90];
	v47 =	vmul.f32 s1, v32;
	v0 =	vadd.f32 v27, v0;
	v7 =	vadd.f32 v62, v7;
	s12 =	smul.f32 s12, s3  }
0x1c2: {  	v60 =	vld [tilespmem:$0x1FFA0];
	v17 =	vadd.f32 v38, v17;
	s7 =	ssub.f32 $1.500000000e+00, s16;
	v1 =	vadd.f32 v16, v1;
	v16 =	vmul.f32 s1, v39  }
0x1c3: {  	v61 =	vld [tilespmem:$0x1FFB0];
	v6 =	vadd.f32 v37, v6;
	v4 =	vadd.f32 v47, v4;
	s12 =	ssub.f32 $1.500000000e+00, s12  }
0x1c4: {  	v5 =	vadd.f32 v48, v5;
	v37 =	vld [tilespmem:$0x1FFF0];
	s7 =	smul.f32 s14, s7;
	v3 =	vadd.f32 v16, v3;
	v16 =	vmul.f32 s1, v40  }
0x1c5: {  	v58 =	vmul.f32 s1, v28;
	v12 =	vadd.f32 v33, v12;
	v0 =	vadd.f32 v24, v0;
	s3 =	smul.f32 s12, s3;
	s20 =	spop (v2sf)  }
0x1c6: {  	v49 =	vld [tilespmem:$0x1FF80];
	v17 =	vadd.f32 v54, v17;
	s21 =	smax.f32 s20, $1.000000000e-30;
	s8 =	smul.f32 s7, s8;
	v15 =	vadd.f32 v16, v15;
	v16 =	vmul.f32 s1, v34  }
0x1c7: {  	v6 =	vadd.f32 v58, v6;
	v12 =	vadd.f32 v26, v12;
	s22 =	sshra.s32 s21, $0x1;
	s12 =	smul.f32 $5.000000000e-01, s21  }
0x1c8: {  	v11 =	vadd.f32 v60, v11;
	s14 =	ssub.s32 $0x5F3759DF, s22;
	s21 =	smul.f32 s8, s7;
	v10 =	vadd.f32 v16, v10;
	v16 =	vmul.f32 s1, v54  }
0x1c9: {  	v9 =	vadd.f32 v61, v9;
	v8 =	vadd.f32 v37, v8;
	s20 =	smin.f32 s3, $1.000000000e+08;
	s26 =	smul.f32 s14, s12  }
0x1ca: {  	v36 =	vld [tilespmem:$0x1FFE0];
	v11 =	vadd.f32 v42, v11;
	s3 =	ssub.f32 $1.500000000e+00, s21;
	v1 =	vadd.f32 v16, v1;
	v16 =	vmul.f32 s20, v29  }
0x1cb: {  	v9 =	vadd.f32 v44, v9;
	v51 =	vmul.f32 s1, v49;
	v14 =	vadd.f32 v49, v14;
	s22 =	smul.f32 s14, s26  }
0x1cc: {  	v8 =	vadd.f32 v46, v8;
	v34 =	vld [tilespmem:$0x1FFD0];
	s26 =	spop (v2sf);
	s3 =	smul.f32 s3, s7;
	v3 =	vadd.f32 v16, v3;
	v16 =	vmul.f32 s20, v60  }
0x1cd: {  	v11 =	vadd.f32 v63, v11;
	v9 =	vadd.f32 v55, v9;
	s7 =	smax.f32 s26, $1.000000000e-30;
	s8 =	ssub.f32 $1.500000000e+00, s22  }
0x1ce: {  	v7 =	vadd.f32 v51, v7;
	s16 =	sshra.s32 s7, $0x1;
	s7 =	smul.f32 $5.000000000e-01, s7;
	v15 =	vadd.f32 v16, v15;
	v16 =	vmul.f32 s20, v33  }
0x1cf: {  	v17 =	vadd.f32 v36, v17;
	v47 =	vadd.f32 v43, v8;
	v59 =	vmul.f32 s20, v30;
	s8 =	smul.f32 s14, s8;
	s14 =	ssub.s32 $0x5F3759DF, s16  }
0x1d0: {  	v62 =	vmul.f32 s20, v61;
	s21 =	smul.f32 s14, s7;
	v10 =	vadd.f32 v16, v10;
	v16 =	vmul.f32 s20, v36  }
0x1d1: {  	v38 =	vmul.f32 s20, v37;
	v17 =	vadd.f32 v45, v17;
	v35 =	vmul.f32 s20, v34;
	s12 =	smul.f32 s8, s12;
	s20 =	smin.f32 s3, $1.000000000e+08  }
0x1d2: {  	v4 =	vadd.f32 v59, v4;
	s3 =	smul.f32 s14, s21;
	v1 =	vadd.f32 v16, v1;
	v16 =	vmul.f32 s20, v41  }
0x1d3: {  	v5 =	vadd.f32 v62, v5;
	v6 =	vadd.f32 v38, v6;
	s12 =	smul.f32 s12, s8  }
0x1d4: {  	v17 =	vadd.f32 v22, v17;
	s3 =	ssub.f32 $1.500000000e+00, s3;
	v3 =	vadd.f32 v16, v3;
	v16 =	vmul.f32 s20, v42  }
0x1d5: {  	v14 =	vadd.f32 v34, v14;
	v7 =	vadd.f32 v35, v7;
	s12 =	ssub.f32 $1.500000000e+00, s12  }
0x1d6: {  	v39 =	vmul.f32 s20, v27;
	s3 =	smul.f32 s14, s3;
	v15 =	vadd.f32 v16, v15;
	v16 =	vmul.f32 s20, v26  }
0x1d7: {  	v14 =	vadd.f32 v50, v14;
	v40 =	vmul.f32 s20, v44;
	v41 =	vmul.f32 s20, v50;
	s8 =	smul.f32 s12, s8  }
0x1d8: {  	v4 =	vadd.f32 v39, v4;
	s7 =	smul.f32 s3, s7;
	v10 =	vadd.f32 v16, v10;
	v16 =	vmul.f32 s20, v45  }
0x1d9: {  	v5 =	vadd.f32 v40, v5;
	v7 =	vadd.f32 v41, v7;
	v42 =	vmul.f32 s20, v46;
	s22 =	smin.f32 s8, $1.000000000e+08  }
0x1da: {  	v44 =	vmul.f32 s22, v24;
	s7 =	smul.f32 s7, s3;
	v1 =	vadd.f32 v16, v1;
	v16 =	vmul.f32 s22, v25  }
0x1db: {  	v6 =	vadd.f32 v42, v6;
	v45 =	vmul.f32 s22, v55;
	v46 =	vmul.f32 s22, v21  }
0x1dc: {  	v21 =	vadd.f32 v21, v14;
	s7 =	ssub.f32 $1.500000000e+00, s7;
	v3 =	vadd.f32 v16, v3;
	v16 =	vmul.f32 s22, v63  }
0x1dd: {  	v4 =	vadd.f32 v44, v4;
	v5 =	vadd.f32 v45, v5  }
0x1de: {  	v14 =	vmul.f32 s22, v43;
	v7 =	vadd.f32 v46, v7;
	s3 =	smul.f32 s7, s3;
	v16 =	vadd.f32 v16, v15  }
0x1df: {  	v15 =	vmul.f32 s22, v23;
	v23 =	vadd.f32 v23, v12;
	v12 =	vmul.f32 s22, v22  }
0x1e0: {  	v6 =	vadd.f32 v14, v6;
	v14 =	vadd.f32 v57, v0;
	s26 =	smin.f32 s3, $1.000000000e+08  }
0x1e1: {  	v8 =	vmul.f32 s26, v57;
	v1 =	vadd.f32 v12, v1;
	v12 =	vmul.f32 s26, v19  }
0x1e2: {  	v0 =	vmul.f32 s26, v56;
	v10 =	vadd.f32 v15, v10;
	v15 =	vadd.f32 v19, v20  }
0x1e3: {  	v59 =	vadd.f32 v8, v4;
	v61 =	vadd.f32 v12, v3;
	v3 =	vmul.f32 s26, v13  }
0x1e4: {  	v51 =	vadd.f32 v0, v5;
	v0 =	vmul.f32 s26, v18;
	v8 =	vadd.f32 v18, v21  }
0x1e5: {  	v4 =	vadd.f32 v52, v17;
	v43 =	vadd.f32 v3, v16;
	v3 =	vmul.f32 s26, v53  }
0x1e6: {  	v13 =	vadd.f32 v13, v11;
	v57 =	vadd.f32 v0, v7;
	v0 =	vmul.f32 s26, v2  }
0x1e7: {  	v12 =	vadd.f32 v56, v9;
	v54 =	vadd.f32 v3, v10;
	v3 =	vmul.f32 s26, v52  }
0x1e8: {  	v11 =	vadd.f32 v53, v23;
	v62 =	vadd.f32 v0, v6  }
0x1e9: {  	v60 =	vadd.f32 v3, v1;
	v3 =	vadd.f32 v2, v47  }
.LBB2_47:
0x1ea: {  	s25 =	sadd.s32 $0x1, s25  }
0x1eb: {  	s1 =	sshll.u32 s25, $0x4  }
0x1ec: {  	s14 =	sadd.s32 s5, s1  }
0x1ed: {  	p0 =	slt.s32 s14, s11  }
.Ltmp8:
0x1ee: {  	_ = 	snop;
	(pc) =	sbr.rel @!p0 .LBB2_48-.Ltmp8, $2  }
0x1ef: {  	_ =	sdelay $0x2  }
0x1f0: {  	s28 =	sadd.s32 $0x10, s28  }
.LBB2_9:
0x1f1: {  	s3 =	smulhi.u32 $0x2AAAAAAB, s1;
	s7 =	sshra.s32 s1, $0x1F  }
0x1f2: {  	s7 =	smul.u32 $0x2AAAAAAB, s7;
	_ =	sdelay $0x1  }
0x1f3: {  	s3 =	sadd.s32 s7, s3  }
0x1f4: {  	s7 =	sshrl.u32 s3, $0x1F;
	s3 =	sshra.s32 s3, $0x6  }
0x1f5: {  	s3 =	sadd.s32 s7, s3  }
0x1f6: {  	s7 =	smul.u32 $0xFFFFFE80, s3  }
0x1f7: {  	s8 =	ssub.s32 $0x0, s1  }
0x1f8: {  	p0 =	slt.s32 s1, $0x1;
	p1 =	sne.s32 s7, s8  }
0x1f9: {  	p0 =	por !p0, !p1  }
0x1fa: {  	s1 =	simm.s32 $0x1;
	p0 =	por !p0, !p0  }
0x1fb: {  	s1 =	simm.s32 @!p0 $0x0  }
0x1fc: {  	s1 =	ssub.s32 s3, s1  }
0x1fd: {  	p0 =	seq.s32 s1, s29  }
.Ltmp9:
0x1fe: {  	_ = 	snop;
	(pc) =	sbr.rel @p0 .LBB2_11-.Ltmp9, $1  }
0x1ff: {  	_ =	sdelay $0x3  }
0x200: {  	s3 =	smul.u32 $0x180, s1;
	_ =	sdelay $0x1  }
0x201: {  	s3 =	sadd.s32 s5, s3  }
0x202: {  	s7 =	sadd.s32 $0x180, s3  }
0x203: {  	s8 =	sadd.s32 $0x1, s1;
	p0 =	slt.s32 s7, $0x4E080  }
0x204: {  	s8 =	sand.u32 $0x1, s8;
	s7 =	simm.s32 @!p0 $0x4E080  }
0x205: {  	p0 =	seq.s32 s8, $0x1;
	s7 =	sshll.u32 s7, $0x4  }
0x206: {  	s8 =	simm.s32 @!p0 $0x0;
	s12 =	simm.s32 @!p0 $0x5000;
	s7 =	sadd.s32 s31, s7  }
0x207: {  	[tilespmem:s12], [sflag:$0x3] =	stream.linear.gather @!p0 [hbm4b:s7+s8], $0xC000, $0x38;
	[tilespmem:$0x1D300] =	vst v63  }
0x208: {  	s8 =	sand.u32 @!p0 $0x1, s1  }
0x209: {  	p1 =	seq.s32 @!p0 s8, $0x1  }
0x20a: {  	p0 =	por p0, !p1  }
0x20b: {  	s26 =	sand.u32 $0x1, s1;
	s8 =	simm.s32 @p0 $0x11000  }
0x20c: {  	[tilespmem:s8], [sflag:$0x4] =	stream.linear.gather @p0 [hbm4b:s7+s4], $0xC000, $0x38;
	[tilespmem:$0x1D300] =	vst v63  }
0x20d: {  	p0 =	seq.s32 s26, $0x1;
	s7 =	simm.s32 $0x4  }
0x20e: {  	s7 =	simm.s32 @!p0 $0x3  }
.Ltmp10:
0x20f: {  	_ =	swait.ge [sflag:s7], $0xC000;
	(pc) =	sbr.rel .LBB2_11-.Ltmp10, $4  }
0x210: {  	p1 =	slt.s32 s3, $0x4E080;
	s8 =	simm.s32 $0xFFFFFE80;
	[sflag:s7] =	ssyncset.done $0x0  }
0x211: {  	s3 =	simm.s32 @!p1 $0x4E080;
	s8 =	simm.s32 @!p0 $0x0;
	[sflag:s7] =	ssyncadd.s32 $0xFFFF4000  }
0x212: {  	s3 =	sadd.s32 s3, s8;
	[smem:$0x0] =	sst s1  }
0x213: {  	s29 =	smov.u32 s1;
	[smem:$0x1] =	sst s3  }
.LBB2_12:
0x214: {  	p0 =	slt.s32 s1, s11;
	s26 =	smov.u32 s11  }
0x215: {  	s26 =	smov.u32 @p0 s1  }
0x216: {  	p0 =	sge.s32 s2, s26  }
.Ltmp11:
0x217: {  	_ = 	snop;
	(pc) =	sbr.rel @p0 .LBB2_32-.Ltmp11, $1  }
0x218: {  	_ =	sdelay $0x3  }
.Ltmp12:
0x219: {  	(pc) =	sbr.rel .LBB2_14-.Ltmp12, $4  }
0x21a: {  	s1 =	sshll.u32 s16, $0x9  }
0x21b: {  	s1 =	ssub.s32 $0x0, s1  }
0x21c: {  	s1 =	sshra.s32 s1, $0x2  }
0x21d: {  	p3 =	sgt.s32 s0, $0x0;
	s31 =	smov.u32 s14;
	s0 =	sadd.s32 $0x5040, s1  }
.LBB2_30:
0x21e: {  	v0 =	vld [tilespmem:s30+$0x2801];
	_ =	sdelay $0x4  }
0x21f: {  	(v2sf) =	vpush v0, $0x0;
	_ =	sdelay $0xe  }
0x220: {  	s2 =	spop (v2sf)  }
0x221: {  	v62 =	vimm.f32 $0.0e+00;
	p0 =	slt.s32 s2, s26  }
.Ltmp13:
0x222: {  	v60 =	vimm.f32 $0.0e+00;
	v57 =	vimm.f32 $0.0e+00;
	v54 =	vimm.f32 $0.0e+00;
	(pc) =	sbr.rel @!p0 .LBB2_31-.Ltmp13, $4  }
0x223: {  	v51 =	vimm.f32 $0.0e+00;
	v43 =	vimm.f32 $0.0e+00;
	v59 =	vimm.f32 $0.0e+00  }
0x224: {  	s3 =	simm.s32 $0x1;
	v61 =	vimm.f32 $0.0e+00;
	v3 =	vimm.f32 $0.0e+00;
	v4 =	vimm.f32 $0.0e+00  }
0x225: {  	s1 =	sadd.s32 $0x1, s30;
	v8 =	vimm.f32 $0.0e+00;
	v11 =	vimm.f32 $0.0e+00;
	v12 =	vimm.f32 $0.0e+00;
	s10 =	smov.u32 s31;
	s3 =	simm.s32 @!p3 $0x0  }
0x226: {  	v13 =	vimm.f32 $0.0e+00;
	v14 =	vimm.f32 $0.0e+00;
	v15 =	vimm.f32 $0.0e+00;
	p3 =	por $0x1, $0x1;
	s30 =	smov.u32 s1;
	s24 =	sadd.s32 s3, s24  }
.LBB2_14:
0x227: {  	s3 =	smov.u32 s31;
	s1 =	smov.u32 s2  }
0x228: {  	s1 =	smov.u32 @p3 s3  }
0x229: {  	p0 =	sle.s32 s2, s1  }
.Ltmp14:
0x22a: {  	_ = 	snop;
	(pc) =	sbr.rel @p0 .LBB2_28-.Ltmp14, $2  }
0x22b: {  	_ =	sdelay $0x2  }
0x22c: {  	s31 =	smov.u32 s2  }
0x22d: {  	s2 =	sshll.u32 s1, $0x9  }
0x22e: {  	s2 =	sshra.s32 s2, $0x2  }
0x22f: {  	s2 =	sadd.s32 s2, s0  }
0x230: {  	[tilespmem:$0x1FDB0] =	vst v60;
	v40 =	vld [tilespmem:s2+$0xFFFFFFC0]  }
0x231: {  	s22 =	ssub.s32 s31, s1;
	[tilespmem:$0x1FDC0] =	vst v57;
	v44 =	vld [tilespmem:s2+$0xFFFFFFD0]  }
0x232: {  	[tilespmem:$0x1FE20] =	vst v54;
	p1 =	sne.s32 s22, $0x1;
	v47 =	vld [tilespmem:s2+$0xFFFFFFE0]  }
.Ltmp15:
0x233: {  	[tilespmem:$0x1FDD0] =	vst v62;
	v50 =	vld [tilespmem:s2+$0xFFFFFFF0];
	(pc) =	sbr.rel @!p1 .LBB2_16-.Ltmp15, $4  }
0x234: {  	[tilespmem:$0x1FDE0] =	vst v43;
	v52 =	vld [tilespmem:s2+$0x0]  }
0x235: {  	[tilespmem:$0x1FDF0] =	vst v51;
	v55 =	vld [tilespmem:s2+$0x10]  }
0x236: {  	p4 =	por $0x0, $0x0;
	p5 =	por $0x0, $0x0;
	[tilespmem:$0x1FE00] =	vst v59;
	v56 =	vld [tilespmem:s2+$0x20]  }
0x237: {  	p6 =	por $0x0, $0x0;
	p0 =	por $0x0, $0x0;
	[tilespmem:$0x1FE10] =	vst v61;
	s1 =	sadd.s32 $0xFFFFFFFF, s22;
	v48 =	vld [tilespmem:s2+$0x30];
	v15 =	vadd.f32 v40, v15  }
0x238: {  	_ = 	snop  }
0x239: {  	v0 =	vmul.f32 v40, v40;
	v1 =	vmul.f32 v44, v44  }
0x23a: {  	v5 =	vmul.f32 v47, v47;
	v6 =	vmul.f32 v50, v50  }
0x23b: {  	v7 =	vmul.f32 v52, v52;
	v9 =	vmul.f32 v55, v55  }
0x23c: {  	s3 =	sadd.s32 $0x80, s2;
	v16 =	vmul.f32 v56, v56;
	v17 =	vmul.f32 v48, v48  }
0x23d: {  	v2 =	vld [tilespmem:s3+$0xFFFFFFC0];
	v0 =	vadd.f32 v1, v0;
	v18 =	vadd.f32 v6, v5  }
0x23e: {  	v45 =	vld [tilespmem:s3+$0xFFFFFFF0];
	v7 =	vadd.f32 v9, v7;
	v9 =	vadd.f32 v17, v16  }
0x23f: {  	v14 =	vadd.f32 v44, v14;
	p1 =	sne.s32 s1, $0x1;
	v10 =	vld [tilespmem:s3+$0x0]  }
.Ltmp16:
0x240: {  	v46 =	vld [tilespmem:s3+$0x20];
	v0 =	vadd.f32 v18, v0;
	v7 =	vadd.f32 v9, v7;
	(pc) =	sbr.rel @!p1 .LBB2_18-.Ltmp16, $4  }
0x241: {  	v13 =	vadd.f32 v47, v13;
	v12 =	vadd.f32 v50, v12;
	v6 =	vld [tilespmem:s3+$0xFFFFFFD0]  }
0x242: {  	v11 =	vadd.f32 v52, v11;
	v5 =	vld [tilespmem:s3+$0xFFFFFFE0];
	v0 =	vadd.f32 v7, v0  }
0x243: {  	v1 =	vld [tilespmem:s3+$0x10];
	v8 =	vadd.f32 v55, v8;
	v4 =	vadd.f32 v56, v4  }
0x244: {  	s2 =	sadd.s32 $0xFFFFFFFF, s1;
	p4 =	por $0x1, $0x1;
	v3 =	vadd.f32 v48, v3;
	v15 =	vadd.f32 v2, v15;
	(xrf2) =	vadd.scan.msk.f32 $0xffff, v0;
	v0 =	vld [tilespmem:s3+$0x30]  }
0x245: {  	_ = 	snop  }
0x246: {  	v7 =	vmul.f32 v2, v2;
	v17 =	vmul.f32 v45, v45  }
0x247: {  	v18 =	vmul.f32 v10, v10;
	v20 =	vmul.f32 v46, v46  }
0x248: {  	v9 =	vmul.f32 v6, v6;
	v16 =	vmul.f32 v5, v5  }
0x249: {  	s1 =	sadd.s32 $0x80, s3;
	v19 =	vmul.f32 v1, v1;
	v21 =	vmul.f32 v0, v0  }
0x24a: {  	v27 =	vld [tilespmem:s1+$0xFFFFFFC0];
	v7 =	vadd.f32 v9, v7;
	v9 =	vadd.f32 v17, v16  }
0x24b: {  	v26 =	vld [tilespmem:s1+$0xFFFFFFD0];
	v16 =	vadd.f32 v19, v18;
	v17 =	vadd.f32 v21, v20  }
0x24c: {  	v12 =	vadd.f32 v45, v12;
	v11 =	vadd.f32 v10, v11;
	p1 =	sne.s32 s2, $0x1;
	v49 =	vld [tilespmem:s1+$0xFFFFFFE0]  }
.Ltmp17:
0x24d: {  	v33 =	vld [tilespmem:s1+$0xFFFFFFF0];
	v7 =	vadd.f32 v9, v7;
	v9 =	vadd.f32 v17, v16;
	(pc) =	sbr.rel @!p1 .LBB2_20-.Ltmp17, $4  }
0x24e: {  	v4 =	vadd.f32 v46, v4;
	v14 =	vadd.f32 v6, v14;
	v32 =	vld [tilespmem:s1+$0x0]  }
0x24f: {  	v31 =	vld [tilespmem:s1+$0x10];
	v13 =	vadd.f32 v5, v13;
	v7 =	vadd.f32 v9, v7  }
0x250: {  	v28 =	vld [tilespmem:s1+$0x20];
	v8 =	vadd.f32 v1, v8;
	v3 =	vadd.f32 v0, v3;
	v63, _, _ =	vpop (xrf2)  }
0x251: {  	s3 =	sadd.s32 $0xFFFFFFFF, s2;
	p5 =	por $0x1, $0x1;
	v29 =	vld [tilespmem:s1+$0x30];
	v15 =	vadd.f32 v27, v15;
	(v2sf) =	vpush v63, $0xF;
	(xrf2) =	vadd.scan.msk.f32 $0xffff, v7  }
0x252: {  	_ =	sdelay $0xb  }
0x253: {  	v7 =	vmul.f32 v27, v27;
	v9 =	vmul.f32 v26, v26  }
0x254: {  	[tilespmem:$0x1FCC0] =	vst v1;
	v16 =	vmul.f32 v49, v49;
	v17 =	vmul.f32 v33, v33  }
0x255: {  	[tilespmem:$0x1FCD0] =	vst v40;
	v18 =	vmul.f32 v32, v32;
	v19 =	vmul.f32 v31, v31;
	s7 =	spop (v2sf)  }
0x256: {  	s2 =	sadd.s32 $0x80, s1;
	[tilespmem:$0x1FCE0] =	vst v56;
	v20 =	vmul.f32 v28, v28;
	v21 =	vmul.f32 v29, v29;
	s22 =	smax.f32 s7, $1.000000000e-30  }
0x257: {  	[tilespmem:$0x1FCF0] =	vst v48;
	v38 =	vld [tilespmem:s2+$0xFFFFFFC0];
	v7 =	vadd.f32 v9, v7;
	v9 =	vadd.f32 v17, v16;
	s12 =	smul.f32 $5.000000000e-01, s22;
	s1 =	sshra.s32 s22, $0x1  }
0x258: {  	[tilespmem:$0x1FD00] =	vst v47;
	v39 =	vld [tilespmem:s2+$0xFFFFFFD0];
	v16 =	vadd.f32 v19, v18;
	v17 =	vadd.f32 v21, v20;
	s20 =	ssub.s32 $0x5F3759DF, s1  }
0x259: {  	v14 =	vadd.f32 v26, v14;
	v13 =	vadd.f32 v49, v13;
	p1 =	sne.s32 s3, $0x1;
	[tilespmem:$0x1FD10] =	vst v55;
	v30 =	vld [tilespmem:s2+$0xFFFFFFE0];
	s1 =	smul.f32 s20, s12  }
.Ltmp18:
0x25a: {  	[tilespmem:$0x1FD20] =	vst v52;
	v34 =	vld [tilespmem:s2+$0xFFFFFFF0];
	v7 =	vadd.f32 v9, v7;
	v9 =	vadd.f32 v17, v16;
	(pc) =	sbr.rel @!p1 .LBB2_22-.Ltmp18, $4  }
0x25b: {  	v12 =	vadd.f32 v33, v12;
	[tilespmem:$0x1FD30] =	vst v50;
	v36 =	vld [tilespmem:s2+$0x0];
	v11 =	vadd.f32 v32, v11  }
0x25c: {  	[tilespmem:$0x1FD40] =	vst v2;
	v35 =	vld [tilespmem:s2+$0x10];
	v8 =	vadd.f32 v31, v8;
	v7 =	vadd.f32 v9, v7;
	s1 =	smul.f32 s20, s1  }
0x25d: {  	[tilespmem:$0x1FD50] =	vst v6;
	v37 =	vld [tilespmem:s2+$0x20];
	v4 =	vadd.f32 v28, v4;
	v3 =	vadd.f32 v29, v3;
	v63, _, _ =	vpop (xrf2)  }
0x25e: {  	s3 =	sadd.s32 $0xFFFFFFFF, s3;
	p6 =	por $0x1, $0x1;
	[tilespmem:$0x1FD60] =	vst v10;
	v41 =	vld [tilespmem:s2+$0x30];
	v15 =	vadd.f32 v38, v15;
	(xrf2) =	vadd.scan.msk.f32 $0xffff, v7;
	(v2sf) =	vpush v63, $0xF;
	s1 =	ssub.f32 $1.500000000e+00, s1  }
0x25f: {  	_ =	sdelay $0x6  }
0x260: {  	s7 =	smul.f32 s20, s1  }
0x261: {  	v7 =	vmul.f32 v38, v38;
	v9 =	vmul.f32 v39, v39  }
0x262: {  	v16 =	vmul.f32 v30, v30;
	v18 =	vmul.f32 v36, v36;
	s8 =	smul.f32 s7, s12  }
0x263: {  	v17 =	vmul.f32 v34, v34;
	v19 =	vmul.f32 v35, v35  }
0x264: {  	v20 =	vmul.f32 v37, v37;
	v21 =	vmul.f32 v41, v41;
	s8 =	smul.f32 s8, s7  }
0x265: {  	v7 =	vadd.f32 v9, v7;
	v9 =	vadd.f32 v17, v16  }
0x266: {  	v16 =	vadd.f32 v19, v18;
	v17 =	vadd.f32 v21, v20;
	s8 =	ssub.f32 $1.500000000e+00, s8;
	v18, _, _ =	vpop (xrf2)  }
0x267: {  	v14 =	vadd.f32 v39, v14;
	s22 =	sadd.s32 $0x80, s2;
	v1 =	vld [tilespmem:$0x1FE10];
	s21 =	spop (v2sf);
	(v2sf) =	vpush v18, $0xF  }
0x268: {  	v7 =	vadd.f32 v9, v7;
	v19 =	vld [tilespmem:s22+$0xFFFFFFC0];
	v9 =	vadd.f32 v17, v16;
	s8 =	smul.f32 s8, s7;
	s21 =	smax.f32 s21, $1.000000000e-30  }
0x269: {  	v13 =	vadd.f32 v30, v13;
	v12 =	vadd.f32 v34, v12;
	v22 =	vld [tilespmem:s22+$0x0];
	s2 =	smul.f32 $5.000000000e-01, s21;
	s21 =	sshra.s32 s21, $0x1  }
0x26a: {  	v11 =	vadd.f32 v36, v11;
	v23 =	vld [tilespmem:s22+$0x10];
	v7 =	vadd.f32 v9, v7;
	s7 =	ssub.s32 $0x5F3759DF, s21;
	s21 =	smin.f32 s8, $1.000000000e+08  }
0x26b: {  	p1 =	sne.s32 s3, $0x1;
	v8 =	vadd.f32 v35, v8;
	v4 =	vadd.f32 v37, v4;
	v20 =	vld [tilespmem:s22+$0xFFFFFFD0];
	s8 =	smul.f32 s7, s2;
	v9 =	vmul.f32 s21, v40  }
.Ltmp19:
0x26c: {  	v3 =	vadd.f32 v41, v3;
	v21 =	vld [tilespmem:s22+$0xFFFFFFF0];
	(xrf2) =	vadd.scan.msk.f32 $0xffff, v7;
	v58 =	vmul.f32 s21, v44;
	v42 =	vmul.f32 s21, v47;
	(pc) =	sbr.rel @!p1 .LBB2_24-.Ltmp19, $4  }
0x26d: {  	v15 =	vadd.f32 v19, v15;
	v53 =	vmovc v19;
	v18 =	vld [tilespmem:s22+$0xFFFFFFE0];
	v16 =	vmul.f32 s21, v48;
	v61 =	vmul.f32 s21, v50;
	s8 =	smul.f32 s7, s8  }
0x26e: {  	[tilespmem:$0x1FCB0] =	vst v44;
	v24 =	vld [tilespmem:s22+$0x20];
	v63 =	vmul.f32 s21, v52;
	v7 =	vmul.f32 s21, v56;
	v50 =	vmovc v45;
	v52 =	vmovc v10;
	v56 =	vmov v46  }
0x26f: {  	v25 =	vld [tilespmem:s22+$0x30];
	v48 =	vmovc v0;
	v40 =	vmovc v2;
	v47 =	vmov v5;
	v62 =	vadd.f32 v16, v62;
	v17 =	vadd.f32 v9, v1;
	s8 =	ssub.f32 $1.500000000e+00, s8  }
0x270: {  	s3 =	sadd.s32 $0xFFFFFFFF, s3;
	p0 =	por $0x1, $0x1;
	v9 =	vmul.f32 s21, v55;
	v16 =	vadd.f32 v58, v59;
	v59 =	vadd.f32 v42, v43;
	v55 =	vld [tilespmem:$0x1FCC0];
	v58 =	vmovc v20;
	v42 =	vmovc v6  }
.LBB2_25:
0x271: {  	p1 =	sne.s32 s3, $0x1;
	v53 =	vmul.f32 v53, v19;
	v58 =	vmul.f32 v58, v20;
	s7 =	smul.f32 s7, s8;
	v51 =	vadd.f32 v61, v51;
	v2 =	vmovc v30  }
0x272: {  	v61 =	vmul.f32 v18, v18;
	v10 =	vmul.f32 v21, v21;
	v54 =	vadd.f32 v63, v54;
	v30 =	vmovc v18  }
0x273: {  	v18 =	vmul.f32 v22, v22;
	v57 =	vadd.f32 v9, v57;
	v9 =	vmovc v50;
	v63 =	vmul.f32 v23, v23;
	s2 =	smul.f32 s7, s2  }
0x274: {  	v60 =	vadd.f32 v7, v60;
	v50 =	vmovc v33;
	v1 =	vmul.f32 v24, v24;
	v44 =	vmul.f32 v25, v25  }
0x275: {  	v33 =	vmovc v34;
	v34 =	vmovc v21;
	v43 =	vmov v52;
	v7 =	vadd.f32 v58, v53;
	v10 =	vadd.f32 v10, v61;
	s2 =	smul.f32 s2, s7  }
0x276: {  	v52 =	vmov v32;
	v18 =	vadd.f32 v63, v18;
	v1 =	vadd.f32 v44, v1;
	v6, _, _ =	vpop (xrf2);
	s8 =	spop (v2sf)  }
0x277: {  	v14 =	vadd.f32 v20, v14;
	s22 =	sadd.s32 $0x80, s22;
	v32 =	vmovc v36;
	v36 =	vmovc v22;
	(v2sf) =	vpush v6, $0xF;
	s8 =	smax.f32 s8, $1.000000000e-30;
	s21 =	ssub.f32 $1.500000000e+00, s2;
	v6 =	vmov v55  }
0x278: {  	v21 =	vadd.f32 v10, v7;
	v55 =	vmovc v31;
	v31 =	vmovc v35;
	v35 =	vmov v23;
	v53 =	vld [tilespmem:s22+$0xFFFFFFC0];
	v1 =	vadd.f32 v1, v18;
	s2 =	smul.f32 $5.000000000e-01, s8  }
0x279: {  	v13 =	vadd.f32 v30, v13;
	v12 =	vadd.f32 v34, v12;
	v10 =	vmovc v56;
	v56 =	vmovc v28;
	v28 =	vmov v37;
	s8 =	sshra.s32 s8, $0x1;
	v58 =	vld [tilespmem:s22+$0xFFFFFFD0];
	s21 =	smul.f32 s21, s7  }
0x27a: {  	v11 =	vadd.f32 v36, v11;
	v37 =	vmovc v24;
	v7 =	vmovc v48;
	v48 =	vmov v29;
	s7 =	ssub.s32 $0x5F3759DF, s8;
	v18 =	vld [tilespmem:s22+$0xFFFFFFE0];
	v1 =	vadd.f32 v1, v21  }
0x27b: {  	v29 =	vmovc v41;
	v41 =	vmov v25;
	v8 =	vadd.f32 v35, v8;
	v4 =	vadd.f32 v37, v4;
	s8 =	smul.f32 s7, s2;
	v21 =	vld [tilespmem:s22+$0xFFFFFFF0];
	s21 =	smin.f32 s21, $1.000000000e+08  }
0x27c: {  	(xrf2) =	vadd.scan.msk.f32 $0xffff, v1;
	v1 =	vmul.f32 s21, v40  }
.Ltmp20:
0x27d: {  	v3 =	vadd.f32 v41, v3;
	v22 =	vld [tilespmem:s22+$0x0];
	v7 =	vmul.f32 s21, v7;
	v40 =	vmovc v27;
	v47 =	vmul.f32 s21, v47;
	(pc) =	sbr.rel @p1 .LBB2_25-.Ltmp20, $4  }
0x27e: {  	s8 =	smul.f32 s7, s8;
	v44 =	vmul.f32 s21, v42;
	v27 =	vmovc v38;
	v38 =	vmov v19;
	v23 =	vld [tilespmem:s22+$0x10];
	v15 =	vadd.f32 v53, v15  }
0x27f: {  	v61 =	vmul.f32 s21, v9;
	v63 =	vmul.f32 s21, v43;
	v42 =	vmovc v26;
	v19 =	vmovc v53;
	v24 =	vld [tilespmem:s22+$0x20];
	v62 =	vadd.f32 v7, v62  }
0x280: {  	v9 =	vmul.f32 s21, v6;
	v26 =	vmovc v39;
	v39 =	vmovc v20;
	s8 =	ssub.f32 $1.500000000e+00, s8;
	v17 =	vadd.f32 v1, v17;
	v7 =	vmul.f32 s21, v10;
	v25 =	vld [tilespmem:s22+$0x30]  }
0x281: {  	s3 =	sadd.s32 $0xFFFFFFFF, s3;
	v16 =	vadd.f32 v44, v16;
	v59 =	vadd.f32 v47, v59;
	v20 =	vmovc v58;
	v47 =	vmovc v49;
	v49 =	vmov v2  }
0x282: {  	[tilespmem:$0x1FD70] =	vst v28  }
0x283: {  	v43 =	vmovc v30;
	v1 =	vmovc v33;
	v2 =	vmov v32;
	v6 =	vmov v31;
	[tilespmem:$0x1FD80] =	vst v29;
	v30 =	vmov v18  }
0x284: {  	[tilespmem:$0x1FD90] =	vst v27;
	v33 =	vmovc v34;
	v32 =	vmovc v36;
	v31 =	vmov v35;
	v28 =	vmov v37;
	v29 =	vmov v41;
	v44 =	vld [tilespmem:$0x1FCB0]  }
0x285: {  	[tilespmem:$0x1FDA0] =	vst v26;
	v27 =	vmovc v38;
	v26 =	vmovc v39;
	v37 =	vld [tilespmem:$0x1FCC0];
	v41 =	vmov v6;
	v38 =	vmov v1;
	v39 =	vmov v2  }
.LBB2_27:
0x286: {  	v1 =	vmul.f32 v53, v19;
	v18 =	vmul.f32 v22, v22;
	s3 =	smul.f32 @p6 s7, s8  }
0x287: {  	v2 =	vmul.f32 v58, v20;
	v6 =	vmul.f32 v30, v30  }
0x288: {  	v10 =	vmul.f32 v21, v21;
	v34 =	vmul.f32 v23, v23;
	s2 =	smul.f32 @p6 s3, s2  }
0x289: {  	v1 =	vadd.f32 v2, v1  }
0x28a: {  	v2 =	vadd.f32 v10, v6;
	v6 =	vadd.f32 v34, v18;
	v18, _, _ =	vpop @p4 (xrf2);
	s2 =	smul.f32 @p6 s2, s3  }
0x28b: {  	v35 =	vmul.f32 v24, v24;
	v36 =	vmul.f32 v25, v25;
	(v2sf) =	vpush @p4 v18, $0xF  }
0x28c: {  	s2 =	ssub.f32 @p6 $1.500000000e+00, s2  }
0x28d: {  	v10 =	vadd.f32 v36, v35  }
0x28e: {  	s2 =	smul.f32 @p6 s2, s3  }
0x28f: {  	v1 =	vadd.f32 v2, v1;
	v2 =	vadd.f32 v10, v6  }
0x290: {  	s7 =	spop @p5 (v2sf);
	s2 =	smin.f32 @p6 s2, $1.000000000e+08  }
0x291: {  	s7 =	smax.f32 @p5 s7, $1.000000000e-30;
	v1 =	vadd.f32 v2, v1;
	v2 =	vmul.f32 @p6 s2, v40;
	v34 =	vmul.f32 @p6 s2, v47  }
0x292: {  	s8 =	smul.f32 @p5 $5.000000000e-01, s7;
	s7 =	sshra.s32 @p5 s7, $0x1  }
0x293: {  	s7 =	ssub.s32 @p5 $0x5F3759DF, s7;
	(xrf2) =	vadd.scan.msk.f32 $0xffff, v1;
	v34 =	vadd.f32 @p6 v34, v59;
	v59 =	vld [tilespmem:$0x1FD30]  }
0x294: {  	s21 =	smul.f32 @p5 s7, s8  }
0x295: {  	v17 =	vadd.f32 @p6 v2, v17;
	v2 =	vmov @p5 v38  }
0x296: {  	s3 =	smul.f32 @p5 s7, s21  }
0x297: {  	v28 =	vpsel p4, v28, v46;
	v46 =	vld [tilespmem:$0x1FDA0]  }
0x298: {  	v10 =	vadd.f32 @p0 v63, v54;
	v63 =	vld [tilespmem:$0x1FCE0];
	s3 =	ssub.f32 @p5 $1.500000000e+00, s3;
	v35 =	vpsel p5, v2, v59;
	v2 =	vmov @p4 v33  }
0x299: {  	v18 =	vmul.f32 @p6 s2, v42;
	v33 =	vpsel p4, v2, v45;
	v2 =	vld [tilespmem:$0x1FD20]  }
0x29a: {  	v6 =	vadd.f32 @p0 v61, v51;
	s20 =	smov.u32 @p5 s7;
	v51 =	vld [tilespmem:$0x1FDF0];
	s1 =	smov.u32 @p5 s3;
	s3 =	spop @p4 (v2sf)  }
0x29b: {  	v40 =	vld [tilespmem:$0x1FD80];
	s1 =	smul.f32 @p5 s20, s1;
	s3 =	smax.f32 @p4 s3, $1.000000000e-30  }
0x29c: {  	s12 =	smov.u32 @p5 s8;
	v42 =	vld [tilespmem:$0x1FD90];
	s7 =	smul.f32 @p4 $5.000000000e-01, s3;
	s3 =	sshra.s32 @p4 s3, $0x1  }
0x29d: {  	v1 =	vmov @p6 v48;
	v16 =	vadd.f32 @p6 v18, v16;
	v18 =	vmov @p5 v39;
	s8 =	smul.f32 @p5 s1, s12;
	v58, _, _ =	vpop (xrf2);
	v45 =	vld [tilespmem:$0x1FCD0];
	s3 =	ssub.s32 @p4 $0x5F3759DF, s3  }
0x29e: {  	v1 =	vmul.f32 @p6 s2, v1;
	(v2sf) =	vpush v58, $0xF;
	v18 =	vpsel p5, v18, v2;
	v2 =	vmovc @p4 v32;
	v32 =	vmovc @p5 v41;
	s12 =	smul.f32 @p4 s3, s7;
	v41 =	vld [tilespmem:$0x1FCF0]  }
0x29f: {  	v9 =	vadd.f32 @p0 v9, v57;
	v7 =	vadd.f32 @p0 v7, v60;
	v54 =	vld [tilespmem:$0x1FDB0];
	v39 =	vmov @p4 v43;
	s8 =	smul.f32 @p5 s8, s1  }
0x2a0: {  	v3 =	vadd.f32 v25, v3;
	v1 =	vadd.f32 @p6 v1, v62;
	v62 =	vld [tilespmem:$0x1FD70];
	s12 =	smul.f32 @p4 s3, s12  }
0x2a1: {  	v0 =	vpsel p4, v29, v0;
	v14 =	vadd.f32 v20, v14;
	v13 =	vadd.f32 v30, v13;
	v43 =	vmovc @p6 v56;
	v56 =	vld [tilespmem:$0x1FE10];
	s8 =	ssub.f32 @p5 $1.500000000e+00, s8  }
0x2a2: {  	v31 =	vpsel p4, v31, v37;
	v5 =	vpsel p4, v39, v5;
	v43 =	vmul.f32 @p6 s2, v43;
	v39 =	vmovc @p6 v55;
	v55 =	vld [tilespmem:$0x1FDD0];
	s12 =	ssub.f32 @p4 $1.500000000e+00, s12  }
0x2a3: {  	v61 =	vld [tilespmem:$0x1FD10];
	v39 =	vmul.f32 @p6 s2, v39;
	s1 =	smul.f32 @p5 s8, s1;
	v29 =	vpsel p5, v42, v45;
	v42 =	vmovc @p6 v52;
	v37 =	vpsel p5, v40, v41;
	v41 =	vmovc @p6 v50  }
0x2a4: {  	v12 =	vadd.f32 v21, v12;
	v42 =	vmul.f32 @p6 s2, v42;
	s3 =	smov.u32 @p4 s3;
	v41 =	vmul.f32 @p6 s2, v41;
	s2 =	smov.u32 @p4 s12  }
0x2a5: {  	v11 =	vadd.f32 v22, v11;
	v6 =	vpsel p0, v6, v51;
	v7 =	vpsel p0, v7, v54;
	s1 =	smin.f32 @p5 s1, $1.000000000e+08;
	v52 =	vld [tilespmem:$0x1FE20];
	s2 =	smul.f32 @p4 s3, s2  }
0x2a6: {  	v48 =	vld [tilespmem:$0x1FD00];
	v38 =	vpsel p5, v46, v44;
	v36 =	vpsel p5, v62, v63;
	v29 =	vmul.f32 @p5 s1, v29;
	s3 =	smov.u32 @p4 s7  }
0x2a7: {  	v17 =	vpsel p6, v17, v56;
	v39 =	vpsel p6, v39, v0;
	v1 =	vpsel p6, v1, v55;
	s3 =	smul.f32 @p4 s2, s3  }
0x2a8: {  	v38 =	vmul.f32 @p5 s1, v38;
	v32 =	vpsel p5, v32, v61;
	v18 =	vmul.f32 @p5 s1, v18  }
0x2a9: {  	v32 =	vmul.f32 @p5 s1, v32;
	v42 =	vpsel p6, v42, v0;
	v17 =	vadd.f32 @p5 v29, v17;
	s3 =	smul.f32 @p4 s3, s2  }
0x2aa: {  	v18 =	vpsel p5, v18, v0;
	v40 =	vmovc @p5 v49;
	v10 =	vpsel p0, v10, v52;
	v29 =	vmovc @p5 v35;
	v37 =	vmul.f32 @p5 s1, v37  }
0x2ab: {  	v53 =	vld [tilespmem:$0x1FDC0];
	v40 =	vpsel p5, v40, v48;
	v10 =	vadd.f32 @p6 v42, v10;
	v29 =	vmul.f32 @p5 s1, v29;
	s3 =	ssub.f32 @p4 $1.500000000e+00, s3  }
0x2ac: {  	v47 =	vld [tilespmem:$0x1FD40];
	v35 =	vmul.f32 @p5 s1, v40;
	v41 =	vpsel p6, v41, v0;
	v1 =	vadd.f32 @p5 v37, v1  }
0x2ad: {  	v29 =	vpsel p5, v29, v0;
	v10 =	vpsel p6, v10, v52;
	v6 =	vadd.f32 @p6 v41, v6;
	s8 =	spop (v2sf);
	s2 =	smul.f32 @p4 s3, s2  }
0x2ae: {  	v57 =	vld [tilespmem:$0x1FE00];
	v41 =	vpsel p6, v43, v0;
	v10 =	vadd.f32 @p5 v18, v10;
	v18 =	vmovc @p5 v36;
	v0 =	vpsel p4, v0, v0;
	s7 =	smax.f32 s8, $1.000000000e-30  }
0x2af: {  	v49 =	vld [tilespmem:$0x1FD50];
	v7 =	vadd.f32 @p6 v41, v7;
	v18 =	vmul.f32 @p5 s1, v18;
	v6 =	vpsel p6, v6, v51;
	s12 =	smul.f32 $5.000000000e-01, s7;
	s7 =	sshra.s32 s7, $0x1;
	s1 =	smin.f32 @p4 s2, $1.000000000e+08  }
0x2b0: {  	v6 =	vadd.f32 @p5 v29, v6;
	v29 =	vpsel p5, v32, v0;
	s20 =	ssub.s32 $0x5F3759DF, s7;
	v0 =	vmul.f32 @p4 s1, v0  }
0x2b1: {  	v9 =	vpsel p0, v9, v53;
	v27 =	vpsel p4, v27, v47;
	v1 =	vpsel p5, v1, v55;
	s7 =	smul.f32 s20, s12  }
0x2b2: {  	v58 =	vld [tilespmem:$0x1FDE0];
	v7 =	vpsel p6, v7, v54;
	v18 =	vpsel p5, v18, v0;
	v27 =	vpsel p4, v27, v0  }
0x2b3: {  	v16 =	vpsel p6, v16, v57;
	s21 =	smul.f32 s20, s7;
	v7 =	vadd.f32 @p5 v18, v7;
	v18 =	vmul.f32 @p4 s1, v27  }
0x2b4: {  	v60 =	vld [tilespmem:$0x1FD60];
	v16 =	vadd.f32 @p5 v38, v16;
	v26 =	vpsel p4, v26, v49;
	v0 =	vadd.f32 @p4 v0, v1  }
0x2b5: {  	v8 =	vadd.f32 v23, v8;
	v9 =	vadd.f32 @p6 v39, v9;
	s2 =	ssub.f32 $1.500000000e+00, s21;
	v1 =	vmov @p4 v26  }
0x2b6: {  	v16 =	vpsel p5, v16, v57;
	v17 =	vpsel p5, v17, v56;
	v1 =	vpsel p4, v1, v0  }
0x2b7: {  	v34 =	vpsel p6, v34, v58;
	s2 =	smul.f32 s20, s2;
	v17 =	vadd.f32 @p4 v18, v17;
	v1 =	vmul.f32 @p4 s1, v1;
	v18 =	vmovc @p4 v33  }
0x2b8: {  	v4 =	vadd.f32 v24, v4;
	v34 =	vadd.f32 @p5 v35, v34;
	v18 =	vpsel p4, v18, v0  }
0x2b9: {  	v9 =	vpsel p6, v9, v53;
	v2 =	vpsel p4, v2, v60;
	s3 =	smul.f32 s2, s12;
	v1 =	vadd.f32 @p4 v1, v16;
	v16 =	vmovc @p4 v18  }
0x2ba: {  	v26 =	vpsel p5, v34, v58;
	v5 =	vpsel p4, v5, v0;
	v16 =	vmul.f32 @p4 s1, v16  }
0x2bb: {  	v10 =	vpsel p5, v10, v52;
	v5 =	vmul.f32 @p4 s1, v5;
	s3 =	smul.f32 s3, s2;
	v0 =	vpsel p4, v0, v55  }
0x2bc: {  	v9 =	vadd.f32 @p5 v29, v9;
	v6 =	vpsel p5, v6, v51;
	v16 =	vpsel p4, v16, v0  }
0x2bd: {  	v5 =	vadd.f32 @p4 v5, v26;
	v26 =	vmovc @p4 v28;
	s3 =	ssub.f32 $1.500000000e+00, s3;
	v2 =	vpsel p4, v2, v0;
	v18 =	vmov @p4 v31  }
0x2be: {  	v26 =	vpsel p4, v26, v0;
	v2 =	vmul.f32 @p4 s1, v2;
	v18 =	vpsel p4, v18, v0  }
0x2bf: {  	v9 =	vpsel p5, v9, v53;
	s22 =	smul.f32 s3, s2;
	v6 =	vadd.f32 @p4 v16, v6;
	v18 =	vmul.f32 @p4 s1, v18;
	v16 =	vmovc @p4 v26  }
0x2c0: {  	v7 =	vpsel p5, v7, v54;
	v2 =	vpsel p4, v2, v0;
	v16 =	vmul.f32 @p4 s1, v16  }
0x2c1: {  	v17 =	vpsel p4, v17, v56;
	v2 =	vadd.f32 @p4 v2, v10;
	v10 =	vpsel p4, v18, v0;
	s1 =	smin.f32 s22, $1.000000000e+08  }
0x2c2: {  	v9 =	vadd.f32 @p4 v10, v9;
	v59 =	vmul.f32 s1, v20;
	v10 =	vpsel p4, v16, v0  }
0x2c3: {  	v1 =	vpsel p4, v1, v57;
	v7 =	vadd.f32 @p4 v10, v7;
	v10 =	vmul.f32 s1, v25  }
0x2c4: {  	v5 =	vpsel p4, v5, v58;
	v16 =	vmul.f32 s1, v19;
	v59 =	vadd.f32 v59, v1  }
0x2c5: {  	v1 =	vpsel p4, v2, v52;
	v62 =	vadd.f32 v10, v0;
	v0 =	vmul.f32 s1, v30  }
0x2c6: {  	v2 =	vpsel p4, v9, v53;
	v9 =	vmul.f32 s1, v23;
	v61 =	vadd.f32 v16, v17  }
0x2c7: {  	v10 =	vmul.f32 s1, v24;
	v7 =	vpsel p4, v7, v54;
	v43 =	vadd.f32 v0, v5  }
0x2c8: {  	v0 =	vpsel p4, v6, v51;
	v5 =	vmul.f32 s1, v21;
	v6 =	vmul.f32 s1, v22  }
0x2c9: {  	v57 =	vadd.f32 v9, v2;
	v60 =	vadd.f32 v10, v7  }
0x2ca: {  	v51 =	vadd.f32 v5, v0;
	v54 =	vadd.f32 v6, v1  }
.LBB2_28:
0x2cb: {  	s1 =	ssub.s32 @p3 s10, s5  }
0x2cc: {  	v0 =	vld @p3 [tilespmem:s1+$0x8];
	_ =	sdelay $0x4  }
0x2cd: {  	(v2sf) =	vpush @p3 v0, $0x0;
	_ =	sdelay $0x8  }
0x2ce: {  	s3 =	sand.u32 @p3 $0x1, s24  }
0x2cf: {  	p0 =	seq.s32 @p3 s3, $0x1  }
0x2d0: {  	p1 =	por p0, !p3  }
0x2d1: {  	p4 =	slt.s32 @!p1 s24, $0x2  }
0x2d2: {  	p4 =	por @p3 p4, p0  }
0x2d3: {  	p4 =	por p4, !p3  }
0x2d4: {  	s2 =	simm.s32 @!p4 $0x1;
	s1 =	spop @p3 (v2sf)  }
0x2d5: {  	_ =	swait.ge @!p4 [sflag:s2], $0x180  }
0x2d6: {  	[sflag:s2] =	ssyncset.done @!p4 $0x0  }
0x2d7: {  	[sflag:s2] =	ssyncadd.s32 @!p4 $0xFFFFFE80  }
0x2d8: {  	[tilespmem:$0x1D000] =	vst @!p1 v15  }
0x2d9: {  	[tilespmem:$0x1D080] =	vst @!p1 v61  }
0x2da: {  	[tilespmem:$0x1D010] =	vst @!p1 v14  }
0x2db: {  	[tilespmem:$0x1D090] =	vst @!p1 v59  }
0x2dc: {  	[tilespmem:$0x1D020] =	vst @!p1 v13  }
0x2dd: {  	[tilespmem:$0x1D0A0] =	vst @!p1 v43  }
0x2de: {  	[tilespmem:$0x1D030] =	vst @!p1 v12  }
0x2df: {  	[tilespmem:$0x1D0B0] =	vst @!p1 v51  }
0x2e0: {  	[tilespmem:$0x1D040] =	vst @!p1 v11  }
0x2e1: {  	[tilespmem:$0x1D0C0] =	vst @!p1 v54  }
0x2e2: {  	[tilespmem:$0x1D050] =	vst @!p1 v8  }
0x2e3: {  	s2 =	sshrl.u32 @!p1 s1, $0x3;
	[tilespmem:$0x1D0D0] =	vst @!p1 v57  }
0x2e4: {  	s8 =	sshll.u32 @!p1 s1, $0x7;
	s7 =	smul.u32 @!p1 $0xC00, s2;
	s2 =	ssub.s32 @p3 s31, s10;
	[tilespmem:$0x1D060] =	vst @!p1 v4  }
0x2e5: {  	s8 =	sand.u32 @!p1 $0x380, s8;
	[tilespmem:$0x1D0E0] =	vst @!p1 v60;
	s10 =	scvt.s32.f32 @!p1 s2  }
0x2e6: {  	[tilespmem:$0x1D070] =	vst @!p1 v3;
	s7 =	sor.u32 @!p1 s8, s7  }
0x2e7: {  	s12 =	simm.s32 @!p1 $0x1D000;
	[tilespmem:$0x1D0F0] =	vst @!p1 v62;
	s7 =	sshrl.u32 @!p1 s7, $0x3;
	v0 =	vmov @!p1 s10  }
0x2e8: {  	s8 =	simm.s32 @!p1 $0x80;
	s10 =	simm.s32 @!p1 $0x400;
	s7 =	sadd.s32 @!p1 s6, s7;
	[tilespmem:$0x1D100] =	vst @!p1 v0  }
0x2e9: {  	[hbm4b:s7+s8] =	stream.strided.scatter @!p1 [tilespmem:s12], [sflag:$0x1], $0x180, s10, s8, $0x38;
	[tilespmem:$0x1D300] =	vst v63  }
0x2ea: {  	p1 =	seq.s32 @!p1 s3, $0x0  }
0x2eb: {  	p0 =	por @p3 p0, !p1  }
0x2ec: {  	p0 =	por !p3, !p0  }
.Ltmp21:
0x2ed: {  	_ = 	snop;
	(pc) =	sbr.rel @p0 .LBB2_30-.Ltmp21, $1  }
0x2ee: {  	_ =	sdelay $0x3  }
0x2ef: {  	p0 =	slt.s32 s24, $0x2  }
0x2f0: {  	s3 =	simm.s32 @!p0 $0x2  }
0x2f1: {  	_ =	swait.ge @!p0 [sflag:s3], $0x180  }
0x2f2: {  	[sflag:s3] =	ssyncset.done @!p0 $0x0  }
0x2f3: {  	[sflag:s3] =	ssyncadd.s32 @!p0 $0xFFFFFE80  }
0x2f4: {  	[tilespmem:$0x1D180] =	vst v15  }
0x2f5: {  	[tilespmem:$0x1D200] =	vst v61  }
0x2f6: {  	[tilespmem:$0x1D190] =	vst v14  }
0x2f7: {  	[tilespmem:$0x1D210] =	vst v59  }
0x2f8: {  	[tilespmem:$0x1D1A0] =	vst v13  }
0x2f9: {  	[tilespmem:$0x1D220] =	vst v43  }
0x2fa: {  	[tilespmem:$0x1D1B0] =	vst v12  }
0x2fb: {  	[tilespmem:$0x1D230] =	vst v51  }
0x2fc: {  	[tilespmem:$0x1D1C0] =	vst v11  }
0x2fd: {  	[tilespmem:$0x1D240] =	vst v54  }
0x2fe: {  	[tilespmem:$0x1D1D0] =	vst v8  }
0x2ff: {  	s21 =	sshrl.u32 s1, $0x3;
	[tilespmem:$0x1D250] =	vst v57  }
0x300: {  	s22 =	sshll.u32 s1, $0x7;
	s3 =	smul.u32 $0xC00, s21;
	[tilespmem:$0x1D1E0] =	vst v4  }
.Ltmp22:
0x301: {  	s2 =	scvt.s32.f32 s2;
	s1 =	sand.u32 $0x380, s22;
	[tilespmem:$0x1D260] =	vst v60;
	(pc) =	sbr.rel .LBB2_30-.Ltmp22, $4  }
0x302: {  	[tilespmem:$0x1D1F0] =	vst v3;
	s1 =	sor.u32 s1, s3  }
0x303: {  	v0 =	vmov s2;
	[tilespmem:$0x1D270] =	vst v62;
	s1 =	sshrl.u32 s1, $0x3  }
0x304: {  	[tilespmem:$0x1D280] =	vst v0;
	s1 =	sadd.s32 s6, s1  }
0x305: {  	[hbm4b:s1+s17] =	stream.strided.scatter [tilespmem:s19], [sflag:$0x2], $0x180, s18, s17, $0x38;
	[tilespmem:$0x1D300] =	vst v63  }
.LBB2_16:
0x306: {  	_ = 	snop  }
0x307: {  	_ = 	snop  }
0x308: {  	_ = 	snop  }
0x309: {  	_ = 	snop  }
0x30a: {  	_ = 	snop  }
0x30b: {  	_ = 	snop  }
.Ltmp23:
0x30c: {  	(pc) =	sbr.rel .LBB2_27-.Ltmp23, $4  }
0x30d: {  	_ = 	snop  }
0x30e: {  	v19 =	vmov v40;
	v53 =	vmov v40;
	v20 =	vmov v44  }
0x30f: {  	v58 =	vmovc v44;
	v30 =	vmovc v47;
	v21 =	vmov v50;
	v17 =	vmov v61;
	v16 =	vmov v59  }
0x310: {  	v59 =	vmovc v43;
	v22 =	vmovc v52;
	v23 =	vmov v55;
	v24 =	vmov v56;
	v25 =	vmov v48  }
.LBB2_18:
0x311: {  	_ =	sdelay $0x3  }
0x312: {  	v25 =	vmov v0  }
0x313: {  	_ = 	snop  }
0x314: {  	_ = 	snop  }
0x315: {  	_ = 	snop  }
0x316: {  	_ = 	snop  }
0x317: {  	_ = 	snop  }
.Ltmp24:
0x318: {  	v19 =	vmov v2;
	(pc) =	sbr.rel .LBB2_27-.Ltmp24, $4  }
0x319: {  	v53 =	vmovc v2;
	v2 =	vmovc v47;
	v21 =	vmov v45;
	v22 =	vmov v10;
	v23 =	vmov v1  }
0x31a: {  	v24 =	vmovc v46;
	v33 =	vmovc v50;
	v32 =	vmov v52;
	v31 =	vmov v55;
	v28 =	vmov v56  }
0x31b: {  	v29 =	vmovc v48;
	v27 =	vmovc v40;
	v26 =	vmov v44;
	v17 =	vmov v61;
	v16 =	vmov v59  }
0x31c: {  	v59 =	vmovc v43;
	v20 =	vmovc v6;
	v58 =	vmov v6;
	v43 =	vmov v2;
	v30 =	vmov v5  }
.LBB2_20:
0x31d: {  	_ =	sdelay $0x3  }
0x31e: {  	v25 =	vmov v29;
	v29 =	vmov v0  }
0x31f: {  	_ = 	snop  }
.Ltmp25:
0x320: {  	v19 =	vmov v27;
	v53 =	vmov v27;
	v20 =	vmov v26;
	(pc) =	sbr.rel .LBB2_27-.Ltmp25, $4  }
0x321: {  	v58 =	vmovc v26;
	v30 =	vmovc v49;
	v21 =	vmov v33;
	[tilespmem:$0x1FD70] =	vst v56;
	v23 =	vmov v31;
	v31 =	vmov v1  }
0x322: {  	v38 =	vmovc v50;
	v33 =	vmovc v45;
	v39 =	vmov v52;
	v41 =	vmov v55;
	[tilespmem:$0x1FD80] =	vst v48;
	v27 =	vmov v2  }
0x323: {  	[tilespmem:$0x1FD90] =	vst v40;
	v26 =	vmovc v6;
	v49 =	vmovc v47;
	v17 =	vmov v61;
	v16 =	vmov v59;
	v59 =	vmov v43  }
0x324: {  	[tilespmem:$0x1FDA0] =	vst v44;
	v43 =	vmovc v5;
	v22 =	vmovc v32;
	v32 =	vmov v10;
	v24 =	vmov v28;
	v28 =	vmov v46  }
.LBB2_22:
0x325: {  	_ =	sdelay $0x2  }
0x326: {  	v24 =	vmov v37;
	v37 =	vld [tilespmem:$0x1FCC0]  }
.Ltmp26:
0x327: {  	_ = 	snop;
	(pc) =	sbr.rel .LBB2_27-.Ltmp26, $4  }
0x328: {  	v19 =	vmov v38;
	[tilespmem:$0x1FD70] =	vst v46  }
0x329: {  	v53 =	vmovc v38;
	v20 =	vmovc v39;
	v58 =	vmov v39;
	v21 =	vmov v34;
	v38 =	vmov v45;
	[tilespmem:$0x1FD80] =	vst v0  }
0x32a: {  	v39 =	vmovc v10;
	[tilespmem:$0x1FD90] =	vst v2;
	v42 =	vmovc v44;
	v16 =	vmov v59;
	v59 =	vmov v43;
	v43 =	vmov v49  }
0x32b: {  	s7 =	smov.u32 s20;
	s2 =	smov.u32 s12;
	[tilespmem:$0x1FDA0] =	vst v6;
	v17 =	vld [tilespmem:$0x1FE10];
	v49 =	vmovc v5;
	s8 =	smov.u32 s1;
	v22 =	vmovc v36;
	v23 =	vmov v35;
	v25 =	vmov v41;
	v41 =	vmov v37  }
.LBB2_24:
0x32c: {  	v51 =	vld [tilespmem:$0x1FDF0]  }
0x32d: {  	v54 =	vld [tilespmem:$0x1FE20]  }
0x32e: {  	v57 =	vld [tilespmem:$0x1FDC0]  }
0x32f: {  	v1 =	vld [tilespmem:$0x1FCC0]  }
.Ltmp27:
0x330: {  	v43 =	vmov v30;
	v2 =	vmov v33;
	v6 =	vmov v32;
	[tilespmem:$0x1FD70] =	vst v28;
	v60 =	vld [tilespmem:$0x1FDB0];
	(pc) =	sbr.rel .LBB2_27-.Ltmp27, $4  }
0x331: {  	v10 =	vmovc v31;
	[tilespmem:$0x1FD80] =	vst v29;
	v53 =	vmovc v19;
	v58 =	vmov v20;
	v50 =	vmov v45;
	v33 =	vmov v34;
	v52 =	vld [tilespmem:$0x1FD60]  }
0x332: {  	[tilespmem:$0x1FD90] =	vst v27;
	v32 =	vmovc v36;
	v31 =	vmovc v35;
	v56 =	vmov v46;
	v28 =	vmov v37;
	v48 =	vmov v0;
	v40 =	vld [tilespmem:$0x1FD40]  }
0x333: {  	[tilespmem:$0x1FDA0] =	vst v26;
	v29 =	vmovc v41;
	v42 =	vld [tilespmem:$0x1FD50];
	v47 =	vmovc v5;
	v27 =	vmov v38;
	v26 =	vmov v39;
	v30 =	vmov v18  }
0x334: {  	v44 =	vld [tilespmem:$0x1FCB0];
	v41 =	vmovc v10;
	v38 =	vmovc v2;
	v39 =	vmov v6;
	v55 =	vmov v1;
	v37 =	vmov v1  }
.LBB2_32:
0x335: {  	p0 =	slt.s32 s0, $0x1  }
.Ltmp28:
0x336: {  	_ = 	snop;
	(pc) =	sbr.rel @!p0 .LBB2_33-.Ltmp28, $4  }
.Ltmp29:
0x337: {  	_ = 	snop;
	(pc) =	sbr.rel @p0 .LBB2_47-.Ltmp29, $4  }
0x338: {  	_ = 	snop  }
0x339: {  	_ = 	snop  }
0x33a: {  	_ = 	snop  }
0x33b: {  	_ = 	snop  }
.LBB2_31:
0x33c: {  	v62 =	vimm.f32 $0.0e+00  }
0x33d: {  	v60 =	vimm.f32 $0.0e+00;
	v57 =	vimm.f32 $0.0e+00;
	v54 =	vimm.f32 $0.0e+00  }
0x33e: {  	v51 =	vimm.f32 $0.0e+00;
	v43 =	vimm.f32 $0.0e+00;
	v59 =	vimm.f32 $0.0e+00  }
0x33f: {  	v61 =	vimm.f32 $0.0e+00;
	v3 =	vimm.f32 $0.0e+00;
	v4 =	vimm.f32 $0.0e+00  }
0x340: {  	p0 =	sgt.s32 s31, s14;
	v8 =	vimm.f32 $0.0e+00;
	v11 =	vimm.f32 $0.0e+00;
	v12 =	vimm.f32 $0.0e+00;
	s0 =	simm.s32 $0x1;
	s10 =	smov.u32 s31  }
0x341: {  	v13 =	vimm.f32 $0.0e+00;
	v14 =	vimm.f32 $0.0e+00;
	v15 =	vimm.f32 $0.0e+00;
	s30 =	smov.u32 s1;
	s14 =	smov.u32 @p0 s31;
	s31 =	rddreg [dreg:$0x0]  }
.LBB2_33:
0x342: {  	p0 =	sge.s32 s14, s26  }
.Ltmp30:
0x343: {  	_ = 	snop;
	(pc) =	sbr.rel @p0 .LBB2_47-.Ltmp30, $1  }
0x344: {  	_ =	sdelay $0x3  }
0x345: {  	s1 =	sshll.u32 s14, $0x9;
	s3 =	sshll.u32 s16, $0x9  }
0x346: {  	s1 =	ssub.s32 s1, s3  }
0x347: {  	s1 =	sshra.s32 s1, $0x2  }
0x348: {  	p0 =	slt.s32 s11, s28;
	s3 =	sadd.s32 $0x5040, s1;
	s1 =	smov.u32 s28  }
0x349: {  	[tilespmem:$0x1FDB0] =	vst v60;
	v42 =	vld [tilespmem:s3+$0xFFFFFFC0];
	s1 =	smov.u32 @p0 s11  }
0x34a: {  	[tilespmem:$0x1FDC0] =	vst v57;
	v40 =	vld [tilespmem:s3+$0xFFFFFFD0];
	s1 =	ssub.s32 s1, s14  }
0x34b: {  	[tilespmem:$0x1FE20] =	vst v54;
	v47 =	vld [tilespmem:s3+$0xFFFFFFE0];
	p1 =	sne.s32 s1, $0x1  }
.Ltmp31:
0x34c: {  	[tilespmem:$0x1FDD0] =	vst v62;
	v50 =	vld [tilespmem:s3+$0xFFFFFFF0];
	(pc) =	sbr.rel @!p1 .LBB2_35-.Ltmp31, $4  }
0x34d: {  	[tilespmem:$0x1FDE0] =	vst v43;
	v52 =	vld [tilespmem:s3+$0x0]  }
0x34e: {  	[tilespmem:$0x1FDF0] =	vst v51;
	v55 =	vld [tilespmem:s3+$0x10]  }
0x34f: {  	p3 =	por $0x0, $0x0;
	p4 =	por $0x0, $0x0;
	[tilespmem:$0x1FE00] =	vst v59;
	v56 =	vld [tilespmem:s3+$0x20]  }
0x350: {  	p5 =	por $0x0, $0x0;
	[tilespmem:$0x1FE10] =	vst v61;
	v27 =	vld [tilespmem:s3+$0x30];
	p0 =	por $0x0, $0x0;
	s1 =	sadd.s32 $0xFFFFFFFF, s1;
	v15 =	vadd.f32 v42, v15  }
0x351: {  	_ = 	snop  }
0x352: {  	v0 =	vmul.f32 v42, v42;
	v1 =	vmul.f32 v40, v40  }
0x353: {  	v2 =	vmul.f32 v47, v47;
	v5 =	vmul.f32 v50, v50  }
0x354: {  	v6 =	vmul.f32 v52, v52;
	v7 =	vmul.f32 v55, v55  }
0x355: {  	s7 =	sadd.s32 $0x80, s3;
	v9 =	vmul.f32 v56, v56;
	v10 =	vmul.f32 v27, v27  }
0x356: {  	v28 =	vld [tilespmem:s7+$0xFFFFFFC0];
	v0 =	vadd.f32 v1, v0;
	v1 =	vadd.f32 v5, v2  }
0x357: {  	v44 =	vld [tilespmem:s7+$0xFFFFFFD0];
	v2 =	vadd.f32 v7, v6;
	v5 =	vadd.f32 v10, v9  }
0x358: {  	v14 =	vadd.f32 v40, v14;
	p1 =	sne.s32 s1, $0x1;
	v26 =	vld [tilespmem:s7+$0xFFFFFFE0]  }
.Ltmp32:
0x359: {  	v45 =	vld [tilespmem:s7+$0xFFFFFFF0];
	v0 =	vadd.f32 v1, v0;
	v1 =	vadd.f32 v5, v2;
	(pc) =	sbr.rel @!p1 .LBB2_37-.Ltmp32, $4  }
0x35a: {  	v13 =	vadd.f32 v47, v13;
	v12 =	vadd.f32 v50, v12;
	v16 =	vld [tilespmem:s7+$0x0]  }
0x35b: {  	v11 =	vadd.f32 v52, v11;
	v17 =	vld [tilespmem:s7+$0x10];
	v0 =	vadd.f32 v1, v0  }
0x35c: {  	v46 =	vld [tilespmem:s7+$0x20];
	v8 =	vadd.f32 v55, v8;
	v4 =	vadd.f32 v56, v4  }
0x35d: {  	s3 =	sadd.s32 $0xFFFFFFFF, s1;
	p3 =	por $0x1, $0x1;
	v48 =	vld [tilespmem:s7+$0x30];
	v3 =	vadd.f32 v27, v3;
	v15 =	vadd.f32 v28, v15;
	(xrf2) =	vadd.scan.msk.f32 $0xffff, v0  }
0x35e: {  	_ = 	snop  }
0x35f: {  	v0 =	vmul.f32 v28, v28;
	v1 =	vmul.f32 v44, v44  }
0x360: {  	v2 =	vmul.f32 v26, v26;
	v5 =	vmul.f32 v45, v45  }
0x361: {  	v6 =	vmul.f32 v16, v16;
	v7 =	vmul.f32 v17, v17  }
0x362: {  	s1 =	sadd.s32 $0x80, s7;
	v9 =	vmul.f32 v46, v46;
	v10 =	vmul.f32 v48, v48  }
0x363: {  	v38 =	vld [tilespmem:s1+$0xFFFFFFC0];
	v0 =	vadd.f32 v1, v0;
	v1 =	vadd.f32 v5, v2  }
0x364: {  	v39 =	vld [tilespmem:s1+$0xFFFFFFD0];
	v2 =	vadd.f32 v7, v6;
	v5 =	vadd.f32 v10, v9  }
0x365: {  	v14 =	vadd.f32 v44, v14;
	v13 =	vadd.f32 v26, v13;
	p1 =	sne.s32 s3, $0x1;
	v49 =	vld [tilespmem:s1+$0xFFFFFFE0]  }
.Ltmp33:
0x366: {  	v33 =	vld [tilespmem:s1+$0xFFFFFFF0];
	v0 =	vadd.f32 v1, v0;
	v1 =	vadd.f32 v5, v2;
	(pc) =	sbr.rel @!p1 .LBB2_39-.Ltmp33, $4  }
0x367: {  	v12 =	vadd.f32 v45, v12;
	v32 =	vld [tilespmem:s1+$0x0];
	v11 =	vadd.f32 v16, v11  }
0x368: {  	v31 =	vld [tilespmem:s1+$0x10];
	v8 =	vadd.f32 v17, v8;
	v0 =	vadd.f32 v1, v0  }
0x369: {  	v29 =	vld [tilespmem:s1+$0x20];
	v4 =	vadd.f32 v46, v4;
	v3 =	vadd.f32 v48, v3;
	v6, _, _ =	vpop (xrf2)  }
0x36a: {  	s3 =	sadd.s32 $0xFFFFFFFF, s3;
	p4 =	por $0x1, $0x1;
	v41 =	vld [tilespmem:s1+$0x30];
	v15 =	vadd.f32 v38, v15;
	(v2sf) =	vpush v6, $0xF;
	(xrf2) =	vadd.scan.msk.f32 $0xffff, v0  }
0x36b: {  	_ =	sdelay $0xb  }
0x36c: {  	v0 =	vmul.f32 v38, v38;
	v1 =	vmul.f32 v39, v39  }
0x36d: {  	v2 =	vmul.f32 v49, v49;
	v5 =	vmul.f32 v33, v33  }
0x36e: {  	[tilespmem:$0x1FBB0] =	vst v17;
	v6 =	vmul.f32 v32, v32;
	v7 =	vmul.f32 v31, v31;
	s7 =	spop (v2sf)  }
0x36f: {  	[tilespmem:$0x1FBC0] =	vst v16;
	s1 =	sadd.s32 $0x80, s1;
	v9 =	vmul.f32 v29, v29;
	v10 =	vmul.f32 v41, v41;
	s7 =	smax.f32 s7, $1.000000000e-30  }
0x370: {  	[tilespmem:$0x1FBD0] =	vst v47;
	v30 =	vld [tilespmem:s1+$0xFFFFFFE0];
	v0 =	vadd.f32 v1, v0;
	v1 =	vadd.f32 v5, v2;
	s14 =	smul.f32 $5.000000000e-01, s7;
	s7 =	sshra.s32 s7, $0x1  }
0x371: {  	[tilespmem:$0x1FBE0] =	vst v56;
	v34 =	vld [tilespmem:s1+$0xFFFFFFF0];
	v6 =	vadd.f32 v7, v6;
	v7 =	vadd.f32 v10, v9;
	s7 =	ssub.s32 $0x5F3759DF, s7  }
0x372: {  	v14 =	vadd.f32 v39, v14;
	v13 =	vadd.f32 v49, v13;
	p1 =	sne.s32 s3, $0x1;
	[tilespmem:$0x1FBF0] =	vst v27;
	v2 =	vld [tilespmem:s1+$0xFFFFFFC0];
	s8 =	smul.f32 s7, s14  }
.Ltmp34:
0x373: {  	[tilespmem:$0x1FC00] =	vst v55;
	v36 =	vld [tilespmem:s1+$0x0];
	v0 =	vadd.f32 v1, v0;
	v1 =	vadd.f32 v7, v6;
	(pc) =	sbr.rel @!p1 .LBB2_41-.Ltmp34, $4  }
0x374: {  	v12 =	vadd.f32 v33, v12;
	[tilespmem:$0x1FC10] =	vst v52;
	v11 =	vadd.f32 v32, v11;
	v35 =	vld [tilespmem:s1+$0x10]  }
0x375: {  	[tilespmem:$0x1FC20] =	vst v50;
	v37 =	vld [tilespmem:s1+$0x20];
	v8 =	vadd.f32 v31, v8;
	v0 =	vadd.f32 v1, v0;
	s8 =	smul.f32 s7, s8  }
0x376: {  	[tilespmem:$0x1FC30] =	vst v28;
	v5 =	vld [tilespmem:s1+$0xFFFFFFD0];
	v4 =	vadd.f32 v29, v4;
	v3 =	vadd.f32 v41, v3;
	v9, _, _ =	vpop (xrf2)  }
0x377: {  	s3 =	sadd.s32 $0xFFFFFFFF, s3;
	p5 =	por $0x1, $0x1;
	[tilespmem:$0x1FC40] =	vst v44;
	v10 =	vld [tilespmem:s1+$0x30];
	v15 =	vadd.f32 v2, v15;
	(xrf2) =	vadd.scan.msk.f32 $0xffff, v0;
	(v2sf) =	vpush v9, $0xF;
	s8 =	ssub.f32 $1.500000000e+00, s8  }
0x378: {  	_ =	sdelay $0x4  }
0x379: {  	s12 =	smul.f32 s7, s8;
	_ =	sdelay $0x1  }
0x37a: {  	s16 =	smul.f32 s12, s14  }
0x37b: {  	v0 =	vmul.f32 v2, v2;
	v6 =	vmul.f32 v30, v30  }
0x37c: {  	v7 =	vmul.f32 v34, v34;
	v9 =	vmul.f32 v36, v36;
	s16 =	smul.f32 s16, s12  }
0x37d: {  	v16 =	vmul.f32 v35, v35;
	v1 =	vmul.f32 v5, v5  }
0x37e: {  	v17 =	vmul.f32 v37, v37;
	v18 =	vmul.f32 v10, v10;
	s16 =	ssub.f32 $1.500000000e+00, s16  }
0x37f: {  	s20 =	sadd.s32 $0x80, s1;
	v0 =	vadd.f32 v1, v0;
	v1 =	vadd.f32 v7, v6  }
0x380: {  	v19 =	vld [tilespmem:s20+$0xFFFFFFC0];
	v6 =	vadd.f32 v16, v9;
	v7 =	vadd.f32 v18, v17;
	v9, _, _ =	vpop (xrf2);
	s26 =	smul.f32 s16, s12  }
0x381: {  	v13 =	vadd.f32 v30, v13;
	v20 =	vld [tilespmem:s20+$0xFFFFFFD0];
	s21 =	spop (v2sf);
	(v2sf) =	vpush v9, $0xF  }
0x382: {  	v21 =	vld [tilespmem:s20+$0xFFFFFFF0];
	v0 =	vadd.f32 v1, v0;
	v1 =	vadd.f32 v7, v6;
	s22 =	smax.f32 s21, $1.000000000e-30;
	s21 =	smin.f32 s26, $1.000000000e+08  }
0x383: {  	v12 =	vadd.f32 v34, v12;
	v11 =	vadd.f32 v36, v11;
	v22 =	vld [tilespmem:s20+$0x0];
	s12 =	smul.f32 $5.000000000e-01, s22;
	s1 =	sshra.s32 s22, $0x1;
	v6 =	vmul.f32 s21, v27  }
0x384: {  	v8 =	vadd.f32 v35, v8;
	v23 =	vld [tilespmem:s20+$0x10];
	v0 =	vadd.f32 v1, v0;
	s16 =	ssub.s32 $0x5F3759DF, s1  }
0x385: {  	p1 =	sne.s32 s3, $0x1;
	v4 =	vadd.f32 v37, v4;
	s1 =	smul.f32 s16, s12;
	v62 =	vadd.f32 v6, v62;
	v6 =	vld [tilespmem:$0x1FE10]  }
.Ltmp35:
0x386: {  	v24 =	vld [tilespmem:s20+$0x20];
	v14 =	vadd.f32 v5, v14;
	(xrf2) =	vadd.scan.msk.f32 $0xffff, v0;
	v1 =	vmul.f32 s21, v42;
	v47 =	vmul.f32 s21, v47;
	(pc) =	sbr.rel @!p1 .LBB2_43-.Ltmp35, $4  }
0x387: {  	v3 =	vadd.f32 v10, v3;
	v18 =	vld [tilespmem:s20+$0xFFFFFFE0];
	v15 =	vadd.f32 v19, v15;
	v9 =	vmul.f32 s21, v40;
	s1 =	smul.f32 s16, s1  }
0x388: {  	[tilespmem:$0x1FB90] =	vst v42;
	v25 =	vld [tilespmem:s20+$0x30];
	v53 =	vmovc v19;
	v58 =	vmovc v20;
	v0 =	vmov v48;
	v61 =	vmul.f32 s21, v50;
	v63 =	vmul.f32 s21, v52  }
0x389: {  	[tilespmem:$0x1FBA0] =	vst v40;
	v16 =	vmul.f32 s21, v55;
	v7 =	vmul.f32 s21, v56;
	v50 =	vmovc v45;
	v52 =	vld [tilespmem:$0x1FBC0];
	v56 =	vmovc v46;
	v59 =	vadd.f32 v9, v59;
	s1 =	ssub.f32 $1.500000000e+00, s1  }
0x38a: {  	s3 =	sadd.s32 $0xFFFFFFFF, s3;
	p0 =	por $0x1, $0x1;
	v55 =	vld [tilespmem:$0x1FBB0];
	v9 =	vadd.f32 v47, v43;
	v47 =	vmovc v26;
	v17 =	vadd.f32 v1, v6;
	v1 =	vmovc v28;
	v6 =	vmov v44  }
.LBB2_44:
0x38b: {  	p1 =	sne.s32 s3, $0x1;
	v53 =	vmul.f32 v53, v19;
	v58 =	vmul.f32 v58, v20;
	s1 =	smul.f32 s16, s1;
	v51 =	vadd.f32 v61, v51;
	v27 =	vmovc v30  }
0x38c: {  	v61 =	vmul.f32 v18, v18;
	v28 =	vmul.f32 v21, v21;
	v54 =	vadd.f32 v63, v54;
	v30 =	vmovc v18  }
0x38d: {  	v18 =	vmul.f32 v22, v22;
	v57 =	vadd.f32 v16, v57;
	v16 =	vmovc v50;
	v63 =	vmul.f32 v23, v23;
	s12 =	smul.f32 s1, s12  }
0x38e: {  	v60 =	vadd.f32 v7, v60;
	v50 =	vmovc v33;
	v44 =	vmul.f32 v24, v24;
	v42 =	vmul.f32 v25, v25  }
0x38f: {  	v33 =	vmovc v34;
	v34 =	vmovc v21;
	v43 =	vmov v52;
	v7 =	vadd.f32 v58, v53;
	v28 =	vadd.f32 v28, v61;
	s12 =	smul.f32 s12, s1  }
0x390: {  	v52 =	vmov v32;
	v18 =	vadd.f32 v63, v18;
	v21 =	vadd.f32 v42, v44;
	v40, _, _ =	vpop (xrf2);
	s16 =	spop (v2sf)  }
0x391: {  	v14 =	vadd.f32 v20, v14;
	s20 =	sadd.s32 $0x80, s20;
	v32 =	vmovc v36;
	v36 =	vmovc v22;
	(v2sf) =	vpush v40, $0xF;
	s16 =	smax.f32 s16, $1.000000000e-30;
	s21 =	ssub.f32 $1.500000000e+00, s12;
	v40 =	vmov v55  }
0x392: {  	v7 =	vadd.f32 v28, v7;
	v55 =	vmovc v31;
	v31 =	vmovc v35;
	v35 =	vmov v23;
	v53 =	vld [tilespmem:s20+$0xFFFFFFC0];
	v21 =	vadd.f32 v21, v18;
	s12 =	smul.f32 $5.000000000e-01, s16  }
0x393: {  	v13 =	vadd.f32 v30, v13;
	v12 =	vadd.f32 v34, v12;
	v28 =	vmovc v56;
	v56 =	vmovc v29;
	v29 =	vmov v37;
	s16 =	sshra.s32 s16, $0x1;
	v58 =	vld [tilespmem:s20+$0xFFFFFFD0];
	s1 =	smul.f32 s21, s1  }
0x394: {  	v11 =	vadd.f32 v36, v11;
	v37 =	vmovc v24;
	v23 =	vmovc v0;
	v0 =	vmov v41;
	s16 =	ssub.s32 $0x5F3759DF, s16;
	v18 =	vld [tilespmem:s20+$0xFFFFFFE0];
	v7 =	vadd.f32 v21, v7  }
0x395: {  	v41 =	vmovc v10;
	v10 =	vmov v25;
	v8 =	vadd.f32 v35, v8;
	v4 =	vadd.f32 v37, v4;
	s21 =	smul.f32 s16, s12;
	v21 =	vld [tilespmem:s20+$0xFFFFFFF0];
	s22 =	smin.f32 s1, $1.000000000e+08  }
.Ltmp36:
0x396: {  	v3 =	vadd.f32 v10, v3;
	v22 =	vld [tilespmem:s20+$0x0];
	(xrf2) =	vadd.scan.msk.f32 $0xffff, v7;
	v7 =	vmul.f32 s22, v1;
	v25 =	vmul.f32 s22, v23;
	v1 =	vmovc v38;
	(pc) =	sbr.rel @p1 .LBB2_44-.Ltmp36, $4  }
0x397: {  	s1 =	smul.f32 s16, s21;
	v42 =	vmul.f32 s22, v6;
	v44 =	vmul.f32 s22, v47;
	v38 =	vmovc v2;
	v2 =	vmovc v19;
	v23 =	vld [tilespmem:s20+$0x10];
	v15 =	vadd.f32 v53, v15  }
0x398: {  	v61 =	vmul.f32 s22, v16;
	v63 =	vmul.f32 s22, v43;
	v6 =	vmovc v39;
	v19 =	vmovc v53;
	v24 =	vld [tilespmem:s20+$0x20];
	v62 =	vadd.f32 v25, v62  }
0x399: {  	v16 =	vmul.f32 s22, v40;
	v39 =	vmovc v5;
	v5 =	vmovc v20;
	s1 =	ssub.f32 $1.500000000e+00, s1;
	v17 =	vadd.f32 v7, v17;
	v7 =	vmul.f32 s22, v28;
	v25 =	vld [tilespmem:s20+$0x30]  }
0x39a: {  	s3 =	sadd.s32 $0xFFFFFFFF, s3;
	v47 =	vmovc v49;
	v49 =	vmovc v27;
	v59 =	vadd.f32 v42, v59;
	v9 =	vadd.f32 v44, v9;
	v20 =	vmov v58  }
0x39b: {  	[tilespmem:$0x1FC50] =	vst v32  }
0x39c: {  	[tilespmem:$0x1FC60] =	vst v31  }
0x39d: {  	[tilespmem:$0x1FC70] =	vst v29;
	v40 =	vld [tilespmem:$0x1FBA0]  }
0x39e: {  	[tilespmem:$0x1FC80] =	vst v41;
	v42 =	vld [tilespmem:$0x1FB90]  }
0x39f: {  	v44 =	vmovc v30;
	v43 =	vmovc v33;
	[tilespmem:$0x1FC90] =	vst v38;
	v30 =	vmov v18;
	v33 =	vmov v34;
	v32 =	vmov v36;
	v36 =	vld [tilespmem:$0x1FBC0]  }
0x3a0: {  	[tilespmem:$0x1FCA0] =	vst v39;
	v31 =	vmovc v35;
	v29 =	vmovc v37;
	v41 =	vmov v10;
	v38 =	vmov v2;
	v39 =	vmov v5;
	v37 =	vld [tilespmem:$0x1FBB0]  }
.LBB2_46:
0x3a1: {  	s1 =	smul.f32 @p5 s16, s1;
	_ =	sdelay $0x1  }
0x3a2: {  	s3 =	smul.f32 @p5 s1, s12;
	_ =	sdelay $0x1  }
0x3a3: {  	s3 =	smul.f32 @p5 s3, s1  }
0x3a4: {  	v2 =	vmul.f32 v53, v19;
	v5 =	vmul.f32 v58, v20  }
0x3a5: {  	v10 =	vmul.f32 v30, v30;
	v27 =	vmul.f32 v22, v22;
	s3 =	ssub.f32 @p5 $1.500000000e+00, s3  }
0x3a6: {  	v18 =	vmul.f32 v21, v21;
	v28 =	vmul.f32 v23, v23  }
0x3a7: {  	v34 =	vmul.f32 v24, v24;
	v35 =	vmul.f32 v25, v25;
	s1 =	smul.f32 @p5 s3, s1  }
0x3a8: {  	v2 =	vadd.f32 v5, v2;
	v5 =	vadd.f32 v18, v10  }
0x3a9: {  	v10 =	vadd.f32 v28, v27;
	v58 =	vadd.f32 v35, v34;
	v27, _, _ =	vpop @p3 (xrf2);
	s1 =	smin.f32 @p5 s1, $1.000000000e+08  }
0x3aa: {  	(v2sf) =	vpush @p3 v27, $0xF;
	v0 =	vmul.f32 @p5 s1, v0  }
0x3ab: {  	v2 =	vadd.f32 v5, v2;
	v5 =	vadd.f32 v58, v10  }
0x3ac: {  	v10 =	vadd.f32 @p0 v16, v57;
	v16 =	vadd.f32 @p5 v0, v62;
	v0 =	vmul.f32 @p5 s1, v47;
	_ =	sdelay $0x1  }
0x3ad: {  	v9 =	vadd.f32 @p5 v0, v9;
	v0 =	vld [tilespmem:$0x1FC20]  }
0x3ae: {  	s12 =	spop @p4 (v2sf)  }
0x3af: {  	s12 =	smax.f32 @p4 s12, $1.000000000e-30;
	v1 =	vmul.f32 @p5 s1, v1  }
0x3b0: {  	s16 =	smul.f32 @p4 $5.000000000e-01, s12;
	s12 =	sshra.s32 @p4 s12, $0x1  }
0x3b1: {  	s12 =	ssub.s32 @p4 $0x5F3759DF, s12;
	v1 =	vadd.f32 @p5 v1, v17;
	v17 =	vmov @p4 v43  }
0x3b2: {  	v7 =	vadd.f32 @p0 v7, v60;
	v60 =	vld [tilespmem:$0x1FC50];
	v2 =	vadd.f32 v5, v2;
	s20 =	smul.f32 @p4 s12, s16;
	v17 =	vpsel p4, v17, v0;
	v0 =	vmovc @p3 v33  }
0x3b3: {  	v27 =	vpsel p3, v0, v45;
	v0 =	vld [tilespmem:$0x1FC10]  }
0x3b4: {  	v29 =	vpsel p3, v29, v46;
	v46 =	vld [tilespmem:$0x1FCA0];
	(xrf2) =	vadd.scan.msk.f32 $0xffff, v2;
	s3 =	smul.f32 @p4 s12, s20  }
0x3b5: {  	v53 =	vld [tilespmem:$0x1FDC0]  }
0x3b6: {  	v31 =	vpsel p3, v31, v37;
	v37 =	vld [tilespmem:$0x1FC80];
	s3 =	ssub.f32 @p4 $1.500000000e+00, s3  }
0x3b7: {  	v58 =	vld [tilespmem:$0x1FDE0]  }
0x3b8: {  	v5 =	vadd.f32 @p0 v63, v54;
	s7 =	smov.u32 @p4 s12;
	v63 =	vld [tilespmem:$0x1FC70];
	s8 =	smov.u32 @p4 s3;
	s3 =	spop @p3 (v2sf);
	v18 =	vpsel p4, v60, v0;
	v0 =	vmov @p3 v32  }
0x3b9: {  	v34 =	vmov @p3 v41;
	s7 =	smul.f32 @p4 s7, s8;
	s3 =	smax.f32 @p3 s3, $1.000000000e-30;
	v0 =	vpsel p3, v0, v36;
	v36 =	vld [tilespmem:$0x1FBE0]  }
0x3ba: {  	v34 =	vpsel p3, v34, v48;
	v48 =	vld [tilespmem:$0x1FBD0];
	s14 =	smov.u32 @p4 s16;
	s8 =	smul.f32 @p3 $5.000000000e-01, s3;
	s3 =	sshra.s32 @p3 s3, $0x1  }
0x3bb: {  	v6 =	vmul.f32 @p5 s1, v6;
	v43 =	vld [tilespmem:$0x1FBF0];
	s12 =	smul.f32 @p4 s7, s14;
	s3 =	ssub.s32 @p3 $0x5F3759DF, s3  }
0x3bc: {  	v45 =	vld [tilespmem:$0x1FC90];
	s14 =	smul.f32 @p3 s3, s8  }
0x3bd: {  	v54 =	vld [tilespmem:$0x1FDB0];
	v2 =	vadd.f32 @p0 v61, v51;
	v6 =	vadd.f32 @p5 v6, v59;
	s12 =	smul.f32 @p4 s12, s7  }
0x3be: {  	v61 =	vld [tilespmem:$0x1FC60];
	v59, _, _ =	vpop (xrf2);
	s14 =	smul.f32 @p3 s3, s14;
	v32 =	vpsel p4, v63, v36;
	v36 =	vmov @p3 v38;
	v38 =	vmov @p3 v44  }
0x3bf: {  	v41 =	vmov @p5 v50;
	v51 =	vld [tilespmem:$0x1FDF0];
	(v2sf) =	vpush v59, $0xF;
	s12 =	ssub.f32 @p4 $1.500000000e+00, s12  }
0x3c0: {  	v41 =	vmul.f32 @p5 s1, v41;
	v62 =	vld [tilespmem:$0x1FC00];
	v33 =	vpsel p4, v37, v43;
	v37 =	vpsel p4, v46, v40;
	v40 =	vmovc @p4 v49;
	v43 =	vmovc @p5 v56;
	s14 =	ssub.f32 @p3 $1.500000000e+00, s14  }
0x3c1: {  	v49 =	vld [tilespmem:$0x1FC40];
	v43 =	vmul.f32 @p5 s1, v43;
	v35 =	vpsel p4, v45, v42;
	v42 =	vmovc @p5 v52;
	v26 =	vpsel p3, v38, v26;
	v38 =	vmovc @p5 v55  }
0x3c2: {  	s7 =	smul.f32 @p4 s12, s7;
	s3 =	smov.u32 @p3 s3;
	v42 =	vmul.f32 @p5 s1, v42;
	v55 =	vld [tilespmem:$0x1FDD0];
	v38 =	vmul.f32 @p5 s1, v38;
	s1 =	smov.u32 @p3 s14  }
0x3c3: {  	s1 =	smul.f32 @p3 s3, s1  }
0x3c4: {  	v10 =	vpsel p0, v10, v53;
	v7 =	vpsel p0, v7, v54;
	v2 =	vpsel p0, v2, v51;
	s7 =	smin.f32 @p4 s7, $1.000000000e+08;
	v52 =	vld [tilespmem:$0x1FE20];
	s3 =	smov.u32 @p3 s8  }
0x3c5: {  	v9 =	vpsel p5, v9, v58;
	v28 =	vpsel p4, v61, v62;
	v33 =	vmul.f32 @p4 s7, v33;
	s3 =	smul.f32 @p3 s1, s3  }
0x3c6: {  	v40 =	vpsel p4, v40, v48;
	v17 =	vmul.f32 @p4 s7, v17;
	v28 =	vmul.f32 @p4 s7, v28  }
0x3c7: {  	v39 =	vpsel p3, v39, v49;
	v41 =	vpsel p5, v41, v0;
	v16 =	vpsel p5, v16, v55;
	s3 =	smul.f32 @p3 s3, s1  }
0x3c8: {  	v2 =	vadd.f32 @p5 v41, v2;
	v16 =	vadd.f32 @p4 v33, v16;
	v33 =	vmul.f32 @p4 s7, v40  }
0x3c9: {  	v56 =	vld [tilespmem:$0x1FE10];
	v18 =	vmul.f32 @p4 s7, v18;
	v42 =	vpsel p5, v42, v0;
	v5 =	vpsel p0, v5, v52;
	s3 =	ssub.f32 @p3 $1.500000000e+00, s3  }
0x3ca: {  	v47 =	vld [tilespmem:$0x1FC30];
	v17 =	vpsel p4, v17, v0;
	v2 =	vpsel p5, v2, v51;
	v5 =	vadd.f32 @p5 v42, v5  }
0x3cb: {  	v28 =	vpsel p4, v28, v0;
	v18 =	vpsel p4, v18, v0;
	v2 =	vadd.f32 @p4 v17, v2;
	s1 =	smul.f32 @p3 s3, s1  }
0x3cc: {  	v5 =	vpsel p5, v5, v52;
	v38 =	vpsel p5, v38, v0;
	v9 =	vadd.f32 @p4 v33, v9;
	v33 =	vmovc @p3 v34  }
0x3cd: {  	v17 =	vmovc @p4 v32;
	v5 =	vadd.f32 @p4 v18, v5;
	v10 =	vadd.f32 @p5 v38, v10;
	v18 =	vpsel p3, v33, v0;
	s1 =	smin.f32 @p3 s1, $1.000000000e+08  }
0x3ce: {  	v1 =	vpsel p5, v1, v56;
	s16 =	spop (v2sf);
	v17 =	vmul.f32 @p4 s7, v17;
	v18 =	vmul.f32 @p3 s1, v18  }
0x3cf: {  	v57 =	vld [tilespmem:$0x1FE00];
	v41 =	vpsel p5, v43, v0;
	v36 =	vpsel p3, v36, v47;
	s8 =	smax.f32 s16, $1.000000000e-30;
	v10 =	vpsel p5, v10, v53  }
0x3d0: {  	v7 =	vadd.f32 @p5 v41, v7;
	v17 =	vpsel p4, v17, v0;
	s20 =	smul.f32 $5.000000000e-01, s8;
	s8 =	sshra.s32 s8, $0x1;
	v10 =	vadd.f32 @p4 v28, v10;
	v28 =	vmovc @p3 v36  }
0x3d1: {  	v35 =	vmul.f32 @p4 s7, v35;
	s21 =	ssub.s32 $0x5F3759DF, s8;
	v28 =	vpsel p3, v28, v0;
	v16 =	vpsel p4, v16, v55  }
0x3d2: {  	v7 =	vpsel p5, v7, v54;
	s8 =	smul.f32 s21, s20;
	v16 =	vadd.f32 @p3 v18, v16;
	v18 =	vmovc @p3 v26;
	v26 =	vmul.f32 @p3 s1, v28  }
0x3d3: {  	v1 =	vadd.f32 @p4 v35, v1;
	v7 =	vadd.f32 @p4 v17, v7;
	v17 =	vmov @p3 v39  }
0x3d4: {  	v6 =	vpsel p5, v6, v57;
	v37 =	vmul.f32 @p4 s7, v37;
	v17 =	vpsel p3, v17, v0;
	s22 =	smul.f32 s21, s8  }
0x3d5: {  	v1 =	vpsel p4, v1, v56;
	v17 =	vmul.f32 @p3 s1, v17;
	v18 =	vpsel p3, v18, v0  }
0x3d6: {  	v6 =	vadd.f32 @p4 v37, v6;
	s7 =	ssub.f32 $1.500000000e+00, s22;
	v1 =	vadd.f32 @p3 v26, v1;
	v18 =	vmul.f32 @p3 s1, v18;
	v26 =	vmovc @p3 v27  }
0x3d7: {  	v26 =	vpsel p3, v26, v0  }
0x3d8: {  	v3 =	vadd.f32 v25, v3;
	v6 =	vpsel p4, v6, v57;
	s3 =	smul.f32 s21, s7  }
0x3d9: {  	v14 =	vadd.f32 v20, v14;
	v9 =	vpsel p4, v9, v58;
	v6 =	vadd.f32 @p3 v17, v6;
	v17 =	vmovc @p3 v26  }
0x3da: {  	s7 =	smul.f32 s3, s20;
	v9 =	vadd.f32 @p3 v18, v9;
	v0 =	vpsel p3, v0, v0;
	v18 =	vmovc @p3 v31;
	v17 =	vmul.f32 @p3 s1, v17;
	v26 =	vmovc @p3 v29  }
0x3db: {  	v18 =	vpsel p3, v18, v0;
	v26 =	vpsel p3, v26, v0;
	v0 =	vmul.f32 @p3 s1, v0  }
0x3dc: {  	v13 =	vadd.f32 v30, v13;
	v12 =	vadd.f32 v21, v12;
	s7 =	smul.f32 s7, s3  }
0x3dd: {  	v11 =	vadd.f32 v22, v11;
	v8 =	vadd.f32 v23, v8;
	v17 =	vpsel p3, v17, v0  }
0x3de: {  	v4 =	vadd.f32 v24, v4;
	v2 =	vpsel p4, v2, v51;
	v5 =	vpsel p4, v5, v52;
	s7 =	ssub.f32 $1.500000000e+00, s7  }
0x3df: {  	v7 =	vpsel p4, v7, v54;
	v16 =	vpsel p3, v16, v55;
	v0 =	vpsel p3, v0, v0  }
0x3e0: {  	s26 =	smul.f32 s7, s3;
	v18 =	vmul.f32 @p3 s1, v18;
	v2 =	vadd.f32 @p3 v17, v2;
	v0 =	vadd.f32 @p3 v0, v5;
	v17 =	vmovc @p3 v26  }
0x3e1: {  	v6 =	vpsel p3, v6, v57;
	v1 =	vpsel p3, v1, v56;
	v17 =	vmul.f32 @p3 s1, v17  }
0x3e2: {  	v9 =	vpsel p3, v9, v58;
	v5 =	vpsel p4, v10, v53;
	v10 =	vpsel p3, v18, v0;
	s1 =	smin.f32 s26, $1.000000000e+08  }
0x3e3: {  	v5 =	vadd.f32 @p3 v10, v5;
	v59 =	vmul.f32 s1, v20;
	v10 =	vpsel p3, v17, v0  }
0x3e4: {  	v17 =	vmul.f32 s1, v19;
	v7 =	vadd.f32 @p3 v10, v7;
	v10 =	vmul.f32 s1, v25  }
0x3e5: {  	v0 =	vpsel p3, v0, v52;
	v59 =	vadd.f32 v59, v6;
	v6 =	vmul.f32 s1, v22  }
.Ltmp37:
0x3e6: {  	v61 =	vadd.f32 v17, v1;
	v62 =	vadd.f32 v10, v16;
	v10 =	vmul.f32 s1, v30;
	(pc) =	sbr.rel .LBB2_47-.Ltmp37, $4  }
0x3e7: {  	v1 =	vpsel p3, v2, v51;
	v2 =	vpsel p3, v5, v53;
	v5 =	vmul.f32 s1, v21  }
0x3e8: {  	v43 =	vadd.f32 v10, v9;
	v9 =	vmul.f32 s1, v23;
	v10 =	vmul.f32 s1, v24  }
0x3e9: {  	v7 =	vpsel p3, v7, v54;
	v54 =	vadd.f32 v6, v0;
	v51 =	vadd.f32 v5, v1  }
0x3ea: {  	v57 =	vadd.f32 v9, v2;
	v60 =	vadd.f32 v10, v7  }
.LBB2_35:
0x3eb: {  	_ = 	snop  }
0x3ec: {  	_ = 	snop  }
0x3ed: {  	_ = 	snop  }
0x3ee: {  	_ = 	snop  }
0x3ef: {  	_ = 	snop  }
.Ltmp38:
0x3f0: {  	(pc) =	sbr.rel .LBB2_46-.Ltmp38, $4  }
0x3f1: {  	_ = 	snop  }
0x3f2: {  	v19 =	vmov v42;
	v53 =	vmov v42  }
0x3f3: {  	v20 =	vmovc v40;
	v58 =	vmovc v40;
	v30 =	vmov v47;
	v21 =	vmov v50;
	v17 =	vmov v61  }
0x3f4: {  	v9 =	vmovc v43;
	v22 =	vmovc v52;
	v23 =	vmov v55;
	v24 =	vmov v56;
	v25 =	vmov v27  }
.LBB2_37:
0x3f5: {  	_ = 	snop  }
0x3f6: {  	_ = 	snop  }
0x3f7: {  	_ = 	snop  }
0x3f8: {  	_ = 	snop  }
0x3f9: {  	_ = 	snop  }
.Ltmp39:
0x3fa: {  	(pc) =	sbr.rel .LBB2_46-.Ltmp39, $4  }
0x3fb: {  	v19 =	vmovc v28;
	v53 =	vmovc v28;
	v20 =	vmov v44;
	v58 =	vmov v44;
	v44 =	vmov v47  }
0x3fc: {  	v30 =	vmovc v26;
	v21 =	vmovc v45;
	v33 =	vmov v50;
	v32 =	vmov v52;
	v31 =	vmov v55  }
0x3fd: {  	v29 =	vmovc v56;
	v41 =	vmovc v27;
	v38 =	vmov v42;
	v39 =	vmov v40;
	v9 =	vmov v43  }
0x3fe: {  	v22 =	vmovc v16;
	v23 =	vmovc v17;
	v17 =	vmov v61;
	v24 =	vmov v46;
	v25 =	vmov v48  }
.LBB2_39:
0x3ff: {  	v2 =	vmov v50  }
0x400: {  	v9 =	vmov v43;
	v43 =	vmov v2  }
0x401: {  	_ = 	snop  }
0x402: {  	[tilespmem:$0x1FC50] =	vst v52  }
.Ltmp40:
0x403: {  	[tilespmem:$0x1FC60] =	vst v55;
	(pc) =	sbr.rel .LBB2_46-.Ltmp40, $4  }
0x404: {  	v19 =	vmovc v38;
	v53 =	vmovc v38;
	v20 =	vmov v39;
	v58 =	vmov v39;
	v30 =	vmov v49;
	[tilespmem:$0x1FC70] =	vst v56  }
0x405: {  	v21 =	vmovc v33;
	v33 =	vmovc v45;
	[tilespmem:$0x1FC80] =	vst v27;
	v38 =	vmov v28;
	v39 =	vmov v44;
	v44 =	vmov v26  }
0x406: {  	[tilespmem:$0x1FC90] =	vst v42;
	v49 =	vmovc v47;
	v22 =	vmovc v32;
	v32 =	vmov v16;
	v23 =	vmov v31;
	v31 =	vmov v17  }
0x407: {  	[tilespmem:$0x1FCA0] =	vst v40;
	v17 =	vmovc v61;
	v24 =	vmovc v29;
	v29 =	vmov v46;
	v25 =	vmov v41;
	v41 =	vmov v48  }
.LBB2_41:
0x408: {  	_ = 	snop  }
0x409: {  	v22 =	vmov v36;
	v36 =	vld [tilespmem:$0x1FBC0]  }
0x40a: {  	[tilespmem:$0x1FC70] =	vst v46;
	v24 =	vmov v37;
	v37 =	vld [tilespmem:$0x1FBB0]  }
.Ltmp41:
0x40b: {  	[tilespmem:$0x1FC80] =	vst v48;
	(pc) =	sbr.rel .LBB2_46-.Ltmp41, $4  }
0x40c: {  	[tilespmem:$0x1FC90] =	vst v28  }
0x40d: {  	v19 =	vmovc v2;
	v53 =	vmov v2;
	v21 =	vmov v34;
	v0 =	vmov v27;
	[tilespmem:$0x1FCA0] =	vst v44  }
0x40e: {  	v1 =	vmovc v42;
	v6 =	vmovc v40;
	v44 =	vmov v49;
	v9 =	vmov v43;
	v43 =	vmov v45;
	[tilespmem:$0x1FC50] =	vst v36  }
0x40f: {  	s16 =	smov.u32 s7;
	s12 =	smov.u32 s14;
	v17 =	vld [tilespmem:$0x1FE10];
	v49 =	vmovc v26;
	s1 =	smov.u32 s8;
	v23 =	vmovc v35;
	v20 =	vmov v5;
	v58 =	vmov v5;
	v25 =	vmov v10;
	[tilespmem:$0x1FC60] =	vst v37  }
.LBB2_43:
0x410: {  	v0 =	vld [tilespmem:$0x1FBC0];
	_ =	sdelay $0x1  }
0x411: {  	v51 =	vld [tilespmem:$0x1FDF0]  }
0x412: {  	v54 =	vld [tilespmem:$0x1FE20]  }
0x413: {  	v57 =	vld [tilespmem:$0x1FDC0]  }
0x414: {  	[tilespmem:$0x1FC50] =	vst v32;
	v32 =	vmov v36;
	v52 =	vmov v0;
	v36 =	vmov v0;
	v0 =	vld [tilespmem:$0x1FBB0]  }
.Ltmp42:
0x415: {  	[tilespmem:$0x1FC60] =	vst v31;
	v60 =	vld [tilespmem:$0x1FDB0];
	(pc) =	sbr.rel .LBB2_46-.Ltmp42, $4  }
0x416: {  	v44 =	vmov v30;
	v43 =	vmov v33;
	[tilespmem:$0x1FC70] =	vst v29;
	v1 =	vld [tilespmem:$0x1FC30]  }
0x417: {  	[tilespmem:$0x1FC80] =	vst v41;
	v53 =	vmovc v19;
	v58 =	vmovc v20;
	v50 =	vmov v45;
	v33 =	vmov v34;
	v31 =	vmov v35;
	v6 =	vld [tilespmem:$0x1FC40]  }
0x418: {  	[tilespmem:$0x1FC90] =	vst v38;
	v56 =	vmovc v46;
	v29 =	vmovc v37;
	v41 =	vmov v10;
	v47 =	vmov v26;
	v38 =	vmov v2;
	v40 =	vld [tilespmem:$0x1FBA0]  }
0x419: {  	[tilespmem:$0x1FCA0] =	vst v39;
	v39 =	vmovc v5;
	v42 =	vld [tilespmem:$0x1FB90];
	v30 =	vmovc v18;
	v55 =	vmov v0;
	v37 =	vmov v0;
	v0 =	vmov v48  }
.LBB2_48:
0x41a: {  	p0 =	slt.s32 s0, $0x1  }
0x41b: {  	s0 =	ssub.s32 @!p0 s10, s5  }
0x41c: {  	v0 =	vld @!p0 [tilespmem:s0+$0x8];
	_ =	sdelay $0x4  }
0x41d: {  	(v2sf) =	vpush @!p0 v0, $0x0;
	_ =	sdelay $0x8  }
0x41e: {  	s2 =	sand.u32 @!p0 $0x1, s24  }
0x41f: {  	p3 =	seq.s32 @!p0 s2, $0x1  }
0x420: {  	p1 =	por p3, p0  }
0x421: {  	p4 =	slt.s32 @!p1 s24, $0x2  }
0x422: {  	p4 =	por @!p0 p4, p3  }
0x423: {  	p4 =	por p4, p0  }
0x424: {  	s1 =	simm.s32 @!p4 $0x1;
	s0 =	spop @!p0 (v2sf)  }
0x425: {  	_ =	swait.ge @!p4 [sflag:s1], $0x180  }
0x426: {  	[sflag:s1] =	ssyncset.done @!p4 $0x0  }
0x427: {  	[sflag:s1] =	ssyncadd.s32 @!p4 $0xFFFFFE80  }
0x428: {  	[tilespmem:$0x1D000] =	vst @!p1 v15  }
0x429: {  	[tilespmem:$0x1D080] =	vst @!p1 v61  }
0x42a: {  	[tilespmem:$0x1D010] =	vst @!p1 v14  }
0x42b: {  	[tilespmem:$0x1D090] =	vst @!p1 v59  }
0x42c: {  	[tilespmem:$0x1D020] =	vst @!p1 v13  }
0x42d: {  	[tilespmem:$0x1D0A0] =	vst @!p1 v43  }
0x42e: {  	[tilespmem:$0x1D030] =	vst @!p1 v12  }
0x42f: {  	[tilespmem:$0x1D0B0] =	vst @!p1 v51  }
0x430: {  	[tilespmem:$0x1D040] =	vst @!p1 v11  }
0x431: {  	[tilespmem:$0x1D0C0] =	vst @!p1 v54  }
0x432: {  	p4 =	seq.s32 @!p1 s2, $0x0;
	[tilespmem:$0x1D050] =	vst @!p1 v8  }
0x433: {  	s7 =	sshll.u32 @!p1 s0, $0x7;
	s1 =	sshrl.u32 @!p1 s0, $0x3;
	[tilespmem:$0x1D0D0] =	vst @!p1 v57;
	p3 =	por @!p0 p3, !p4  }
0x434: {  	s3 =	smul.u32 @!p1 $0xC00, s1;
	s1 =	ssub.s32 @!p0 s23, s10;
	[tilespmem:$0x1D060] =	vst @!p1 v4;
	p3 =	por p0, !p3  }
.Ltmp43:
0x435: {  	s7 =	sand.u32 @!p1 $0x380, s7;
	[tilespmem:$0x1D0E0] =	vst @!p1 v60;
	s8 =	scvt.s32.f32 @!p1 s1;
	(pc) =	sbr.rel @!p3 .LBB2_50-.Ltmp43, $4  }
0x436: {  	[tilespmem:$0x1D070] =	vst @!p1 v3;
	s3 =	sor.u32 @!p1 s7, s3  }
0x437: {  	[tilespmem:$0x1D0F0] =	vst @!p1 v62;
	s10 =	simm.s32 @!p1 $0x1D000;
	s3 =	sshrl.u32 @!p1 s3, $0x3;
	v0 =	vmov @!p1 s8  }
0x438: {  	s7 =	simm.s32 @!p1 $0x80;
	s8 =	simm.s32 @!p1 $0x400;
	s3 =	sadd.s32 @!p1 s6, s3;
	[tilespmem:$0x1D100] =	vst @!p1 v0  }
0x439: {  	[hbm4b:s3+s7] =	stream.strided.scatter @!p1 [tilespmem:s10], [sflag:$0x1], $0x180, s8, s7, $0x38;
	[tilespmem:$0x1D300] =	vst v63  }
.Ltmp44:
0x43a: {  	s10 =	rddreg [dreg:$0x1];
	(pc) =	sbr.rel .LBB2_51-.Ltmp44, $4  }
0x43b: {  	s12 =	rddreg [dreg:$0x4]  }
0x43c: {  	s0 =	simm.s32 @!p1 $0x1;
	s24 =	smov.u32 @p0 s24;
	s16 =	rddreg [dreg:$0x5]  }
0x43d: {  	s20 =	rddreg [dreg:$0x8];
	s21 =	simm.s32 $0x2780;
	s22 =	simm.s32 $0xFFFFFFFF  }
0x43e: {  	v3 =	vlaneseq.u32;
	v4 =	vimm.s32 $0x0;
	s26 =	simm.s32 $0x4F80;
	s28 =	rddreg [dreg:$0x9];
	s0 =	simm.s32 @p0 $0x0  }
.LBB2_52:
0x43f: {  	_ =	sfence.sel $0x180000  }
0x440: {  	[bflag:$0x0] =	sbarrier.arrive $0xFFFF  }
0x441: {  	_ =	strace $0x90000047  }
0x442: {  	s0 =	stileid.u32;
	[bflag:$0x2] =	sbarrier.arrive $0xFFFF  }
0x443: {  	p0 =	sne.s32 s0, $0x0;
	s0 =	rddreg [dreg:$0x3]  }
0x444: {  	s0 =	sadd.s32 @!p0 $0x100000, s0  }
0x445: {  	[sflag:s0] =	ssyncadd.tile.s32 @!p0 $0x1;
	_ =	shalt  }
.Lfunc_end2:
_tile_overlayer_lowered:
.L_overlay_start_2:
0x446: {  	(tag) =	ssettag $0x2  }
0x447: {  	s0 =	rddreg [dreg:$0x0];
	s2 =	stileid.u32  }
0x448: {  	s1 =	rddreg [dreg:$0x1];
	p0 =	sne.s32 s2, $0x0  }
0x449: {  	s3 =	rddreg [dreg:$0x2];
	[bflag:$0x3] =	sbarrier.arrive $0xFFFF;
	s2 =	simm.s32 @!p0 $0x1C05  }
0x44a: {  	[timem:s3], [sflag:s2] =	dma.local @!p0 [hbm:s0], s1  }
0x44b: {  	s0 =	simm.s32 @!p0 $0x5  }
0x44c: {  	_ =	swait.ge @!p0 [sflag:s0], s1  }
0x44d: {  	s1 =	ssub.s32 @!p0 $0x0, s1;
	[sflag:s0] =	ssyncset.done @!p0 $0x0  }
0x44e: {  	[sflag:s0] =	ssyncadd.s32 @!p0 s1  }
0x44f: {  	[bflag:$0x3] =	sbarrier.arrive $0xFFFF  }
0x450: {  	_ =	shalt  }

</sc_bundles>
